<compile_context>
chip_gen: v7x
topology: tpu7x:2x2x1
jax: 0.10.2.dev20260603
libtpu: 0.0.44.dev20260713+nightly
codegen_flags: <defaults>
</compile_context>

<pallas_src>
import functools

import jax
import jax.numpy as jnp
from jax import lax
from jax.experimental import pallas as pl
from jax.experimental.pallas import tpu as pltpu
from jax.experimental.pallas import tpu_sc as plsc

BATCH = 128
KEEP = 96
R, C = 512, 512

NC, NS = 2, 16
NW = NC * NS
ROWS_PER_W = KEEP // NW
CHUNK_R = 32
NCHUNKS = R // CHUNK_R
NBUF_A = 3
NBUF_B = 2


@functools.partial(
    pl.kernel,
    out_type=(
        jax.ShapeDtypeStruct((KEEP, R, C), jnp.float32),
        jax.ShapeDtypeStruct((BATCH,), jnp.int32),
    ),
    mesh=plsc.VectorSubcoreMesh(core_axis_name="c", subcore_axis_name="s"),
    scratch_types=[
        pltpu.VMEM((16,), jnp.int32),
        pltpu.VMEM((BATCH,), jnp.int32),
        pltpu.VMEM((CHUNK_R, C), jnp.float32),
        pltpu.VMEM((CHUNK_R, C), jnp.float32),
        pltpu.VMEM((CHUNK_R, C), jnp.float32),
        pltpu.VMEM_SHARED((NS * NBUF_B * CHUNK_R, C), jnp.float32),
        pltpu.SemaphoreType.DMA,
        pltpu.SemaphoreType.DMA,
        pltpu.SemaphoreType.DMA,
        pltpu.SemaphoreType.DMA,
        pltpu.SemaphoreType.DMA,
        pltpu.SemaphoreType.DMA,
        pltpu.SemaphoreType.DMA,
        pltpu.SemaphoreType.DMA,
        pltpu.SemaphoreType.DMA,
        pltpu.SemaphoreType.DMA,
    ],
)
def _sc_gather(x_hbm, idxmat_hbm, perm_hbm, out_hbm, idx_out_hbm,
               idx_v, perm_v, bufa0, bufa1, bufa2, ringb,
               ga0, ga1, ga2, sa0, sa1, sa2, gb0, gb1, sb0, sb1):
    cid = lax.axis_index("c")
    sid = lax.axis_index("s")
    wid = sid * NC + cid

    @pl.when(wid == 0)
    def _():
        pltpu.sync_copy(perm_hbm, perm_v)
        pltpu.sync_copy(perm_v, idx_out_hbm)

    pltpu.sync_copy(idxmat_hbm.at[wid], idx_v)
    vec = idx_v[...]
    srcs = [vec[j] for j in range(ROWS_PER_W)]
    obase = wid * ROWS_PER_W

    all_tasks = [(j, c) for j in range(ROWS_PER_W) for c in range(NCHUNKS)]
    bufs_a = (bufa0, bufa1, bufa2)
    bufs_b = tuple(
        ringb.at[pl.ds((sid * NBUF_B + p) * CHUNK_R, CHUNK_R), :]
        for p in range(NBUF_B)
    )

    paths = [
        dict(tasks=all_tasks[0::2], bufs=bufs_a, nbuf=NBUF_A,
             gsems=(ga0, ga1, ga2), ssems=(sa0, sa1, sa2)),
        dict(tasks=all_tasks[1::2], bufs=bufs_b, nbuf=NBUF_B,
             gsems=(gb0, gb1), ssems=(sb0, sb1)),
    ]

    def start_gather(P, k):
        j, c = P["tasks"][k]
        p = k % P["nbuf"]
        return pltpu.async_copy(
            x_hbm.at[srcs[j], pl.ds(c * CHUNK_R, CHUNK_R), :],
            P["bufs"][p], P["gsems"][p],
        )

    def start_scatter(P, k):
        j, c = P["tasks"][k]
        p = k % P["nbuf"]
        return pltpu.async_copy(
            P["bufs"][p],
            out_hbm.at[obase + j, pl.ds(c * CHUNK_R, CHUNK_R), :],
            P["ssems"][p],
        )

    for P in paths:
        P["G"] = P["nbuf"] - 1
        P["gathers"] = {k: start_gather(P, k) for k in range(P["G"])}
        P["scatters"] = {}
    n = len(paths[0]["tasks"])
    assert all(len(P["tasks"]) == n for P in paths)
    for k in range(n):
        for P in paths:
            g, s, G, nbuf = P["gathers"], P["scatters"], P["G"], P["nbuf"]
            g[k].wait()
            s[k] = start_scatter(P, k)
            if k + G < n:
                if k + G - nbuf >= 0:
                    s[k + G - nbuf].wait()
                g[k + G] = start_gather(P, k + G)
    for P in paths:
        for k in range(max(0, n - P["nbuf"]), n):
            P["scatters"][k].wait()


def kernel(inputs):
    perm = jax.random.permutation(jax.random.key(0), BATCH).astype(jnp.int32)
    idxmat = (
        jnp.zeros((NW, 16), jnp.int32)
        .at[:, :ROWS_PER_W]
        .set(perm[:KEEP].reshape(NW, ROWS_PER_W))
    )
    return _sc_gather(inputs, idxmat, perm)

# --- scband reference (transcript-rebuilt; emitter-appended) ---
"""Pipeline reference for scband-slice-path-59133109731372 (READ-ONLY COPY).

The authoritative reference and input builder live on the scoring server;
editing this copy changes nothing except your own understanding.
"""

import jax, jax.numpy as jnp
import numpy as np

RATE = 0.25
SEED = 0

def setup_inputs(seed: int = 0) -> dict:
    key = jax.random.key(seed)
    inputs = jax.random.normal(key, (128, 512, 512), dtype=jnp.float32)
    return {"inputs": inputs}

def reference(inputs):
    # SlicePath.call with training=True and rate > 0 -> slice branch.
    batch_size = inputs.shape[0]
    keep_size = float(batch_size) * (1.0 - RATE)
    keep_size = int(np.ceil(keep_size / 8.0) * 8.0)
    keep_size = min(keep_size, batch_size)
    # tf.random.shuffle(tf.range(batch)) -> random permutation of indices
    indices = jax.random.permutation(jax.random.key(SEED), batch_size).astype(jnp.int32)
    outputs = jnp.take(inputs, indices[:keep_size], axis=0)
    return outputs, indices

if __name__ == "__main__":
    import jax
    _d = setup_inputs()
    print(jax.jit(kernel)(*tuple(_d.values())))

</pallas_src>

<mosaic_0001>
#map = affine_map<(d0, d1) -> (0, 0, 0)>
#map1 = affine_map<(d0, d1) -> (0, 0)>
#map2 = affine_map<(d0, d1) -> (0)>
module attributes {stable_mosaic.version = 14 : i64} {
  func.func @_sc_gather(%arg0: i32, %arg1: i32, %arg2: memref<128x512x512xf32, #tpu.memory_space<hbm>>, %arg3: memref<32x16xi32, #tpu.memory_space<hbm>>, %arg4: memref<128xi32, #tpu.memory_space<hbm>>, %arg5: memref<96x512x512xf32, #tpu.memory_space<hbm>>, %arg6: memref<128xi32, #tpu.memory_space<hbm>>, %arg7: memref<16xi32, #tpu.memory_space<vmem>>, %arg8: memref<128xi32, #tpu.memory_space<vmem>>, %arg9: memref<32x512xf32, #tpu.memory_space<vmem>>, %arg10: memref<32x512xf32, #tpu.memory_space<vmem>>, %arg11: memref<32x512xf32, #tpu.memory_space<vmem>>, %arg12: memref<1024x512xf32, #tpu.memory_space<vmem_shared>>, %arg13: memref<!tpu.dma_semaphore, #tpu.memory_space<semaphore_mem>>, %arg14: memref<!tpu.dma_semaphore, #tpu.memory_space<semaphore_mem>>, %arg15: memref<!tpu.dma_semaphore, #tpu.memory_space<semaphore_mem>>, %arg16: memref<!tpu.dma_semaphore, #tpu.memory_space<semaphore_mem>>, %arg17: memref<!tpu.dma_semaphore, #tpu.memory_space<semaphore_mem>>, %arg18: memref<!tpu.dma_semaphore, #tpu.memory_space<semaphore_mem>>, %arg19: memref<!tpu.dma_semaphore, #tpu.memory_space<semaphore_mem>>, %arg20: memref<!tpu.dma_semaphore, #tpu.memory_space<semaphore_mem>>, %arg21: memref<!tpu.dma_semaphore, #tpu.memory_space<semaphore_mem>>, %arg22: memref<!tpu.dma_semaphore, #tpu.memory_space<semaphore_mem>>) attributes {dimension_semantics = [#tpu.dimension_semantics<core_parallel>, #tpu.dimension_semantics<subcore_parallel>], iteration_bounds = array<i64: 2, 16>, scalar_prefetch = 0 : i64, scratch_operands = 16 : i64, tpu.core_type = #tpu.core_type<sc_vector_subcore>, window_params = [{transform_indices = #map}, {transform_indices = #map1}, {transform_indices = #map2}, {transform_indices = #map}, {transform_indices = #map2}]} {
    %mul3A = arith.constant 2 : i32
    %mul3A_0 = arith.muli %arg1, %mul3A : i32
    %add3A = arith.addi %mul3A_0, %arg0 : i32
    %eq3A = arith.constant 0 : i32
    %eq3A_1 = arith.cmpi eq, %add3A, %eq3A : i32
    %convert_element_type3A = arith.extui %eq3A_1 : i1 to i32
    %cond3A = arith.constant 0 : i32
    %cond3A_2 = arith.cmpi ne, %convert_element_type3A, %cond3A : i32
    scf.if %cond3A_2 {
      "tpu.region"() ({
        %run_scoped3A = tpu.sem_alloc : memref<!tpu.dma_semaphore, #tpu.memory_space<semaphore_mem>>
        tpu.enqueue_dma source(%arg4 : memref<128xi32, #tpu.memory_space<hbm>>) target(%arg8 : memref<128xi32, #tpu.memory_space<vmem>>) target_semaphore(%run_scoped3A : memref<!tpu.dma_semaphore, #tpu.memory_space<semaphore_mem>>)
        tpu.wait_dma2 semaphore(%run_scoped3A : memref<!tpu.dma_semaphore, #tpu.memory_space<semaphore_mem>>) src(%arg4 : memref<128xi32, #tpu.memory_space<hbm>>) dst(%arg8 : memref<128xi32, #tpu.memory_space<vmem>>)
        tpu.yield
      }) : () -> ()
      "tpu.region"() ({
        %run_scoped3A = tpu.sem_alloc : memref<!tpu.dma_semaphore, #tpu.memory_space<semaphore_mem>>
        tpu.enqueue_dma source(%arg8 : memref<128xi32, #tpu.memory_space<vmem>>) target(%arg6 : memref<128xi32, #tpu.memory_space<hbm>>) target_semaphore(%run_scoped3A : memref<!tpu.dma_semaphore, #tpu.memory_space<semaphore_mem>>)
        tpu.wait_dma2 semaphore(%run_scoped3A : memref<!tpu.dma_semaphore, #tpu.memory_space<semaphore_mem>>) src(%arg8 : memref<128xi32, #tpu.memory_space<vmem>>) dst(%arg6 : memref<128xi32, #tpu.memory_space<hbm>>)
        tpu.yield
      }) : () -> ()
    } else {
    }
    "tpu.region"() ({
      %run_scoped3A = tpu.sem_alloc : memref<!tpu.dma_semaphore, #tpu.memory_space<semaphore_mem>>
      %dma_start3A_1461 = arith.constant 0 : i32
      %dma_start3A_1462 = tpu.memref_slice %arg3[%add3A, %dma_start3A_1461] : memref<32x16xi32, #tpu.memory_space<hbm>> -> memref<1x16xi32, #tpu.memory_space<hbm>>
      %dma_start3A_1463 = tpu.memref_squeeze %dma_start3A_1462 : memref<1x16xi32, #tpu.memory_space<hbm>> -> memref<16xi32, #tpu.memory_space<hbm>>
      %dma_start3A_1464 = arith.constant 0 : i32
      %dma_start3A_1465 = tpu.memref_slice %arg3[%add3A, %dma_start3A_1464] : memref<32x16xi32, #tpu.memory_space<hbm>> -> memref<1x16xi32, #tpu.memory_space<hbm>>
      %dma_start3A_1466 = tpu.memref_squeeze %dma_start3A_1465 : memref<1x16xi32, #tpu.memory_space<hbm>> -> memref<16xi32, #tpu.memory_space<hbm>>
      tpu.enqueue_dma source(%dma_start3A_1466 : memref<16xi32, #tpu.memory_space<hbm>>) target(%arg7 : memref<16xi32, #tpu.memory_space<vmem>>) target_semaphore(%run_scoped3A : memref<!tpu.dma_semaphore, #tpu.memory_space<semaphore_mem>>)
      %dma_wait3A_1467 = arith.constant 0 : i32
      %dma_wait3A_1468 = tpu.memref_slice %arg3[%add3A, %dma_wait3A_1467] : memref<32x16xi32, #tpu.memory_space<hbm>> -> memref<1x16xi32, #tpu.memory_space<hbm>>
      %dma_wait3A_1469 = tpu.memref_squeeze %dma_wait3A_1468 : memref<1x16xi32, #tpu.memory_space<hbm>> -> memref<16xi32, #tpu.memory_space<hbm>>
      %dma_wait3A_1470 = arith.constant 0 : i32
      %dma_wait3A_1471 = tpu.memref_slice %arg3[%add3A, %dma_wait3A_1470] : memref<32x16xi32, #tpu.memory_space<hbm>> -> memref<1x16xi32, #tpu.memory_space<hbm>>
      %dma_wait3A_1472 = tpu.memref_squeeze %dma_wait3A_1471 : memref<1x16xi32, #tpu.memory_space<hbm>> -> memref<16xi32, #tpu.memory_space<hbm>>
      tpu.wait_dma2 semaphore(%run_scoped3A : memref<!tpu.dma_semaphore, #tpu.memory_space<semaphore_mem>>) src(%dma_wait3A_1472 : memref<16xi32, #tpu.memory_space<hbm>>) dst(%arg7 : memref<16xi32, #tpu.memory_space<vmem>>)
      tpu.yield
    }) : () -> ()
    %get3A = arith.constant 0 : index
    %get3A_3 = tpu.vector_load %arg7[%get3A] {strides = array<i32>} : memref<16xi32, #tpu.memory_space<vmem>>, vector<16xi32>,
    %get3A_4 = vector.shape_cast %get3A_3 : vector<16xi32> to vector<16xi32>
    %slice3A = vector.extract_strided_slice %get3A_4 {offsets = [0], sizes = [1], strides = [1]} : vector<16xi32> to vector<1xi32>
    %squeeze3A = vector.extract %slice3A[0] : i32 from vector<1xi32>
    %slice3A_5 = vector.extract_strided_slice %get3A_4 {offsets = [1], sizes = [1], strides = [1]} : vector<16xi32> to vector<1xi32>
    %squeeze3A_6 = vector.extract %slice3A_5[0] : i32 from vector<1xi32>
    %slice3A_7 = vector.extract_strided_slice %get3A_4 {offsets = [2], sizes = [1], strides = [1]} : vector<16xi32> to vector<1xi32>
    %squeeze3A_8 = vector.extract %slice3A_7[0] : i32 from vector<1xi32>
    %mul3A_9 = arith.constant 3 : i32
    %mul3A_10 = arith.muli %add3A, %mul3A_9 : i32
    %mul3A_11 = arith.constant 2 : i32
    %mul3A_12 = arith.muli %arg1, %mul3A_11 : i32
    %add3A_13 = arith.constant 0 : i32
    %add3A_14 = arith.addi %mul3A_12, %add3A_13 : i32
    %mul3A_15 = arith.constant 32 : i32
    %mul3A_16 = arith.muli %add3A_14, %mul3A_15 : i32
    %mul3A_17 = arith.constant 2 : i32
    %mul3A_18 = arith.muli %arg1, %mul3A_17 : i32
    %add3A_19 = arith.constant 1 : i32
    %add3A_20 = arith.addi %mul3A_18, %add3A_19 : i32
    %mul3A_21 = arith.constant 32 : i32
    %mul3A_22 = arith.muli %add3A_20, %mul3A_21 : i32
    %dma_start3A = arith.constant 0 : i32
    %dma_start3A_23 = arith.constant 0 : i32
    %dma_start3A_24 = tpu.memref_slice %arg2[%squeeze3A, %dma_start3A, %dma_start3A_23] : memref<128x512x512xf32, #tpu.memory_space<hbm>> -> memref<1x32x512xf32, #tpu.memory_space<hbm>>
    %dma_start3A_25 = tpu.memref_squeeze %dma_start3A_24 : memref<1x32x512xf32, #tpu.memory_space<hbm>> -> memref<32x512xf32, #tpu.memory_space<hbm>>
    %dma_start3A_26 = arith.constant 0 : i32
    %dma_start3A_27 = arith.constant 0 : i32
    %dma_start3A_28 = tpu.memref_slice %arg2[%squeeze3A, %dma_start3A_26, %dma_start3A_27] : memref<128x512x512xf32, #tpu.memory_space<hbm>> -> memref<1x32x512xf32, #tpu.memory_space<hbm>>
    %dma_start3A_29 = tpu.memref_squeeze %dma_start3A_28 : memref<1x32x512xf32, #tpu.memory_space<hbm>> -> memref<32x512xf32, #tpu.memory_space<hbm>>
    tpu.enqueue_dma source(%dma_start3A_29 : memref<32x512xf32, #tpu.memory_space<hbm>>) target(%arg9 : memref<32x512xf32, #tpu.memory_space<vmem>>) target_semaphore(%arg13 : memref<!tpu.dma_semaphore, #tpu.memory_space<semaphore_mem>>)
    %dma_start3A_30 = arith.constant 64 : i32
    %dma_start3A_31 = arith.constant 0 : i32
    %dma_start3A_32 = tpu.memref_slice %arg2[%squeeze3A, %dma_start3A_30, %dma_start3A_31] : memref<128x512x512xf32, #tpu.memory_space<hbm>> -> memref<1x32x512xf32, #tpu.memory_space<hbm>>
    %dma_start3A_33 = tpu.memref_squeeze %dma_start3A_32 : memref<1x32x512xf32, #tpu.memory_space<hbm>> -> memref<32x512xf32, #tpu.memory_space<hbm>>
    %dma_start3A_34 = arith.constant 64 : i32
    %dma_start3A_35 = arith.constant 0 : i32
    %dma_start3A_36 = tpu.memref_slice %arg2[%squeeze3A, %dma_start3A_34, %dma_start3A_35] : memref<128x512x512xf32, #tpu.memory_space<hbm>> -> memref<1x32x512xf32, #tpu.memory_space<hbm>>
    %dma_start3A_37 = tpu.memref_squeeze %dma_start3A_36 : memref<1x32x512xf32, #tpu.memory_space<hbm>> -> memref<32x512xf32, #tpu.memory_space<hbm>>
    tpu.enqueue_dma source(%dma_start3A_37 : memref<32x512xf32, #tpu.memory_space<hbm>>) target(%arg10 : memref<32x512xf32, #tpu.memory_space<vmem>>) target_semaphore(%arg14 : memref<!tpu.dma_semaphore, #tpu.memory_space<semaphore_mem>>)
    %dma_start3A_38 = arith.constant 0 : i32
    %dma_start3A_39 = tpu.memref_slice %arg12[%mul3A_16, %dma_start3A_38] : memref<1024x512xf32, #tpu.memory_space<vmem_shared>> -> memref<32x512xf32, #tpu.memory_space<vmem_shared>>
    %dma_start3A_40 = arith.constant 32 : i32
    %dma_start3A_41 = arith.constant 0 : i32
    %dma_start3A_42 = tpu.memref_slice %arg2[%squeeze3A, %dma_start3A_40, %dma_start3A_41] : memref<128x512x512xf32, #tpu.memory_space<hbm>> -> memref<1x32x512xf32, #tpu.memory_space<hbm>>
    %dma_start3A_43 = tpu.memref_squeeze %dma_start3A_42 : memref<1x32x512xf32, #tpu.memory_space<hbm>> -> memref<32x512xf32, #tpu.memory_space<hbm>>
    tpu.enqueue_dma source(%dma_start3A_43 : memref<32x512xf32, #tpu.memory_space<hbm>>) target(%dma_start3A_39 : memref<32x512xf32, #tpu.memory_space<vmem_shared>>) target_semaphore(%arg19 : memref<!tpu.dma_semaphore, #tpu.memory_space<semaphore_mem>>)
    %dma_wait3A = arith.constant 0 : i32
    %dma_wait3A_44 = arith.constant 0 : i32
    %dma_wait3A_45 = tpu.memref_slice %arg2[%squeeze3A, %dma_wait3A, %dma_wait3A_44] : memref<128x512x512xf32, #tpu.memory_space<hbm>> -> memref<1x32x512xf32, #tpu.memory_space<hbm>>
    %dma_wait3A_46 = tpu.memref_squeeze %dma_wait3A_45 : memref<1x32x512xf32, #tpu.memory_space<hbm>> -> memref<32x512xf32, #tpu.memory_space<hbm>>
    %dma_wait3A_47 = arith.constant 0 : i32
    %dma_wait3A_48 = arith.constant 0 : i32
    %dma_wait3A_49 = tpu.memref_slice %arg2[%squeeze3A, %dma_wait3A_47, %dma_wait3A_48] : memref<128x512x512xf32, #tpu.memory_space<hbm>> -> memref<1x32x512xf32, #tpu.memory_space<hbm>>
    %dma_wait3A_50 = tpu.memref_squeeze %dma_wait3A_49 : memref<1x32x512xf32, #tpu.memory_space<hbm>> -> memref<32x512xf32, #tpu.memory_space<hbm>>
    tpu.wait_dma2 semaphore(%arg13 : memref<!tpu.dma_semaphore, #tpu.memory_space<semaphore_mem>>) src(%dma_wait3A_50 : memref<32x512xf32, #tpu.memory_space<hbm>>) dst(%arg9 : memref<32x512xf32, #tpu.memory_space<vmem>>)
    %add3A_51 = arith.constant 0 : i32
    %add3A_52 = arith.addi %mul3A_10, %add3A_51 : i32
    %dma_start3A_53 = arith.constant 0 : i32
    %dma_start3A_54 = arith.constant 0 : i32
    %dma_start3A_55 = tpu.memref_slice %arg5[%add3A_52, %dma_start3A_53, %dma_start3A_54] : memref<96x512x512xf32, #tpu.memory_space<hbm>> -> memref<1x32x512xf32, #tpu.memory_space<hbm>>
    %dma_start3A_56 = tpu.memref_squeeze %dma_start3A_55 : memref<1x32x512xf32, #tpu.memory_space<hbm>> -> memref<32x512xf32, #tpu.memory_space<hbm>>
    %dma_start3A_57 = arith.constant 0 : i32
    %dma_start3A_58 = arith.constant 0 : i32
    %dma_start3A_59 = tpu.memref_slice %arg5[%add3A_52, %dma_start3A_57, %dma_start3A_58] : memref<96x512x512xf32, #tpu.memory_space<hbm>> -> memref<1x32x512xf32, #tpu.memory_space<hbm>>
    %dma_start3A_60 = tpu.memref_squeeze %dma_start3A_59 : memref<1x32x512xf32, #tpu.memory_space<hbm>> -> memref<32x512xf32, #tpu.memory_space<hbm>>
    tpu.enqueue_dma source(%arg9 : memref<32x512xf32, #tpu.memory_space<vmem>>) target(%dma_start3A_60 : memref<32x512xf32, #tpu.memory_space<hbm>>) target_semaphore(%arg16 : memref<!tpu.dma_semaphore, #tpu.memory_space<semaphore_mem>>)
    %dma_start3A_61 = arith.constant 128 : i32
    %dma_start3A_62 = arith.constant 0 : i32
    %dma_start3A_63 = tpu.memref_slice %arg2[%squeeze3A, %dma_start3A_61, %dma_start3A_62] : memref<128x512x512xf32, #tpu.memory_space<hbm>> -> memref<1x32x512xf32, #tpu.memory_space<hbm>>
    %dma_start3A_64 = tpu.memref_squeeze %dma_start3A_63 : memref<1x32x512xf32, #tpu.memory_space<hbm>> -> memref<32x512xf32, #tpu.memory_space<hbm>>
    %dma_start3A_65 = arith.constant 128 : i32
    %dma_start3A_66 = arith.constant 0 : i32
    %dma_start3A_67 = tpu.memref_slice %arg2[%squeeze3A, %dma_start3A_65, %dma_start3A_66] : memref<128x512x512xf32, #tpu.memory_space<hbm>> -> memref<1x32x512xf32, #tpu.memory_space<hbm>>
    %dma_start3A_68 = tpu.memref_squeeze %dma_start3A_67 : memref<1x32x512xf32, #tpu.memory_space<hbm>> -> memref<32x512xf32, #tpu.memory_space<hbm>>
    tpu.enqueue_dma source(%dma_start3A_68 : memref<32x512xf32, #tpu.memory_space<hbm>>) target(%arg11 : memref<32x512xf32, #tpu.memory_space<vmem>>) target_semaphore(%arg15 : memref<!tpu.dma_semaphore, #tpu.memory_space<semaphore_mem>>)
    %dma_wait3A_69 = arith.constant 0 : i32
    %dma_wait3A_70 = tpu.memref_slice %arg12[%mul3A_16, %dma_wait3A_69] : memref<1024x512xf32, #tpu.memory_space<vmem_shared>> -> memref<32x512xf32, #tpu.memory_space<vmem_shared>>
    %dma_wait3A_71 = arith.constant 32 : i32
    %dma_wait3A_72 = arith.constant 0 : i32
    %dma_wait3A_73 = tpu.memref_slice %arg2[%squeeze3A, %dma_wait3A_71, %dma_wait3A_72] : memref<128x512x512xf32, #tpu.memory_space<hbm>> -> memref<1x32x512xf32, #tpu.memory_space<hbm>>
    %dma_wait3A_74 = tpu.memref_squeeze %dma_wait3A_73 : memref<1x32x512xf32, #tpu.memory_space<hbm>> -> memref<32x512xf32, #tpu.memory_space<hbm>>
    tpu.wait_dma2 semaphore(%arg19 : memref<!tpu.dma_semaphore, #tpu.memory_space<semaphore_mem>>) src(%dma_wait3A_74 : memref<32x512xf32, #tpu.memory_space<hbm>>) dst(%dma_wait3A_70 : memref<32x512xf32, #tpu.memory_space<vmem_shared>>)
    %add3A_75 = arith.constant 0 : i32
    %add3A_76 = arith.addi %mul3A_10, %add3A_75 : i32
    %dma_start3A_77 = arith.constant 32 : i32
    %dma_start3A_78 = arith.constant 0 : i32
    %dma_start3A_79 = tpu.memref_slice %arg5[%add3A_76, %dma_start3A_77, %dma_start3A_78] : memref<96x512x512xf32, #tpu.memory_space<hbm>> -> memref<1x32x512xf32, #tpu.memory_space<hbm>>
    %dma_start3A_80 = tpu.memref_squeeze %dma_start3A_79 : memref<1x32x512xf32, #tpu.memory_space<hbm>> -> memref<32x512xf32, #tpu.memory_space<hbm>>
    %dma_start3A_81 = arith.constant 0 : i32
    %dma_start3A_82 = tpu.memref_slice %arg12[%mul3A_16, %dma_start3A_81] : memref<1024x512xf32, #tpu.memory_space<vmem_shared>> -> memref<32x512xf32, #tpu.memory_space<vmem_shared>>
    tpu.enqueue_dma source(%dma_start3A_82 : memref<32x512xf32, #tpu.memory_space<vmem_shared>>) target(%dma_start3A_80 : memref<32x512xf32, #tpu.memory_space<hbm>>) target_semaphore(%arg21 : memref<!tpu.dma_semaphore, #tpu.memory_space<semaphore_mem>>)
    %dma_start3A_83 = arith.constant 0 : i32
    %dma_start3A_84 = tpu.memref_slice %arg12[%mul3A_22, %dma_start3A_83] : memref<1024x512xf32, #tpu.memory_space<vmem_shared>> -> memref<32x512xf32, #tpu.memory_space<vmem_shared>>
    %dma_start3A_85 = arith.constant 96 : i32
    %dma_start3A_86 = arith.constant 0 : i32
    %dma_start3A_87 = tpu.memref_slice %arg2[%squeeze3A, %dma_start3A_85, %dma_start3A_86] : memref<128x512x512xf32, #tpu.memory_space<hbm>> -> memref<1x32x512xf32, #tpu.memory_space<hbm>>
    %dma_start3A_88 = tpu.memref_squeeze %dma_start3A_87 : memref<1x32x512xf32, #tpu.memory_space<hbm>> -> memref<32x512xf32, #tpu.memory_space<hbm>>
    tpu.enqueue_dma source(%dma_start3A_88 : memref<32x512xf32, #tpu.memory_space<hbm>>) target(%dma_start3A_84 : memref<32x512xf32, #tpu.memory_space<vmem_shared>>) target_semaphore(%arg20 : memref<!tpu.dma_semaphore, #tpu.memory_space<semaphore_mem>>)
    %dma_wait3A_89 = arith.constant 64 : i32
    %dma_wait3A_90 = arith.constant 0 : i32
    %dma_wait3A_91 = tpu.memref_slice %arg2[%squeeze3A, %dma_wait3A_89, %dma_wait3A_90] : memref<128x512x512xf32, #tpu.memory_space<hbm>> -> memref<1x32x512xf32, #tpu.memory_space<hbm>>
    %dma_wait3A_92 = tpu.memref_squeeze %dma_wait3A_91 : memref<1x32x512xf32, #tpu.memory_space<hbm>> -> memref<32x512xf32, #tpu.memory_space<hbm>>
    %dma_wait3A_93 = arith.constant 64 : i32
    %dma_wait3A_94 = arith.constant 0 : i32
    %dma_wait3A_95 = tpu.memref_slice %arg2[%squeeze3A, %dma_wait3A_93, %dma_wait3A_94] : memref<128x512x512xf32, #tpu.memory_space<hbm>> -> memref<1x32x512xf32, #tpu.memory_space<hbm>>
    %dma_wait3A_96 = tpu.memref_squeeze %dma_wait3A_95 : memref<1x32x512xf32, #tpu.memory_space<hbm>> -> memref<32x512xf32, #tpu.memory_space<hbm>>
    tpu.wait_dma2 semaphore(%arg14 : memref<!tpu.dma_semaphore, #tpu.memory_space<semaphore_mem>>) src(%dma_wait3A_96 : memref<32x512xf32, #tpu.memory_space<hbm>>) dst(%arg10 : memref<32x512xf32, #tpu.memory_space<vmem>>)
    %add3A_97 = arith.constant 0 : i32
    %add3A_98 = arith.addi %mul3A_10, %add3A_97 : i32
    %dma_start3A_99 = arith.constant 64 : i32
    %dma_start3A_100 = arith.constant 0 : i32
    %dma_start3A_101 = tpu.memref_slice %arg5[%add3A_98, %dma_start3A_99, %dma_start3A_100] : memref<96x512x512xf32, #tpu.memory_space<hbm>> -> memref<1x32x512xf32, #tpu.memory_space<hbm>>
    %dma_start3A_102 = tpu.memref_squeeze %dma_start3A_101 : memref<1x32x512xf32, #tpu.memory_space<hbm>> -> memref<32x512xf32, #tpu.memory_space<hbm>>
    %dma_start3A_103 = arith.constant 64 : i32
    %dma_start3A_104 = arith.constant 0 : i32
    %dma_start3A_105 = tpu.memref_slice %arg5[%add3A_98, %dma_start3A_103, %dma_start3A_104] : memref<96x512x512xf32, #tpu.memory_space<hbm>> -> memref<1x32x512xf32, #tpu.memory_space<hbm>>
    %dma_start3A_106 = tpu.memref_squeeze %dma_start3A_105 : memref<1x32x512xf32, #tpu.memory_space<hbm>> -> memref<32x512xf32, #tpu.memory_space<hbm>>
    tpu.enqueue_dma source(%arg10 : memref<32x512xf32, #tpu.memory_space<vmem>>) target(%dma_start3A_106 : memref<32x512xf32, #tpu.memory_space<hbm>>) target_semaphore(%arg17 : memref<!tpu.dma_semaphore, #tpu.memory_space<semaphore_mem>>)
    %dma_wait3A_107 = arith.constant 0 : i32
    %dma_wait3A_108 = arith.constant 0 : i32
    %dma_wait3A_109 = tpu.memref_slice %arg5[%add3A_52, %dma_wait3A_107, %dma_wait3A_108] : memref<96x512x512xf32, #tpu.memory_space<hbm>> -> memref<1x32x512xf32, #tpu.memory_space<hbm>>
    %dma_wait3A_110 = tpu.memref_squeeze %dma_wait3A_109 : memref<1x32x512xf32, #tpu.memory_space<hbm>> -> memref<32x512xf32, #tpu.memory_space<hbm>>
    %dma_wait3A_111 = arith.constant 0 : i32
    %dma_wait3A_112 = arith.constant 0 : i32
    %dma_wait3A_113 = tpu.memref_slice %arg5[%add3A_52, %dma_wait3A_111, %dma_wait3A_112] : memref<96x512x512xf32, #tpu.memory_space<hbm>> -> memref<1x32x512xf32, #tpu.memory_space<hbm>>
    %dma_wait3A_114 = tpu.memref_squeeze %dma_wait3A_113 : memref<1x32x512xf32, #tpu.memory_space<hbm>> -> memref<32x512xf32, #tpu.memory_space<hbm>>
    tpu.wait_dma2 semaphore(%arg16 : memref<!tpu.dma_semaphore, #tpu.memory_space<semaphore_mem>>) src(%arg9 : memref<32x512xf32, #tpu.memory_space<vmem>>) dst(%dma_wait3A_114 : memref<32x512xf32, #tpu.memory_space<hbm>>)
    %dma_start3A_115 = arith.constant 192 : i32
    %dma_start3A_116 = arith.constant 0 : i32
    %dma_start3A_117 = tpu.memref_slice %arg2[%squeeze3A, %dma_start3A_115, %dma_start3A_116] : memref<128x512x512xf32, #tpu.memory_space<hbm>> -> memref<1x32x512xf32, #tpu.memory_space<hbm>>
    %dma_start3A_118 = tpu.memref_squeeze %dma_start3A_117 : memref<1x32x512xf32, #tpu.memory_space<hbm>> -> memref<32x512xf32, #tpu.memory_space<hbm>>
    %dma_start3A_119 = arith.constant 192 : i32
    %dma_start3A_120 = arith.constant 0 : i32
    %dma_start3A_121 = tpu.memref_slice %arg2[%squeeze3A, %dma_start3A_119, %dma_start3A_120] : memref<128x512x512xf32, #tpu.memory_space<hbm>> -> memref<1x32x512xf32, #tpu.memory_space<hbm>>
    %dma_start3A_122 = tpu.memref_squeeze %dma_start3A_121 : memref<1x32x512xf32, #tpu.memory_space<hbm>> -> memref<32x512xf32, #tpu.memory_space<hbm>>
    tpu.enqueue_dma source(%dma_start3A_122 : memref<32x512xf32, #tpu.memory_space<hbm>>) target(%arg9 : memref<32x512xf32, #tpu.memory_space<vmem>>) target_semaphore(%arg13 : memref<!tpu.dma_semaphore, #tpu.memory_space<semaphore_mem>>)
    %dma_wait3A_123 = arith.constant 0 : i32
    %dma_wait3A_124 = tpu.memref_slice %arg12[%mul3A_22, %dma_wait3A_123] : memref<1024x512xf32, #tpu.memory_space<vmem_shared>> -> memref<32x512xf32, #tpu.memory_space<vmem_shared>>
    %dma_wait3A_125 = arith.constant 96 : i32
    %dma_wait3A_126 = arith.constant 0 : i32
    %dma_wait3A_127 = tpu.memref_slice %arg2[%squeeze3A, %dma_wait3A_125, %dma_wait3A_126] : memref<128x512x512xf32, #tpu.memory_space<hbm>> -> memref<1x32x512xf32, #tpu.memory_space<hbm>>
    %dma_wait3A_128 = tpu.memref_squeeze %dma_wait3A_127 : memref<1x32x512xf32, #tpu.memory_space<hbm>> -> memref<32x512xf32, #tpu.memory_space<hbm>>
    tpu.wait_dma2 semaphore(%arg20 : memref<!tpu.dma_semaphore, #tpu.memory_space<semaphore_mem>>) src(%dma_wait3A_128 : memref<32x512xf32, #tpu.memory_space<hbm>>) dst(%dma_wait3A_124 : memref<32x512xf32, #tpu.memory_space<vmem_shared>>)
    %add3A_129 = arith.constant 0 : i32
    %add3A_130 = arith.addi %mul3A_10, %add3A_129 : i32
    %dma_start3A_131 = arith.constant 96 : i32
    %dma_start3A_132 = arith.constant 0 : i32
    %dma_start3A_133 = tpu.memref_slice %arg5[%add3A_130, %dma_start3A_131, %dma_start3A_132] : memref<96x512x512xf32, #tpu.memory_space<hbm>> -> memref<1x32x512xf32, #tpu.memory_space<hbm>>
    %dma_start3A_134 = tpu.memref_squeeze %dma_start3A_133 : memref<1x32x512xf32, #tpu.memory_space<hbm>> -> memref<32x512xf32, #tpu.memory_space<hbm>>
    %dma_start3A_135 = arith.constant 0 : i32
    %dma_start3A_136 = tpu.memref_slice %arg12[%mul3A_22, %dma_start3A_135] : memref<1024x512xf32, #tpu.memory_space<vmem_shared>> -> memref<32x512xf32, #tpu.memory_space<vmem_shared>>
    tpu.enqueue_dma source(%dma_start3A_136 : memref<32x512xf32, #tpu.memory_space<vmem_shared>>) target(%dma_start3A_134 : memref<32x512xf32, #tpu.memory_space<hbm>>) target_semaphore(%arg22 : memref<!tpu.dma_semaphore, #tpu.memory_space<semaphore_mem>>)
    %dma_wait3A_137 = arith.constant 32 : i32
    %dma_wait3A_138 = arith.constant 0 : i32
    %dma_wait3A_139 = tpu.memref_slice %arg5[%add3A_76, %dma_wait3A_137, %dma_wait3A_138] : memref<96x512x512xf32, #tpu.memory_space<hbm>> -> memref<1x32x512xf32, #tpu.memory_space<hbm>>
    %dma_wait3A_140 = tpu.memref_squeeze %dma_wait3A_139 : memref<1x32x512xf32, #tpu.memory_space<hbm>> -> memref<32x512xf32, #tpu.memory_space<hbm>>
    %dma_wait3A_141 = arith.constant 0 : i32
    %dma_wait3A_142 = tpu.memref_slice %arg12[%mul3A_16, %dma_wait3A_141] : memref<1024x512xf32, #tpu.memory_space<vmem_shared>> -> memref<32x512xf32, #tpu.memory_space<vmem_shared>>
    tpu.wait_dma2 semaphore(%arg21 : memref<!tpu.dma_semaphore, #tpu.memory_space<semaphore_mem>>) src(%dma_wait3A_142 : memref<32x512xf32, #tpu.memory_space<vmem_shared>>) dst(%dma_wait3A_140 : memref<32x512xf32, #tpu.memory_space<hbm>>)
    %dma_start3A_143 = arith.constant 0 : i32
    %dma_start3A_144 = tpu.memref_slice %arg12[%mul3A_16, %dma_start3A_143] : memref<1024x512xf32, #tpu.memory_space<vmem_shared>> -> memref<32x512xf32, #tpu.memory_space<vmem_shared>>
    %dma_start3A_145 = arith.constant 160 : i32
    %dma_start3A_146 = arith.constant 0 : i32
    %dma_start3A_147 = tpu.memref_slice %arg2[%squeeze3A, %dma_start3A_145, %dma_start3A_146] : memref<128x512x512xf32, #tpu.memory_space<hbm>> -> memref<1x32x512xf32, #tpu.memory_space<hbm>>
    %dma_start3A_148 = tpu.memref_squeeze %dma_start3A_147 : memref<1x32x512xf32, #tpu.memory_space<hbm>> -> memref<32x512xf32, #tpu.memory_space<hbm>>
    tpu.enqueue_dma source(%dma_start3A_148 : memref<32x512xf32, #tpu.memory_space<hbm>>) target(%dma_start3A_144 : memref<32x512xf32, #tpu.memory_space<vmem_shared>>) target_semaphore(%arg19 : memref<!tpu.dma_semaphore, #tpu.memory_space<semaphore_mem>>)
    %dma_wait3A_149 = arith.constant 128 : i32
    %dma_wait3A_150 = arith.constant 0 : i32
    %dma_wait3A_151 = tpu.memref_slice %arg2[%squeeze3A, %dma_wait3A_149, %dma_wait3A_150] : memref<128x512x512xf32, #tpu.memory_space<hbm>> -> memref<1x32x512xf32, #tpu.memory_space<hbm>>
    %dma_wait3A_152 = tpu.memref_squeeze %dma_wait3A_151 : memref<1x32x512xf32, #tpu.memory_space<hbm>> -> memref<32x512xf32, #tpu.memory_space<hbm>>
    %dma_wait3A_153 = arith.constant 128 : i32
    %dma_wait3A_154 = arith.constant 0 : i32
    %dma_wait3A_155 = tpu.memref_slice %arg2[%squeeze3A, %dma_wait3A_153, %dma_wait3A_154] : memref<128x512x512xf32, #tpu.memory_space<hbm>> -> memref<1x32x512xf32, #tpu.memory_space<hbm>>
    %dma_wait3A_156 = tpu.memref_squeeze %dma_wait3A_155 : memref<1x32x512xf32, #tpu.memory_space<hbm>> -> memref<32x512xf32, #tpu.memory_space<hbm>>
    tpu.wait_dma2 semaphore(%arg15 : memref<!tpu.dma_semaphore, #tpu.memory_space<semaphore_mem>>) src(%dma_wait3A_156 : memref<32x512xf32, #tpu.memory_space<hbm>>) dst(%arg11 : memref<32x512xf32, #tpu.memory_space<vmem>>)
    %add3A_157 = arith.constant 0 : i32
    %add3A_158 = arith.addi %mul3A_10, %add3A_157 : i32
    %dma_start3A_159 = arith.constant 128 : i32
    %dma_start3A_160 = arith.constant 0 : i32
    %dma_start3A_161 = tpu.memref_slice %arg5[%add3A_158, %dma_start3A_159, %dma_start3A_160] : memref<96x512x512xf32, #tpu.memory_space<hbm>> -> memref<1x32x512xf32, #tpu.memory_space<hbm>>
    %dma_start3A_162 = tpu.memref_squeeze %dma_start3A_161 : memref<1x32x512xf32, #tpu.memory_space<hbm>> -> memref<32x512xf32, #tpu.memory_space<hbm>>
    %dma_start3A_163 = arith.constant 128 : i32
    %dma_start3A_164 = arith.constant 0 : i32
    %dma_start3A_165 = tpu.memref_slice %arg5[%add3A_158, %dma_start3A_163, %dma_start3A_164] : memref<96x512x512xf32, #tpu.memory_space<hbm>> -> memref<1x32x512xf32, #tpu.memory_space<hbm>>
    %dma_start3A_166 = tpu.memref_squeeze %dma_start3A_165 : memref<1x32x512xf32, #tpu.memory_space<hbm>> -> memref<32x512xf32, #tpu.memory_space<hbm>>
    tpu.enqueue_dma source(%arg11 : memref<32x512xf32, #tpu.memory_space<vmem>>) target(%dma_start3A_166 : memref<32x512xf32, #tpu.memory_space<hbm>>) target_semaphore(%arg18 : memref<!tpu.dma_semaphore, #tpu.memory_space<semaphore_mem>>)
    %dma_wait3A_167 = arith.constant 64 : i32
    %dma_wait3A_168 = arith.constant 0 : i32
    %dma_wait3A_169 = tpu.memref_slice %arg5[%add3A_98, %dma_wait3A_167, %dma_wait3A_168] : memref<96x512x512xf32, #tpu.memory_space<hbm>> -> memref<1x32x512xf32, #tpu.memory_space<hbm>>
    %dma_wait3A_170 = tpu.memref_squeeze %dma_wait3A_169 : memref<1x32x512xf32, #tpu.memory_space<hbm>> -> memref<32x512xf32, #tpu.memory_space<hbm>>
    %dma_wait3A_171 = arith.constant 64 : i32
    %dma_wait3A_172 = arith.constant 0 : i32
    %dma_wait3A_173 = tpu.memref_slice %arg5[%add3A_98, %dma_wait3A_171, %dma_wait3A_172] : memref<96x512x512xf32, #tpu.memory_space<hbm>> -> memref<1x32x512xf32, #tpu.memory_space<hbm>>
    %dma_wait3A_174 = tpu.memref_squeeze %dma_wait3A_173 : memref<1x32x512xf32, #tpu.memory_space<hbm>> -> memref<32x512xf32, #tpu.memory_space<hbm>>
    tpu.wait_dma2 semaphore(%arg17 : memref<!tpu.dma_semaphore, #tpu.memory_space<semaphore_mem>>) src(%arg10 : memref<32x512xf32, #tpu.memory_space<vmem>>) dst(%dma_wait3A_174 : memref<32x512xf32, #tpu.memory_space<hbm>>)
    %dma_start3A_175 = arith.constant 256 : i32
    %dma_start3A_176 = arith.constant 0 : i32
    %dma_start3A_177 = tpu.memref_slice %arg2[%squeeze3A, %dma_start3A_175, %dma_start3A_176] : memref<128x512x512xf32, #tpu.memory_space<hbm>> -> memref<1x32x512xf32, #tpu.memory_space<hbm>>
    %dma_start3A_178 = tpu.memref_squeeze %dma_start3A_177 : memref<1x32x512xf32, #tpu.memory_space<hbm>> -> memref<32x512xf32, #tpu.memory_space<hbm>>
    %dma_start3A_179 = arith.constant 256 : i32
    %dma_start3A_180 = arith.constant 0 : i32
    %dma_start3A_181 = tpu.memref_slice %arg2[%squeeze3A, %dma_start3A_179, %dma_start3A_180] : memref<128x512x512xf32, #tpu.memory_space<hbm>> -> memref<1x32x512xf32, #tpu.memory_space<hbm>>
    %dma_start3A_182 = tpu.memref_squeeze %dma_start3A_181 : memref<1x32x512xf32, #tpu.memory_space<hbm>> -> memref<32x512xf32, #tpu.memory_space<hbm>>
    tpu.enqueue_dma source(%dma_start3A_182 : memref<32x512xf32, #tpu.memory_space<hbm>>) target(%arg10 : memref<32x512xf32, #tpu.memory_space<vmem>>) target_semaphore(%arg14 : memref<!tpu.dma_semaphore, #tpu.memory_space<semaphore_mem>>)
    %dma_wait3A_183 = arith.constant 0 : i32
    %dma_wait3A_184 = tpu.memref_slice %arg12[%mul3A_16, %dma_wait3A_183] : memref<1024x512xf32, #tpu.memory_space<vmem_shared>> -> memref<32x512xf32, #tpu.memory_space<vmem_shared>>
    %dma_wait3A_185 = arith.constant 160 : i32
    %dma_wait3A_186 = arith.constant 0 : i32
    %dma_wait3A_187 = tpu.memref_slice %arg2[%squeeze3A, %dma_wait3A_185, %dma_wait3A_186] : memref<128x512x512xf32, #tpu.memory_space<hbm>> -> memref<1x32x512xf32, #tpu.memory_space<hbm>>
    %dma_wait3A_188 = tpu.memref_squeeze %dma_wait3A_187 : memref<1x32x512xf32, #tpu.memory_space<hbm>> -> memref<32x512xf32, #tpu.memory_space<hbm>>
    tpu.wait_dma2 semaphore(%arg19 : memref<!tpu.dma_semaphore, #tpu.memory_space<semaphore_mem>>) src(%dma_wait3A_188 : memref<32x512xf32, #tpu.memory_space<hbm>>) dst(%dma_wait3A_184 : memref<32x512xf32, #tpu.memory_space<vmem_shared>>)
    %add3A_189 = arith.constant 0 : i32
    %add3A_190 = arith.addi %mul3A_10, %add3A_189 : i32
    %dma_start3A_191 = arith.constant 160 : i32
    %dma_start3A_192 = arith.constant 0 : i32
    %dma_start3A_193 = tpu.memref_slice %arg5[%add3A_190, %dma_start3A_191, %dma_start3A_192] : memref<96x512x512xf32, #tpu.memory_space<hbm>> -> memref<1x32x512xf32, #tpu.memory_space<hbm>>
    %dma_start3A_194 = tpu.memref_squeeze %dma_start3A_193 : memref<1x32x512xf32, #tpu.memory_space<hbm>> -> memref<32x512xf32, #tpu.memory_space<hbm>>
    %dma_start3A_195 = arith.constant 0 : i32
    %dma_start3A_196 = tpu.memref_slice %arg12[%mul3A_16, %dma_start3A_195] : memref<1024x512xf32, #tpu.memory_space<vmem_shared>> -> memref<32x512xf32, #tpu.memory_space<vmem_shared>>
    tpu.enqueue_dma source(%dma_start3A_196 : memref<32x512xf32, #tpu.memory_space<vmem_shared>>) target(%dma_start3A_194 : memref<32x512xf32, #tpu.memory_space<hbm>>) target_semaphore(%arg21 : memref<!tpu.dma_semaphore, #tpu.memory_space<semaphore_mem>>)
    %dma_wait3A_197 = arith.constant 96 : i32
    %dma_wait3A_198 = arith.constant 0 : i32
    %dma_wait3A_199 = tpu.memref_slice %arg5[%add3A_130, %dma_wait3A_197, %dma_wait3A_198] : memref<96x512x512xf32, #tpu.memory_space<hbm>> -> memref<1x32x512xf32, #tpu.memory_space<hbm>>
    %dma_wait3A_200 = tpu.memref_squeeze %dma_wait3A_199 : memref<1x32x512xf32, #tpu.memory_space<hbm>> -> memref<32x512xf32, #tpu.memory_space<hbm>>
    %dma_wait3A_201 = arith.constant 0 : i32
    %dma_wait3A_202 = tpu.memref_slice %arg12[%mul3A_22, %dma_wait3A_201] : memref<1024x512xf32, #tpu.memory_space<vmem_shared>> -> memref<32x512xf32, #tpu.memory_space<vmem_shared>>
    tpu.wait_dma2 semaphore(%arg22 : memref<!tpu.dma_semaphore, #tpu.memory_space<semaphore_mem>>) src(%dma_wait3A_202 : memref<32x512xf32, #tpu.memory_space<vmem_shared>>) dst(%dma_wait3A_200 : memref<32x512xf32, #tpu.memory_space<hbm>>)
    %dma_start3A_203 = arith.constant 0 : i32
    %dma_start3A_204 = tpu.memref_slice %arg12[%mul3A_22, %dma_start3A_203] : memref<1024x512xf32, #tpu.memory_space<vmem_shared>> -> memref<32x512xf32, #tpu.memory_space<vmem_shared>>
    %dma_start3A_205 = arith.constant 224 : i32
    %dma_start3A_206 = arith.constant 0 : i32
    %dma_start3A_207 = tpu.memref_slice %arg2[%squeeze3A, %dma_start3A_205, %dma_start3A_206] : memref<128x512x512xf32, #tpu.memory_space<hbm>> -> memref<1x32x512xf32, #tpu.memory_space<hbm>>
    %dma_start3A_208 = tpu.memref_squeeze %dma_start3A_207 : memref<1x32x512xf32, #tpu.memory_space<hbm>> -> memref<32x512xf32, #tpu.memory_space<hbm>>
    tpu.enqueue_dma source(%dma_start3A_208 : memref<32x512xf32, #tpu.memory_space<hbm>>) target(%dma_start3A_204 : memref<32x512xf32, #tpu.memory_space<vmem_shared>>) target_semaphore(%arg20 : memref<!tpu.dma_semaphore, #tpu.memory_space<semaphore_mem>>)
    %dma_wait3A_209 = arith.constant 192 : i32
    %dma_wait3A_210 = arith.constant 0 : i32
    %dma_wait3A_211 = tpu.memref_slice %arg2[%squeeze3A, %dma_wait3A_209, %dma_wait3A_210] : memref<128x512x512xf32, #tpu.memory_space<hbm>> -> memref<1x32x512xf32, #tpu.memory_space<hbm>>
    %dma_wait3A_212 = tpu.memref_squeeze %dma_wait3A_211 : memref<1x32x512xf32, #tpu.memory_space<hbm>> -> memref<32x512xf32, #tpu.memory_space<hbm>>
    %dma_wait3A_213 = arith.constant 192 : i32
    %dma_wait3A_214 = arith.constant 0 : i32
    %dma_wait3A_215 = tpu.memref_slice %arg2[%squeeze3A, %dma_wait3A_213, %dma_wait3A_214] : memref<128x512x512xf32, #tpu.memory_space<hbm>> -> memref<1x32x512xf32, #tpu.memory_space<hbm>>
    %dma_wait3A_216 = tpu.memref_squeeze %dma_wait3A_215 : memref<1x32x512xf32, #tpu.memory_space<hbm>> -> memref<32x512xf32, #tpu.memory_space<hbm>>
    tpu.wait_dma2 semaphore(%arg13 : memref<!tpu.dma_semaphore, #tpu.memory_space<semaphore_mem>>) src(%dma_wait3A_216 : memref<32x512xf32, #tpu.memory_space<hbm>>) dst(%arg9 : memref<32x512xf32, #tpu.memory_space<vmem>>)
    %add3A_217 = arith.constant 0 : i32
    %add3A_218 = arith.addi %mul3A_10, %add3A_217 : i32
    %dma_start3A_219 = arith.constant 192 : i32
    %dma_start3A_220 = arith.constant 0 : i32
    %dma_start3A_221 = tpu.memref_slice %arg5[%add3A_218, %dma_start3A_219, %dma_start3A_220] : memref<96x512x512xf32, #tpu.memory_space<hbm>> -> memref<1x32x512xf32, #tpu.memory_space<hbm>>
    %dma_start3A_222 = tpu.memref_squeeze %dma_start3A_221 : memref<1x32x512xf32, #tpu.memory_space<hbm>> -> memref<32x512xf32, #tpu.memory_space<hbm>>
    %dma_start3A_223 = arith.constant 192 : i32
    %dma_start3A_224 = arith.constant 0 : i32
    %dma_start3A_225 = tpu.memref_slice %arg5[%add3A_218, %dma_start3A_223, %dma_start3A_224] : memref<96x512x512xf32, #tpu.memory_space<hbm>> -> memref<1x32x512xf32, #tpu.memory_space<hbm>>
    %dma_start3A_226 = tpu.memref_squeeze %dma_start3A_225 : memref<1x32x512xf32, #tpu.memory_space<hbm>> -> memref<32x512xf32, #tpu.memory_space<hbm>>
    tpu.enqueue_dma source(%arg9 : memref<32x512xf32, #tpu.memory_space<vmem>>) target(%dma_start3A_226 : memref<32x512xf32, #tpu.memory_space<hbm>>) target_semaphore(%arg16 : memref<!tpu.dma_semaphore, #tpu.memory_space<semaphore_mem>>)
    %dma_wait3A_227 = arith.constant 128 : i32
    %dma_wait3A_228 = arith.constant 0 : i32
    %dma_wait3A_229 = tpu.memref_slice %arg5[%add3A_158, %dma_wait3A_227, %dma_wait3A_228] : memref<96x512x512xf32, #tpu.memory_space<hbm>> -> memref<1x32x512xf32, #tpu.memory_space<hbm>>
    %dma_wait3A_230 = tpu.memref_squeeze %dma_wait3A_229 : memref<1x32x512xf32, #tpu.memory_space<hbm>> -> memref<32x512xf32, #tpu.memory_space<hbm>>
    %dma_wait3A_231 = arith.constant 128 : i32
    %dma_wait3A_232 = arith.constant 0 : i32
    %dma_wait3A_233 = tpu.memref_slice %arg5[%add3A_158, %dma_wait3A_231, %dma_wait3A_232] : memref<96x512x512xf32, #tpu.memory_space<hbm>> -> memref<1x32x512xf32, #tpu.memory_space<hbm>>
    %dma_wait3A_234 = tpu.memref_squeeze %dma_wait3A_233 : memref<1x32x512xf32, #tpu.memory_space<hbm>> -> memref<32x512xf32, #tpu.memory_space<hbm>>
    tpu.wait_dma2 semaphore(%arg18 : memref<!tpu.dma_semaphore, #tpu.memory_space<semaphore_mem>>) src(%arg11 : memref<32x512xf32, #tpu.memory_space<vmem>>) dst(%dma_wait3A_234 : memref<32x512xf32, #tpu.memory_space<hbm>>)
    %dma_start3A_235 = arith.constant 320 : i32
    %dma_start3A_236 = arith.constant 0 : i32
    %dma_start3A_237 = tpu.memref_slice %arg2[%squeeze3A, %dma_start3A_235, %dma_start3A_236] : memref<128x512x512xf32, #tpu.memory_space<hbm>> -> memref<1x32x512xf32, #tpu.memory_space<hbm>>
    %dma_start3A_238 = tpu.memref_squeeze %dma_start3A_237 : memref<1x32x512xf32, #tpu.memory_space<hbm>> -> memref<32x512xf32, #tpu.memory_space<hbm>>
    %dma_start3A_239 = arith.constant 320 : i32
    %dma_start3A_240 = arith.constant 0 : i32
    %dma_start3A_241 = tpu.memref_slice %arg2[%squeeze3A, %dma_start3A_239, %dma_start3A_240] : memref<128x512x512xf32, #tpu.memory_space<hbm>> -> memref<1x32x512xf32, #tpu.memory_space<hbm>>
    %dma_start3A_242 = tpu.memref_squeeze %dma_start3A_241 : memref<1x32x512xf32, #tpu.memory_space<hbm>> -> memref<32x512xf32, #tpu.memory_space<hbm>>
    tpu.enqueue_dma source(%dma_start3A_242 : memref<32x512xf32, #tpu.memory_space<hbm>>) target(%arg11 : memref<32x512xf32, #tpu.memory_space<vmem>>) target_semaphore(%arg15 : memref<!tpu.dma_semaphore, #tpu.memory_space<semaphore_mem>>)
    %dma_wait3A_243 = arith.constant 0 : i32
    %dma_wait3A_244 = tpu.memref_slice %arg12[%mul3A_22, %dma_wait3A_243] : memref<1024x512xf32, #tpu.memory_space<vmem_shared>> -> memref<32x512xf32, #tpu.memory_space<vmem_shared>>
    %dma_wait3A_245 = arith.constant 224 : i32
    %dma_wait3A_246 = arith.constant 0 : i32
    %dma_wait3A_247 = tpu.memref_slice %arg2[%squeeze3A, %dma_wait3A_245, %dma_wait3A_246] : memref<128x512x512xf32, #tpu.memory_space<hbm>> -> memref<1x32x512xf32, #tpu.memory_space<hbm>>
    %dma_wait3A_248 = tpu.memref_squeeze %dma_wait3A_247 : memref<1x32x512xf32, #tpu.memory_space<hbm>> -> memref<32x512xf32, #tpu.memory_space<hbm>>
    tpu.wait_dma2 semaphore(%arg20 : memref<!tpu.dma_semaphore, #tpu.memory_space<semaphore_mem>>) src(%dma_wait3A_248 : memref<32x512xf32, #tpu.memory_space<hbm>>) dst(%dma_wait3A_244 : memref<32x512xf32, #tpu.memory_space<vmem_shared>>)
    %add3A_249 = arith.constant 0 : i32
    %add3A_250 = arith.addi %mul3A_10, %add3A_249 : i32
    %dma_start3A_251 = arith.constant 224 : i32
    %dma_start3A_252 = arith.constant 0 : i32
    %dma_start3A_253 = tpu.memref_slice %arg5[%add3A_250, %dma_start3A_251, %dma_start3A_252] : memref<96x512x512xf32, #tpu.memory_space<hbm>> -> memref<1x32x512xf32, #tpu.memory_space<hbm>>
    %dma_start3A_254 = tpu.memref_squeeze %dma_start3A_253 : memref<1x32x512xf32, #tpu.memory_space<hbm>> -> memref<32x512xf32, #tpu.memory_space<hbm>>
    %dma_start3A_255 = arith.constant 0 : i32
    %dma_start3A_256 = tpu.memref_slice %arg12[%mul3A_22, %dma_start3A_255] : memref<1024x512xf32, #tpu.memory_space<vmem_shared>> -> memref<32x512xf32, #tpu.memory_space<vmem_shared>>
    tpu.enqueue_dma source(%dma_start3A_256 : memref<32x512xf32, #tpu.memory_space<vmem_shared>>) target(%dma_start3A_254 : memref<32x512xf32, #tpu.memory_space<hbm>>) target_semaphore(%arg22 : memref<!tpu.dma_semaphore, #tpu.memory_space<semaphore_mem>>)
    %dma_wait3A_257 = arith.constant 160 : i32
    %dma_wait3A_258 = arith.constant 0 : i32
    %dma_wait3A_259 = tpu.memref_slice %arg5[%add3A_190, %dma_wait3A_257, %dma_wait3A_258] : memref<96x512x512xf32, #tpu.memory_space<hbm>> -> memref<1x32x512xf32, #tpu.memory_space<hbm>>
    %dma_wait3A_260 = tpu.memref_squeeze %dma_wait3A_259 : memref<1x32x512xf32, #tpu.memory_space<hbm>> -> memref<32x512xf32, #tpu.memory_space<hbm>>
    %dma_wait3A_261 = arith.constant 0 : i32
    %dma_wait3A_262 = tpu.memref_slice %arg12[%mul3A_16, %dma_wait3A_261] : memref<1024x512xf32, #tpu.memory_space<vmem_shared>> -> memref<32x512xf32, #tpu.memory_space<vmem_shared>>
    tpu.wait_dma2 semaphore(%arg21 : memref<!tpu.dma_semaphore, #tpu.memory_space<semaphore_mem>>) src(%dma_wait3A_262 : memref<32x512xf32, #tpu.memory_space<vmem_shared>>) dst(%dma_wait3A_260 : memref<32x512xf32, #tpu.memory_space<hbm>>)
    %dma_start3A_263 = arith.constant 0 : i32
    %dma_start3A_264 = tpu.memref_slice %arg12[%mul3A_16, %dma_start3A_263] : memref<1024x512xf32, #tpu.memory_space<vmem_shared>> -> memref<32x512xf32, #tpu.memory_space<vmem_shared>>
    %dma_start3A_265 = arith.constant 288 : i32
    %dma_start3A_266 = arith.constant 0 : i32
    %dma_start3A_267 = tpu.memref_slice %arg2[%squeeze3A, %dma_start3A_265, %dma_start3A_266] : memref<128x512x512xf32, #tpu.memory_space<hbm>> -> memref<1x32x512xf32, #tpu.memory_space<hbm>>
    %dma_start3A_268 = tpu.memref_squeeze %dma_start3A_267 : memref<1x32x512xf32, #tpu.memory_space<hbm>> -> memref<32x512xf32, #tpu.memory_space<hbm>>
    tpu.enqueue_dma source(%dma_start3A_268 : memref<32x512xf32, #tpu.memory_space<hbm>>) target(%dma_start3A_264 : memref<32x512xf32, #tpu.memory_space<vmem_shared>>) target_semaphore(%arg19 : memref<!tpu.dma_semaphore, #tpu.memory_space<semaphore_mem>>)
    %dma_wait3A_269 = arith.constant 256 : i32
    %dma_wait3A_270 = arith.constant 0 : i32
    %dma_wait3A_271 = tpu.memref_slice %arg2[%squeeze3A, %dma_wait3A_269, %dma_wait3A_270] : memref<128x512x512xf32, #tpu.memory_space<hbm>> -> memref<1x32x512xf32, #tpu.memory_space<hbm>>
    %dma_wait3A_272 = tpu.memref_squeeze %dma_wait3A_271 : memref<1x32x512xf32, #tpu.memory_space<hbm>> -> memref<32x512xf32, #tpu.memory_space<hbm>>
    %dma_wait3A_273 = arith.constant 256 : i32
    %dma_wait3A_274 = arith.constant 0 : i32
    %dma_wait3A_275 = tpu.memref_slice %arg2[%squeeze3A, %dma_wait3A_273, %dma_wait3A_274] : memref<128x512x512xf32, #tpu.memory_space<hbm>> -> memref<1x32x512xf32, #tpu.memory_space<hbm>>
    %dma_wait3A_276 = tpu.memref_squeeze %dma_wait3A_275 : memref<1x32x512xf32, #tpu.memory_space<hbm>> -> memref<32x512xf32, #tpu.memory_space<hbm>>
    tpu.wait_dma2 semaphore(%arg14 : memref<!tpu.dma_semaphore, #tpu.memory_space<semaphore_mem>>) src(%dma_wait3A_276 : memref<32x512xf32, #tpu.memory_space<hbm>>) dst(%arg10 : memref<32x512xf32, #tpu.memory_space<vmem>>)
    %add3A_277 = arith.constant 0 : i32
    %add3A_278 = arith.addi %mul3A_10, %add3A_277 : i32
    %dma_start3A_279 = arith.constant 256 : i32
    %dma_start3A_280 = arith.constant 0 : i32
    %dma_start3A_281 = tpu.memref_slice %arg5[%add3A_278, %dma_start3A_279, %dma_start3A_280] : memref<96x512x512xf32, #tpu.memory_space<hbm>> -> memref<1x32x512xf32, #tpu.memory_space<hbm>>
    %dma_start3A_282 = tpu.memref_squeeze %dma_start3A_281 : memref<1x32x512xf32, #tpu.memory_space<hbm>> -> memref<32x512xf32, #tpu.memory_space<hbm>>
    %dma_start3A_283 = arith.constant 256 : i32
    %dma_start3A_284 = arith.constant 0 : i32
    %dma_start3A_285 = tpu.memref_slice %arg5[%add3A_278, %dma_start3A_283, %dma_start3A_284] : memref<96x512x512xf32, #tpu.memory_space<hbm>> -> memref<1x32x512xf32, #tpu.memory_space<hbm>>
    %dma_start3A_286 = tpu.memref_squeeze %dma_start3A_285 : memref<1x32x512xf32, #tpu.memory_space<hbm>> -> memref<32x512xf32, #tpu.memory_space<hbm>>
    tpu.enqueue_dma source(%arg10 : memref<32x512xf32, #tpu.memory_space<vmem>>) target(%dma_start3A_286 : memref<32x512xf32, #tpu.memory_space<hbm>>) target_semaphore(%arg17 : memref<!tpu.dma_semaphore, #tpu.memory_space<semaphore_mem>>)
    %dma_wait3A_287 = arith.constant 192 : i32
    %dma_wait3A_288 = arith.constant 0 : i32
    %dma_wait3A_289 = tpu.memref_slice %arg5[%add3A_218, %dma_wait3A_287, %dma_wait3A_288] : memref<96x512x512xf32, #tpu.memory_space<hbm>> -> memref<1x32x512xf32, #tpu.memory_space<hbm>>
    %dma_wait3A_290 = tpu.memref_squeeze %dma_wait3A_289 : memref<1x32x512xf32, #tpu.memory_space<hbm>> -> memref<32x512xf32, #tpu.memory_space<hbm>>
    %dma_wait3A_291 = arith.constant 192 : i32
    %dma_wait3A_292 = arith.constant 0 : i32
    %dma_wait3A_293 = tpu.memref_slice %arg5[%add3A_218, %dma_wait3A_291, %dma_wait3A_292] : memref<96x512x512xf32, #tpu.memory_space<hbm>> -> memref<1x32x512xf32, #tpu.memory_space<hbm>>
    %dma_wait3A_294 = tpu.memref_squeeze %dma_wait3A_293 : memref<1x32x512xf32, #tpu.memory_space<hbm>> -> memref<32x512xf32, #tpu.memory_space<hbm>>
    tpu.wait_dma2 semaphore(%arg16 : memref<!tpu.dma_semaphore, #tpu.memory_space<semaphore_mem>>) src(%arg9 : memref<32x512xf32, #tpu.memory_space<vmem>>) dst(%dma_wait3A_294 : memref<32x512xf32, #tpu.memory_space<hbm>>)
    %dma_start3A_295 = arith.constant 384 : i32
    %dma_start3A_296 = arith.constant 0 : i32
    %dma_start3A_297 = tpu.memref_slice %arg2[%squeeze3A, %dma_start3A_295, %dma_start3A_296] : memref<128x512x512xf32, #tpu.memory_space<hbm>> -> memref<1x32x512xf32, #tpu.memory_space<hbm>>
    %dma_start3A_298 = tpu.memref_squeeze %dma_start3A_297 : memref<1x32x512xf32, #tpu.memory_space<hbm>> -> memref<32x512xf32, #tpu.memory_space<hbm>>
    %dma_start3A_299 = arith.constant 384 : i32
    %dma_start3A_300 = arith.constant 0 : i32
    %dma_start3A_301 = tpu.memref_slice %arg2[%squeeze3A, %dma_start3A_299, %dma_start3A_300] : memref<128x512x512xf32, #tpu.memory_space<hbm>> -> memref<1x32x512xf32, #tpu.memory_space<hbm>>
    %dma_start3A_302 = tpu.memref_squeeze %dma_start3A_301 : memref<1x32x512xf32, #tpu.memory_space<hbm>> -> memref<32x512xf32, #tpu.memory_space<hbm>>
    tpu.enqueue_dma source(%dma_start3A_302 : memref<32x512xf32, #tpu.memory_space<hbm>>) target(%arg9 : memref<32x512xf32, #tpu.memory_space<vmem>>) target_semaphore(%arg13 : memref<!tpu.dma_semaphore, #tpu.memory_space<semaphore_mem>>)
    %dma_wait3A_303 = arith.constant 0 : i32
    %dma_wait3A_304 = tpu.memref_slice %arg12[%mul3A_16, %dma_wait3A_303] : memref<1024x512xf32, #tpu.memory_space<vmem_shared>> -> memref<32x512xf32, #tpu.memory_space<vmem_shared>>
    %dma_wait3A_305 = arith.constant 288 : i32
    %dma_wait3A_306 = arith.constant 0 : i32
    %dma_wait3A_307 = tpu.memref_slice %arg2[%squeeze3A, %dma_wait3A_305, %dma_wait3A_306] : memref<128x512x512xf32, #tpu.memory_space<hbm>> -> memref<1x32x512xf32, #tpu.memory_space<hbm>>
    %dma_wait3A_308 = tpu.memref_squeeze %dma_wait3A_307 : memref<1x32x512xf32, #tpu.memory_space<hbm>> -> memref<32x512xf32, #tpu.memory_space<hbm>>
    tpu.wait_dma2 semaphore(%arg19 : memref<!tpu.dma_semaphore, #tpu.memory_space<semaphore_mem>>) src(%dma_wait3A_308 : memref<32x512xf32, #tpu.memory_space<hbm>>) dst(%dma_wait3A_304 : memref<32x512xf32, #tpu.memory_space<vmem_shared>>)
    %add3A_309 = arith.constant 0 : i32
    %add3A_310 = arith.addi %mul3A_10, %add3A_309 : i32
    %dma_start3A_311 = arith.constant 288 : i32
    %dma_start3A_312 = arith.constant 0 : i32
    %dma_start3A_313 = tpu.memref_slice %arg5[%add3A_310, %dma_start3A_311, %dma_start3A_312] : memref<96x512x512xf32, #tpu.memory_space<hbm>> -> memref<1x32x512xf32, #tpu.memory_space<hbm>>
    %dma_start3A_314 = tpu.memref_squeeze %dma_start3A_313 : memref<1x32x512xf32, #tpu.memory_space<hbm>> -> memref<32x512xf32, #tpu.memory_space<hbm>>
    %dma_start3A_315 = arith.constant 0 : i32
    %dma_start3A_316 = tpu.memref_slice %arg12[%mul3A_16, %dma_start3A_315] : memref<1024x512xf32, #tpu.memory_space<vmem_shared>> -> memref<32x512xf32, #tpu.memory_space<vmem_shared>>
    tpu.enqueue_dma source(%dma_start3A_316 : memref<32x512xf32, #tpu.memory_space<vmem_shared>>) target(%dma_start3A_314 : memref<32x512xf32, #tpu.memory_space<hbm>>) target_semaphore(%arg21 : memref<!tpu.dma_semaphore, #tpu.memory_space<semaphore_mem>>)
    %dma_wait3A_317 = arith.constant 224 : i32
    %dma_wait3A_318 = arith.constant 0 : i32
    %dma_wait3A_319 = tpu.memref_slice %arg5[%add3A_250, %dma_wait3A_317, %dma_wait3A_318] : memref<96x512x512xf32, #tpu.memory_space<hbm>> -> memref<1x32x512xf32, #tpu.memory_space<hbm>>
    %dma_wait3A_320 = tpu.memref_squeeze %dma_wait3A_319 : memref<1x32x512xf32, #tpu.memory_space<hbm>> -> memref<32x512xf32, #tpu.memory_space<hbm>>
    %dma_wait3A_321 = arith.constant 0 : i32
    %dma_wait3A_322 = tpu.memref_slice %arg12[%mul3A_22, %dma_wait3A_321] : memref<1024x512xf32, #tpu.memory_space<vmem_shared>> -> memref<32x512xf32, #tpu.memory_space<vmem_shared>>
    tpu.wait_dma2 semaphore(%arg22 : memref<!tpu.dma_semaphore, #tpu.memory_space<semaphore_mem>>) src(%dma_wait3A_322 : memref<32x512xf32, #tpu.memory_space<vmem_shared>>) dst(%dma_wait3A_320 : memref<32x512xf32, #tpu.memory_space<hbm>>)
    %dma_start3A_323 = arith.constant 0 : i32
    %dma_start3A_324 = tpu.memref_slice %arg12[%mul3A_22, %dma_start3A_323] : memref<1024x512xf32, #tpu.memory_space<vmem_shared>> -> memref<32x512xf32, #tpu.memory_space<vmem_shared>>
    %dma_start3A_325 = arith.constant 352 : i32
    %dma_start3A_326 = arith.constant 0 : i32
    %dma_start3A_327 = tpu.memref_slice %arg2[%squeeze3A, %dma_start3A_325, %dma_start3A_326] : memref<128x512x512xf32, #tpu.memory_space<hbm>> -> memref<1x32x512xf32, #tpu.memory_space<hbm>>
    %dma_start3A_328 = tpu.memref_squeeze %dma_start3A_327 : memref<1x32x512xf32, #tpu.memory_space<hbm>> -> memref<32x512xf32, #tpu.memory_space<hbm>>
    tpu.enqueue_dma source(%dma_start3A_328 : memref<32x512xf32, #tpu.memory_space<hbm>>) target(%dma_start3A_324 : memref<32x512xf32, #tpu.memory_space<vmem_shared>>) target_semaphore(%arg20 : memref<!tpu.dma_semaphore, #tpu.memory_space<semaphore_mem>>)
    %dma_wait3A_329 = arith.constant 320 : i32
    %dma_wait3A_330 = arith.constant 0 : i32
    %dma_wait3A_331 = tpu.memref_slice %arg2[%squeeze3A, %dma_wait3A_329, %dma_wait3A_330] : memref<128x512x512xf32, #tpu.memory_space<hbm>> -> memref<1x32x512xf32, #tpu.memory_space<hbm>>
    %dma_wait3A_332 = tpu.memref_squeeze %dma_wait3A_331 : memref<1x32x512xf32, #tpu.memory_space<hbm>> -> memref<32x512xf32, #tpu.memory_space<hbm>>
    %dma_wait3A_333 = arith.constant 320 : i32
    %dma_wait3A_334 = arith.constant 0 : i32
    %dma_wait3A_335 = tpu.memref_slice %arg2[%squeeze3A, %dma_wait3A_333, %dma_wait3A_334] : memref<128x512x512xf32, #tpu.memory_space<hbm>> -> memref<1x32x512xf32, #tpu.memory_space<hbm>>
    %dma_wait3A_336 = tpu.memref_squeeze %dma_wait3A_335 : memref<1x32x512xf32, #tpu.memory_space<hbm>> -> memref<32x512xf32, #tpu.memory_space<hbm>>
    tpu.wait_dma2 semaphore(%arg15 : memref<!tpu.dma_semaphore, #tpu.memory_space<semaphore_mem>>) src(%dma_wait3A_336 : memref<32x512xf32, #tpu.memory_space<hbm>>) dst(%arg11 : memref<32x512xf32, #tpu.memory_space<vmem>>)
    %add3A_337 = arith.constant 0 : i32
    %add3A_338 = arith.addi %mul3A_10, %add3A_337 : i32
    %dma_start3A_339 = arith.constant 320 : i32
    %dma_start3A_340 = arith.constant 0 : i32
    %dma_start3A_341 = tpu.memref_slice %arg5[%add3A_338, %dma_start3A_339, %dma_start3A_340] : memref<96x512x512xf32, #tpu.memory_space<hbm>> -> memref<1x32x512xf32, #tpu.memory_space<hbm>>
    %dma_start3A_342 = tpu.memref_squeeze %dma_start3A_341 : memref<1x32x512xf32, #tpu.memory_space<hbm>> -> memref<32x512xf32, #tpu.memory_space<hbm>>
    %dma_start3A_343 = arith.constant 320 : i32
    %dma_start3A_344 = arith.constant 0 : i32
    %dma_start3A_345 = tpu.memref_slice %arg5[%add3A_338, %dma_start3A_343, %dma_start3A_344] : memref<96x512x512xf32, #tpu.memory_space<hbm>> -> memref<1x32x512xf32, #tpu.memory_space<hbm>>
    %dma_start3A_346 = tpu.memref_squeeze %dma_start3A_345 : memref<1x32x512xf32, #tpu.memory_space<hbm>> -> memref<32x512xf32, #tpu.memory_space<hbm>>
    tpu.enqueue_dma source(%arg11 : memref<32x512xf32, #tpu.memory_space<vmem>>) target(%dma_start3A_346 : memref<32x512xf32, #tpu.memory_space<hbm>>) target_semaphore(%arg18 : memref<!tpu.dma_semaphore, #tpu.memory_space<semaphore_mem>>)
    %dma_wait3A_347 = arith.constant 256 : i32
    %dma_wait3A_348 = arith.constant 0 : i32
    %dma_wait3A_349 = tpu.memref_slice %arg5[%add3A_278, %dma_wait3A_347, %dma_wait3A_348] : memref<96x512x512xf32, #tpu.memory_space<hbm>> -> memref<1x32x512xf32, #tpu.memory_space<hbm>>
    %dma_wait3A_350 = tpu.memref_squeeze %dma_wait3A_349 : memref<1x32x512xf32, #tpu.memory_space<hbm>> -> memref<32x512xf32, #tpu.memory_space<hbm>>
    %dma_wait3A_351 = arith.constant 256 : i32
    %dma_wait3A_352 = arith.constant 0 : i32
    %dma_wait3A_353 = tpu.memref_slice %arg5[%add3A_278, %dma_wait3A_351, %dma_wait3A_352] : memref<96x512x512xf32, #tpu.memory_space<hbm>> -> memref<1x32x512xf32, #tpu.memory_space<hbm>>
    %dma_wait3A_354 = tpu.memref_squeeze %dma_wait3A_353 : memref<1x32x512xf32, #tpu.memory_space<hbm>> -> memref<32x512xf32, #tpu.memory_space<hbm>>
    tpu.wait_dma2 semaphore(%arg17 : memref<!tpu.dma_semaphore, #tpu.memory_space<semaphore_mem>>) src(%arg10 : memref<32x512xf32, #tpu.memory_space<vmem>>) dst(%dma_wait3A_354 : memref<32x512xf32, #tpu.memory_space<hbm>>)
    %dma_start3A_355 = arith.constant 448 : i32
    %dma_start3A_356 = arith.constant 0 : i32
    %dma_start3A_357 = tpu.memref_slice %arg2[%squeeze3A, %dma_start3A_355, %dma_start3A_356] : memref<128x512x512xf32, #tpu.memory_space<hbm>> -> memref<1x32x512xf32, #tpu.memory_space<hbm>>
    %dma_start3A_358 = tpu.memref_squeeze %dma_start3A_357 : memref<1x32x512xf32, #tpu.memory_space<hbm>> -> memref<32x512xf32, #tpu.memory_space<hbm>>
    %dma_start3A_359 = arith.constant 448 : i32
    %dma_start3A_360 = arith.constant 0 : i32
    %dma_start3A_361 = tpu.memref_slice %arg2[%squeeze3A, %dma_start3A_359, %dma_start3A_360] : memref<128x512x512xf32, #tpu.memory_space<hbm>> -> memref<1x32x512xf32, #tpu.memory_space<hbm>>
    %dma_start3A_362 = tpu.memref_squeeze %dma_start3A_361 : memref<1x32x512xf32, #tpu.memory_space<hbm>> -> memref<32x512xf32, #tpu.memory_space<hbm>>
    tpu.enqueue_dma source(%dma_start3A_362 : memref<32x512xf32, #tpu.memory_space<hbm>>) target(%arg10 : memref<32x512xf32, #tpu.memory_space<vmem>>) target_semaphore(%arg14 : memref<!tpu.dma_semaphore, #tpu.memory_space<semaphore_mem>>)
    %dma_wait3A_363 = arith.constant 0 : i32
    %dma_wait3A_364 = tpu.memref_slice %arg12[%mul3A_22, %dma_wait3A_363] : memref<1024x512xf32, #tpu.memory_space<vmem_shared>> -> memref<32x512xf32, #tpu.memory_space<vmem_shared>>
    %dma_wait3A_365 = arith.constant 352 : i32
    %dma_wait3A_366 = arith.constant 0 : i32
    %dma_wait3A_367 = tpu.memref_slice %arg2[%squeeze3A, %dma_wait3A_365, %dma_wait3A_366] : memref<128x512x512xf32, #tpu.memory_space<hbm>> -> memref<1x32x512xf32, #tpu.memory_space<hbm>>
    %dma_wait3A_368 = tpu.memref_squeeze %dma_wait3A_367 : memref<1x32x512xf32, #tpu.memory_space<hbm>> -> memref<32x512xf32, #tpu.memory_space<hbm>>
    tpu.wait_dma2 semaphore(%arg20 : memref<!tpu.dma_semaphore, #tpu.memory_space<semaphore_mem>>) src(%dma_wait3A_368 : memref<32x512xf32, #tpu.memory_space<hbm>>) dst(%dma_wait3A_364 : memref<32x512xf32, #tpu.memory_space<vmem_shared>>)
    %add3A_369 = arith.constant 0 : i32
    %add3A_370 = arith.addi %mul3A_10, %add3A_369 : i32
    %dma_start3A_371 = arith.constant 352 : i32
    %dma_start3A_372 = arith.constant 0 : i32
    %dma_start3A_373 = tpu.memref_slice %arg5[%add3A_370, %dma_start3A_371, %dma_start3A_372] : memref<96x512x512xf32, #tpu.memory_space<hbm>> -> memref<1x32x512xf32, #tpu.memory_space<hbm>>
    %dma_start3A_374 = tpu.memref_squeeze %dma_start3A_373 : memref<1x32x512xf32, #tpu.memory_space<hbm>> -> memref<32x512xf32, #tpu.memory_space<hbm>>
    %dma_start3A_375 = arith.constant 0 : i32
    %dma_start3A_376 = tpu.memref_slice %arg12[%mul3A_22, %dma_start3A_375] : memref<1024x512xf32, #tpu.memory_space<vmem_shared>> -> memref<32x512xf32, #tpu.memory_space<vmem_shared>>
    tpu.enqueue_dma source(%dma_start3A_376 : memref<32x512xf32, #tpu.memory_space<vmem_shared>>) target(%dma_start3A_374 : memref<32x512xf32, #tpu.memory_space<hbm>>) target_semaphore(%arg22 : memref<!tpu.dma_semaphore, #tpu.memory_space<semaphore_mem>>)
    %dma_wait3A_377 = arith.constant 288 : i32
    %dma_wait3A_378 = arith.constant 0 : i32
    %dma_wait3A_379 = tpu.memref_slice %arg5[%add3A_310, %dma_wait3A_377, %dma_wait3A_378] : memref<96x512x512xf32, #tpu.memory_space<hbm>> -> memref<1x32x512xf32, #tpu.memory_space<hbm>>
    %dma_wait3A_380 = tpu.memref_squeeze %dma_wait3A_379 : memref<1x32x512xf32, #tpu.memory_space<hbm>> -> memref<32x512xf32, #tpu.memory_space<hbm>>
    %dma_wait3A_381 = arith.constant 0 : i32
    %dma_wait3A_382 = tpu.memref_slice %arg12[%mul3A_16, %dma_wait3A_381] : memref<1024x512xf32, #tpu.memory_space<vmem_shared>> -> memref<32x512xf32, #tpu.memory_space<vmem_shared>>
    tpu.wait_dma2 semaphore(%arg21 : memref<!tpu.dma_semaphore, #tpu.memory_space<semaphore_mem>>) src(%dma_wait3A_382 : memref<32x512xf32, #tpu.memory_space<vmem_shared>>) dst(%dma_wait3A_380 : memref<32x512xf32, #tpu.memory_space<hbm>>)
    %dma_start3A_383 = arith.constant 0 : i32
    %dma_start3A_384 = tpu.memref_slice %arg12[%mul3A_16, %dma_start3A_383] : memref<1024x512xf32, #tpu.memory_space<vmem_shared>> -> memref<32x512xf32, #tpu.memory_space<vmem_shared>>
    %dma_start3A_385 = arith.constant 416 : i32
    %dma_start3A_386 = arith.constant 0 : i32
    %dma_start3A_387 = tpu.memref_slice %arg2[%squeeze3A, %dma_start3A_385, %dma_start3A_386] : memref<128x512x512xf32, #tpu.memory_space<hbm>> -> memref<1x32x512xf32, #tpu.memory_space<hbm>>
    %dma_start3A_388 = tpu.memref_squeeze %dma_start3A_387 : memref<1x32x512xf32, #tpu.memory_space<hbm>> -> memref<32x512xf32, #tpu.memory_space<hbm>>
    tpu.enqueue_dma source(%dma_start3A_388 : memref<32x512xf32, #tpu.memory_space<hbm>>) target(%dma_start3A_384 : memref<32x512xf32, #tpu.memory_space<vmem_shared>>) target_semaphore(%arg19 : memref<!tpu.dma_semaphore, #tpu.memory_space<semaphore_mem>>)
    %dma_wait3A_389 = arith.constant 384 : i32
    %dma_wait3A_390 = arith.constant 0 : i32
    %dma_wait3A_391 = tpu.memref_slice %arg2[%squeeze3A, %dma_wait3A_389, %dma_wait3A_390] : memref<128x512x512xf32, #tpu.memory_space<hbm>> -> memref<1x32x512xf32, #tpu.memory_space<hbm>>
    %dma_wait3A_392 = tpu.memref_squeeze %dma_wait3A_391 : memref<1x32x512xf32, #tpu.memory_space<hbm>> -> memref<32x512xf32, #tpu.memory_space<hbm>>
    %dma_wait3A_393 = arith.constant 384 : i32
    %dma_wait3A_394 = arith.constant 0 : i32
    %dma_wait3A_395 = tpu.memref_slice %arg2[%squeeze3A, %dma_wait3A_393, %dma_wait3A_394] : memref<128x512x512xf32, #tpu.memory_space<hbm>> -> memref<1x32x512xf32, #tpu.memory_space<hbm>>
    %dma_wait3A_396 = tpu.memref_squeeze %dma_wait3A_395 : memref<1x32x512xf32, #tpu.memory_space<hbm>> -> memref<32x512xf32, #tpu.memory_space<hbm>>
    tpu.wait_dma2 semaphore(%arg13 : memref<!tpu.dma_semaphore, #tpu.memory_space<semaphore_mem>>) src(%dma_wait3A_396 : memref<32x512xf32, #tpu.memory_space<hbm>>) dst(%arg9 : memref<32x512xf32, #tpu.memory_space<vmem>>)
    %add3A_397 = arith.constant 0 : i32
    %add3A_398 = arith.addi %mul3A_10, %add3A_397 : i32
    %dma_start3A_399 = arith.constant 384 : i32
    %dma_start3A_400 = arith.constant 0 : i32
    %dma_start3A_401 = tpu.memref_slice %arg5[%add3A_398, %dma_start3A_399, %dma_start3A_400] : memref<96x512x512xf32, #tpu.memory_space<hbm>> -> memref<1x32x512xf32, #tpu.memory_space<hbm>>
    %dma_start3A_402 = tpu.memref_squeeze %dma_start3A_401 : memref<1x32x512xf32, #tpu.memory_space<hbm>> -> memref<32x512xf32, #tpu.memory_space<hbm>>
    %dma_start3A_403 = arith.constant 384 : i32
    %dma_start3A_404 = arith.constant 0 : i32
    %dma_start3A_405 = tpu.memref_slice %arg5[%add3A_398, %dma_start3A_403, %dma_start3A_404] : memref<96x512x512xf32, #tpu.memory_space<hbm>> -> memref<1x32x512xf32, #tpu.memory_space<hbm>>
    %dma_start3A_406 = tpu.memref_squeeze %dma_start3A_405 : memref<1x32x512xf32, #tpu.memory_space<hbm>> -> memref<32x512xf32, #tpu.memory_space<hbm>>
    tpu.enqueue_dma source(%arg9 : memref<32x512xf32, #tpu.memory_space<vmem>>) target(%dma_start3A_406 : memref<32x512xf32, #tpu.memory_space<hbm>>) target_semaphore(%arg16 : memref<!tpu.dma_semaphore, #tpu.memory_space<semaphore_mem>>)
    %dma_wait3A_407 = arith.constant 320 : i32
    %dma_wait3A_408 = arith.constant 0 : i32
    %dma_wait3A_409 = tpu.memref_slice %arg5[%add3A_338, %dma_wait3A_407, %dma_wait3A_408] : memref<96x512x512xf32, #tpu.memory_space<hbm>> -> memref<1x32x512xf32, #tpu.memory_space<hbm>>
    %dma_wait3A_410 = tpu.memref_squeeze %dma_wait3A_409 : memref<1x32x512xf32, #tpu.memory_space<hbm>> -> memref<32x512xf32, #tpu.memory_space<hbm>>
    %dma_wait3A_411 = arith.constant 320 : i32
    %dma_wait3A_412 = arith.constant 0 : i32
    %dma_wait3A_413 = tpu.memref_slice %arg5[%add3A_338, %dma_wait3A_411, %dma_wait3A_412] : memref<96x512x512xf32, #tpu.memory_space<hbm>> -> memref<1x32x512xf32, #tpu.memory_space<hbm>>
    %dma_wait3A_414 = tpu.memref_squeeze %dma_wait3A_413 : memref<1x32x512xf32, #tpu.memory_space<hbm>> -> memref<32x512xf32, #tpu.memory_space<hbm>>
    tpu.wait_dma2 semaphore(%arg18 : memref<!tpu.dma_semaphore, #tpu.memory_space<semaphore_mem>>) src(%arg11 : memref<32x512xf32, #tpu.memory_space<vmem>>) dst(%dma_wait3A_414 : memref<32x512xf32, #tpu.memory_space<hbm>>)
    %dma_start3A_415 = arith.constant 0 : i32
    %dma_start3A_416 = arith.constant 0 : i32
    %dma_start3A_417 = tpu.memref_slice %arg2[%squeeze3A_6, %dma_start3A_415, %dma_start3A_416] : memref<128x512x512xf32, #tpu.memory_space<hbm>> -> memref<1x32x512xf32, #tpu.memory_space<hbm>>
    %dma_start3A_418 = tpu.memref_squeeze %dma_start3A_417 : memref<1x32x512xf32, #tpu.memory_space<hbm>> -> memref<32x512xf32, #tpu.memory_space<hbm>>
    %dma_start3A_419 = arith.constant 0 : i32
    %dma_start3A_420 = arith.constant 0 : i32
    %dma_start3A_421 = tpu.memref_slice %arg2[%squeeze3A_6, %dma_start3A_419, %dma_start3A_420] : memref<128x512x512xf32, #tpu.memory_space<hbm>> -> memref<1x32x512xf32, #tpu.memory_space<hbm>>
    %dma_start3A_422 = tpu.memref_squeeze %dma_start3A_421 : memref<1x32x512xf32, #tpu.memory_space<hbm>> -> memref<32x512xf32, #tpu.memory_space<hbm>>
    tpu.enqueue_dma source(%dma_start3A_422 : memref<32x512xf32, #tpu.memory_space<hbm>>) target(%arg11 : memref<32x512xf32, #tpu.memory_space<vmem>>) target_semaphore(%arg15 : memref<!tpu.dma_semaphore, #tpu.memory_space<semaphore_mem>>)
    %dma_wait3A_423 = arith.constant 0 : i32
    %dma_wait3A_424 = tpu.memref_slice %arg12[%mul3A_16, %dma_wait3A_423] : memref<1024x512xf32, #tpu.memory_space<vmem_shared>> -> memref<32x512xf32, #tpu.memory_space<vmem_shared>>
    %dma_wait3A_425 = arith.constant 416 : i32
    %dma_wait3A_426 = arith.constant 0 : i32
    %dma_wait3A_427 = tpu.memref_slice %arg2[%squeeze3A, %dma_wait3A_425, %dma_wait3A_426] : memref<128x512x512xf32, #tpu.memory_space<hbm>> -> memref<1x32x512xf32, #tpu.memory_space<hbm>>
    %dma_wait3A_428 = tpu.memref_squeeze %dma_wait3A_427 : memref<1x32x512xf32, #tpu.memory_space<hbm>> -> memref<32x512xf32, #tpu.memory_space<hbm>>
    tpu.wait_dma2 semaphore(%arg19 : memref<!tpu.dma_semaphore, #tpu.memory_space<semaphore_mem>>) src(%dma_wait3A_428 : memref<32x512xf32, #tpu.memory_space<hbm>>) dst(%dma_wait3A_424 : memref<32x512xf32, #tpu.memory_space<vmem_shared>>)
    %add3A_429 = arith.constant 0 : i32
    %add3A_430 = arith.addi %mul3A_10, %add3A_429 : i32
    %dma_start3A_431 = arith.constant 416 : i32
    %dma_start3A_432 = arith.constant 0 : i32
    %dma_start3A_433 = tpu.memref_slice %arg5[%add3A_430, %dma_start3A_431, %dma_start3A_432] : memref<96x512x512xf32, #tpu.memory_space<hbm>> -> memref<1x32x512xf32, #tpu.memory_space<hbm>>
    %dma_start3A_434 = tpu.memref_squeeze %dma_start3A_433 : memref<1x32x512xf32, #tpu.memory_space<hbm>> -> memref<32x512xf32, #tpu.memory_space<hbm>>
    %dma_start3A_435 = arith.constant 0 : i32
    %dma_start3A_436 = tpu.memref_slice %arg12[%mul3A_16, %dma_start3A_435] : memref<1024x512xf32, #tpu.memory_space<vmem_shared>> -> memref<32x512xf32, #tpu.memory_space<vmem_shared>>
    tpu.enqueue_dma source(%dma_start3A_436 : memref<32x512xf32, #tpu.memory_space<vmem_shared>>) target(%dma_start3A_434 : memref<32x512xf32, #tpu.memory_space<hbm>>) target_semaphore(%arg21 : memref<!tpu.dma_semaphore, #tpu.memory_space<semaphore_mem>>)
    %dma_wait3A_437 = arith.constant 352 : i32
    %dma_wait3A_438 = arith.constant 0 : i32
    %dma_wait3A_439 = tpu.memref_slice %arg5[%add3A_370, %dma_wait3A_437, %dma_wait3A_438] : memref<96x512x512xf32, #tpu.memory_space<hbm>> -> memref<1x32x512xf32, #tpu.memory_space<hbm>>
    %dma_wait3A_440 = tpu.memref_squeeze %dma_wait3A_439 : memref<1x32x512xf32, #tpu.memory_space<hbm>> -> memref<32x512xf32, #tpu.memory_space<hbm>>
    %dma_wait3A_441 = arith.constant 0 : i32
    %dma_wait3A_442 = tpu.memref_slice %arg12[%mul3A_22, %dma_wait3A_441] : memref<1024x512xf32, #tpu.memory_space<vmem_shared>> -> memref<32x512xf32, #tpu.memory_space<vmem_shared>>
    tpu.wait_dma2 semaphore(%arg22 : memref<!tpu.dma_semaphore, #tpu.memory_space<semaphore_mem>>) src(%dma_wait3A_442 : memref<32x512xf32, #tpu.memory_space<vmem_shared>>) dst(%dma_wait3A_440 : memref<32x512xf32, #tpu.memory_space<hbm>>)
    %dma_start3A_443 = arith.constant 0 : i32
    %dma_start3A_444 = tpu.memref_slice %arg12[%mul3A_22, %dma_start3A_443] : memref<1024x512xf32, #tpu.memory_space<vmem_shared>> -> memref<32x512xf32, #tpu.memory_space<vmem_shared>>
    %dma_start3A_445 = arith.constant 480 : i32
    %dma_start3A_446 = arith.constant 0 : i32
    %dma_start3A_447 = tpu.memref_slice %arg2[%squeeze3A, %dma_start3A_445, %dma_start3A_446] : memref<128x512x512xf32, #tpu.memory_space<hbm>> -> memref<1x32x512xf32, #tpu.memory_space<hbm>>
    %dma_start3A_448 = tpu.memref_squeeze %dma_start3A_447 : memref<1x32x512xf32, #tpu.memory_space<hbm>> -> memref<32x512xf32, #tpu.memory_space<hbm>>
    tpu.enqueue_dma source(%dma_start3A_448 : memref<32x512xf32, #tpu.memory_space<hbm>>) target(%dma_start3A_444 : memref<32x512xf32, #tpu.memory_space<vmem_shared>>) target_semaphore(%arg20 : memref<!tpu.dma_semaphore, #tpu.memory_space<semaphore_mem>>)
    %dma_wait3A_449 = arith.constant 448 : i32
    %dma_wait3A_450 = arith.constant 0 : i32
    %dma_wait3A_451 = tpu.memref_slice %arg2[%squeeze3A, %dma_wait3A_449, %dma_wait3A_450] : memref<128x512x512xf32, #tpu.memory_space<hbm>> -> memref<1x32x512xf32, #tpu.memory_space<hbm>>
    %dma_wait3A_452 = tpu.memref_squeeze %dma_wait3A_451 : memref<1x32x512xf32, #tpu.memory_space<hbm>> -> memref<32x512xf32, #tpu.memory_space<hbm>>
    %dma_wait3A_453 = arith.constant 448 : i32
    %dma_wait3A_454 = arith.constant 0 : i32
    %dma_wait3A_455 = tpu.memref_slice %arg2[%squeeze3A, %dma_wait3A_453, %dma_wait3A_454] : memref<128x512x512xf32, #tpu.memory_space<hbm>> -> memref<1x32x512xf32, #tpu.memory_space<hbm>>
    %dma_wait3A_456 = tpu.memref_squeeze %dma_wait3A_455 : memref<1x32x512xf32, #tpu.memory_space<hbm>> -> memref<32x512xf32, #tpu.memory_space<hbm>>
    tpu.wait_dma2 semaphore(%arg14 : memref<!tpu.dma_semaphore, #tpu.memory_space<semaphore_mem>>) src(%dma_wait3A_456 : memref<32x512xf32, #tpu.memory_space<hbm>>) dst(%arg10 : memref<32x512xf32, #tpu.memory_space<vmem>>)
    %add3A_457 = arith.constant 0 : i32
    %add3A_458 = arith.addi %mul3A_10, %add3A_457 : i32
    %dma_start3A_459 = arith.constant 448 : i32
    %dma_start3A_460 = arith.constant 0 : i32
    %dma_start3A_461 = tpu.memref_slice %arg5[%add3A_458, %dma_start3A_459, %dma_start3A_460] : memref<96x512x512xf32, #tpu.memory_space<hbm>> -> memref<1x32x512xf32, #tpu.memory_space<hbm>>
    %dma_start3A_462 = tpu.memref_squeeze %dma_start3A_461 : memref<1x32x512xf32, #tpu.memory_space<hbm>> -> memref<32x512xf32, #tpu.memory_space<hbm>>
    %dma_start3A_463 = arith.constant 448 : i32
    %dma_start3A_464 = arith.constant 0 : i32
    %dma_start3A_465 = tpu.memref_slice %arg5[%add3A_458, %dma_start3A_463, %dma_start3A_464] : memref<96x512x512xf32, #tpu.memory_space<hbm>> -> memref<1x32x512xf32, #tpu.memory_space<hbm>>
    %dma_start3A_466 = tpu.memref_squeeze %dma_start3A_465 : memref<1x32x512xf32, #tpu.memory_space<hbm>> -> memref<32x512xf32, #tpu.memory_space<hbm>>
    tpu.enqueue_dma source(%arg10 : memref<32x512xf32, #tpu.memory_space<vmem>>) target(%dma_start3A_466 : memref<32x512xf32, #tpu.memory_space<hbm>>) target_semaphore(%arg17 : memref<!tpu.dma_semaphore, #tpu.memory_space<semaphore_mem>>)
    %dma_wait3A_467 = arith.constant 384 : i32
    %dma_wait3A_468 = arith.constant 0 : i32
    %dma_wait3A_469 = tpu.memref_slice %arg5[%add3A_398, %dma_wait3A_467, %dma_wait3A_468] : memref<96x512x512xf32, #tpu.memory_space<hbm>> -> memref<1x32x512xf32, #tpu.memory_space<hbm>>
    %dma_wait3A_470 = tpu.memref_squeeze %dma_wait3A_469 : memref<1x32x512xf32, #tpu.memory_space<hbm>> -> memref<32x512xf32, #tpu.memory_space<hbm>>
    %dma_wait3A_471 = arith.constant 384 : i32
    %dma_wait3A_472 = arith.constant 0 : i32
    %dma_wait3A_473 = tpu.memref_slice %arg5[%add3A_398, %dma_wait3A_471, %dma_wait3A_472] : memref<96x512x512xf32, #tpu.memory_space<hbm>> -> memref<1x32x512xf32, #tpu.memory_space<hbm>>
    %dma_wait3A_474 = tpu.memref_squeeze %dma_wait3A_473 : memref<1x32x512xf32, #tpu.memory_space<hbm>> -> memref<32x512xf32, #tpu.memory_space<hbm>>
    tpu.wait_dma2 semaphore(%arg16 : memref<!tpu.dma_semaphore, #tpu.memory_space<semaphore_mem>>) src(%arg9 : memref<32x512xf32, #tpu.memory_space<vmem>>) dst(%dma_wait3A_474 : memref<32x512xf32, #tpu.memory_space<hbm>>)
    %dma_start3A_475 = arith.constant 64 : i32
    %dma_start3A_476 = arith.constant 0 : i32
    %dma_start3A_477 = tpu.memref_slice %arg2[%squeeze3A_6, %dma_start3A_475, %dma_start3A_476] : memref<128x512x512xf32, #tpu.memory_space<hbm>> -> memref<1x32x512xf32, #tpu.memory_space<hbm>>
    %dma_start3A_478 = tpu.memref_squeeze %dma_start3A_477 : memref<1x32x512xf32, #tpu.memory_space<hbm>> -> memref<32x512xf32, #tpu.memory_space<hbm>>
    %dma_start3A_479 = arith.constant 64 : i32
    %dma_start3A_480 = arith.constant 0 : i32
    %dma_start3A_481 = tpu.memref_slice %arg2[%squeeze3A_6, %dma_start3A_479, %dma_start3A_480] : memref<128x512x512xf32, #tpu.memory_space<hbm>> -> memref<1x32x512xf32, #tpu.memory_space<hbm>>
    %dma_start3A_482 = tpu.memref_squeeze %dma_start3A_481 : memref<1x32x512xf32, #tpu.memory_space<hbm>> -> memref<32x512xf32, #tpu.memory_space<hbm>>
    tpu.enqueue_dma source(%dma_start3A_482 : memref<32x512xf32, #tpu.memory_space<hbm>>) target(%arg9 : memref<32x512xf32, #tpu.memory_space<vmem>>) target_semaphore(%arg13 : memref<!tpu.dma_semaphore, #tpu.memory_space<semaphore_mem>>)
    %dma_wait3A_483 = arith.constant 0 : i32
    %dma_wait3A_484 = tpu.memref_slice %arg12[%mul3A_22, %dma_wait3A_483] : memref<1024x512xf32, #tpu.memory_space<vmem_shared>> -> memref<32x512xf32, #tpu.memory_space<vmem_shared>>
    %dma_wait3A_485 = arith.constant 480 : i32
    %dma_wait3A_486 = arith.constant 0 : i32
    %dma_wait3A_487 = tpu.memref_slice %arg2[%squeeze3A, %dma_wait3A_485, %dma_wait3A_486] : memref<128x512x512xf32, #tpu.memory_space<hbm>> -> memref<1x32x512xf32, #tpu.memory_space<hbm>>
    %dma_wait3A_488 = tpu.memref_squeeze %dma_wait3A_487 : memref<1x32x512xf32, #tpu.memory_space<hbm>> -> memref<32x512xf32, #tpu.memory_space<hbm>>
    tpu.wait_dma2 semaphore(%arg20 : memref<!tpu.dma_semaphore, #tpu.memory_space<semaphore_mem>>) src(%dma_wait3A_488 : memref<32x512xf32, #tpu.memory_space<hbm>>) dst(%dma_wait3A_484 : memref<32x512xf32, #tpu.memory_space<vmem_shared>>)
    %add3A_489 = arith.constant 0 : i32
    %add3A_490 = arith.addi %mul3A_10, %add3A_489 : i32
    %dma_start3A_491 = arith.constant 480 : i32
    %dma_start3A_492 = arith.constant 0 : i32
    %dma_start3A_493 = tpu.memref_slice %arg5[%add3A_490, %dma_start3A_491, %dma_start3A_492] : memref<96x512x512xf32, #tpu.memory_space<hbm>> -> memref<1x32x512xf32, #tpu.memory_space<hbm>>
    %dma_start3A_494 = tpu.memref_squeeze %dma_start3A_493 : memref<1x32x512xf32, #tpu.memory_space<hbm>> -> memref<32x512xf32, #tpu.memory_space<hbm>>
    %dma_start3A_495 = arith.constant 0 : i32
    %dma_start3A_496 = tpu.memref_slice %arg12[%mul3A_22, %dma_start3A_495] : memref<1024x512xf32, #tpu.memory_space<vmem_shared>> -> memref<32x512xf32, #tpu.memory_space<vmem_shared>>
    tpu.enqueue_dma source(%dma_start3A_496 : memref<32x512xf32, #tpu.memory_space<vmem_shared>>) target(%dma_start3A_494 : memref<32x512xf32, #tpu.memory_space<hbm>>) target_semaphore(%arg22 : memref<!tpu.dma_semaphore, #tpu.memory_space<semaphore_mem>>)
    %dma_wait3A_497 = arith.constant 416 : i32
    %dma_wait3A_498 = arith.constant 0 : i32
    %dma_wait3A_499 = tpu.memref_slice %arg5[%add3A_430, %dma_wait3A_497, %dma_wait3A_498] : memref<96x512x512xf32, #tpu.memory_space<hbm>> -> memref<1x32x512xf32, #tpu.memory_space<hbm>>
    %dma_wait3A_500 = tpu.memref_squeeze %dma_wait3A_499 : memref<1x32x512xf32, #tpu.memory_space<hbm>> -> memref<32x512xf32, #tpu.memory_space<hbm>>
    %dma_wait3A_501 = arith.constant 0 : i32
    %dma_wait3A_502 = tpu.memref_slice %arg12[%mul3A_16, %dma_wait3A_501] : memref<1024x512xf32, #tpu.memory_space<vmem_shared>> -> memref<32x512xf32, #tpu.memory_space<vmem_shared>>
    tpu.wait_dma2 semaphore(%arg21 : memref<!tpu.dma_semaphore, #tpu.memory_space<semaphore_mem>>) src(%dma_wait3A_502 : memref<32x512xf32, #tpu.memory_space<vmem_shared>>) dst(%dma_wait3A_500 : memref<32x512xf32, #tpu.memory_space<hbm>>)
    %dma_start3A_503 = arith.constant 0 : i32
    %dma_start3A_504 = tpu.memref_slice %arg12[%mul3A_16, %dma_start3A_503] : memref<1024x512xf32, #tpu.memory_space<vmem_shared>> -> memref<32x512xf32, #tpu.memory_space<vmem_shared>>
    %dma_start3A_505 = arith.constant 32 : i32
    %dma_start3A_506 = arith.constant 0 : i32
    %dma_start3A_507 = tpu.memref_slice %arg2[%squeeze3A_6, %dma_start3A_505, %dma_start3A_506] : memref<128x512x512xf32, #tpu.memory_space<hbm>> -> memref<1x32x512xf32, #tpu.memory_space<hbm>>
    %dma_start3A_508 = tpu.memref_squeeze %dma_start3A_507 : memref<1x32x512xf32, #tpu.memory_space<hbm>> -> memref<32x512xf32, #tpu.memory_space<hbm>>
    tpu.enqueue_dma source(%dma_start3A_508 : memref<32x512xf32, #tpu.memory_space<hbm>>) target(%dma_start3A_504 : memref<32x512xf32, #tpu.memory_space<vmem_shared>>) target_semaphore(%arg19 : memref<!tpu.dma_semaphore, #tpu.memory_space<semaphore_mem>>)
    %dma_wait3A_509 = arith.constant 0 : i32
    %dma_wait3A_510 = arith.constant 0 : i32
    %dma_wait3A_511 = tpu.memref_slice %arg2[%squeeze3A_6, %dma_wait3A_509, %dma_wait3A_510] : memref<128x512x512xf32, #tpu.memory_space<hbm>> -> memref<1x32x512xf32, #tpu.memory_space<hbm>>
    %dma_wait3A_512 = tpu.memref_squeeze %dma_wait3A_511 : memref<1x32x512xf32, #tpu.memory_space<hbm>> -> memref<32x512xf32, #tpu.memory_space<hbm>>
    %dma_wait3A_513 = arith.constant 0 : i32
    %dma_wait3A_514 = arith.constant 0 : i32
    %dma_wait3A_515 = tpu.memref_slice %arg2[%squeeze3A_6, %dma_wait3A_513, %dma_wait3A_514] : memref<128x512x512xf32, #tpu.memory_space<hbm>> -> memref<1x32x512xf32, #tpu.memory_space<hbm>>
    %dma_wait3A_516 = tpu.memref_squeeze %dma_wait3A_515 : memref<1x32x512xf32, #tpu.memory_space<hbm>> -> memref<32x512xf32, #tpu.memory_space<hbm>>
    tpu.wait_dma2 semaphore(%arg15 : memref<!tpu.dma_semaphore, #tpu.memory_space<semaphore_mem>>) src(%dma_wait3A_516 : memref<32x512xf32, #tpu.memory_space<hbm>>) dst(%arg11 : memref<32x512xf32, #tpu.memory_space<vmem>>)
    %add3A_517 = arith.constant 1 : i32
    %add3A_518 = arith.addi %mul3A_10, %add3A_517 : i32
    %dma_start3A_519 = arith.constant 0 : i32
    %dma_start3A_520 = arith.constant 0 : i32
    %dma_start3A_521 = tpu.memref_slice %arg5[%add3A_518, %dma_start3A_519, %dma_start3A_520] : memref<96x512x512xf32, #tpu.memory_space<hbm>> -> memref<1x32x512xf32, #tpu.memory_space<hbm>>
    %dma_start3A_522 = tpu.memref_squeeze %dma_start3A_521 : memref<1x32x512xf32, #tpu.memory_space<hbm>> -> memref<32x512xf32, #tpu.memory_space<hbm>>
    %dma_start3A_523 = arith.constant 0 : i32
    %dma_start3A_524 = arith.constant 0 : i32
    %dma_start3A_525 = tpu.memref_slice %arg5[%add3A_518, %dma_start3A_523, %dma_start3A_524] : memref<96x512x512xf32, #tpu.memory_space<hbm>> -> memref<1x32x512xf32, #tpu.memory_space<hbm>>
    %dma_start3A_526 = tpu.memref_squeeze %dma_start3A_525 : memref<1x32x512xf32, #tpu.memory_space<hbm>> -> memref<32x512xf32, #tpu.memory_space<hbm>>
    tpu.enqueue_dma source(%arg11 : memref<32x512xf32, #tpu.memory_space<vmem>>) target(%dma_start3A_526 : memref<32x512xf32, #tpu.memory_space<hbm>>) target_semaphore(%arg18 : memref<!tpu.dma_semaphore, #tpu.memory_space<semaphore_mem>>)
    %dma_wait3A_527 = arith.constant 448 : i32
    %dma_wait3A_528 = arith.constant 0 : i32
    %dma_wait3A_529 = tpu.memref_slice %arg5[%add3A_458, %dma_wait3A_527, %dma_wait3A_528] : memref<96x512x512xf32, #tpu.memory_space<hbm>> -> memref<1x32x512xf32, #tpu.memory_space<hbm>>
    %dma_wait3A_530 = tpu.memref_squeeze %dma_wait3A_529 : memref<1x32x512xf32, #tpu.memory_space<hbm>> -> memref<32x512xf32, #tpu.memory_space<hbm>>
    %dma_wait3A_531 = arith.constant 448 : i32
    %dma_wait3A_532 = arith.constant 0 : i32
    %dma_wait3A_533 = tpu.memref_slice %arg5[%add3A_458, %dma_wait3A_531, %dma_wait3A_532] : memref<96x512x512xf32, #tpu.memory_space<hbm>> -> memref<1x32x512xf32, #tpu.memory_space<hbm>>
    %dma_wait3A_534 = tpu.memref_squeeze %dma_wait3A_533 : memref<1x32x512xf32, #tpu.memory_space<hbm>> -> memref<32x512xf32, #tpu.memory_space<hbm>>
    tpu.wait_dma2 semaphore(%arg17 : memref<!tpu.dma_semaphore, #tpu.memory_space<semaphore_mem>>) src(%arg10 : memref<32x512xf32, #tpu.memory_space<vmem>>) dst(%dma_wait3A_534 : memref<32x512xf32, #tpu.memory_space<hbm>>)
    %dma_start3A_535 = arith.constant 128 : i32
    %dma_start3A_536 = arith.constant 0 : i32
    %dma_start3A_537 = tpu.memref_slice %arg2[%squeeze3A_6, %dma_start3A_535, %dma_start3A_536] : memref<128x512x512xf32, #tpu.memory_space<hbm>> -> memref<1x32x512xf32, #tpu.memory_space<hbm>>
    %dma_start3A_538 = tpu.memref_squeeze %dma_start3A_537 : memref<1x32x512xf32, #tpu.memory_space<hbm>> -> memref<32x512xf32, #tpu.memory_space<hbm>>
    %dma_start3A_539 = arith.constant 128 : i32
    %dma_start3A_540 = arith.constant 0 : i32
    %dma_start3A_541 = tpu.memref_slice %arg2[%squeeze3A_6, %dma_start3A_539, %dma_start3A_540] : memref<128x512x512xf32, #tpu.memory_space<hbm>> -> memref<1x32x512xf32, #tpu.memory_space<hbm>>
    %dma_start3A_542 = tpu.memref_squeeze %dma_start3A_541 : memref<1x32x512xf32, #tpu.memory_space<hbm>> -> memref<32x512xf32, #tpu.memory_space<hbm>>
    tpu.enqueue_dma source(%dma_start3A_542 : memref<32x512xf32, #tpu.memory_space<hbm>>) target(%arg10 : memref<32x512xf32, #tpu.memory_space<vmem>>) target_semaphore(%arg14 : memref<!tpu.dma_semaphore, #tpu.memory_space<semaphore_mem>>)
    %dma_wait3A_543 = arith.constant 0 : i32
    %dma_wait3A_544 = tpu.memref_slice %arg12[%mul3A_16, %dma_wait3A_543] : memref<1024x512xf32, #tpu.memory_space<vmem_shared>> -> memref<32x512xf32, #tpu.memory_space<vmem_shared>>
    %dma_wait3A_545 = arith.constant 32 : i32
    %dma_wait3A_546 = arith.constant 0 : i32
    %dma_wait3A_547 = tpu.memref_slice %arg2[%squeeze3A_6, %dma_wait3A_545, %dma_wait3A_546] : memref<128x512x512xf32, #tpu.memory_space<hbm>> -> memref<1x32x512xf32, #tpu.memory_space<hbm>>
    %dma_wait3A_548 = tpu.memref_squeeze %dma_wait3A_547 : memref<1x32x512xf32, #tpu.memory_space<hbm>> -> memref<32x512xf32, #tpu.memory_space<hbm>>
    tpu.wait_dma2 semaphore(%arg19 : memref<!tpu.dma_semaphore, #tpu.memory_space<semaphore_mem>>) src(%dma_wait3A_548 : memref<32x512xf32, #tpu.memory_space<hbm>>) dst(%dma_wait3A_544 : memref<32x512xf32, #tpu.memory_space<vmem_shared>>)
    %add3A_549 = arith.constant 1 : i32
    %add3A_550 = arith.addi %mul3A_10, %add3A_549 : i32
    %dma_start3A_551 = arith.constant 32 : i32
    %dma_start3A_552 = arith.constant 0 : i32
    %dma_start3A_553 = tpu.memref_slice %arg5[%add3A_550, %dma_start3A_551, %dma_start3A_552] : memref<96x512x512xf32, #tpu.memory_space<hbm>> -> memref<1x32x512xf32, #tpu.memory_space<hbm>>
    %dma_start3A_554 = tpu.memref_squeeze %dma_start3A_553 : memref<1x32x512xf32, #tpu.memory_space<hbm>> -> memref<32x512xf32, #tpu.memory_space<hbm>>
    %dma_start3A_555 = arith.constant 0 : i32
    %dma_start3A_556 = tpu.memref_slice %arg12[%mul3A_16, %dma_start3A_555] : memref<1024x512xf32, #tpu.memory_space<vmem_shared>> -> memref<32x512xf32, #tpu.memory_space<vmem_shared>>
    tpu.enqueue_dma source(%dma_start3A_556 : memref<32x512xf32, #tpu.memory_space<vmem_shared>>) target(%dma_start3A_554 : memref<32x512xf32, #tpu.memory_space<hbm>>) target_semaphore(%arg21 : memref<!tpu.dma_semaphore, #tpu.memory_space<semaphore_mem>>)
    %dma_wait3A_557 = arith.constant 480 : i32
    %dma_wait3A_558 = arith.constant 0 : i32
    %dma_wait3A_559 = tpu.memref_slice %arg5[%add3A_490, %dma_wait3A_557, %dma_wait3A_558] : memref<96x512x512xf32, #tpu.memory_space<hbm>> -> memref<1x32x512xf32, #tpu.memory_space<hbm>>
    %dma_wait3A_560 = tpu.memref_squeeze %dma_wait3A_559 : memref<1x32x512xf32, #tpu.memory_space<hbm>> -> memref<32x512xf32, #tpu.memory_space<hbm>>
    %dma_wait3A_561 = arith.constant 0 : i32
    %dma_wait3A_562 = tpu.memref_slice %arg12[%mul3A_22, %dma_wait3A_561] : memref<1024x512xf32, #tpu.memory_space<vmem_shared>> -> memref<32x512xf32, #tpu.memory_space<vmem_shared>>
    tpu.wait_dma2 semaphore(%arg22 : memref<!tpu.dma_semaphore, #tpu.memory_space<semaphore_mem>>) src(%dma_wait3A_562 : memref<32x512xf32, #tpu.memory_space<vmem_shared>>) dst(%dma_wait3A_560 : memref<32x512xf32, #tpu.memory_space<hbm>>)
    %dma_start3A_563 = arith.constant 0 : i32
    %dma_start3A_564 = tpu.memref_slice %arg12[%mul3A_22, %dma_start3A_563] : memref<1024x512xf32, #tpu.memory_space<vmem_shared>> -> memref<32x512xf32, #tpu.memory_space<vmem_shared>>
    %dma_start3A_565 = arith.constant 96 : i32
    %dma_start3A_566 = arith.constant 0 : i32
    %dma_start3A_567 = tpu.memref_slice %arg2[%squeeze3A_6, %dma_start3A_565, %dma_start3A_566] : memref<128x512x512xf32, #tpu.memory_space<hbm>> -> memref<1x32x512xf32, #tpu.memory_space<hbm>>
    %dma_start3A_568 = tpu.memref_squeeze %dma_start3A_567 : memref<1x32x512xf32, #tpu.memory_space<hbm>> -> memref<32x512xf32, #tpu.memory_space<hbm>>
    tpu.enqueue_dma source(%dma_start3A_568 : memref<32x512xf32, #tpu.memory_space<hbm>>) target(%dma_start3A_564 : memref<32x512xf32, #tpu.memory_space<vmem_shared>>) target_semaphore(%arg20 : memref<!tpu.dma_semaphore, #tpu.memory_space<semaphore_mem>>)
    %dma_wait3A_569 = arith.constant 64 : i32
    %dma_wait3A_570 = arith.constant 0 : i32
    %dma_wait3A_571 = tpu.memref_slice %arg2[%squeeze3A_6, %dma_wait3A_569, %dma_wait3A_570] : memref<128x512x512xf32, #tpu.memory_space<hbm>> -> memref<1x32x512xf32, #tpu.memory_space<hbm>>
    %dma_wait3A_572 = tpu.memref_squeeze %dma_wait3A_571 : memref<1x32x512xf32, #tpu.memory_space<hbm>> -> memref<32x512xf32, #tpu.memory_space<hbm>>
    %dma_wait3A_573 = arith.constant 64 : i32
    %dma_wait3A_574 = arith.constant 0 : i32
    %dma_wait3A_575 = tpu.memref_slice %arg2[%squeeze3A_6, %dma_wait3A_573, %dma_wait3A_574] : memref<128x512x512xf32, #tpu.memory_space<hbm>> -> memref<1x32x512xf32, #tpu.memory_space<hbm>>
    %dma_wait3A_576 = tpu.memref_squeeze %dma_wait3A_575 : memref<1x32x512xf32, #tpu.memory_space<hbm>> -> memref<32x512xf32, #tpu.memory_space<hbm>>
    tpu.wait_dma2 semaphore(%arg13 : memref<!tpu.dma_semaphore, #tpu.memory_space<semaphore_mem>>) src(%dma_wait3A_576 : memref<32x512xf32, #tpu.memory_space<hbm>>) dst(%arg9 : memref<32x512xf32, #tpu.memory_space<vmem>>)
    %add3A_577 = arith.constant 1 : i32
    %add3A_578 = arith.addi %mul3A_10, %add3A_577 : i32
    %dma_start3A_579 = arith.constant 64 : i32
    %dma_start3A_580 = arith.constant 0 : i32
    %dma_start3A_581 = tpu.memref_slice %arg5[%add3A_578, %dma_start3A_579, %dma_start3A_580] : memref<96x512x512xf32, #tpu.memory_space<hbm>> -> memref<1x32x512xf32, #tpu.memory_space<hbm>>
    %dma_start3A_582 = tpu.memref_squeeze %dma_start3A_581 : memref<1x32x512xf32, #tpu.memory_space<hbm>> -> memref<32x512xf32, #tpu.memory_space<hbm>>
    %dma_start3A_583 = arith.constant 64 : i32
    %dma_start3A_584 = arith.constant 0 : i32
    %dma_start3A_585 = tpu.memref_slice %arg5[%add3A_578, %dma_start3A_583, %dma_start3A_584] : memref<96x512x512xf32, #tpu.memory_space<hbm>> -> memref<1x32x512xf32, #tpu.memory_space<hbm>>
    %dma_start3A_586 = tpu.memref_squeeze %dma_start3A_585 : memref<1x32x512xf32, #tpu.memory_space<hbm>> -> memref<32x512xf32, #tpu.memory_space<hbm>>
    tpu.enqueue_dma source(%arg9 : memref<32x512xf32, #tpu.memory_space<vmem>>) target(%dma_start3A_586 : memref<32x512xf32, #tpu.memory_space<hbm>>) target_semaphore(%arg16 : memref<!tpu.dma_semaphore, #tpu.memory_space<semaphore_mem>>)
    %dma_wait3A_587 = arith.constant 0 : i32
    %dma_wait3A_588 = arith.constant 0 : i32
    %dma_wait3A_589 = tpu.memref_slice %arg5[%add3A_518, %dma_wait3A_587, %dma_wait3A_588] : memref<96x512x512xf32, #tpu.memory_space<hbm>> -> memref<1x32x512xf32, #tpu.memory_space<hbm>>
    %dma_wait3A_590 = tpu.memref_squeeze %dma_wait3A_589 : memref<1x32x512xf32, #tpu.memory_space<hbm>> -> memref<32x512xf32, #tpu.memory_space<hbm>>
    %dma_wait3A_591 = arith.constant 0 : i32
    %dma_wait3A_592 = arith.constant 0 : i32
    %dma_wait3A_593 = tpu.memref_slice %arg5[%add3A_518, %dma_wait3A_591, %dma_wait3A_592] : memref<96x512x512xf32, #tpu.memory_space<hbm>> -> memref<1x32x512xf32, #tpu.memory_space<hbm>>
    %dma_wait3A_594 = tpu.memref_squeeze %dma_wait3A_593 : memref<1x32x512xf32, #tpu.memory_space<hbm>> -> memref<32x512xf32, #tpu.memory_space<hbm>>
    tpu.wait_dma2 semaphore(%arg18 : memref<!tpu.dma_semaphore, #tpu.memory_space<semaphore_mem>>) src(%arg11 : memref<32x512xf32, #tpu.memory_space<vmem>>) dst(%dma_wait3A_594 : memref<32x512xf32, #tpu.memory_space<hbm>>)
    %dma_start3A_595 = arith.constant 192 : i32
    %dma_start3A_596 = arith.constant 0 : i32
    %dma_start3A_597 = tpu.memref_slice %arg2[%squeeze3A_6, %dma_start3A_595, %dma_start3A_596] : memref<128x512x512xf32, #tpu.memory_space<hbm>> -> memref<1x32x512xf32, #tpu.memory_space<hbm>>
    %dma_start3A_598 = tpu.memref_squeeze %dma_start3A_597 : memref<1x32x512xf32, #tpu.memory_space<hbm>> -> memref<32x512xf32, #tpu.memory_space<hbm>>
    %dma_start3A_599 = arith.constant 192 : i32
    %dma_start3A_600 = arith.constant 0 : i32
    %dma_start3A_601 = tpu.memref_slice %arg2[%squeeze3A_6, %dma_start3A_599, %dma_start3A_600] : memref<128x512x512xf32, #tpu.memory_space<hbm>> -> memref<1x32x512xf32, #tpu.memory_space<hbm>>
    %dma_start3A_602 = tpu.memref_squeeze %dma_start3A_601 : memref<1x32x512xf32, #tpu.memory_space<hbm>> -> memref<32x512xf32, #tpu.memory_space<hbm>>
    tpu.enqueue_dma source(%dma_start3A_602 : memref<32x512xf32, #tpu.memory_space<hbm>>) target(%arg11 : memref<32x512xf32, #tpu.memory_space<vmem>>) target_semaphore(%arg15 : memref<!tpu.dma_semaphore, #tpu.memory_space<semaphore_mem>>)
    %dma_wait3A_603 = arith.constant 0 : i32
    %dma_wait3A_604 = tpu.memref_slice %arg12[%mul3A_22, %dma_wait3A_603] : memref<1024x512xf32, #tpu.memory_space<vmem_shared>> -> memref<32x512xf32, #tpu.memory_space<vmem_shared>>
    %dma_wait3A_605 = arith.constant 96 : i32
    %dma_wait3A_606 = arith.constant 0 : i32
    %dma_wait3A_607 = tpu.memref_slice %arg2[%squeeze3A_6, %dma_wait3A_605, %dma_wait3A_606] : memref<128x512x512xf32, #tpu.memory_space<hbm>> -> memref<1x32x512xf32, #tpu.memory_space<hbm>>
    %dma_wait3A_608 = tpu.memref_squeeze %dma_wait3A_607 : memref<1x32x512xf32, #tpu.memory_space<hbm>> -> memref<32x512xf32, #tpu.memory_space<hbm>>
    tpu.wait_dma2 semaphore(%arg20 : memref<!tpu.dma_semaphore, #tpu.memory_space<semaphore_mem>>) src(%dma_wait3A_608 : memref<32x512xf32, #tpu.memory_space<hbm>>) dst(%dma_wait3A_604 : memref<32x512xf32, #tpu.memory_space<vmem_shared>>)
    %add3A_609 = arith.constant 1 : i32
    %add3A_610 = arith.addi %mul3A_10, %add3A_609 : i32
    %dma_start3A_611 = arith.constant 96 : i32
    %dma_start3A_612 = arith.constant 0 : i32
    %dma_start3A_613 = tpu.memref_slice %arg5[%add3A_610, %dma_start3A_611, %dma_start3A_612] : memref<96x512x512xf32, #tpu.memory_space<hbm>> -> memref<1x32x512xf32, #tpu.memory_space<hbm>>
    %dma_start3A_614 = tpu.memref_squeeze %dma_start3A_613 : memref<1x32x512xf32, #tpu.memory_space<hbm>> -> memref<32x512xf32, #tpu.memory_space<hbm>>
    %dma_start3A_615 = arith.constant 0 : i32
    %dma_start3A_616 = tpu.memref_slice %arg12[%mul3A_22, %dma_start3A_615] : memref<1024x512xf32, #tpu.memory_space<vmem_shared>> -> memref<32x512xf32, #tpu.memory_space<vmem_shared>>
    tpu.enqueue_dma source(%dma_start3A_616 : memref<32x512xf32, #tpu.memory_space<vmem_shared>>) target(%dma_start3A_614 : memref<32x512xf32, #tpu.memory_space<hbm>>) target_semaphore(%arg22 : memref<!tpu.dma_semaphore, #tpu.memory_space<semaphore_mem>>)
    %dma_wait3A_617 = arith.constant 32 : i32
    %dma_wait3A_618 = arith.constant 0 : i32
    %dma_wait3A_619 = tpu.memref_slice %arg5[%add3A_550, %dma_wait3A_617, %dma_wait3A_618] : memref<96x512x512xf32, #tpu.memory_space<hbm>> -> memref<1x32x512xf32, #tpu.memory_space<hbm>>
    %dma_wait3A_620 = tpu.memref_squeeze %dma_wait3A_619 : memref<1x32x512xf32, #tpu.memory_space<hbm>> -> memref<32x512xf32, #tpu.memory_space<hbm>>
    %dma_wait3A_621 = arith.constant 0 : i32
    %dma_wait3A_622 = tpu.memref_slice %arg12[%mul3A_16, %dma_wait3A_621] : memref<1024x512xf32, #tpu.memory_space<vmem_shared>> -> memref<32x512xf32, #tpu.memory_space<vmem_shared>>
    tpu.wait_dma2 semaphore(%arg21 : memref<!tpu.dma_semaphore, #tpu.memory_space<semaphore_mem>>) src(%dma_wait3A_622 : memref<32x512xf32, #tpu.memory_space<vmem_shared>>) dst(%dma_wait3A_620 : memref<32x512xf32, #tpu.memory_space<hbm>>)
    %dma_start3A_623 = arith.constant 0 : i32
    %dma_start3A_624 = tpu.memref_slice %arg12[%mul3A_16, %dma_start3A_623] : memref<1024x512xf32, #tpu.memory_space<vmem_shared>> -> memref<32x512xf32, #tpu.memory_space<vmem_shared>>
    %dma_start3A_625 = arith.constant 160 : i32
    %dma_start3A_626 = arith.constant 0 : i32
    %dma_start3A_627 = tpu.memref_slice %arg2[%squeeze3A_6, %dma_start3A_625, %dma_start3A_626] : memref<128x512x512xf32, #tpu.memory_space<hbm>> -> memref<1x32x512xf32, #tpu.memory_space<hbm>>
    %dma_start3A_628 = tpu.memref_squeeze %dma_start3A_627 : memref<1x32x512xf32, #tpu.memory_space<hbm>> -> memref<32x512xf32, #tpu.memory_space<hbm>>
    tpu.enqueue_dma source(%dma_start3A_628 : memref<32x512xf32, #tpu.memory_space<hbm>>) target(%dma_start3A_624 : memref<32x512xf32, #tpu.memory_space<vmem_shared>>) target_semaphore(%arg19 : memref<!tpu.dma_semaphore, #tpu.memory_space<semaphore_mem>>)
    %dma_wait3A_629 = arith.constant 128 : i32
    %dma_wait3A_630 = arith.constant 0 : i32
    %dma_wait3A_631 = tpu.memref_slice %arg2[%squeeze3A_6, %dma_wait3A_629, %dma_wait3A_630] : memref<128x512x512xf32, #tpu.memory_space<hbm>> -> memref<1x32x512xf32, #tpu.memory_space<hbm>>
    %dma_wait3A_632 = tpu.memref_squeeze %dma_wait3A_631 : memref<1x32x512xf32, #tpu.memory_space<hbm>> -> memref<32x512xf32, #tpu.memory_space<hbm>>
    %dma_wait3A_633 = arith.constant 128 : i32
    %dma_wait3A_634 = arith.constant 0 : i32
    %dma_wait3A_635 = tpu.memref_slice %arg2[%squeeze3A_6, %dma_wait3A_633, %dma_wait3A_634] : memref<128x512x512xf32, #tpu.memory_space<hbm>> -> memref<1x32x512xf32, #tpu.memory_space<hbm>>
    %dma_wait3A_636 = tpu.memref_squeeze %dma_wait3A_635 : memref<1x32x512xf32, #tpu.memory_space<hbm>> -> memref<32x512xf32, #tpu.memory_space<hbm>>
    tpu.wait_dma2 semaphore(%arg14 : memref<!tpu.dma_semaphore, #tpu.memory_space<semaphore_mem>>) src(%dma_wait3A_636 : memref<32x512xf32, #tpu.memory_space<hbm>>) dst(%arg10 : memref<32x512xf32, #tpu.memory_space<vmem>>)
    %add3A_637 = arith.constant 1 : i32
    %add3A_638 = arith.addi %mul3A_10, %add3A_637 : i32
    %dma_start3A_639 = arith.constant 128 : i32
    %dma_start3A_640 = arith.constant 0 : i32
    %dma_start3A_641 = tpu.memref_slice %arg5[%add3A_638, %dma_start3A_639, %dma_start3A_640] : memref<96x512x512xf32, #tpu.memory_space<hbm>> -> memref<1x32x512xf32, #tpu.memory_space<hbm>>
    %dma_start3A_642 = tpu.memref_squeeze %dma_start3A_641 : memref<1x32x512xf32, #tpu.memory_space<hbm>> -> memref<32x512xf32, #tpu.memory_space<hbm>>
    %dma_start3A_643 = arith.constant 128 : i32
    %dma_start3A_644 = arith.constant 0 : i32
    %dma_start3A_645 = tpu.memref_slice %arg5[%add3A_638, %dma_start3A_643, %dma_start3A_644] : memref<96x512x512xf32, #tpu.memory_space<hbm>> -> memref<1x32x512xf32, #tpu.memory_space<hbm>>
    %dma_start3A_646 = tpu.memref_squeeze %dma_start3A_645 : memref<1x32x512xf32, #tpu.memory_space<hbm>> -> memref<32x512xf32, #tpu.memory_space<hbm>>
    tpu.enqueue_dma source(%arg10 : memref<32x512xf32, #tpu.memory_space<vmem>>) target(%dma_start3A_646 : memref<32x512xf32, #tpu.memory_space<hbm>>) target_semaphore(%arg17 : memref<!tpu.dma_semaphore, #tpu.memory_space<semaphore_mem>>)
    %dma_wait3A_647 = arith.constant 64 : i32
    %dma_wait3A_648 = arith.constant 0 : i32
    %dma_wait3A_649 = tpu.memref_slice %arg5[%add3A_578, %dma_wait3A_647, %dma_wait3A_648] : memref<96x512x512xf32, #tpu.memory_space<hbm>> -> memref<1x32x512xf32, #tpu.memory_space<hbm>>
    %dma_wait3A_650 = tpu.memref_squeeze %dma_wait3A_649 : memref<1x32x512xf32, #tpu.memory_space<hbm>> -> memref<32x512xf32, #tpu.memory_space<hbm>>
    %dma_wait3A_651 = arith.constant 64 : i32
    %dma_wait3A_652 = arith.constant 0 : i32
    %dma_wait3A_653 = tpu.memref_slice %arg5[%add3A_578, %dma_wait3A_651, %dma_wait3A_652] : memref<96x512x512xf32, #tpu.memory_space<hbm>> -> memref<1x32x512xf32, #tpu.memory_space<hbm>>
    %dma_wait3A_654 = tpu.memref_squeeze %dma_wait3A_653 : memref<1x32x512xf32, #tpu.memory_space<hbm>> -> memref<32x512xf32, #tpu.memory_space<hbm>>
    tpu.wait_dma2 semaphore(%arg16 : memref<!tpu.dma_semaphore, #tpu.memory_space<semaphore_mem>>) src(%arg9 : memref<32x512xf32, #tpu.memory_space<vmem>>) dst(%dma_wait3A_654 : memref<32x512xf32, #tpu.memory_space<hbm>>)
    %dma_start3A_655 = arith.constant 256 : i32
    %dma_start3A_656 = arith.constant 0 : i32
    %dma_start3A_657 = tpu.memref_slice %arg2[%squeeze3A_6, %dma_start3A_655, %dma_start3A_656] : memref<128x512x512xf32, #tpu.memory_space<hbm>> -> memref<1x32x512xf32, #tpu.memory_space<hbm>>
    %dma_start3A_658 = tpu.memref_squeeze %dma_start3A_657 : memref<1x32x512xf32, #tpu.memory_space<hbm>> -> memref<32x512xf32, #tpu.memory_space<hbm>>
    %dma_start3A_659 = arith.constant 256 : i32
    %dma_start3A_660 = arith.constant 0 : i32
    %dma_start3A_661 = tpu.memref_slice %arg2[%squeeze3A_6, %dma_start3A_659, %dma_start3A_660] : memref<128x512x512xf32, #tpu.memory_space<hbm>> -> memref<1x32x512xf32, #tpu.memory_space<hbm>>
    %dma_start3A_662 = tpu.memref_squeeze %dma_start3A_661 : memref<1x32x512xf32, #tpu.memory_space<hbm>> -> memref<32x512xf32, #tpu.memory_space<hbm>>
    tpu.enqueue_dma source(%dma_start3A_662 : memref<32x512xf32, #tpu.memory_space<hbm>>) target(%arg9 : memref<32x512xf32, #tpu.memory_space<vmem>>) target_semaphore(%arg13 : memref<!tpu.dma_semaphore, #tpu.memory_space<semaphore_mem>>)
    %dma_wait3A_663 = arith.constant 0 : i32
    %dma_wait3A_664 = tpu.memref_slice %arg12[%mul3A_16, %dma_wait3A_663] : memref<1024x512xf32, #tpu.memory_space<vmem_shared>> -> memref<32x512xf32, #tpu.memory_space<vmem_shared>>
    %dma_wait3A_665 = arith.constant 160 : i32
    %dma_wait3A_666 = arith.constant 0 : i32
    %dma_wait3A_667 = tpu.memref_slice %arg2[%squeeze3A_6, %dma_wait3A_665, %dma_wait3A_666] : memref<128x512x512xf32, #tpu.memory_space<hbm>> -> memref<1x32x512xf32, #tpu.memory_space<hbm>>
    %dma_wait3A_668 = tpu.memref_squeeze %dma_wait3A_667 : memref<1x32x512xf32, #tpu.memory_space<hbm>> -> memref<32x512xf32, #tpu.memory_space<hbm>>
    tpu.wait_dma2 semaphore(%arg19 : memref<!tpu.dma_semaphore, #tpu.memory_space<semaphore_mem>>) src(%dma_wait3A_668 : memref<32x512xf32, #tpu.memory_space<hbm>>) dst(%dma_wait3A_664 : memref<32x512xf32, #tpu.memory_space<vmem_shared>>)
    %add3A_669 = arith.constant 1 : i32
    %add3A_670 = arith.addi %mul3A_10, %add3A_669 : i32
    %dma_start3A_671 = arith.constant 160 : i32
    %dma_start3A_672 = arith.constant 0 : i32
    %dma_start3A_673 = tpu.memref_slice %arg5[%add3A_670, %dma_start3A_671, %dma_start3A_672] : memref<96x512x512xf32, #tpu.memory_space<hbm>> -> memref<1x32x512xf32, #tpu.memory_space<hbm>>
    %dma_start3A_674 = tpu.memref_squeeze %dma_start3A_673 : memref<1x32x512xf32, #tpu.memory_space<hbm>> -> memref<32x512xf32, #tpu.memory_space<hbm>>
    %dma_start3A_675 = arith.constant 0 : i32
    %dma_start3A_676 = tpu.memref_slice %arg12[%mul3A_16, %dma_start3A_675] : memref<1024x512xf32, #tpu.memory_space<vmem_shared>> -> memref<32x512xf32, #tpu.memory_space<vmem_shared>>
    tpu.enqueue_dma source(%dma_start3A_676 : memref<32x512xf32, #tpu.memory_space<vmem_shared>>) target(%dma_start3A_674 : memref<32x512xf32, #tpu.memory_space<hbm>>) target_semaphore(%arg21 : memref<!tpu.dma_semaphore, #tpu.memory_space<semaphore_mem>>)
    %dma_wait3A_677 = arith.constant 96 : i32
    %dma_wait3A_678 = arith.constant 0 : i32
    %dma_wait3A_679 = tpu.memref_slice %arg5[%add3A_610, %dma_wait3A_677, %dma_wait3A_678] : memref<96x512x512xf32, #tpu.memory_space<hbm>> -> memref<1x32x512xf32, #tpu.memory_space<hbm>>
    %dma_wait3A_680 = tpu.memref_squeeze %dma_wait3A_679 : memref<1x32x512xf32, #tpu.memory_space<hbm>> -> memref<32x512xf32, #tpu.memory_space<hbm>>
    %dma_wait3A_681 = arith.constant 0 : i32
    %dma_wait3A_682 = tpu.memref_slice %arg12[%mul3A_22, %dma_wait3A_681] : memref<1024x512xf32, #tpu.memory_space<vmem_shared>> -> memref<32x512xf32, #tpu.memory_space<vmem_shared>>
    tpu.wait_dma2 semaphore(%arg22 : memref<!tpu.dma_semaphore, #tpu.memory_space<semaphore_mem>>) src(%dma_wait3A_682 : memref<32x512xf32, #tpu.memory_space<vmem_shared>>) dst(%dma_wait3A_680 : memref<32x512xf32, #tpu.memory_space<hbm>>)
    %dma_start3A_683 = arith.constant 0 : i32
    %dma_start3A_684 = tpu.memref_slice %arg12[%mul3A_22, %dma_start3A_683] : memref<1024x512xf32, #tpu.memory_space<vmem_shared>> -> memref<32x512xf32, #tpu.memory_space<vmem_shared>>
    %dma_start3A_685 = arith.constant 224 : i32
    %dma_start3A_686 = arith.constant 0 : i32
    %dma_start3A_687 = tpu.memref_slice %arg2[%squeeze3A_6, %dma_start3A_685, %dma_start3A_686] : memref<128x512x512xf32, #tpu.memory_space<hbm>> -> memref<1x32x512xf32, #tpu.memory_space<hbm>>
    %dma_start3A_688 = tpu.memref_squeeze %dma_start3A_687 : memref<1x32x512xf32, #tpu.memory_space<hbm>> -> memref<32x512xf32, #tpu.memory_space<hbm>>
    tpu.enqueue_dma source(%dma_start3A_688 : memref<32x512xf32, #tpu.memory_space<hbm>>) target(%dma_start3A_684 : memref<32x512xf32, #tpu.memory_space<vmem_shared>>) target_semaphore(%arg20 : memref<!tpu.dma_semaphore, #tpu.memory_space<semaphore_mem>>)
    %dma_wait3A_689 = arith.constant 192 : i32
    %dma_wait3A_690 = arith.constant 0 : i32
    %dma_wait3A_691 = tpu.memref_slice %arg2[%squeeze3A_6, %dma_wait3A_689, %dma_wait3A_690] : memref<128x512x512xf32, #tpu.memory_space<hbm>> -> memref<1x32x512xf32, #tpu.memory_space<hbm>>
    %dma_wait3A_692 = tpu.memref_squeeze %dma_wait3A_691 : memref<1x32x512xf32, #tpu.memory_space<hbm>> -> memref<32x512xf32, #tpu.memory_space<hbm>>
    %dma_wait3A_693 = arith.constant 192 : i32
    %dma_wait3A_694 = arith.constant 0 : i32
    %dma_wait3A_695 = tpu.memref_slice %arg2[%squeeze3A_6, %dma_wait3A_693, %dma_wait3A_694] : memref<128x512x512xf32, #tpu.memory_space<hbm>> -> memref<1x32x512xf32, #tpu.memory_space<hbm>>
    %dma_wait3A_696 = tpu.memref_squeeze %dma_wait3A_695 : memref<1x32x512xf32, #tpu.memory_space<hbm>> -> memref<32x512xf32, #tpu.memory_space<hbm>>
    tpu.wait_dma2 semaphore(%arg15 : memref<!tpu.dma_semaphore, #tpu.memory_space<semaphore_mem>>) src(%dma_wait3A_696 : memref<32x512xf32, #tpu.memory_space<hbm>>) dst(%arg11 : memref<32x512xf32, #tpu.memory_space<vmem>>)
    %add3A_697 = arith.constant 1 : i32
    %add3A_698 = arith.addi %mul3A_10, %add3A_697 : i32
    %dma_start3A_699 = arith.constant 192 : i32
    %dma_start3A_700 = arith.constant 0 : i32
    %dma_start3A_701 = tpu.memref_slice %arg5[%add3A_698, %dma_start3A_699, %dma_start3A_700] : memref<96x512x512xf32, #tpu.memory_space<hbm>> -> memref<1x32x512xf32, #tpu.memory_space<hbm>>
    %dma_start3A_702 = tpu.memref_squeeze %dma_start3A_701 : memref<1x32x512xf32, #tpu.memory_space<hbm>> -> memref<32x512xf32, #tpu.memory_space<hbm>>
    %dma_start3A_703 = arith.constant 192 : i32
    %dma_start3A_704 = arith.constant 0 : i32
    %dma_start3A_705 = tpu.memref_slice %arg5[%add3A_698, %dma_start3A_703, %dma_start3A_704] : memref<96x512x512xf32, #tpu.memory_space<hbm>> -> memref<1x32x512xf32, #tpu.memory_space<hbm>>
    %dma_start3A_706 = tpu.memref_squeeze %dma_start3A_705 : memref<1x32x512xf32, #tpu.memory_space<hbm>> -> memref<32x512xf32, #tpu.memory_space<hbm>>
    tpu.enqueue_dma source(%arg11 : memref<32x512xf32, #tpu.memory_space<vmem>>) target(%dma_start3A_706 : memref<32x512xf32, #tpu.memory_space<hbm>>) target_semaphore(%arg18 : memref<!tpu.dma_semaphore, #tpu.memory_space<semaphore_mem>>)
    %dma_wait3A_707 = arith.constant 128 : i32
    %dma_wait3A_708 = arith.constant 0 : i32
    %dma_wait3A_709 = tpu.memref_slice %arg5[%add3A_638, %dma_wait3A_707, %dma_wait3A_708] : memref<96x512x512xf32, #tpu.memory_space<hbm>> -> memref<1x32x512xf32, #tpu.memory_space<hbm>>
    %dma_wait3A_710 = tpu.memref_squeeze %dma_wait3A_709 : memref<1x32x512xf32, #tpu.memory_space<hbm>> -> memref<32x512xf32, #tpu.memory_space<hbm>>
    %dma_wait3A_711 = arith.constant 128 : i32
    %dma_wait3A_712 = arith.constant 0 : i32
    %dma_wait3A_713 = tpu.memref_slice %arg5[%add3A_638, %dma_wait3A_711, %dma_wait3A_712] : memref<96x512x512xf32, #tpu.memory_space<hbm>> -> memref<1x32x512xf32, #tpu.memory_space<hbm>>
    %dma_wait3A_714 = tpu.memref_squeeze %dma_wait3A_713 : memref<1x32x512xf32, #tpu.memory_space<hbm>> -> memref<32x512xf32, #tpu.memory_space<hbm>>
    tpu.wait_dma2 semaphore(%arg17 : memref<!tpu.dma_semaphore, #tpu.memory_space<semaphore_mem>>) src(%arg10 : memref<32x512xf32, #tpu.memory_space<vmem>>) dst(%dma_wait3A_714 : memref<32x512xf32, #tpu.memory_space<hbm>>)
    %dma_start3A_715 = arith.constant 320 : i32
    %dma_start3A_716 = arith.constant 0 : i32
    %dma_start3A_717 = tpu.memref_slice %arg2[%squeeze3A_6, %dma_start3A_715, %dma_start3A_716] : memref<128x512x512xf32, #tpu.memory_space<hbm>> -> memref<1x32x512xf32, #tpu.memory_space<hbm>>
    %dma_start3A_718 = tpu.memref_squeeze %dma_start3A_717 : memref<1x32x512xf32, #tpu.memory_space<hbm>> -> memref<32x512xf32, #tpu.memory_space<hbm>>
    %dma_start3A_719 = arith.constant 320 : i32
    %dma_start3A_720 = arith.constant 0 : i32
    %dma_start3A_721 = tpu.memref_slice %arg2[%squeeze3A_6, %dma_start3A_719, %dma_start3A_720] : memref<128x512x512xf32, #tpu.memory_space<hbm>> -> memref<1x32x512xf32, #tpu.memory_space<hbm>>
    %dma_start3A_722 = tpu.memref_squeeze %dma_start3A_721 : memref<1x32x512xf32, #tpu.memory_space<hbm>> -> memref<32x512xf32, #tpu.memory_space<hbm>>
    tpu.enqueue_dma source(%dma_start3A_722 : memref<32x512xf32, #tpu.memory_space<hbm>>) target(%arg10 : memref<32x512xf32, #tpu.memory_space<vmem>>) target_semaphore(%arg14 : memref<!tpu.dma_semaphore, #tpu.memory_space<semaphore_mem>>)
    %dma_wait3A_723 = arith.constant 0 : i32
    %dma_wait3A_724 = tpu.memref_slice %arg12[%mul3A_22, %dma_wait3A_723] : memref<1024x512xf32, #tpu.memory_space<vmem_shared>> -> memref<32x512xf32, #tpu.memory_space<vmem_shared>>
    %dma_wait3A_725 = arith.constant 224 : i32
    %dma_wait3A_726 = arith.constant 0 : i32
    %dma_wait3A_727 = tpu.memref_slice %arg2[%squeeze3A_6, %dma_wait3A_725, %dma_wait3A_726] : memref<128x512x512xf32, #tpu.memory_space<hbm>> -> memref<1x32x512xf32, #tpu.memory_space<hbm>>
    %dma_wait3A_728 = tpu.memref_squeeze %dma_wait3A_727 : memref<1x32x512xf32, #tpu.memory_space<hbm>> -> memref<32x512xf32, #tpu.memory_space<hbm>>
    tpu.wait_dma2 semaphore(%arg20 : memref<!tpu.dma_semaphore, #tpu.memory_space<semaphore_mem>>) src(%dma_wait3A_728 : memref<32x512xf32, #tpu.memory_space<hbm>>) dst(%dma_wait3A_724 : memref<32x512xf32, #tpu.memory_space<vmem_shared>>)
    %add3A_729 = arith.constant 1 : i32
    %add3A_730 = arith.addi %mul3A_10, %add3A_729 : i32
    %dma_start3A_731 = arith.constant 224 : i32
    %dma_start3A_732 = arith.constant 0 : i32
    %dma_start3A_733 = tpu.memref_slice %arg5[%add3A_730, %dma_start3A_731, %dma_start3A_732] : memref<96x512x512xf32, #tpu.memory_space<hbm>> -> memref<1x32x512xf32, #tpu.memory_space<hbm>>
    %dma_start3A_734 = tpu.memref_squeeze %dma_start3A_733 : memref<1x32x512xf32, #tpu.memory_space<hbm>> -> memref<32x512xf32, #tpu.memory_space<hbm>>
    %dma_start3A_735 = arith.constant 0 : i32
    %dma_start3A_736 = tpu.memref_slice %arg12[%mul3A_22, %dma_start3A_735] : memref<1024x512xf32, #tpu.memory_space<vmem_shared>> -> memref<32x512xf32, #tpu.memory_space<vmem_shared>>
    tpu.enqueue_dma source(%dma_start3A_736 : memref<32x512xf32, #tpu.memory_space<vmem_shared>>) target(%dma_start3A_734 : memref<32x512xf32, #tpu.memory_space<hbm>>) target_semaphore(%arg22 : memref<!tpu.dma_semaphore, #tpu.memory_space<semaphore_mem>>)
    %dma_wait3A_737 = arith.constant 160 : i32
    %dma_wait3A_738 = arith.constant 0 : i32
    %dma_wait3A_739 = tpu.memref_slice %arg5[%add3A_670, %dma_wait3A_737, %dma_wait3A_738] : memref<96x512x512xf32, #tpu.memory_space<hbm>> -> memref<1x32x512xf32, #tpu.memory_space<hbm>>
    %dma_wait3A_740 = tpu.memref_squeeze %dma_wait3A_739 : memref<1x32x512xf32, #tpu.memory_space<hbm>> -> memref<32x512xf32, #tpu.memory_space<hbm>>
    %dma_wait3A_741 = arith.constant 0 : i32
    %dma_wait3A_742 = tpu.memref_slice %arg12[%mul3A_16, %dma_wait3A_741] : memref<1024x512xf32, #tpu.memory_space<vmem_shared>> -> memref<32x512xf32, #tpu.memory_space<vmem_shared>>
    tpu.wait_dma2 semaphore(%arg21 : memref<!tpu.dma_semaphore, #tpu.memory_space<semaphore_mem>>) src(%dma_wait3A_742 : memref<32x512xf32, #tpu.memory_space<vmem_shared>>) dst(%dma_wait3A_740 : memref<32x512xf32, #tpu.memory_space<hbm>>)
    %dma_start3A_743 = arith.constant 0 : i32
    %dma_start3A_744 = tpu.memref_slice %arg12[%mul3A_16, %dma_start3A_743] : memref<1024x512xf32, #tpu.memory_space<vmem_shared>> -> memref<32x512xf32, #tpu.memory_space<vmem_shared>>
    %dma_start3A_745 = arith.constant 288 : i32
    %dma_start3A_746 = arith.constant 0 : i32
    %dma_start3A_747 = tpu.memref_slice %arg2[%squeeze3A_6, %dma_start3A_745, %dma_start3A_746] : memref<128x512x512xf32, #tpu.memory_space<hbm>> -> memref<1x32x512xf32, #tpu.memory_space<hbm>>
    %dma_start3A_748 = tpu.memref_squeeze %dma_start3A_747 : memref<1x32x512xf32, #tpu.memory_space<hbm>> -> memref<32x512xf32, #tpu.memory_space<hbm>>
    tpu.enqueue_dma source(%dma_start3A_748 : memref<32x512xf32, #tpu.memory_space<hbm>>) target(%dma_start3A_744 : memref<32x512xf32, #tpu.memory_space<vmem_shared>>) target_semaphore(%arg19 : memref<!tpu.dma_semaphore, #tpu.memory_space<semaphore_mem>>)
    %dma_wait3A_749 = arith.constant 256 : i32
    %dma_wait3A_750 = arith.constant 0 : i32
    %dma_wait3A_751 = tpu.memref_slice %arg2[%squeeze3A_6, %dma_wait3A_749, %dma_wait3A_750] : memref<128x512x512xf32, #tpu.memory_space<hbm>> -> memref<1x32x512xf32, #tpu.memory_space<hbm>>
    %dma_wait3A_752 = tpu.memref_squeeze %dma_wait3A_751 : memref<1x32x512xf32, #tpu.memory_space<hbm>> -> memref<32x512xf32, #tpu.memory_space<hbm>>
    %dma_wait3A_753 = arith.constant 256 : i32
    %dma_wait3A_754 = arith.constant 0 : i32
    %dma_wait3A_755 = tpu.memref_slice %arg2[%squeeze3A_6, %dma_wait3A_753, %dma_wait3A_754] : memref<128x512x512xf32, #tpu.memory_space<hbm>> -> memref<1x32x512xf32, #tpu.memory_space<hbm>>
    %dma_wait3A_756 = tpu.memref_squeeze %dma_wait3A_755 : memref<1x32x512xf32, #tpu.memory_space<hbm>> -> memref<32x512xf32, #tpu.memory_space<hbm>>
    tpu.wait_dma2 semaphore(%arg13 : memref<!tpu.dma_semaphore, #tpu.memory_space<semaphore_mem>>) src(%dma_wait3A_756 : memref<32x512xf32, #tpu.memory_space<hbm>>) dst(%arg9 : memref<32x512xf32, #tpu.memory_space<vmem>>)
    %add3A_757 = arith.constant 1 : i32
    %add3A_758 = arith.addi %mul3A_10, %add3A_757 : i32
    %dma_start3A_759 = arith.constant 256 : i32
    %dma_start3A_760 = arith.constant 0 : i32
    %dma_start3A_761 = tpu.memref_slice %arg5[%add3A_758, %dma_start3A_759, %dma_start3A_760] : memref<96x512x512xf32, #tpu.memory_space<hbm>> -> memref<1x32x512xf32, #tpu.memory_space<hbm>>
    %dma_start3A_762 = tpu.memref_squeeze %dma_start3A_761 : memref<1x32x512xf32, #tpu.memory_space<hbm>> -> memref<32x512xf32, #tpu.memory_space<hbm>>
    %dma_start3A_763 = arith.constant 256 : i32
    %dma_start3A_764 = arith.constant 0 : i32
    %dma_start3A_765 = tpu.memref_slice %arg5[%add3A_758, %dma_start3A_763, %dma_start3A_764] : memref<96x512x512xf32, #tpu.memory_space<hbm>> -> memref<1x32x512xf32, #tpu.memory_space<hbm>>
    %dma_start3A_766 = tpu.memref_squeeze %dma_start3A_765 : memref<1x32x512xf32, #tpu.memory_space<hbm>> -> memref<32x512xf32, #tpu.memory_space<hbm>>
    tpu.enqueue_dma source(%arg9 : memref<32x512xf32, #tpu.memory_space<vmem>>) target(%dma_start3A_766 : memref<32x512xf32, #tpu.memory_space<hbm>>) target_semaphore(%arg16 : memref<!tpu.dma_semaphore, #tpu.memory_space<semaphore_mem>>)
    %dma_wait3A_767 = arith.constant 192 : i32
    %dma_wait3A_768 = arith.constant 0 : i32
    %dma_wait3A_769 = tpu.memref_slice %arg5[%add3A_698, %dma_wait3A_767, %dma_wait3A_768] : memref<96x512x512xf32, #tpu.memory_space<hbm>> -> memref<1x32x512xf32, #tpu.memory_space<hbm>>
    %dma_wait3A_770 = tpu.memref_squeeze %dma_wait3A_769 : memref<1x32x512xf32, #tpu.memory_space<hbm>> -> memref<32x512xf32, #tpu.memory_space<hbm>>
    %dma_wait3A_771 = arith.constant 192 : i32
    %dma_wait3A_772 = arith.constant 0 : i32
    %dma_wait3A_773 = tpu.memref_slice %arg5[%add3A_698, %dma_wait3A_771, %dma_wait3A_772] : memref<96x512x512xf32, #tpu.memory_space<hbm>> -> memref<1x32x512xf32, #tpu.memory_space<hbm>>
    %dma_wait3A_774 = tpu.memref_squeeze %dma_wait3A_773 : memref<1x32x512xf32, #tpu.memory_space<hbm>> -> memref<32x512xf32, #tpu.memory_space<hbm>>
    tpu.wait_dma2 semaphore(%arg18 : memref<!tpu.dma_semaphore, #tpu.memory_space<semaphore_mem>>) src(%arg11 : memref<32x512xf32, #tpu.memory_space<vmem>>) dst(%dma_wait3A_774 : memref<32x512xf32, #tpu.memory_space<hbm>>)
    %dma_start3A_775 = arith.constant 384 : i32
    %dma_start3A_776 = arith.constant 0 : i32
    %dma_start3A_777 = tpu.memref_slice %arg2[%squeeze3A_6, %dma_start3A_775, %dma_start3A_776] : memref<128x512x512xf32, #tpu.memory_space<hbm>> -> memref<1x32x512xf32, #tpu.memory_space<hbm>>
    %dma_start3A_778 = tpu.memref_squeeze %dma_start3A_777 : memref<1x32x512xf32, #tpu.memory_space<hbm>> -> memref<32x512xf32, #tpu.memory_space<hbm>>
    %dma_start3A_779 = arith.constant 384 : i32
    %dma_start3A_780 = arith.constant 0 : i32
    %dma_start3A_781 = tpu.memref_slice %arg2[%squeeze3A_6, %dma_start3A_779, %dma_start3A_780] : memref<128x512x512xf32, #tpu.memory_space<hbm>> -> memref<1x32x512xf32, #tpu.memory_space<hbm>>
    %dma_start3A_782 = tpu.memref_squeeze %dma_start3A_781 : memref<1x32x512xf32, #tpu.memory_space<hbm>> -> memref<32x512xf32, #tpu.memory_space<hbm>>
    tpu.enqueue_dma source(%dma_start3A_782 : memref<32x512xf32, #tpu.memory_space<hbm>>) target(%arg11 : memref<32x512xf32, #tpu.memory_space<vmem>>) target_semaphore(%arg15 : memref<!tpu.dma_semaphore, #tpu.memory_space<semaphore_mem>>)
    %dma_wait3A_783 = arith.constant 0 : i32
    %dma_wait3A_784 = tpu.memref_slice %arg12[%mul3A_16, %dma_wait3A_783] : memref<1024x512xf32, #tpu.memory_space<vmem_shared>> -> memref<32x512xf32, #tpu.memory_space<vmem_shared>>
    %dma_wait3A_785 = arith.constant 288 : i32
    %dma_wait3A_786 = arith.constant 0 : i32
    %dma_wait3A_787 = tpu.memref_slice %arg2[%squeeze3A_6, %dma_wait3A_785, %dma_wait3A_786] : memref<128x512x512xf32, #tpu.memory_space<hbm>> -> memref<1x32x512xf32, #tpu.memory_space<hbm>>
    %dma_wait3A_788 = tpu.memref_squeeze %dma_wait3A_787 : memref<1x32x512xf32, #tpu.memory_space<hbm>> -> memref<32x512xf32, #tpu.memory_space<hbm>>
    tpu.wait_dma2 semaphore(%arg19 : memref<!tpu.dma_semaphore, #tpu.memory_space<semaphore_mem>>) src(%dma_wait3A_788 : memref<32x512xf32, #tpu.memory_space<hbm>>) dst(%dma_wait3A_784 : memref<32x512xf32, #tpu.memory_space<vmem_shared>>)
    %add3A_789 = arith.constant 1 : i32
    %add3A_790 = arith.addi %mul3A_10, %add3A_789 : i32
    %dma_start3A_791 = arith.constant 288 : i32
    %dma_start3A_792 = arith.constant 0 : i32
    %dma_start3A_793 = tpu.memref_slice %arg5[%add3A_790, %dma_start3A_791, %dma_start3A_792] : memref<96x512x512xf32, #tpu.memory_space<hbm>> -> memref<1x32x512xf32, #tpu.memory_space<hbm>>
    %dma_start3A_794 = tpu.memref_squeeze %dma_start3A_793 : memref<1x32x512xf32, #tpu.memory_space<hbm>> -> memref<32x512xf32, #tpu.memory_space<hbm>>
    %dma_start3A_795 = arith.constant 0 : i32
    %dma_start3A_796 = tpu.memref_slice %arg12[%mul3A_16, %dma_start3A_795] : memref<1024x512xf32, #tpu.memory_space<vmem_shared>> -> memref<32x512xf32, #tpu.memory_space<vmem_shared>>
    tpu.enqueue_dma source(%dma_start3A_796 : memref<32x512xf32, #tpu.memory_space<vmem_shared>>) target(%dma_start3A_794 : memref<32x512xf32, #tpu.memory_space<hbm>>) target_semaphore(%arg21 : memref<!tpu.dma_semaphore, #tpu.memory_space<semaphore_mem>>)
    %dma_wait3A_797 = arith.constant 224 : i32
    %dma_wait3A_798 = arith.constant 0 : i32
    %dma_wait3A_799 = tpu.memref_slice %arg5[%add3A_730, %dma_wait3A_797, %dma_wait3A_798] : memref<96x512x512xf32, #tpu.memory_space<hbm>> -> memref<1x32x512xf32, #tpu.memory_space<hbm>>
    %dma_wait3A_800 = tpu.memref_squeeze %dma_wait3A_799 : memref<1x32x512xf32, #tpu.memory_space<hbm>> -> memref<32x512xf32, #tpu.memory_space<hbm>>
    %dma_wait3A_801 = arith.constant 0 : i32
    %dma_wait3A_802 = tpu.memref_slice %arg12[%mul3A_22, %dma_wait3A_801] : memref<1024x512xf32, #tpu.memory_space<vmem_shared>> -> memref<32x512xf32, #tpu.memory_space<vmem_shared>>
    tpu.wait_dma2 semaphore(%arg22 : memref<!tpu.dma_semaphore, #tpu.memory_space<semaphore_mem>>) src(%dma_wait3A_802 : memref<32x512xf32, #tpu.memory_space<vmem_shared>>) dst(%dma_wait3A_800 : memref<32x512xf32, #tpu.memory_space<hbm>>)
    %dma_start3A_803 = arith.constant 0 : i32
    %dma_start3A_804 = tpu.memref_slice %arg12[%mul3A_22, %dma_start3A_803] : memref<1024x512xf32, #tpu.memory_space<vmem_shared>> -> memref<32x512xf32, #tpu.memory_space<vmem_shared>>
    %dma_start3A_805 = arith.constant 352 : i32
    %dma_start3A_806 = arith.constant 0 : i32
    %dma_start3A_807 = tpu.memref_slice %arg2[%squeeze3A_6, %dma_start3A_805, %dma_start3A_806] : memref<128x512x512xf32, #tpu.memory_space<hbm>> -> memref<1x32x512xf32, #tpu.memory_space<hbm>>
    %dma_start3A_808 = tpu.memref_squeeze %dma_start3A_807 : memref<1x32x512xf32, #tpu.memory_space<hbm>> -> memref<32x512xf32, #tpu.memory_space<hbm>>
    tpu.enqueue_dma source(%dma_start3A_808 : memref<32x512xf32, #tpu.memory_space<hbm>>) target(%dma_start3A_804 : memref<32x512xf32, #tpu.memory_space<vmem_shared>>) target_semaphore(%arg20 : memref<!tpu.dma_semaphore, #tpu.memory_space<semaphore_mem>>)
    %dma_wait3A_809 = arith.constant 320 : i32
    %dma_wait3A_810 = arith.constant 0 : i32
    %dma_wait3A_811 = tpu.memref_slice %arg2[%squeeze3A_6, %dma_wait3A_809, %dma_wait3A_810] : memref<128x512x512xf32, #tpu.memory_space<hbm>> -> memref<1x32x512xf32, #tpu.memory_space<hbm>>
    %dma_wait3A_812 = tpu.memref_squeeze %dma_wait3A_811 : memref<1x32x512xf32, #tpu.memory_space<hbm>> -> memref<32x512xf32, #tpu.memory_space<hbm>>
    %dma_wait3A_813 = arith.constant 320 : i32
    %dma_wait3A_814 = arith.constant 0 : i32
    %dma_wait3A_815 = tpu.memref_slice %arg2[%squeeze3A_6, %dma_wait3A_813, %dma_wait3A_814] : memref<128x512x512xf32, #tpu.memory_space<hbm>> -> memref<1x32x512xf32, #tpu.memory_space<hbm>>
    %dma_wait3A_816 = tpu.memref_squeeze %dma_wait3A_815 : memref<1x32x512xf32, #tpu.memory_space<hbm>> -> memref<32x512xf32, #tpu.memory_space<hbm>>
    tpu.wait_dma2 semaphore(%arg14 : memref<!tpu.dma_semaphore, #tpu.memory_space<semaphore_mem>>) src(%dma_wait3A_816 : memref<32x512xf32, #tpu.memory_space<hbm>>) dst(%arg10 : memref<32x512xf32, #tpu.memory_space<vmem>>)
    %add3A_817 = arith.constant 1 : i32
    %add3A_818 = arith.addi %mul3A_10, %add3A_817 : i32
    %dma_start3A_819 = arith.constant 320 : i32
    %dma_start3A_820 = arith.constant 0 : i32
    %dma_start3A_821 = tpu.memref_slice %arg5[%add3A_818, %dma_start3A_819, %dma_start3A_820] : memref<96x512x512xf32, #tpu.memory_space<hbm>> -> memref<1x32x512xf32, #tpu.memory_space<hbm>>
    %dma_start3A_822 = tpu.memref_squeeze %dma_start3A_821 : memref<1x32x512xf32, #tpu.memory_space<hbm>> -> memref<32x512xf32, #tpu.memory_space<hbm>>
    %dma_start3A_823 = arith.constant 320 : i32
    %dma_start3A_824 = arith.constant 0 : i32
    %dma_start3A_825 = tpu.memref_slice %arg5[%add3A_818, %dma_start3A_823, %dma_start3A_824] : memref<96x512x512xf32, #tpu.memory_space<hbm>> -> memref<1x32x512xf32, #tpu.memory_space<hbm>>
    %dma_start3A_826 = tpu.memref_squeeze %dma_start3A_825 : memref<1x32x512xf32, #tpu.memory_space<hbm>> -> memref<32x512xf32, #tpu.memory_space<hbm>>
    tpu.enqueue_dma source(%arg10 : memref<32x512xf32, #tpu.memory_space<vmem>>) target(%dma_start3A_826 : memref<32x512xf32, #tpu.memory_space<hbm>>) target_semaphore(%arg17 : memref<!tpu.dma_semaphore, #tpu.memory_space<semaphore_mem>>)
    %dma_wait3A_827 = arith.constant 256 : i32
    %dma_wait3A_828 = arith.constant 0 : i32
    %dma_wait3A_829 = tpu.memref_slice %arg5[%add3A_758, %dma_wait3A_827, %dma_wait3A_828] : memref<96x512x512xf32, #tpu.memory_space<hbm>> -> memref<1x32x512xf32, #tpu.memory_space<hbm>>
    %dma_wait3A_830 = tpu.memref_squeeze %dma_wait3A_829 : memref<1x32x512xf32, #tpu.memory_space<hbm>> -> memref<32x512xf32, #tpu.memory_space<hbm>>
    %dma_wait3A_831 = arith.constant 256 : i32
    %dma_wait3A_832 = arith.constant 0 : i32
    %dma_wait3A_833 = tpu.memref_slice %arg5[%add3A_758, %dma_wait3A_831, %dma_wait3A_832] : memref<96x512x512xf32, #tpu.memory_space<hbm>> -> memref<1x32x512xf32, #tpu.memory_space<hbm>>
    %dma_wait3A_834 = tpu.memref_squeeze %dma_wait3A_833 : memref<1x32x512xf32, #tpu.memory_space<hbm>> -> memref<32x512xf32, #tpu.memory_space<hbm>>
    tpu.wait_dma2 semaphore(%arg16 : memref<!tpu.dma_semaphore, #tpu.memory_space<semaphore_mem>>) src(%arg9 : memref<32x512xf32, #tpu.memory_space<vmem>>) dst(%dma_wait3A_834 : memref<32x512xf32, #tpu.memory_space<hbm>>)
    %dma_start3A_835 = arith.constant 448 : i32
    %dma_start3A_836 = arith.constant 0 : i32
    %dma_start3A_837 = tpu.memref_slice %arg2[%squeeze3A_6, %dma_start3A_835, %dma_start3A_836] : memref<128x512x512xf32, #tpu.memory_space<hbm>> -> memref<1x32x512xf32, #tpu.memory_space<hbm>>
    %dma_start3A_838 = tpu.memref_squeeze %dma_start3A_837 : memref<1x32x512xf32, #tpu.memory_space<hbm>> -> memref<32x512xf32, #tpu.memory_space<hbm>>
    %dma_start3A_839 = arith.constant 448 : i32
    %dma_start3A_840 = arith.constant 0 : i32
    %dma_start3A_841 = tpu.memref_slice %arg2[%squeeze3A_6, %dma_start3A_839, %dma_start3A_840] : memref<128x512x512xf32, #tpu.memory_space<hbm>> -> memref<1x32x512xf32, #tpu.memory_space<hbm>>
    %dma_start3A_842 = tpu.memref_squeeze %dma_start3A_841 : memref<1x32x512xf32, #tpu.memory_space<hbm>> -> memref<32x512xf32, #tpu.memory_space<hbm>>
    tpu.enqueue_dma source(%dma_start3A_842 : memref<32x512xf32, #tpu.memory_space<hbm>>) target(%arg9 : memref<32x512xf32, #tpu.memory_space<vmem>>) target_semaphore(%arg13 : memref<!tpu.dma_semaphore, #tpu.memory_space<semaphore_mem>>)
    %dma_wait3A_843 = arith.constant 0 : i32
    %dma_wait3A_844 = tpu.memref_slice %arg12[%mul3A_22, %dma_wait3A_843] : memref<1024x512xf32, #tpu.memory_space<vmem_shared>> -> memref<32x512xf32, #tpu.memory_space<vmem_shared>>
    %dma_wait3A_845 = arith.constant 352 : i32
    %dma_wait3A_846 = arith.constant 0 : i32
    %dma_wait3A_847 = tpu.memref_slice %arg2[%squeeze3A_6, %dma_wait3A_845, %dma_wait3A_846] : memref<128x512x512xf32, #tpu.memory_space<hbm>> -> memref<1x32x512xf32, #tpu.memory_space<hbm>>
    %dma_wait3A_848 = tpu.memref_squeeze %dma_wait3A_847 : memref<1x32x512xf32, #tpu.memory_space<hbm>> -> memref<32x512xf32, #tpu.memory_space<hbm>>
    tpu.wait_dma2 semaphore(%arg20 : memref<!tpu.dma_semaphore, #tpu.memory_space<semaphore_mem>>) src(%dma_wait3A_848 : memref<32x512xf32, #tpu.memory_space<hbm>>) dst(%dma_wait3A_844 : memref<32x512xf32, #tpu.memory_space<vmem_shared>>)
    %add3A_849 = arith.constant 1 : i32
    %add3A_850 = arith.addi %mul3A_10, %add3A_849 : i32
    %dma_start3A_851 = arith.constant 352 : i32
    %dma_start3A_852 = arith.constant 0 : i32
    %dma_start3A_853 = tpu.memref_slice %arg5[%add3A_850, %dma_start3A_851, %dma_start3A_852] : memref<96x512x512xf32, #tpu.memory_space<hbm>> -> memref<1x32x512xf32, #tpu.memory_space<hbm>>
    %dma_start3A_854 = tpu.memref_squeeze %dma_start3A_853 : memref<1x32x512xf32, #tpu.memory_space<hbm>> -> memref<32x512xf32, #tpu.memory_space<hbm>>
    %dma_start3A_855 = arith.constant 0 : i32
    %dma_start3A_856 = tpu.memref_slice %arg12[%mul3A_22, %dma_start3A_855] : memref<1024x512xf32, #tpu.memory_space<vmem_shared>> -> memref<32x512xf32, #tpu.memory_space<vmem_shared>>
    tpu.enqueue_dma source(%dma_start3A_856 : memref<32x512xf32, #tpu.memory_space<vmem_shared>>) target(%dma_start3A_854 : memref<32x512xf32, #tpu.memory_space<hbm>>) target_semaphore(%arg22 : memref<!tpu.dma_semaphore, #tpu.memory_space<semaphore_mem>>)
    %dma_wait3A_857 = arith.constant 288 : i32
    %dma_wait3A_858 = arith.constant 0 : i32
    %dma_wait3A_859 = tpu.memref_slice %arg5[%add3A_790, %dma_wait3A_857, %dma_wait3A_858] : memref<96x512x512xf32, #tpu.memory_space<hbm>> -> memref<1x32x512xf32, #tpu.memory_space<hbm>>
    %dma_wait3A_860 = tpu.memref_squeeze %dma_wait3A_859 : memref<1x32x512xf32, #tpu.memory_space<hbm>> -> memref<32x512xf32, #tpu.memory_space<hbm>>
    %dma_wait3A_861 = arith.constant 0 : i32
    %dma_wait3A_862 = tpu.memref_slice %arg12[%mul3A_16, %dma_wait3A_861] : memref<1024x512xf32, #tpu.memory_space<vmem_shared>> -> memref<32x512xf32, #tpu.memory_space<vmem_shared>>
    tpu.wait_dma2 semaphore(%arg21 : memref<!tpu.dma_semaphore, #tpu.memory_space<semaphore_mem>>) src(%dma_wait3A_862 : memref<32x512xf32, #tpu.memory_space<vmem_shared>>) dst(%dma_wait3A_860 : memref<32x512xf32, #tpu.memory_space<hbm>>)
    %dma_start3A_863 = arith.constant 0 : i32
    %dma_start3A_864 = tpu.memref_slice %arg12[%mul3A_16, %dma_start3A_863] : memref<1024x512xf32, #tpu.memory_space<vmem_shared>> -> memref<32x512xf32, #tpu.memory_space<vmem_shared>>
    %dma_start3A_865 = arith.constant 416 : i32
    %dma_start3A_866 = arith.constant 0 : i32
    %dma_start3A_867 = tpu.memref_slice %arg2[%squeeze3A_6, %dma_start3A_865, %dma_start3A_866] : memref<128x512x512xf32, #tpu.memory_space<hbm>> -> memref<1x32x512xf32, #tpu.memory_space<hbm>>
    %dma_start3A_868 = tpu.memref_squeeze %dma_start3A_867 : memref<1x32x512xf32, #tpu.memory_space<hbm>> -> memref<32x512xf32, #tpu.memory_space<hbm>>
    tpu.enqueue_dma source(%dma_start3A_868 : memref<32x512xf32, #tpu.memory_space<hbm>>) target(%dma_start3A_864 : memref<32x512xf32, #tpu.memory_space<vmem_shared>>) target_semaphore(%arg19 : memref<!tpu.dma_semaphore, #tpu.memory_space<semaphore_mem>>)
    %dma_wait3A_869 = arith.constant 384 : i32
    %dma_wait3A_870 = arith.constant 0 : i32
    %dma_wait3A_871 = tpu.memref_slice %arg2[%squeeze3A_6, %dma_wait3A_869, %dma_wait3A_870] : memref<128x512x512xf32, #tpu.memory_space<hbm>> -> memref<1x32x512xf32, #tpu.memory_space<hbm>>
    %dma_wait3A_872 = tpu.memref_squeeze %dma_wait3A_871 : memref<1x32x512xf32, #tpu.memory_space<hbm>> -> memref<32x512xf32, #tpu.memory_space<hbm>>
    %dma_wait3A_873 = arith.constant 384 : i32
    %dma_wait3A_874 = arith.constant 0 : i32
    %dma_wait3A_875 = tpu.memref_slice %arg2[%squeeze3A_6, %dma_wait3A_873, %dma_wait3A_874] : memref<128x512x512xf32, #tpu.memory_space<hbm>> -> memref<1x32x512xf32, #tpu.memory_space<hbm>>
    %dma_wait3A_876 = tpu.memref_squeeze %dma_wait3A_875 : memref<1x32x512xf32, #tpu.memory_space<hbm>> -> memref<32x512xf32, #tpu.memory_space<hbm>>
    tpu.wait_dma2 semaphore(%arg15 : memref<!tpu.dma_semaphore, #tpu.memory_space<semaphore_mem>>) src(%dma_wait3A_876 : memref<32x512xf32, #tpu.memory_space<hbm>>) dst(%arg11 : memref<32x512xf32, #tpu.memory_space<vmem>>)
    %add3A_877 = arith.constant 1 : i32
    %add3A_878 = arith.addi %mul3A_10, %add3A_877 : i32
    %dma_start3A_879 = arith.constant 384 : i32
    %dma_start3A_880 = arith.constant 0 : i32
    %dma_start3A_881 = tpu.memref_slice %arg5[%add3A_878, %dma_start3A_879, %dma_start3A_880] : memref<96x512x512xf32, #tpu.memory_space<hbm>> -> memref<1x32x512xf32, #tpu.memory_space<hbm>>
    %dma_start3A_882 = tpu.memref_squeeze %dma_start3A_881 : memref<1x32x512xf32, #tpu.memory_space<hbm>> -> memref<32x512xf32, #tpu.memory_space<hbm>>
    %dma_start3A_883 = arith.constant 384 : i32
    %dma_start3A_884 = arith.constant 0 : i32
    %dma_start3A_885 = tpu.memref_slice %arg5[%add3A_878, %dma_start3A_883, %dma_start3A_884] : memref<96x512x512xf32, #tpu.memory_space<hbm>> -> memref<1x32x512xf32, #tpu.memory_space<hbm>>
    %dma_start3A_886 = tpu.memref_squeeze %dma_start3A_885 : memref<1x32x512xf32, #tpu.memory_space<hbm>> -> memref<32x512xf32, #tpu.memory_space<hbm>>
    tpu.enqueue_dma source(%arg11 : memref<32x512xf32, #tpu.memory_space<vmem>>) target(%dma_start3A_886 : memref<32x512xf32, #tpu.memory_space<hbm>>) target_semaphore(%arg18 : memref<!tpu.dma_semaphore, #tpu.memory_space<semaphore_mem>>)
    %dma_wait3A_887 = arith.constant 320 : i32
    %dma_wait3A_888 = arith.constant 0 : i32
    %dma_wait3A_889 = tpu.memref_slice %arg5[%add3A_818, %dma_wait3A_887, %dma_wait3A_888] : memref<96x512x512xf32, #tpu.memory_space<hbm>> -> memref<1x32x512xf32, #tpu.memory_space<hbm>>
    %dma_wait3A_890 = tpu.memref_squeeze %dma_wait3A_889 : memref<1x32x512xf32, #tpu.memory_space<hbm>> -> memref<32x512xf32, #tpu.memory_space<hbm>>
    %dma_wait3A_891 = arith.constant 320 : i32
    %dma_wait3A_892 = arith.constant 0 : i32
    %dma_wait3A_893 = tpu.memref_slice %arg5[%add3A_818, %dma_wait3A_891, %dma_wait3A_892] : memref<96x512x512xf32, #tpu.memory_space<hbm>> -> memref<1x32x512xf32, #tpu.memory_space<hbm>>
    %dma_wait3A_894 = tpu.memref_squeeze %dma_wait3A_893 : memref<1x32x512xf32, #tpu.memory_space<hbm>> -> memref<32x512xf32, #tpu.memory_space<hbm>>
    tpu.wait_dma2 semaphore(%arg17 : memref<!tpu.dma_semaphore, #tpu.memory_space<semaphore_mem>>) src(%arg10 : memref<32x512xf32, #tpu.memory_space<vmem>>) dst(%dma_wait3A_894 : memref<32x512xf32, #tpu.memory_space<hbm>>)
    %dma_start3A_895 = arith.constant 0 : i32
    %dma_start3A_896 = arith.constant 0 : i32
    %dma_start3A_897 = tpu.memref_slice %arg2[%squeeze3A_8, %dma_start3A_895, %dma_start3A_896] : memref<128x512x512xf32, #tpu.memory_space<hbm>> -> memref<1x32x512xf32, #tpu.memory_space<hbm>>
    %dma_start3A_898 = tpu.memref_squeeze %dma_start3A_897 : memref<1x32x512xf32, #tpu.memory_space<hbm>> -> memref<32x512xf32, #tpu.memory_space<hbm>>
    %dma_start3A_899 = arith.constant 0 : i32
    %dma_start3A_900 = arith.constant 0 : i32
    %dma_start3A_901 = tpu.memref_slice %arg2[%squeeze3A_8, %dma_start3A_899, %dma_start3A_900] : memref<128x512x512xf32, #tpu.memory_space<hbm>> -> memref<1x32x512xf32, #tpu.memory_space<hbm>>
    %dma_start3A_902 = tpu.memref_squeeze %dma_start3A_901 : memref<1x32x512xf32, #tpu.memory_space<hbm>> -> memref<32x512xf32, #tpu.memory_space<hbm>>
    tpu.enqueue_dma source(%dma_start3A_902 : memref<32x512xf32, #tpu.memory_space<hbm>>) target(%arg10 : memref<32x512xf32, #tpu.memory_space<vmem>>) target_semaphore(%arg14 : memref<!tpu.dma_semaphore, #tpu.memory_space<semaphore_mem>>)
    %dma_wait3A_903 = arith.constant 0 : i32
    %dma_wait3A_904 = tpu.memref_slice %arg12[%mul3A_16, %dma_wait3A_903] : memref<1024x512xf32, #tpu.memory_space<vmem_shared>> -> memref<32x512xf32, #tpu.memory_space<vmem_shared>>
    %dma_wait3A_905 = arith.constant 416 : i32
    %dma_wait3A_906 = arith.constant 0 : i32
    %dma_wait3A_907 = tpu.memref_slice %arg2[%squeeze3A_6, %dma_wait3A_905, %dma_wait3A_906] : memref<128x512x512xf32, #tpu.memory_space<hbm>> -> memref<1x32x512xf32, #tpu.memory_space<hbm>>
    %dma_wait3A_908 = tpu.memref_squeeze %dma_wait3A_907 : memref<1x32x512xf32, #tpu.memory_space<hbm>> -> memref<32x512xf32, #tpu.memory_space<hbm>>
    tpu.wait_dma2 semaphore(%arg19 : memref<!tpu.dma_semaphore, #tpu.memory_space<semaphore_mem>>) src(%dma_wait3A_908 : memref<32x512xf32, #tpu.memory_space<hbm>>) dst(%dma_wait3A_904 : memref<32x512xf32, #tpu.memory_space<vmem_shared>>)
    %add3A_909 = arith.constant 1 : i32
    %add3A_910 = arith.addi %mul3A_10, %add3A_909 : i32
    %dma_start3A_911 = arith.constant 416 : i32
    %dma_start3A_912 = arith.constant 0 : i32
    %dma_start3A_913 = tpu.memref_slice %arg5[%add3A_910, %dma_start3A_911, %dma_start3A_912] : memref<96x512x512xf32, #tpu.memory_space<hbm>> -> memref<1x32x512xf32, #tpu.memory_space<hbm>>
    %dma_start3A_914 = tpu.memref_squeeze %dma_start3A_913 : memref<1x32x512xf32, #tpu.memory_space<hbm>> -> memref<32x512xf32, #tpu.memory_space<hbm>>
    %dma_start3A_915 = arith.constant 0 : i32
    %dma_start3A_916 = tpu.memref_slice %arg12[%mul3A_16, %dma_start3A_915] : memref<1024x512xf32, #tpu.memory_space<vmem_shared>> -> memref<32x512xf32, #tpu.memory_space<vmem_shared>>
    tpu.enqueue_dma source(%dma_start3A_916 : memref<32x512xf32, #tpu.memory_space<vmem_shared>>) target(%dma_start3A_914 : memref<32x512xf32, #tpu.memory_space<hbm>>) target_semaphore(%arg21 : memref<!tpu.dma_semaphore, #tpu.memory_space<semaphore_mem>>)
    %dma_wait3A_917 = arith.constant 352 : i32
    %dma_wait3A_918 = arith.constant 0 : i32
    %dma_wait3A_919 = tpu.memref_slice %arg5[%add3A_850, %dma_wait3A_917, %dma_wait3A_918] : memref<96x512x512xf32, #tpu.memory_space<hbm>> -> memref<1x32x512xf32, #tpu.memory_space<hbm>>
    %dma_wait3A_920 = tpu.memref_squeeze %dma_wait3A_919 : memref<1x32x512xf32, #tpu.memory_space<hbm>> -> memref<32x512xf32, #tpu.memory_space<hbm>>
    %dma_wait3A_921 = arith.constant 0 : i32
    %dma_wait3A_922 = tpu.memref_slice %arg12[%mul3A_22, %dma_wait3A_921] : memref<1024x512xf32, #tpu.memory_space<vmem_shared>> -> memref<32x512xf32, #tpu.memory_space<vmem_shared>>
    tpu.wait_dma2 semaphore(%arg22 : memref<!tpu.dma_semaphore, #tpu.memory_space<semaphore_mem>>) src(%dma_wait3A_922 : memref<32x512xf32, #tpu.memory_space<vmem_shared>>) dst(%dma_wait3A_920 : memref<32x512xf32, #tpu.memory_space<hbm>>)
    %dma_start3A_923 = arith.constant 0 : i32
    %dma_start3A_924 = tpu.memref_slice %arg12[%mul3A_22, %dma_start3A_923] : memref<1024x512xf32, #tpu.memory_space<vmem_shared>> -> memref<32x512xf32, #tpu.memory_space<vmem_shared>>
    %dma_start3A_925 = arith.constant 480 : i32
    %dma_start3A_926 = arith.constant 0 : i32
    %dma_start3A_927 = tpu.memref_slice %arg2[%squeeze3A_6, %dma_start3A_925, %dma_start3A_926] : memref<128x512x512xf32, #tpu.memory_space<hbm>> -> memref<1x32x512xf32, #tpu.memory_space<hbm>>
    %dma_start3A_928 = tpu.memref_squeeze %dma_start3A_927 : memref<1x32x512xf32, #tpu.memory_space<hbm>> -> memref<32x512xf32, #tpu.memory_space<hbm>>
    tpu.enqueue_dma source(%dma_start3A_928 : memref<32x512xf32, #tpu.memory_space<hbm>>) target(%dma_start3A_924 : memref<32x512xf32, #tpu.memory_space<vmem_shared>>) target_semaphore(%arg20 : memref<!tpu.dma_semaphore, #tpu.memory_space<semaphore_mem>>)
    %dma_wait3A_929 = arith.constant 448 : i32
    %dma_wait3A_930 = arith.constant 0 : i32
    %dma_wait3A_931 = tpu.memref_slice %arg2[%squeeze3A_6, %dma_wait3A_929, %dma_wait3A_930] : memref<128x512x512xf32, #tpu.memory_space<hbm>> -> memref<1x32x512xf32, #tpu.memory_space<hbm>>
    %dma_wait3A_932 = tpu.memref_squeeze %dma_wait3A_931 : memref<1x32x512xf32, #tpu.memory_space<hbm>> -> memref<32x512xf32, #tpu.memory_space<hbm>>
    %dma_wait3A_933 = arith.constant 448 : i32
    %dma_wait3A_934 = arith.constant 0 : i32
    %dma_wait3A_935 = tpu.memref_slice %arg2[%squeeze3A_6, %dma_wait3A_933, %dma_wait3A_934] : memref<128x512x512xf32, #tpu.memory_space<hbm>> -> memref<1x32x512xf32, #tpu.memory_space<hbm>>
    %dma_wait3A_936 = tpu.memref_squeeze %dma_wait3A_935 : memref<1x32x512xf32, #tpu.memory_space<hbm>> -> memref<32x512xf32, #tpu.memory_space<hbm>>
    tpu.wait_dma2 semaphore(%arg13 : memref<!tpu.dma_semaphore, #tpu.memory_space<semaphore_mem>>) src(%dma_wait3A_936 : memref<32x512xf32, #tpu.memory_space<hbm>>) dst(%arg9 : memref<32x512xf32, #tpu.memory_space<vmem>>)
    %add3A_937 = arith.constant 1 : i32
    %add3A_938 = arith.addi %mul3A_10, %add3A_937 : i32
    %dma_start3A_939 = arith.constant 448 : i32
    %dma_start3A_940 = arith.constant 0 : i32
    %dma_start3A_941 = tpu.memref_slice %arg5[%add3A_938, %dma_start3A_939, %dma_start3A_940] : memref<96x512x512xf32, #tpu.memory_space<hbm>> -> memref<1x32x512xf32, #tpu.memory_space<hbm>>
    %dma_start3A_942 = tpu.memref_squeeze %dma_start3A_941 : memref<1x32x512xf32, #tpu.memory_space<hbm>> -> memref<32x512xf32, #tpu.memory_space<hbm>>
    %dma_start3A_943 = arith.constant 448 : i32
    %dma_start3A_944 = arith.constant 0 : i32
    %dma_start3A_945 = tpu.memref_slice %arg5[%add3A_938, %dma_start3A_943, %dma_start3A_944] : memref<96x512x512xf32, #tpu.memory_space<hbm>> -> memref<1x32x512xf32, #tpu.memory_space<hbm>>
    %dma_start3A_946 = tpu.memref_squeeze %dma_start3A_945 : memref<1x32x512xf32, #tpu.memory_space<hbm>> -> memref<32x512xf32, #tpu.memory_space<hbm>>
    tpu.enqueue_dma source(%arg9 : memref<32x512xf32, #tpu.memory_space<vmem>>) target(%dma_start3A_946 : memref<32x512xf32, #tpu.memory_space<hbm>>) target_semaphore(%arg16 : memref<!tpu.dma_semaphore, #tpu.memory_space<semaphore_mem>>)
    %dma_wait3A_947 = arith.constant 384 : i32
    %dma_wait3A_948 = arith.constant 0 : i32
    %dma_wait3A_949 = tpu.memref_slice %arg5[%add3A_878, %dma_wait3A_947, %dma_wait3A_948] : memref<96x512x512xf32, #tpu.memory_space<hbm>> -> memref<1x32x512xf32, #tpu.memory_space<hbm>>
    %dma_wait3A_950 = tpu.memref_squeeze %dma_wait3A_949 : memref<1x32x512xf32, #tpu.memory_space<hbm>> -> memref<32x512xf32, #tpu.memory_space<hbm>>
    %dma_wait3A_951 = arith.constant 384 : i32
    %dma_wait3A_952 = arith.constant 0 : i32
    %dma_wait3A_953 = tpu.memref_slice %arg5[%add3A_878, %dma_wait3A_951, %dma_wait3A_952] : memref<96x512x512xf32, #tpu.memory_space<hbm>> -> memref<1x32x512xf32, #tpu.memory_space<hbm>>
    %dma_wait3A_954 = tpu.memref_squeeze %dma_wait3A_953 : memref<1x32x512xf32, #tpu.memory_space<hbm>> -> memref<32x512xf32, #tpu.memory_space<hbm>>
    tpu.wait_dma2 semaphore(%arg18 : memref<!tpu.dma_semaphore, #tpu.memory_space<semaphore_mem>>) src(%arg11 : memref<32x512xf32, #tpu.memory_space<vmem>>) dst(%dma_wait3A_954 : memref<32x512xf32, #tpu.memory_space<hbm>>)
    %dma_start3A_955 = arith.constant 64 : i32
    %dma_start3A_956 = arith.constant 0 : i32
    %dma_start3A_957 = tpu.memref_slice %arg2[%squeeze3A_8, %dma_start3A_955, %dma_start3A_956] : memref<128x512x512xf32, #tpu.memory_space<hbm>> -> memref<1x32x512xf32, #tpu.memory_space<hbm>>
    %dma_start3A_958 = tpu.memref_squeeze %dma_start3A_957 : memref<1x32x512xf32, #tpu.memory_space<hbm>> -> memref<32x512xf32, #tpu.memory_space<hbm>>
    %dma_start3A_959 = arith.constant 64 : i32
    %dma_start3A_960 = arith.constant 0 : i32
    %dma_start3A_961 = tpu.memref_slice %arg2[%squeeze3A_8, %dma_start3A_959, %dma_start3A_960] : memref<128x512x512xf32, #tpu.memory_space<hbm>> -> memref<1x32x512xf32, #tpu.memory_space<hbm>>
    %dma_start3A_962 = tpu.memref_squeeze %dma_start3A_961 : memref<1x32x512xf32, #tpu.memory_space<hbm>> -> memref<32x512xf32, #tpu.memory_space<hbm>>
    tpu.enqueue_dma source(%dma_start3A_962 : memref<32x512xf32, #tpu.memory_space<hbm>>) target(%arg11 : memref<32x512xf32, #tpu.memory_space<vmem>>) target_semaphore(%arg15 : memref<!tpu.dma_semaphore, #tpu.memory_space<semaphore_mem>>)
    %dma_wait3A_963 = arith.constant 0 : i32
    %dma_wait3A_964 = tpu.memref_slice %arg12[%mul3A_22, %dma_wait3A_963] : memref<1024x512xf32, #tpu.memory_space<vmem_shared>> -> memref<32x512xf32, #tpu.memory_space<vmem_shared>>
    %dma_wait3A_965 = arith.constant 480 : i32
    %dma_wait3A_966 = arith.constant 0 : i32
    %dma_wait3A_967 = tpu.memref_slice %arg2[%squeeze3A_6, %dma_wait3A_965, %dma_wait3A_966] : memref<128x512x512xf32, #tpu.memory_space<hbm>> -> memref<1x32x512xf32, #tpu.memory_space<hbm>>
    %dma_wait3A_968 = tpu.memref_squeeze %dma_wait3A_967 : memref<1x32x512xf32, #tpu.memory_space<hbm>> -> memref<32x512xf32, #tpu.memory_space<hbm>>
    tpu.wait_dma2 semaphore(%arg20 : memref<!tpu.dma_semaphore, #tpu.memory_space<semaphore_mem>>) src(%dma_wait3A_968 : memref<32x512xf32, #tpu.memory_space<hbm>>) dst(%dma_wait3A_964 : memref<32x512xf32, #tpu.memory_space<vmem_shared>>)
    %add3A_969 = arith.constant 1 : i32
    %add3A_970 = arith.addi %mul3A_10, %add3A_969 : i32
    %dma_start3A_971 = arith.constant 480 : i32
    %dma_start3A_972 = arith.constant 0 : i32
    %dma_start3A_973 = tpu.memref_slice %arg5[%add3A_970, %dma_start3A_971, %dma_start3A_972] : memref<96x512x512xf32, #tpu.memory_space<hbm>> -> memref<1x32x512xf32, #tpu.memory_space<hbm>>
    %dma_start3A_974 = tpu.memref_squeeze %dma_start3A_973 : memref<1x32x512xf32, #tpu.memory_space<hbm>> -> memref<32x512xf32, #tpu.memory_space<hbm>>
    %dma_start3A_975 = arith.constant 0 : i32
    %dma_start3A_976 = tpu.memref_slice %arg12[%mul3A_22, %dma_start3A_975] : memref<1024x512xf32, #tpu.memory_space<vmem_shared>> -> memref<32x512xf32, #tpu.memory_space<vmem_shared>>
    tpu.enqueue_dma source(%dma_start3A_976 : memref<32x512xf32, #tpu.memory_space<vmem_shared>>) target(%dma_start3A_974 : memref<32x512xf32, #tpu.memory_space<hbm>>) target_semaphore(%arg22 : memref<!tpu.dma_semaphore, #tpu.memory_space<semaphore_mem>>)
    %dma_wait3A_977 = arith.constant 416 : i32
    %dma_wait3A_978 = arith.constant 0 : i32
    %dma_wait3A_979 = tpu.memref_slice %arg5[%add3A_910, %dma_wait3A_977, %dma_wait3A_978] : memref<96x512x512xf32, #tpu.memory_space<hbm>> -> memref<1x32x512xf32, #tpu.memory_space<hbm>>
    %dma_wait3A_980 = tpu.memref_squeeze %dma_wait3A_979 : memref<1x32x512xf32, #tpu.memory_space<hbm>> -> memref<32x512xf32, #tpu.memory_space<hbm>>
    %dma_wait3A_981 = arith.constant 0 : i32
    %dma_wait3A_982 = tpu.memref_slice %arg12[%mul3A_16, %dma_wait3A_981] : memref<1024x512xf32, #tpu.memory_space<vmem_shared>> -> memref<32x512xf32, #tpu.memory_space<vmem_shared>>
    tpu.wait_dma2 semaphore(%arg21 : memref<!tpu.dma_semaphore, #tpu.memory_space<semaphore_mem>>) src(%dma_wait3A_982 : memref<32x512xf32, #tpu.memory_space<vmem_shared>>) dst(%dma_wait3A_980 : memref<32x512xf32, #tpu.memory_space<hbm>>)
    %dma_start3A_983 = arith.constant 0 : i32
    %dma_start3A_984 = tpu.memref_slice %arg12[%mul3A_16, %dma_start3A_983] : memref<1024x512xf32, #tpu.memory_space<vmem_shared>> -> memref<32x512xf32, #tpu.memory_space<vmem_shared>>
    %dma_start3A_985 = arith.constant 32 : i32
    %dma_start3A_986 = arith.constant 0 : i32
    %dma_start3A_987 = tpu.memref_slice %arg2[%squeeze3A_8, %dma_start3A_985, %dma_start3A_986] : memref<128x512x512xf32, #tpu.memory_space<hbm>> -> memref<1x32x512xf32, #tpu.memory_space<hbm>>
    %dma_start3A_988 = tpu.memref_squeeze %dma_start3A_987 : memref<1x32x512xf32, #tpu.memory_space<hbm>> -> memref<32x512xf32, #tpu.memory_space<hbm>>
    tpu.enqueue_dma source(%dma_start3A_988 : memref<32x512xf32, #tpu.memory_space<hbm>>) target(%dma_start3A_984 : memref<32x512xf32, #tpu.memory_space<vmem_shared>>) target_semaphore(%arg19 : memref<!tpu.dma_semaphore, #tpu.memory_space<semaphore_mem>>)
    %dma_wait3A_989 = arith.constant 0 : i32
    %dma_wait3A_990 = arith.constant 0 : i32
    %dma_wait3A_991 = tpu.memref_slice %arg2[%squeeze3A_8, %dma_wait3A_989, %dma_wait3A_990] : memref<128x512x512xf32, #tpu.memory_space<hbm>> -> memref<1x32x512xf32, #tpu.memory_space<hbm>>
    %dma_wait3A_992 = tpu.memref_squeeze %dma_wait3A_991 : memref<1x32x512xf32, #tpu.memory_space<hbm>> -> memref<32x512xf32, #tpu.memory_space<hbm>>
    %dma_wait3A_993 = arith.constant 0 : i32
    %dma_wait3A_994 = arith.constant 0 : i32
    %dma_wait3A_995 = tpu.memref_slice %arg2[%squeeze3A_8, %dma_wait3A_993, %dma_wait3A_994] : memref<128x512x512xf32, #tpu.memory_space<hbm>> -> memref<1x32x512xf32, #tpu.memory_space<hbm>>
    %dma_wait3A_996 = tpu.memref_squeeze %dma_wait3A_995 : memref<1x32x512xf32, #tpu.memory_space<hbm>> -> memref<32x512xf32, #tpu.memory_space<hbm>>
    tpu.wait_dma2 semaphore(%arg14 : memref<!tpu.dma_semaphore, #tpu.memory_space<semaphore_mem>>) src(%dma_wait3A_996 : memref<32x512xf32, #tpu.memory_space<hbm>>) dst(%arg10 : memref<32x512xf32, #tpu.memory_space<vmem>>)
    %add3A_997 = arith.constant 2 : i32
    %add3A_998 = arith.addi %mul3A_10, %add3A_997 : i32
    %dma_start3A_999 = arith.constant 0 : i32
    %dma_start3A_1000 = arith.constant 0 : i32
    %dma_start3A_1001 = tpu.memref_slice %arg5[%add3A_998, %dma_start3A_999, %dma_start3A_1000] : memref<96x512x512xf32, #tpu.memory_space<hbm>> -> memref<1x32x512xf32, #tpu.memory_space<hbm>>
    %dma_start3A_1002 = tpu.memref_squeeze %dma_start3A_1001 : memref<1x32x512xf32, #tpu.memory_space<hbm>> -> memref<32x512xf32, #tpu.memory_space<hbm>>
    %dma_start3A_1003 = arith.constant 0 : i32
    %dma_start3A_1004 = arith.constant 0 : i32
    %dma_start3A_1005 = tpu.memref_slice %arg5[%add3A_998, %dma_start3A_1003, %dma_start3A_1004] : memref<96x512x512xf32, #tpu.memory_space<hbm>> -> memref<1x32x512xf32, #tpu.memory_space<hbm>>
    %dma_start3A_1006 = tpu.memref_squeeze %dma_start3A_1005 : memref<1x32x512xf32, #tpu.memory_space<hbm>> -> memref<32x512xf32, #tpu.memory_space<hbm>>
    tpu.enqueue_dma source(%arg10 : memref<32x512xf32, #tpu.memory_space<vmem>>) target(%dma_start3A_1006 : memref<32x512xf32, #tpu.memory_space<hbm>>) target_semaphore(%arg17 : memref<!tpu.dma_semaphore, #tpu.memory_space<semaphore_mem>>)
    %dma_wait3A_1007 = arith.constant 448 : i32
    %dma_wait3A_1008 = arith.constant 0 : i32
    %dma_wait3A_1009 = tpu.memref_slice %arg5[%add3A_938, %dma_wait3A_1007, %dma_wait3A_1008] : memref<96x512x512xf32, #tpu.memory_space<hbm>> -> memref<1x32x512xf32, #tpu.memory_space<hbm>>
    %dma_wait3A_1010 = tpu.memref_squeeze %dma_wait3A_1009 : memref<1x32x512xf32, #tpu.memory_space<hbm>> -> memref<32x512xf32, #tpu.memory_space<hbm>>
    %dma_wait3A_1011 = arith.constant 448 : i32
    %dma_wait3A_1012 = arith.constant 0 : i32
    %dma_wait3A_1013 = tpu.memref_slice %arg5[%add3A_938, %dma_wait3A_1011, %dma_wait3A_1012] : memref<96x512x512xf32, #tpu.memory_space<hbm>> -> memref<1x32x512xf32, #tpu.memory_space<hbm>>
    %dma_wait3A_1014 = tpu.memref_squeeze %dma_wait3A_1013 : memref<1x32x512xf32, #tpu.memory_space<hbm>> -> memref<32x512xf32, #tpu.memory_space<hbm>>
    tpu.wait_dma2 semaphore(%arg16 : memref<!tpu.dma_semaphore, #tpu.memory_space<semaphore_mem>>) src(%arg9 : memref<32x512xf32, #tpu.memory_space<vmem>>) dst(%dma_wait3A_1014 : memref<32x512xf32, #tpu.memory_space<hbm>>)
    %dma_start3A_1015 = arith.constant 128 : i32
    %dma_start3A_1016 = arith.constant 0 : i32
    %dma_start3A_1017 = tpu.memref_slice %arg2[%squeeze3A_8, %dma_start3A_1015, %dma_start3A_1016] : memref<128x512x512xf32, #tpu.memory_space<hbm>> -> memref<1x32x512xf32, #tpu.memory_space<hbm>>
    %dma_start3A_1018 = tpu.memref_squeeze %dma_start3A_1017 : memref<1x32x512xf32, #tpu.memory_space<hbm>> -> memref<32x512xf32, #tpu.memory_space<hbm>>
    %dma_start3A_1019 = arith.constant 128 : i32
    %dma_start3A_1020 = arith.constant 0 : i32
    %dma_start3A_1021 = tpu.memref_slice %arg2[%squeeze3A_8, %dma_start3A_1019, %dma_start3A_1020] : memref<128x512x512xf32, #tpu.memory_space<hbm>> -> memref<1x32x512xf32, #tpu.memory_space<hbm>>
    %dma_start3A_1022 = tpu.memref_squeeze %dma_start3A_1021 : memref<1x32x512xf32, #tpu.memory_space<hbm>> -> memref<32x512xf32, #tpu.memory_space<hbm>>
    tpu.enqueue_dma source(%dma_start3A_1022 : memref<32x512xf32, #tpu.memory_space<hbm>>) target(%arg9 : memref<32x512xf32, #tpu.memory_space<vmem>>) target_semaphore(%arg13 : memref<!tpu.dma_semaphore, #tpu.memory_space<semaphore_mem>>)
    %dma_wait3A_1023 = arith.constant 0 : i32
    %dma_wait3A_1024 = tpu.memref_slice %arg12[%mul3A_16, %dma_wait3A_1023] : memref<1024x512xf32, #tpu.memory_space<vmem_shared>> -> memref<32x512xf32, #tpu.memory_space<vmem_shared>>
    %dma_wait3A_1025 = arith.constant 32 : i32
    %dma_wait3A_1026 = arith.constant 0 : i32
    %dma_wait3A_1027 = tpu.memref_slice %arg2[%squeeze3A_8, %dma_wait3A_1025, %dma_wait3A_1026] : memref<128x512x512xf32, #tpu.memory_space<hbm>> -> memref<1x32x512xf32, #tpu.memory_space<hbm>>
    %dma_wait3A_1028 = tpu.memref_squeeze %dma_wait3A_1027 : memref<1x32x512xf32, #tpu.memory_space<hbm>> -> memref<32x512xf32, #tpu.memory_space<hbm>>
    tpu.wait_dma2 semaphore(%arg19 : memref<!tpu.dma_semaphore, #tpu.memory_space<semaphore_mem>>) src(%dma_wait3A_1028 : memref<32x512xf32, #tpu.memory_space<hbm>>) dst(%dma_wait3A_1024 : memref<32x512xf32, #tpu.memory_space<vmem_shared>>)
    %add3A_1029 = arith.constant 2 : i32
    %add3A_1030 = arith.addi %mul3A_10, %add3A_1029 : i32
    %dma_start3A_1031 = arith.constant 32 : i32
    %dma_start3A_1032 = arith.constant 0 : i32
    %dma_start3A_1033 = tpu.memref_slice %arg5[%add3A_1030, %dma_start3A_1031, %dma_start3A_1032] : memref<96x512x512xf32, #tpu.memory_space<hbm>> -> memref<1x32x512xf32, #tpu.memory_space<hbm>>
    %dma_start3A_1034 = tpu.memref_squeeze %dma_start3A_1033 : memref<1x32x512xf32, #tpu.memory_space<hbm>> -> memref<32x512xf32, #tpu.memory_space<hbm>>
    %dma_start3A_1035 = arith.constant 0 : i32
    %dma_start3A_1036 = tpu.memref_slice %arg12[%mul3A_16, %dma_start3A_1035] : memref<1024x512xf32, #tpu.memory_space<vmem_shared>> -> memref<32x512xf32, #tpu.memory_space<vmem_shared>>
    tpu.enqueue_dma source(%dma_start3A_1036 : memref<32x512xf32, #tpu.memory_space<vmem_shared>>) target(%dma_start3A_1034 : memref<32x512xf32, #tpu.memory_space<hbm>>) target_semaphore(%arg21 : memref<!tpu.dma_semaphore, #tpu.memory_space<semaphore_mem>>)
    %dma_wait3A_1037 = arith.constant 480 : i32
    %dma_wait3A_1038 = arith.constant 0 : i32
    %dma_wait3A_1039 = tpu.memref_slice %arg5[%add3A_970, %dma_wait3A_1037, %dma_wait3A_1038] : memref<96x512x512xf32, #tpu.memory_space<hbm>> -> memref<1x32x512xf32, #tpu.memory_space<hbm>>
    %dma_wait3A_1040 = tpu.memref_squeeze %dma_wait3A_1039 : memref<1x32x512xf32, #tpu.memory_space<hbm>> -> memref<32x512xf32, #tpu.memory_space<hbm>>
    %dma_wait3A_1041 = arith.constant 0 : i32
    %dma_wait3A_1042 = tpu.memref_slice %arg12[%mul3A_22, %dma_wait3A_1041] : memref<1024x512xf32, #tpu.memory_space<vmem_shared>> -> memref<32x512xf32, #tpu.memory_space<vmem_shared>>
    tpu.wait_dma2 semaphore(%arg22 : memref<!tpu.dma_semaphore, #tpu.memory_space<semaphore_mem>>) src(%dma_wait3A_1042 : memref<32x512xf32, #tpu.memory_space<vmem_shared>>) dst(%dma_wait3A_1040 : memref<32x512xf32, #tpu.memory_space<hbm>>)
    %dma_start3A_1043 = arith.constant 0 : i32
    %dma_start3A_1044 = tpu.memref_slice %arg12[%mul3A_22, %dma_start3A_1043] : memref<1024x512xf32, #tpu.memory_space<vmem_shared>> -> memref<32x512xf32, #tpu.memory_space<vmem_shared>>
    %dma_start3A_1045 = arith.constant 96 : i32
    %dma_start3A_1046 = arith.constant 0 : i32
    %dma_start3A_1047 = tpu.memref_slice %arg2[%squeeze3A_8, %dma_start3A_1045, %dma_start3A_1046] : memref<128x512x512xf32, #tpu.memory_space<hbm>> -> memref<1x32x512xf32, #tpu.memory_space<hbm>>
    %dma_start3A_1048 = tpu.memref_squeeze %dma_start3A_1047 : memref<1x32x512xf32, #tpu.memory_space<hbm>> -> memref<32x512xf32, #tpu.memory_space<hbm>>
    tpu.enqueue_dma source(%dma_start3A_1048 : memref<32x512xf32, #tpu.memory_space<hbm>>) target(%dma_start3A_1044 : memref<32x512xf32, #tpu.memory_space<vmem_shared>>) target_semaphore(%arg20 : memref<!tpu.dma_semaphore, #tpu.memory_space<semaphore_mem>>)
    %dma_wait3A_1049 = arith.constant 64 : i32
    %dma_wait3A_1050 = arith.constant 0 : i32
    %dma_wait3A_1051 = tpu.memref_slice %arg2[%squeeze3A_8, %dma_wait3A_1049, %dma_wait3A_1050] : memref<128x512x512xf32, #tpu.memory_space<hbm>> -> memref<1x32x512xf32, #tpu.memory_space<hbm>>
    %dma_wait3A_1052 = tpu.memref_squeeze %dma_wait3A_1051 : memref<1x32x512xf32, #tpu.memory_space<hbm>> -> memref<32x512xf32, #tpu.memory_space<hbm>>
    %dma_wait3A_1053 = arith.constant 64 : i32
    %dma_wait3A_1054 = arith.constant 0 : i32
    %dma_wait3A_1055 = tpu.memref_slice %arg2[%squeeze3A_8, %dma_wait3A_1053, %dma_wait3A_1054] : memref<128x512x512xf32, #tpu.memory_space<hbm>> -> memref<1x32x512xf32, #tpu.memory_space<hbm>>
    %dma_wait3A_1056 = tpu.memref_squeeze %dma_wait3A_1055 : memref<1x32x512xf32, #tpu.memory_space<hbm>> -> memref<32x512xf32, #tpu.memory_space<hbm>>
    tpu.wait_dma2 semaphore(%arg15 : memref<!tpu.dma_semaphore, #tpu.memory_space<semaphore_mem>>) src(%dma_wait3A_1056 : memref<32x512xf32, #tpu.memory_space<hbm>>) dst(%arg11 : memref<32x512xf32, #tpu.memory_space<vmem>>)
    %add3A_1057 = arith.constant 2 : i32
    %add3A_1058 = arith.addi %mul3A_10, %add3A_1057 : i32
    %dma_start3A_1059 = arith.constant 64 : i32
    %dma_start3A_1060 = arith.constant 0 : i32
    %dma_start3A_1061 = tpu.memref_slice %arg5[%add3A_1058, %dma_start3A_1059, %dma_start3A_1060] : memref<96x512x512xf32, #tpu.memory_space<hbm>> -> memref<1x32x512xf32, #tpu.memory_space<hbm>>
    %dma_start3A_1062 = tpu.memref_squeeze %dma_start3A_1061 : memref<1x32x512xf32, #tpu.memory_space<hbm>> -> memref<32x512xf32, #tpu.memory_space<hbm>>
    %dma_start3A_1063 = arith.constant 64 : i32
    %dma_start3A_1064 = arith.constant 0 : i32
    %dma_start3A_1065 = tpu.memref_slice %arg5[%add3A_1058, %dma_start3A_1063, %dma_start3A_1064] : memref<96x512x512xf32, #tpu.memory_space<hbm>> -> memref<1x32x512xf32, #tpu.memory_space<hbm>>
    %dma_start3A_1066 = tpu.memref_squeeze %dma_start3A_1065 : memref<1x32x512xf32, #tpu.memory_space<hbm>> -> memref<32x512xf32, #tpu.memory_space<hbm>>
    tpu.enqueue_dma source(%arg11 : memref<32x512xf32, #tpu.memory_space<vmem>>) target(%dma_start3A_1066 : memref<32x512xf32, #tpu.memory_space<hbm>>) target_semaphore(%arg18 : memref<!tpu.dma_semaphore, #tpu.memory_space<semaphore_mem>>)
    %dma_wait3A_1067 = arith.constant 0 : i32
    %dma_wait3A_1068 = arith.constant 0 : i32
    %dma_wait3A_1069 = tpu.memref_slice %arg5[%add3A_998, %dma_wait3A_1067, %dma_wait3A_1068] : memref<96x512x512xf32, #tpu.memory_space<hbm>> -> memref<1x32x512xf32, #tpu.memory_space<hbm>>
    %dma_wait3A_1070 = tpu.memref_squeeze %dma_wait3A_1069 : memref<1x32x512xf32, #tpu.memory_space<hbm>> -> memref<32x512xf32, #tpu.memory_space<hbm>>
    %dma_wait3A_1071 = arith.constant 0 : i32
    %dma_wait3A_1072 = arith.constant 0 : i32
    %dma_wait3A_1073 = tpu.memref_slice %arg5[%add3A_998, %dma_wait3A_1071, %dma_wait3A_1072] : memref<96x512x512xf32, #tpu.memory_space<hbm>> -> memref<1x32x512xf32, #tpu.memory_space<hbm>>
    %dma_wait3A_1074 = tpu.memref_squeeze %dma_wait3A_1073 : memref<1x32x512xf32, #tpu.memory_space<hbm>> -> memref<32x512xf32, #tpu.memory_space<hbm>>
    tpu.wait_dma2 semaphore(%arg17 : memref<!tpu.dma_semaphore, #tpu.memory_space<semaphore_mem>>) src(%arg10 : memref<32x512xf32, #tpu.memory_space<vmem>>) dst(%dma_wait3A_1074 : memref<32x512xf32, #tpu.memory_space<hbm>>)
    %dma_start3A_1075 = arith.constant 192 : i32
    %dma_start3A_1076 = arith.constant 0 : i32
    %dma_start3A_1077 = tpu.memref_slice %arg2[%squeeze3A_8, %dma_start3A_1075, %dma_start3A_1076] : memref<128x512x512xf32, #tpu.memory_space<hbm>> -> memref<1x32x512xf32, #tpu.memory_space<hbm>>
    %dma_start3A_1078 = tpu.memref_squeeze %dma_start3A_1077 : memref<1x32x512xf32, #tpu.memory_space<hbm>> -> memref<32x512xf32, #tpu.memory_space<hbm>>
    %dma_start3A_1079 = arith.constant 192 : i32
    %dma_start3A_1080 = arith.constant 0 : i32
    %dma_start3A_1081 = tpu.memref_slice %arg2[%squeeze3A_8, %dma_start3A_1079, %dma_start3A_1080] : memref<128x512x512xf32, #tpu.memory_space<hbm>> -> memref<1x32x512xf32, #tpu.memory_space<hbm>>
    %dma_start3A_1082 = tpu.memref_squeeze %dma_start3A_1081 : memref<1x32x512xf32, #tpu.memory_space<hbm>> -> memref<32x512xf32, #tpu.memory_space<hbm>>
    tpu.enqueue_dma source(%dma_start3A_1082 : memref<32x512xf32, #tpu.memory_space<hbm>>) target(%arg10 : memref<32x512xf32, #tpu.memory_space<vmem>>) target_semaphore(%arg14 : memref<!tpu.dma_semaphore, #tpu.memory_space<semaphore_mem>>)
    %dma_wait3A_1083 = arith.constant 0 : i32
    %dma_wait3A_1084 = tpu.memref_slice %arg12[%mul3A_22, %dma_wait3A_1083] : memref<1024x512xf32, #tpu.memory_space<vmem_shared>> -> memref<32x512xf32, #tpu.memory_space<vmem_shared>>
    %dma_wait3A_1085 = arith.constant 96 : i32
    %dma_wait3A_1086 = arith.constant 0 : i32
    %dma_wait3A_1087 = tpu.memref_slice %arg2[%squeeze3A_8, %dma_wait3A_1085, %dma_wait3A_1086] : memref<128x512x512xf32, #tpu.memory_space<hbm>> -> memref<1x32x512xf32, #tpu.memory_space<hbm>>
    %dma_wait3A_1088 = tpu.memref_squeeze %dma_wait3A_1087 : memref<1x32x512xf32, #tpu.memory_space<hbm>> -> memref<32x512xf32, #tpu.memory_space<hbm>>
    tpu.wait_dma2 semaphore(%arg20 : memref<!tpu.dma_semaphore, #tpu.memory_space<semaphore_mem>>) src(%dma_wait3A_1088 : memref<32x512xf32, #tpu.memory_space<hbm>>) dst(%dma_wait3A_1084 : memref<32x512xf32, #tpu.memory_space<vmem_shared>>)
    %add3A_1089 = arith.constant 2 : i32
    %add3A_1090 = arith.addi %mul3A_10, %add3A_1089 : i32
    %dma_start3A_1091 = arith.constant 96 : i32
    %dma_start3A_1092 = arith.constant 0 : i32
    %dma_start3A_1093 = tpu.memref_slice %arg5[%add3A_1090, %dma_start3A_1091, %dma_start3A_1092] : memref<96x512x512xf32, #tpu.memory_space<hbm>> -> memref<1x32x512xf32, #tpu.memory_space<hbm>>
    %dma_start3A_1094 = tpu.memref_squeeze %dma_start3A_1093 : memref<1x32x512xf32, #tpu.memory_space<hbm>> -> memref<32x512xf32, #tpu.memory_space<hbm>>
    %dma_start3A_1095 = arith.constant 0 : i32
    %dma_start3A_1096 = tpu.memref_slice %arg12[%mul3A_22, %dma_start3A_1095] : memref<1024x512xf32, #tpu.memory_space<vmem_shared>> -> memref<32x512xf32, #tpu.memory_space<vmem_shared>>
    tpu.enqueue_dma source(%dma_start3A_1096 : memref<32x512xf32, #tpu.memory_space<vmem_shared>>) target(%dma_start3A_1094 : memref<32x512xf32, #tpu.memory_space<hbm>>) target_semaphore(%arg22 : memref<!tpu.dma_semaphore, #tpu.memory_space<semaphore_mem>>)
    %dma_wait3A_1097 = arith.constant 32 : i32
    %dma_wait3A_1098 = arith.constant 0 : i32
    %dma_wait3A_1099 = tpu.memref_slice %arg5[%add3A_1030, %dma_wait3A_1097, %dma_wait3A_1098] : memref<96x512x512xf32, #tpu.memory_space<hbm>> -> memref<1x32x512xf32, #tpu.memory_space<hbm>>
    %dma_wait3A_1100 = tpu.memref_squeeze %dma_wait3A_1099 : memref<1x32x512xf32, #tpu.memory_space<hbm>> -> memref<32x512xf32, #tpu.memory_space<hbm>>
    %dma_wait3A_1101 = arith.constant 0 : i32
    %dma_wait3A_1102 = tpu.memref_slice %arg12[%mul3A_16, %dma_wait3A_1101] : memref<1024x512xf32, #tpu.memory_space<vmem_shared>> -> memref<32x512xf32, #tpu.memory_space<vmem_shared>>
    tpu.wait_dma2 semaphore(%arg21 : memref<!tpu.dma_semaphore, #tpu.memory_space<semaphore_mem>>) src(%dma_wait3A_1102 : memref<32x512xf32, #tpu.memory_space<vmem_shared>>) dst(%dma_wait3A_1100 : memref<32x512xf32, #tpu.memory_space<hbm>>)
    %dma_start3A_1103 = arith.constant 0 : i32
    %dma_start3A_1104 = tpu.memref_slice %arg12[%mul3A_16, %dma_start3A_1103] : memref<1024x512xf32, #tpu.memory_space<vmem_shared>> -> memref<32x512xf32, #tpu.memory_space<vmem_shared>>
    %dma_start3A_1105 = arith.constant 160 : i32
    %dma_start3A_1106 = arith.constant 0 : i32
    %dma_start3A_1107 = tpu.memref_slice %arg2[%squeeze3A_8, %dma_start3A_1105, %dma_start3A_1106] : memref<128x512x512xf32, #tpu.memory_space<hbm>> -> memref<1x32x512xf32, #tpu.memory_space<hbm>>
    %dma_start3A_1108 = tpu.memref_squeeze %dma_start3A_1107 : memref<1x32x512xf32, #tpu.memory_space<hbm>> -> memref<32x512xf32, #tpu.memory_space<hbm>>
    tpu.enqueue_dma source(%dma_start3A_1108 : memref<32x512xf32, #tpu.memory_space<hbm>>) target(%dma_start3A_1104 : memref<32x512xf32, #tpu.memory_space<vmem_shared>>) target_semaphore(%arg19 : memref<!tpu.dma_semaphore, #tpu.memory_space<semaphore_mem>>)
    %dma_wait3A_1109 = arith.constant 128 : i32
    %dma_wait3A_1110 = arith.constant 0 : i32
    %dma_wait3A_1111 = tpu.memref_slice %arg2[%squeeze3A_8, %dma_wait3A_1109, %dma_wait3A_1110] : memref<128x512x512xf32, #tpu.memory_space<hbm>> -> memref<1x32x512xf32, #tpu.memory_space<hbm>>
    %dma_wait3A_1112 = tpu.memref_squeeze %dma_wait3A_1111 : memref<1x32x512xf32, #tpu.memory_space<hbm>> -> memref<32x512xf32, #tpu.memory_space<hbm>>
    %dma_wait3A_1113 = arith.constant 128 : i32
    %dma_wait3A_1114 = arith.constant 0 : i32
    %dma_wait3A_1115 = tpu.memref_slice %arg2[%squeeze3A_8, %dma_wait3A_1113, %dma_wait3A_1114] : memref<128x512x512xf32, #tpu.memory_space<hbm>> -> memref<1x32x512xf32, #tpu.memory_space<hbm>>
    %dma_wait3A_1116 = tpu.memref_squeeze %dma_wait3A_1115 : memref<1x32x512xf32, #tpu.memory_space<hbm>> -> memref<32x512xf32, #tpu.memory_space<hbm>>
    tpu.wait_dma2 semaphore(%arg13 : memref<!tpu.dma_semaphore, #tpu.memory_space<semaphore_mem>>) src(%dma_wait3A_1116 : memref<32x512xf32, #tpu.memory_space<hbm>>) dst(%arg9 : memref<32x512xf32, #tpu.memory_space<vmem>>)
    %add3A_1117 = arith.constant 2 : i32
    %add3A_1118 = arith.addi %mul3A_10, %add3A_1117 : i32
    %dma_start3A_1119 = arith.constant 128 : i32
    %dma_start3A_1120 = arith.constant 0 : i32
    %dma_start3A_1121 = tpu.memref_slice %arg5[%add3A_1118, %dma_start3A_1119, %dma_start3A_1120] : memref<96x512x512xf32, #tpu.memory_space<hbm>> -> memref<1x32x512xf32, #tpu.memory_space<hbm>>
    %dma_start3A_1122 = tpu.memref_squeeze %dma_start3A_1121 : memref<1x32x512xf32, #tpu.memory_space<hbm>> -> memref<32x512xf32, #tpu.memory_space<hbm>>
    %dma_start3A_1123 = arith.constant 128 : i32
    %dma_start3A_1124 = arith.constant 0 : i32
    %dma_start3A_1125 = tpu.memref_slice %arg5[%add3A_1118, %dma_start3A_1123, %dma_start3A_1124] : memref<96x512x512xf32, #tpu.memory_space<hbm>> -> memref<1x32x512xf32, #tpu.memory_space<hbm>>
    %dma_start3A_1126 = tpu.memref_squeeze %dma_start3A_1125 : memref<1x32x512xf32, #tpu.memory_space<hbm>> -> memref<32x512xf32, #tpu.memory_space<hbm>>
    tpu.enqueue_dma source(%arg9 : memref<32x512xf32, #tpu.memory_space<vmem>>) target(%dma_start3A_1126 : memref<32x512xf32, #tpu.memory_space<hbm>>) target_semaphore(%arg16 : memref<!tpu.dma_semaphore, #tpu.memory_space<semaphore_mem>>)
    %dma_wait3A_1127 = arith.constant 64 : i32
    %dma_wait3A_1128 = arith.constant 0 : i32
    %dma_wait3A_1129 = tpu.memref_slice %arg5[%add3A_1058, %dma_wait3A_1127, %dma_wait3A_1128] : memref<96x512x512xf32, #tpu.memory_space<hbm>> -> memref<1x32x512xf32, #tpu.memory_space<hbm>>
    %dma_wait3A_1130 = tpu.memref_squeeze %dma_wait3A_1129 : memref<1x32x512xf32, #tpu.memory_space<hbm>> -> memref<32x512xf32, #tpu.memory_space<hbm>>
    %dma_wait3A_1131 = arith.constant 64 : i32
    %dma_wait3A_1132 = arith.constant 0 : i32
    %dma_wait3A_1133 = tpu.memref_slice %arg5[%add3A_1058, %dma_wait3A_1131, %dma_wait3A_1132] : memref<96x512x512xf32, #tpu.memory_space<hbm>> -> memref<1x32x512xf32, #tpu.memory_space<hbm>>
    %dma_wait3A_1134 = tpu.memref_squeeze %dma_wait3A_1133 : memref<1x32x512xf32, #tpu.memory_space<hbm>> -> memref<32x512xf32, #tpu.memory_space<hbm>>
    tpu.wait_dma2 semaphore(%arg18 : memref<!tpu.dma_semaphore, #tpu.memory_space<semaphore_mem>>) src(%arg11 : memref<32x512xf32, #tpu.memory_space<vmem>>) dst(%dma_wait3A_1134 : memref<32x512xf32, #tpu.memory_space<hbm>>)
    %dma_start3A_1135 = arith.constant 256 : i32
    %dma_start3A_1136 = arith.constant 0 : i32
    %dma_start3A_1137 = tpu.memref_slice %arg2[%squeeze3A_8, %dma_start3A_1135, %dma_start3A_1136] : memref<128x512x512xf32, #tpu.memory_space<hbm>> -> memref<1x32x512xf32, #tpu.memory_space<hbm>>
    %dma_start3A_1138 = tpu.memref_squeeze %dma_start3A_1137 : memref<1x32x512xf32, #tpu.memory_space<hbm>> -> memref<32x512xf32, #tpu.memory_space<hbm>>
    %dma_start3A_1139 = arith.constant 256 : i32
    %dma_start3A_1140 = arith.constant 0 : i32
    %dma_start3A_1141 = tpu.memref_slice %arg2[%squeeze3A_8, %dma_start3A_1139, %dma_start3A_1140] : memref<128x512x512xf32, #tpu.memory_space<hbm>> -> memref<1x32x512xf32, #tpu.memory_space<hbm>>
    %dma_start3A_1142 = tpu.memref_squeeze %dma_start3A_1141 : memref<1x32x512xf32, #tpu.memory_space<hbm>> -> memref<32x512xf32, #tpu.memory_space<hbm>>
    tpu.enqueue_dma source(%dma_start3A_1142 : memref<32x512xf32, #tpu.memory_space<hbm>>) target(%arg11 : memref<32x512xf32, #tpu.memory_space<vmem>>) target_semaphore(%arg15 : memref<!tpu.dma_semaphore, #tpu.memory_space<semaphore_mem>>)
    %dma_wait3A_1143 = arith.constant 0 : i32
    %dma_wait3A_1144 = tpu.memref_slice %arg12[%mul3A_16, %dma_wait3A_1143] : memref<1024x512xf32, #tpu.memory_space<vmem_shared>> -> memref<32x512xf32, #tpu.memory_space<vmem_shared>>
    %dma_wait3A_1145 = arith.constant 160 : i32
    %dma_wait3A_1146 = arith.constant 0 : i32
    %dma_wait3A_1147 = tpu.memref_slice %arg2[%squeeze3A_8, %dma_wait3A_1145, %dma_wait3A_1146] : memref<128x512x512xf32, #tpu.memory_space<hbm>> -> memref<1x32x512xf32, #tpu.memory_space<hbm>>
    %dma_wait3A_1148 = tpu.memref_squeeze %dma_wait3A_1147 : memref<1x32x512xf32, #tpu.memory_space<hbm>> -> memref<32x512xf32, #tpu.memory_space<hbm>>
    tpu.wait_dma2 semaphore(%arg19 : memref<!tpu.dma_semaphore, #tpu.memory_space<semaphore_mem>>) src(%dma_wait3A_1148 : memref<32x512xf32, #tpu.memory_space<hbm>>) dst(%dma_wait3A_1144 : memref<32x512xf32, #tpu.memory_space<vmem_shared>>)
    %add3A_1149 = arith.constant 2 : i32
    %add3A_1150 = arith.addi %mul3A_10, %add3A_1149 : i32
    %dma_start3A_1151 = arith.constant 160 : i32
    %dma_start3A_1152 = arith.constant 0 : i32
    %dma_start3A_1153 = tpu.memref_slice %arg5[%add3A_1150, %dma_start3A_1151, %dma_start3A_1152] : memref<96x512x512xf32, #tpu.memory_space<hbm>> -> memref<1x32x512xf32, #tpu.memory_space<hbm>>
    %dma_start3A_1154 = tpu.memref_squeeze %dma_start3A_1153 : memref<1x32x512xf32, #tpu.memory_space<hbm>> -> memref<32x512xf32, #tpu.memory_space<hbm>>
    %dma_start3A_1155 = arith.constant 0 : i32
    %dma_start3A_1156 = tpu.memref_slice %arg12[%mul3A_16, %dma_start3A_1155] : memref<1024x512xf32, #tpu.memory_space<vmem_shared>> -> memref<32x512xf32, #tpu.memory_space<vmem_shared>>
    tpu.enqueue_dma source(%dma_start3A_1156 : memref<32x512xf32, #tpu.memory_space<vmem_shared>>) target(%dma_start3A_1154 : memref<32x512xf32, #tpu.memory_space<hbm>>) target_semaphore(%arg21 : memref<!tpu.dma_semaphore, #tpu.memory_space<semaphore_mem>>)
    %dma_wait3A_1157 = arith.constant 96 : i32
    %dma_wait3A_1158 = arith.constant 0 : i32
    %dma_wait3A_1159 = tpu.memref_slice %arg5[%add3A_1090, %dma_wait3A_1157, %dma_wait3A_1158] : memref<96x512x512xf32, #tpu.memory_space<hbm>> -> memref<1x32x512xf32, #tpu.memory_space<hbm>>
    %dma_wait3A_1160 = tpu.memref_squeeze %dma_wait3A_1159 : memref<1x32x512xf32, #tpu.memory_space<hbm>> -> memref<32x512xf32, #tpu.memory_space<hbm>>
    %dma_wait3A_1161 = arith.constant 0 : i32
    %dma_wait3A_1162 = tpu.memref_slice %arg12[%mul3A_22, %dma_wait3A_1161] : memref<1024x512xf32, #tpu.memory_space<vmem_shared>> -> memref<32x512xf32, #tpu.memory_space<vmem_shared>>
    tpu.wait_dma2 semaphore(%arg22 : memref<!tpu.dma_semaphore, #tpu.memory_space<semaphore_mem>>) src(%dma_wait3A_1162 : memref<32x512xf32, #tpu.memory_space<vmem_shared>>) dst(%dma_wait3A_1160 : memref<32x512xf32, #tpu.memory_space<hbm>>)
    %dma_start3A_1163 = arith.constant 0 : i32
    %dma_start3A_1164 = tpu.memref_slice %arg12[%mul3A_22, %dma_start3A_1163] : memref<1024x512xf32, #tpu.memory_space<vmem_shared>> -> memref<32x512xf32, #tpu.memory_space<vmem_shared>>
    %dma_start3A_1165 = arith.constant 224 : i32
    %dma_start3A_1166 = arith.constant 0 : i32
    %dma_start3A_1167 = tpu.memref_slice %arg2[%squeeze3A_8, %dma_start3A_1165, %dma_start3A_1166] : memref<128x512x512xf32, #tpu.memory_space<hbm>> -> memref<1x32x512xf32, #tpu.memory_space<hbm>>
    %dma_start3A_1168 = tpu.memref_squeeze %dma_start3A_1167 : memref<1x32x512xf32, #tpu.memory_space<hbm>> -> memref<32x512xf32, #tpu.memory_space<hbm>>
    tpu.enqueue_dma source(%dma_start3A_1168 : memref<32x512xf32, #tpu.memory_space<hbm>>) target(%dma_start3A_1164 : memref<32x512xf32, #tpu.memory_space<vmem_shared>>) target_semaphore(%arg20 : memref<!tpu.dma_semaphore, #tpu.memory_space<semaphore_mem>>)
    %dma_wait3A_1169 = arith.constant 192 : i32
    %dma_wait3A_1170 = arith.constant 0 : i32
    %dma_wait3A_1171 = tpu.memref_slice %arg2[%squeeze3A_8, %dma_wait3A_1169, %dma_wait3A_1170] : memref<128x512x512xf32, #tpu.memory_space<hbm>> -> memref<1x32x512xf32, #tpu.memory_space<hbm>>
    %dma_wait3A_1172 = tpu.memref_squeeze %dma_wait3A_1171 : memref<1x32x512xf32, #tpu.memory_space<hbm>> -> memref<32x512xf32, #tpu.memory_space<hbm>>
    %dma_wait3A_1173 = arith.constant 192 : i32
    %dma_wait3A_1174 = arith.constant 0 : i32
    %dma_wait3A_1175 = tpu.memref_slice %arg2[%squeeze3A_8, %dma_wait3A_1173, %dma_wait3A_1174] : memref<128x512x512xf32, #tpu.memory_space<hbm>> -> memref<1x32x512xf32, #tpu.memory_space<hbm>>
    %dma_wait3A_1176 = tpu.memref_squeeze %dma_wait3A_1175 : memref<1x32x512xf32, #tpu.memory_space<hbm>> -> memref<32x512xf32, #tpu.memory_space<hbm>>
    tpu.wait_dma2 semaphore(%arg14 : memref<!tpu.dma_semaphore, #tpu.memory_space<semaphore_mem>>) src(%dma_wait3A_1176 : memref<32x512xf32, #tpu.memory_space<hbm>>) dst(%arg10 : memref<32x512xf32, #tpu.memory_space<vmem>>)
    %add3A_1177 = arith.constant 2 : i32
    %add3A_1178 = arith.addi %mul3A_10, %add3A_1177 : i32
    %dma_start3A_1179 = arith.constant 192 : i32
    %dma_start3A_1180 = arith.constant 0 : i32
    %dma_start3A_1181 = tpu.memref_slice %arg5[%add3A_1178, %dma_start3A_1179, %dma_start3A_1180] : memref<96x512x512xf32, #tpu.memory_space<hbm>> -> memref<1x32x512xf32, #tpu.memory_space<hbm>>
    %dma_start3A_1182 = tpu.memref_squeeze %dma_start3A_1181 : memref<1x32x512xf32, #tpu.memory_space<hbm>> -> memref<32x512xf32, #tpu.memory_space<hbm>>
    %dma_start3A_1183 = arith.constant 192 : i32
    %dma_start3A_1184 = arith.constant 0 : i32
    %dma_start3A_1185 = tpu.memref_slice %arg5[%add3A_1178, %dma_start3A_1183, %dma_start3A_1184] : memref<96x512x512xf32, #tpu.memory_space<hbm>> -> memref<1x32x512xf32, #tpu.memory_space<hbm>>
    %dma_start3A_1186 = tpu.memref_squeeze %dma_start3A_1185 : memref<1x32x512xf32, #tpu.memory_space<hbm>> -> memref<32x512xf32, #tpu.memory_space<hbm>>
    tpu.enqueue_dma source(%arg10 : memref<32x512xf32, #tpu.memory_space<vmem>>) target(%dma_start3A_1186 : memref<32x512xf32, #tpu.memory_space<hbm>>) target_semaphore(%arg17 : memref<!tpu.dma_semaphore, #tpu.memory_space<semaphore_mem>>)
    %dma_wait3A_1187 = arith.constant 128 : i32
    %dma_wait3A_1188 = arith.constant 0 : i32
    %dma_wait3A_1189 = tpu.memref_slice %arg5[%add3A_1118, %dma_wait3A_1187, %dma_wait3A_1188] : memref<96x512x512xf32, #tpu.memory_space<hbm>> -> memref<1x32x512xf32, #tpu.memory_space<hbm>>
    %dma_wait3A_1190 = tpu.memref_squeeze %dma_wait3A_1189 : memref<1x32x512xf32, #tpu.memory_space<hbm>> -> memref<32x512xf32, #tpu.memory_space<hbm>>
    %dma_wait3A_1191 = arith.constant 128 : i32
    %dma_wait3A_1192 = arith.constant 0 : i32
    %dma_wait3A_1193 = tpu.memref_slice %arg5[%add3A_1118, %dma_wait3A_1191, %dma_wait3A_1192] : memref<96x512x512xf32, #tpu.memory_space<hbm>> -> memref<1x32x512xf32, #tpu.memory_space<hbm>>
    %dma_wait3A_1194 = tpu.memref_squeeze %dma_wait3A_1193 : memref<1x32x512xf32, #tpu.memory_space<hbm>> -> memref<32x512xf32, #tpu.memory_space<hbm>>
    tpu.wait_dma2 semaphore(%arg16 : memref<!tpu.dma_semaphore, #tpu.memory_space<semaphore_mem>>) src(%arg9 : memref<32x512xf32, #tpu.memory_space<vmem>>) dst(%dma_wait3A_1194 : memref<32x512xf32, #tpu.memory_space<hbm>>)
    %dma_start3A_1195 = arith.constant 320 : i32
    %dma_start3A_1196 = arith.constant 0 : i32
    %dma_start3A_1197 = tpu.memref_slice %arg2[%squeeze3A_8, %dma_start3A_1195, %dma_start3A_1196] : memref<128x512x512xf32, #tpu.memory_space<hbm>> -> memref<1x32x512xf32, #tpu.memory_space<hbm>>
    %dma_start3A_1198 = tpu.memref_squeeze %dma_start3A_1197 : memref<1x32x512xf32, #tpu.memory_space<hbm>> -> memref<32x512xf32, #tpu.memory_space<hbm>>
    %dma_start3A_1199 = arith.constant 320 : i32
    %dma_start3A_1200 = arith.constant 0 : i32
    %dma_start3A_1201 = tpu.memref_slice %arg2[%squeeze3A_8, %dma_start3A_1199, %dma_start3A_1200] : memref<128x512x512xf32, #tpu.memory_space<hbm>> -> memref<1x32x512xf32, #tpu.memory_space<hbm>>
    %dma_start3A_1202 = tpu.memref_squeeze %dma_start3A_1201 : memref<1x32x512xf32, #tpu.memory_space<hbm>> -> memref<32x512xf32, #tpu.memory_space<hbm>>
    tpu.enqueue_dma source(%dma_start3A_1202 : memref<32x512xf32, #tpu.memory_space<hbm>>) target(%arg9 : memref<32x512xf32, #tpu.memory_space<vmem>>) target_semaphore(%arg13 : memref<!tpu.dma_semaphore, #tpu.memory_space<semaphore_mem>>)
    %dma_wait3A_1203 = arith.constant 0 : i32
    %dma_wait3A_1204 = tpu.memref_slice %arg12[%mul3A_22, %dma_wait3A_1203] : memref<1024x512xf32, #tpu.memory_space<vmem_shared>> -> memref<32x512xf32, #tpu.memory_space<vmem_shared>>
    %dma_wait3A_1205 = arith.constant 224 : i32
    %dma_wait3A_1206 = arith.constant 0 : i32
    %dma_wait3A_1207 = tpu.memref_slice %arg2[%squeeze3A_8, %dma_wait3A_1205, %dma_wait3A_1206] : memref<128x512x512xf32, #tpu.memory_space<hbm>> -> memref<1x32x512xf32, #tpu.memory_space<hbm>>
    %dma_wait3A_1208 = tpu.memref_squeeze %dma_wait3A_1207 : memref<1x32x512xf32, #tpu.memory_space<hbm>> -> memref<32x512xf32, #tpu.memory_space<hbm>>
    tpu.wait_dma2 semaphore(%arg20 : memref<!tpu.dma_semaphore, #tpu.memory_space<semaphore_mem>>) src(%dma_wait3A_1208 : memref<32x512xf32, #tpu.memory_space<hbm>>) dst(%dma_wait3A_1204 : memref<32x512xf32, #tpu.memory_space<vmem_shared>>)
    %add3A_1209 = arith.constant 2 : i32
    %add3A_1210 = arith.addi %mul3A_10, %add3A_1209 : i32
    %dma_start3A_1211 = arith.constant 224 : i32
    %dma_start3A_1212 = arith.constant 0 : i32
    %dma_start3A_1213 = tpu.memref_slice %arg5[%add3A_1210, %dma_start3A_1211, %dma_start3A_1212] : memref<96x512x512xf32, #tpu.memory_space<hbm>> -> memref<1x32x512xf32, #tpu.memory_space<hbm>>
    %dma_start3A_1214 = tpu.memref_squeeze %dma_start3A_1213 : memref<1x32x512xf32, #tpu.memory_space<hbm>> -> memref<32x512xf32, #tpu.memory_space<hbm>>
    %dma_start3A_1215 = arith.constant 0 : i32
    %dma_start3A_1216 = tpu.memref_slice %arg12[%mul3A_22, %dma_start3A_1215] : memref<1024x512xf32, #tpu.memory_space<vmem_shared>> -> memref<32x512xf32, #tpu.memory_space<vmem_shared>>
    tpu.enqueue_dma source(%dma_start3A_1216 : memref<32x512xf32, #tpu.memory_space<vmem_shared>>) target(%dma_start3A_1214 : memref<32x512xf32, #tpu.memory_space<hbm>>) target_semaphore(%arg22 : memref<!tpu.dma_semaphore, #tpu.memory_space<semaphore_mem>>)
    %dma_wait3A_1217 = arith.constant 160 : i32
    %dma_wait3A_1218 = arith.constant 0 : i32
    %dma_wait3A_1219 = tpu.memref_slice %arg5[%add3A_1150, %dma_wait3A_1217, %dma_wait3A_1218] : memref<96x512x512xf32, #tpu.memory_space<hbm>> -> memref<1x32x512xf32, #tpu.memory_space<hbm>>
    %dma_wait3A_1220 = tpu.memref_squeeze %dma_wait3A_1219 : memref<1x32x512xf32, #tpu.memory_space<hbm>> -> memref<32x512xf32, #tpu.memory_space<hbm>>
    %dma_wait3A_1221 = arith.constant 0 : i32
    %dma_wait3A_1222 = tpu.memref_slice %arg12[%mul3A_16, %dma_wait3A_1221] : memref<1024x512xf32, #tpu.memory_space<vmem_shared>> -> memref<32x512xf32, #tpu.memory_space<vmem_shared>>
    tpu.wait_dma2 semaphore(%arg21 : memref<!tpu.dma_semaphore, #tpu.memory_space<semaphore_mem>>) src(%dma_wait3A_1222 : memref<32x512xf32, #tpu.memory_space<vmem_shared>>) dst(%dma_wait3A_1220 : memref<32x512xf32, #tpu.memory_space<hbm>>)
    %dma_start3A_1223 = arith.constant 0 : i32
    %dma_start3A_1224 = tpu.memref_slice %arg12[%mul3A_16, %dma_start3A_1223] : memref<1024x512xf32, #tpu.memory_space<vmem_shared>> -> memref<32x512xf32, #tpu.memory_space<vmem_shared>>
    %dma_start3A_1225 = arith.constant 288 : i32
    %dma_start3A_1226 = arith.constant 0 : i32
    %dma_start3A_1227 = tpu.memref_slice %arg2[%squeeze3A_8, %dma_start3A_1225, %dma_start3A_1226] : memref<128x512x512xf32, #tpu.memory_space<hbm>> -> memref<1x32x512xf32, #tpu.memory_space<hbm>>
    %dma_start3A_1228 = tpu.memref_squeeze %dma_start3A_1227 : memref<1x32x512xf32, #tpu.memory_space<hbm>> -> memref<32x512xf32, #tpu.memory_space<hbm>>
    tpu.enqueue_dma source(%dma_start3A_1228 : memref<32x512xf32, #tpu.memory_space<hbm>>) target(%dma_start3A_1224 : memref<32x512xf32, #tpu.memory_space<vmem_shared>>) target_semaphore(%arg19 : memref<!tpu.dma_semaphore, #tpu.memory_space<semaphore_mem>>)
    %dma_wait3A_1229 = arith.constant 256 : i32
    %dma_wait3A_1230 = arith.constant 0 : i32
    %dma_wait3A_1231 = tpu.memref_slice %arg2[%squeeze3A_8, %dma_wait3A_1229, %dma_wait3A_1230] : memref<128x512x512xf32, #tpu.memory_space<hbm>> -> memref<1x32x512xf32, #tpu.memory_space<hbm>>
    %dma_wait3A_1232 = tpu.memref_squeeze %dma_wait3A_1231 : memref<1x32x512xf32, #tpu.memory_space<hbm>> -> memref<32x512xf32, #tpu.memory_space<hbm>>
    %dma_wait3A_1233 = arith.constant 256 : i32
    %dma_wait3A_1234 = arith.constant 0 : i32
    %dma_wait3A_1235 = tpu.memref_slice %arg2[%squeeze3A_8, %dma_wait3A_1233, %dma_wait3A_1234] : memref<128x512x512xf32, #tpu.memory_space<hbm>> -> memref<1x32x512xf32, #tpu.memory_space<hbm>>
    %dma_wait3A_1236 = tpu.memref_squeeze %dma_wait3A_1235 : memref<1x32x512xf32, #tpu.memory_space<hbm>> -> memref<32x512xf32, #tpu.memory_space<hbm>>
    tpu.wait_dma2 semaphore(%arg15 : memref<!tpu.dma_semaphore, #tpu.memory_space<semaphore_mem>>) src(%dma_wait3A_1236 : memref<32x512xf32, #tpu.memory_space<hbm>>) dst(%arg11 : memref<32x512xf32, #tpu.memory_space<vmem>>)
    %add3A_1237 = arith.constant 2 : i32
    %add3A_1238 = arith.addi %mul3A_10, %add3A_1237 : i32
    %dma_start3A_1239 = arith.constant 256 : i32
    %dma_start3A_1240 = arith.constant 0 : i32
    %dma_start3A_1241 = tpu.memref_slice %arg5[%add3A_1238, %dma_start3A_1239, %dma_start3A_1240] : memref<96x512x512xf32, #tpu.memory_space<hbm>> -> memref<1x32x512xf32, #tpu.memory_space<hbm>>
    %dma_start3A_1242 = tpu.memref_squeeze %dma_start3A_1241 : memref<1x32x512xf32, #tpu.memory_space<hbm>> -> memref<32x512xf32, #tpu.memory_space<hbm>>
    %dma_start3A_1243 = arith.constant 256 : i32
    %dma_start3A_1244 = arith.constant 0 : i32
    %dma_start3A_1245 = tpu.memref_slice %arg5[%add3A_1238, %dma_start3A_1243, %dma_start3A_1244] : memref<96x512x512xf32, #tpu.memory_space<hbm>> -> memref<1x32x512xf32, #tpu.memory_space<hbm>>
    %dma_start3A_1246 = tpu.memref_squeeze %dma_start3A_1245 : memref<1x32x512xf32, #tpu.memory_space<hbm>> -> memref<32x512xf32, #tpu.memory_space<hbm>>
    tpu.enqueue_dma source(%arg11 : memref<32x512xf32, #tpu.memory_space<vmem>>) target(%dma_start3A_1246 : memref<32x512xf32, #tpu.memory_space<hbm>>) target_semaphore(%arg18 : memref<!tpu.dma_semaphore, #tpu.memory_space<semaphore_mem>>)
    %dma_wait3A_1247 = arith.constant 192 : i32
    %dma_wait3A_1248 = arith.constant 0 : i32
    %dma_wait3A_1249 = tpu.memref_slice %arg5[%add3A_1178, %dma_wait3A_1247, %dma_wait3A_1248] : memref<96x512x512xf32, #tpu.memory_space<hbm>> -> memref<1x32x512xf32, #tpu.memory_space<hbm>>
    %dma_wait3A_1250 = tpu.memref_squeeze %dma_wait3A_1249 : memref<1x32x512xf32, #tpu.memory_space<hbm>> -> memref<32x512xf32, #tpu.memory_space<hbm>>
    %dma_wait3A_1251 = arith.constant 192 : i32
    %dma_wait3A_1252 = arith.constant 0 : i32
    %dma_wait3A_1253 = tpu.memref_slice %arg5[%add3A_1178, %dma_wait3A_1251, %dma_wait3A_1252] : memref<96x512x512xf32, #tpu.memory_space<hbm>> -> memref<1x32x512xf32, #tpu.memory_space<hbm>>
    %dma_wait3A_1254 = tpu.memref_squeeze %dma_wait3A_1253 : memref<1x32x512xf32, #tpu.memory_space<hbm>> -> memref<32x512xf32, #tpu.memory_space<hbm>>
    tpu.wait_dma2 semaphore(%arg17 : memref<!tpu.dma_semaphore, #tpu.memory_space<semaphore_mem>>) src(%arg10 : memref<32x512xf32, #tpu.memory_space<vmem>>) dst(%dma_wait3A_1254 : memref<32x512xf32, #tpu.memory_space<hbm>>)
    %dma_start3A_1255 = arith.constant 384 : i32
    %dma_start3A_1256 = arith.constant 0 : i32
    %dma_start3A_1257 = tpu.memref_slice %arg2[%squeeze3A_8, %dma_start3A_1255, %dma_start3A_1256] : memref<128x512x512xf32, #tpu.memory_space<hbm>> -> memref<1x32x512xf32, #tpu.memory_space<hbm>>
    %dma_start3A_1258 = tpu.memref_squeeze %dma_start3A_1257 : memref<1x32x512xf32, #tpu.memory_space<hbm>> -> memref<32x512xf32, #tpu.memory_space<hbm>>
    %dma_start3A_1259 = arith.constant 384 : i32
    %dma_start3A_1260 = arith.constant 0 : i32
    %dma_start3A_1261 = tpu.memref_slice %arg2[%squeeze3A_8, %dma_start3A_1259, %dma_start3A_1260] : memref<128x512x512xf32, #tpu.memory_space<hbm>> -> memref<1x32x512xf32, #tpu.memory_space<hbm>>
    %dma_start3A_1262 = tpu.memref_squeeze %dma_start3A_1261 : memref<1x32x512xf32, #tpu.memory_space<hbm>> -> memref<32x512xf32, #tpu.memory_space<hbm>>
    tpu.enqueue_dma source(%dma_start3A_1262 : memref<32x512xf32, #tpu.memory_space<hbm>>) target(%arg10 : memref<32x512xf32, #tpu.memory_space<vmem>>) target_semaphore(%arg14 : memref<!tpu.dma_semaphore, #tpu.memory_space<semaphore_mem>>)
    %dma_wait3A_1263 = arith.constant 0 : i32
    %dma_wait3A_1264 = tpu.memref_slice %arg12[%mul3A_16, %dma_wait3A_1263] : memref<1024x512xf32, #tpu.memory_space<vmem_shared>> -> memref<32x512xf32, #tpu.memory_space<vmem_shared>>
    %dma_wait3A_1265 = arith.constant 288 : i32
    %dma_wait3A_1266 = arith.constant 0 : i32
    %dma_wait3A_1267 = tpu.memref_slice %arg2[%squeeze3A_8, %dma_wait3A_1265, %dma_wait3A_1266] : memref<128x512x512xf32, #tpu.memory_space<hbm>> -> memref<1x32x512xf32, #tpu.memory_space<hbm>>
    %dma_wait3A_1268 = tpu.memref_squeeze %dma_wait3A_1267 : memref<1x32x512xf32, #tpu.memory_space<hbm>> -> memref<32x512xf32, #tpu.memory_space<hbm>>
    tpu.wait_dma2 semaphore(%arg19 : memref<!tpu.dma_semaphore, #tpu.memory_space<semaphore_mem>>) src(%dma_wait3A_1268 : memref<32x512xf32, #tpu.memory_space<hbm>>) dst(%dma_wait3A_1264 : memref<32x512xf32, #tpu.memory_space<vmem_shared>>)
    %add3A_1269 = arith.constant 2 : i32
    %add3A_1270 = arith.addi %mul3A_10, %add3A_1269 : i32
    %dma_start3A_1271 = arith.constant 288 : i32
    %dma_start3A_1272 = arith.constant 0 : i32
    %dma_start3A_1273 = tpu.memref_slice %arg5[%add3A_1270, %dma_start3A_1271, %dma_start3A_1272] : memref<96x512x512xf32, #tpu.memory_space<hbm>> -> memref<1x32x512xf32, #tpu.memory_space<hbm>>
    %dma_start3A_1274 = tpu.memref_squeeze %dma_start3A_1273 : memref<1x32x512xf32, #tpu.memory_space<hbm>> -> memref<32x512xf32, #tpu.memory_space<hbm>>
    %dma_start3A_1275 = arith.constant 0 : i32
    %dma_start3A_1276 = tpu.memref_slice %arg12[%mul3A_16, %dma_start3A_1275] : memref<1024x512xf32, #tpu.memory_space<vmem_shared>> -> memref<32x512xf32, #tpu.memory_space<vmem_shared>>
    tpu.enqueue_dma source(%dma_start3A_1276 : memref<32x512xf32, #tpu.memory_space<vmem_shared>>) target(%dma_start3A_1274 : memref<32x512xf32, #tpu.memory_space<hbm>>) target_semaphore(%arg21 : memref<!tpu.dma_semaphore, #tpu.memory_space<semaphore_mem>>)
    %dma_wait3A_1277 = arith.constant 224 : i32
    %dma_wait3A_1278 = arith.constant 0 : i32
    %dma_wait3A_1279 = tpu.memref_slice %arg5[%add3A_1210, %dma_wait3A_1277, %dma_wait3A_1278] : memref<96x512x512xf32, #tpu.memory_space<hbm>> -> memref<1x32x512xf32, #tpu.memory_space<hbm>>
    %dma_wait3A_1280 = tpu.memref_squeeze %dma_wait3A_1279 : memref<1x32x512xf32, #tpu.memory_space<hbm>> -> memref<32x512xf32, #tpu.memory_space<hbm>>
    %dma_wait3A_1281 = arith.constant 0 : i32
    %dma_wait3A_1282 = tpu.memref_slice %arg12[%mul3A_22, %dma_wait3A_1281] : memref<1024x512xf32, #tpu.memory_space<vmem_shared>> -> memref<32x512xf32, #tpu.memory_space<vmem_shared>>
    tpu.wait_dma2 semaphore(%arg22 : memref<!tpu.dma_semaphore, #tpu.memory_space<semaphore_mem>>) src(%dma_wait3A_1282 : memref<32x512xf32, #tpu.memory_space<vmem_shared>>) dst(%dma_wait3A_1280 : memref<32x512xf32, #tpu.memory_space<hbm>>)
    %dma_start3A_1283 = arith.constant 0 : i32
    %dma_start3A_1284 = tpu.memref_slice %arg12[%mul3A_22, %dma_start3A_1283] : memref<1024x512xf32, #tpu.memory_space<vmem_shared>> -> memref<32x512xf32, #tpu.memory_space<vmem_shared>>
    %dma_start3A_1285 = arith.constant 352 : i32
    %dma_start3A_1286 = arith.constant 0 : i32
    %dma_start3A_1287 = tpu.memref_slice %arg2[%squeeze3A_8, %dma_start3A_1285, %dma_start3A_1286] : memref<128x512x512xf32, #tpu.memory_space<hbm>> -> memref<1x32x512xf32, #tpu.memory_space<hbm>>
    %dma_start3A_1288 = tpu.memref_squeeze %dma_start3A_1287 : memref<1x32x512xf32, #tpu.memory_space<hbm>> -> memref<32x512xf32, #tpu.memory_space<hbm>>
    tpu.enqueue_dma source(%dma_start3A_1288 : memref<32x512xf32, #tpu.memory_space<hbm>>) target(%dma_start3A_1284 : memref<32x512xf32, #tpu.memory_space<vmem_shared>>) target_semaphore(%arg20 : memref<!tpu.dma_semaphore, #tpu.memory_space<semaphore_mem>>)
    %dma_wait3A_1289 = arith.constant 320 : i32
    %dma_wait3A_1290 = arith.constant 0 : i32
    %dma_wait3A_1291 = tpu.memref_slice %arg2[%squeeze3A_8, %dma_wait3A_1289, %dma_wait3A_1290] : memref<128x512x512xf32, #tpu.memory_space<hbm>> -> memref<1x32x512xf32, #tpu.memory_space<hbm>>
    %dma_wait3A_1292 = tpu.memref_squeeze %dma_wait3A_1291 : memref<1x32x512xf32, #tpu.memory_space<hbm>> -> memref<32x512xf32, #tpu.memory_space<hbm>>
    %dma_wait3A_1293 = arith.constant 320 : i32
    %dma_wait3A_1294 = arith.constant 0 : i32
    %dma_wait3A_1295 = tpu.memref_slice %arg2[%squeeze3A_8, %dma_wait3A_1293, %dma_wait3A_1294] : memref<128x512x512xf32, #tpu.memory_space<hbm>> -> memref<1x32x512xf32, #tpu.memory_space<hbm>>
    %dma_wait3A_1296 = tpu.memref_squeeze %dma_wait3A_1295 : memref<1x32x512xf32, #tpu.memory_space<hbm>> -> memref<32x512xf32, #tpu.memory_space<hbm>>
    tpu.wait_dma2 semaphore(%arg13 : memref<!tpu.dma_semaphore, #tpu.memory_space<semaphore_mem>>) src(%dma_wait3A_1296 : memref<32x512xf32, #tpu.memory_space<hbm>>) dst(%arg9 : memref<32x512xf32, #tpu.memory_space<vmem>>)
    %add3A_1297 = arith.constant 2 : i32
    %add3A_1298 = arith.addi %mul3A_10, %add3A_1297 : i32
    %dma_start3A_1299 = arith.constant 320 : i32
    %dma_start3A_1300 = arith.constant 0 : i32
    %dma_start3A_1301 = tpu.memref_slice %arg5[%add3A_1298, %dma_start3A_1299, %dma_start3A_1300] : memref<96x512x512xf32, #tpu.memory_space<hbm>> -> memref<1x32x512xf32, #tpu.memory_space<hbm>>
    %dma_start3A_1302 = tpu.memref_squeeze %dma_start3A_1301 : memref<1x32x512xf32, #tpu.memory_space<hbm>> -> memref<32x512xf32, #tpu.memory_space<hbm>>
    %dma_start3A_1303 = arith.constant 320 : i32
    %dma_start3A_1304 = arith.constant 0 : i32
    %dma_start3A_1305 = tpu.memref_slice %arg5[%add3A_1298, %dma_start3A_1303, %dma_start3A_1304] : memref<96x512x512xf32, #tpu.memory_space<hbm>> -> memref<1x32x512xf32, #tpu.memory_space<hbm>>
    %dma_start3A_1306 = tpu.memref_squeeze %dma_start3A_1305 : memref<1x32x512xf32, #tpu.memory_space<hbm>> -> memref<32x512xf32, #tpu.memory_space<hbm>>
    tpu.enqueue_dma source(%arg9 : memref<32x512xf32, #tpu.memory_space<vmem>>) target(%dma_start3A_1306 : memref<32x512xf32, #tpu.memory_space<hbm>>) target_semaphore(%arg16 : memref<!tpu.dma_semaphore, #tpu.memory_space<semaphore_mem>>)
    %dma_wait3A_1307 = arith.constant 256 : i32
    %dma_wait3A_1308 = arith.constant 0 : i32
    %dma_wait3A_1309 = tpu.memref_slice %arg5[%add3A_1238, %dma_wait3A_1307, %dma_wait3A_1308] : memref<96x512x512xf32, #tpu.memory_space<hbm>> -> memref<1x32x512xf32, #tpu.memory_space<hbm>>
    %dma_wait3A_1310 = tpu.memref_squeeze %dma_wait3A_1309 : memref<1x32x512xf32, #tpu.memory_space<hbm>> -> memref<32x512xf32, #tpu.memory_space<hbm>>
    %dma_wait3A_1311 = arith.constant 256 : i32
    %dma_wait3A_1312 = arith.constant 0 : i32
    %dma_wait3A_1313 = tpu.memref_slice %arg5[%add3A_1238, %dma_wait3A_1311, %dma_wait3A_1312] : memref<96x512x512xf32, #tpu.memory_space<hbm>> -> memref<1x32x512xf32, #tpu.memory_space<hbm>>
    %dma_wait3A_1314 = tpu.memref_squeeze %dma_wait3A_1313 : memref<1x32x512xf32, #tpu.memory_space<hbm>> -> memref<32x512xf32, #tpu.memory_space<hbm>>
    tpu.wait_dma2 semaphore(%arg18 : memref<!tpu.dma_semaphore, #tpu.memory_space<semaphore_mem>>) src(%arg11 : memref<32x512xf32, #tpu.memory_space<vmem>>) dst(%dma_wait3A_1314 : memref<32x512xf32, #tpu.memory_space<hbm>>)
    %dma_start3A_1315 = arith.constant 448 : i32
    %dma_start3A_1316 = arith.constant 0 : i32
    %dma_start3A_1317 = tpu.memref_slice %arg2[%squeeze3A_8, %dma_start3A_1315, %dma_start3A_1316] : memref<128x512x512xf32, #tpu.memory_space<hbm>> -> memref<1x32x512xf32, #tpu.memory_space<hbm>>
    %dma_start3A_1318 = tpu.memref_squeeze %dma_start3A_1317 : memref<1x32x512xf32, #tpu.memory_space<hbm>> -> memref<32x512xf32, #tpu.memory_space<hbm>>
    %dma_start3A_1319 = arith.constant 448 : i32
    %dma_start3A_1320 = arith.constant 0 : i32
    %dma_start3A_1321 = tpu.memref_slice %arg2[%squeeze3A_8, %dma_start3A_1319, %dma_start3A_1320] : memref<128x512x512xf32, #tpu.memory_space<hbm>> -> memref<1x32x512xf32, #tpu.memory_space<hbm>>
    %dma_start3A_1322 = tpu.memref_squeeze %dma_start3A_1321 : memref<1x32x512xf32, #tpu.memory_space<hbm>> -> memref<32x512xf32, #tpu.memory_space<hbm>>
    tpu.enqueue_dma source(%dma_start3A_1322 : memref<32x512xf32, #tpu.memory_space<hbm>>) target(%arg11 : memref<32x512xf32, #tpu.memory_space<vmem>>) target_semaphore(%arg15 : memref<!tpu.dma_semaphore, #tpu.memory_space<semaphore_mem>>)
    %dma_wait3A_1323 = arith.constant 0 : i32
    %dma_wait3A_1324 = tpu.memref_slice %arg12[%mul3A_22, %dma_wait3A_1323] : memref<1024x512xf32, #tpu.memory_space<vmem_shared>> -> memref<32x512xf32, #tpu.memory_space<vmem_shared>>
    %dma_wait3A_1325 = arith.constant 352 : i32
    %dma_wait3A_1326 = arith.constant 0 : i32
    %dma_wait3A_1327 = tpu.memref_slice %arg2[%squeeze3A_8, %dma_wait3A_1325, %dma_wait3A_1326] : memref<128x512x512xf32, #tpu.memory_space<hbm>> -> memref<1x32x512xf32, #tpu.memory_space<hbm>>
    %dma_wait3A_1328 = tpu.memref_squeeze %dma_wait3A_1327 : memref<1x32x512xf32, #tpu.memory_space<hbm>> -> memref<32x512xf32, #tpu.memory_space<hbm>>
    tpu.wait_dma2 semaphore(%arg20 : memref<!tpu.dma_semaphore, #tpu.memory_space<semaphore_mem>>) src(%dma_wait3A_1328 : memref<32x512xf32, #tpu.memory_space<hbm>>) dst(%dma_wait3A_1324 : memref<32x512xf32, #tpu.memory_space<vmem_shared>>)
    %add3A_1329 = arith.constant 2 : i32
    %add3A_1330 = arith.addi %mul3A_10, %add3A_1329 : i32
    %dma_start3A_1331 = arith.constant 352 : i32
    %dma_start3A_1332 = arith.constant 0 : i32
    %dma_start3A_1333 = tpu.memref_slice %arg5[%add3A_1330, %dma_start3A_1331, %dma_start3A_1332] : memref<96x512x512xf32, #tpu.memory_space<hbm>> -> memref<1x32x512xf32, #tpu.memory_space<hbm>>
    %dma_start3A_1334 = tpu.memref_squeeze %dma_start3A_1333 : memref<1x32x512xf32, #tpu.memory_space<hbm>> -> memref<32x512xf32, #tpu.memory_space<hbm>>
    %dma_start3A_1335 = arith.constant 0 : i32
    %dma_start3A_1336 = tpu.memref_slice %arg12[%mul3A_22, %dma_start3A_1335] : memref<1024x512xf32, #tpu.memory_space<vmem_shared>> -> memref<32x512xf32, #tpu.memory_space<vmem_shared>>
    tpu.enqueue_dma source(%dma_start3A_1336 : memref<32x512xf32, #tpu.memory_space<vmem_shared>>) target(%dma_start3A_1334 : memref<32x512xf32, #tpu.memory_space<hbm>>) target_semaphore(%arg22 : memref<!tpu.dma_semaphore, #tpu.memory_space<semaphore_mem>>)
    %dma_wait3A_1337 = arith.constant 288 : i32
    %dma_wait3A_1338 = arith.constant 0 : i32
    %dma_wait3A_1339 = tpu.memref_slice %arg5[%add3A_1270, %dma_wait3A_1337, %dma_wait3A_1338] : memref<96x512x512xf32, #tpu.memory_space<hbm>> -> memref<1x32x512xf32, #tpu.memory_space<hbm>>
    %dma_wait3A_1340 = tpu.memref_squeeze %dma_wait3A_1339 : memref<1x32x512xf32, #tpu.memory_space<hbm>> -> memref<32x512xf32, #tpu.memory_space<hbm>>
    %dma_wait3A_1341 = arith.constant 0 : i32
    %dma_wait3A_1342 = tpu.memref_slice %arg12[%mul3A_16, %dma_wait3A_1341] : memref<1024x512xf32, #tpu.memory_space<vmem_shared>> -> memref<32x512xf32, #tpu.memory_space<vmem_shared>>
    tpu.wait_dma2 semaphore(%arg21 : memref<!tpu.dma_semaphore, #tpu.memory_space<semaphore_mem>>) src(%dma_wait3A_1342 : memref<32x512xf32, #tpu.memory_space<vmem_shared>>) dst(%dma_wait3A_1340 : memref<32x512xf32, #tpu.memory_space<hbm>>)
    %dma_start3A_1343 = arith.constant 0 : i32
    %dma_start3A_1344 = tpu.memref_slice %arg12[%mul3A_16, %dma_start3A_1343] : memref<1024x512xf32, #tpu.memory_space<vmem_shared>> -> memref<32x512xf32, #tpu.memory_space<vmem_shared>>
    %dma_start3A_1345 = arith.constant 416 : i32
    %dma_start3A_1346 = arith.constant 0 : i32
    %dma_start3A_1347 = tpu.memref_slice %arg2[%squeeze3A_8, %dma_start3A_1345, %dma_start3A_1346] : memref<128x512x512xf32, #tpu.memory_space<hbm>> -> memref<1x32x512xf32, #tpu.memory_space<hbm>>
    %dma_start3A_1348 = tpu.memref_squeeze %dma_start3A_1347 : memref<1x32x512xf32, #tpu.memory_space<hbm>> -> memref<32x512xf32, #tpu.memory_space<hbm>>
    tpu.enqueue_dma source(%dma_start3A_1348 : memref<32x512xf32, #tpu.memory_space<hbm>>) target(%dma_start3A_1344 : memref<32x512xf32, #tpu.memory_space<vmem_shared>>) target_semaphore(%arg19 : memref<!tpu.dma_semaphore, #tpu.memory_space<semaphore_mem>>)
    %dma_wait3A_1349 = arith.constant 384 : i32
    %dma_wait3A_1350 = arith.constant 0 : i32
    %dma_wait3A_1351 = tpu.memref_slice %arg2[%squeeze3A_8, %dma_wait3A_1349, %dma_wait3A_1350] : memref<128x512x512xf32, #tpu.memory_space<hbm>> -> memref<1x32x512xf32, #tpu.memory_space<hbm>>
    %dma_wait3A_1352 = tpu.memref_squeeze %dma_wait3A_1351 : memref<1x32x512xf32, #tpu.memory_space<hbm>> -> memref<32x512xf32, #tpu.memory_space<hbm>>
    %dma_wait3A_1353 = arith.constant 384 : i32
    %dma_wait3A_1354 = arith.constant 0 : i32
    %dma_wait3A_1355 = tpu.memref_slice %arg2[%squeeze3A_8, %dma_wait3A_1353, %dma_wait3A_1354] : memref<128x512x512xf32, #tpu.memory_space<hbm>> -> memref<1x32x512xf32, #tpu.memory_space<hbm>>
    %dma_wait3A_1356 = tpu.memref_squeeze %dma_wait3A_1355 : memref<1x32x512xf32, #tpu.memory_space<hbm>> -> memref<32x512xf32, #tpu.memory_space<hbm>>
    tpu.wait_dma2 semaphore(%arg14 : memref<!tpu.dma_semaphore, #tpu.memory_space<semaphore_mem>>) src(%dma_wait3A_1356 : memref<32x512xf32, #tpu.memory_space<hbm>>) dst(%arg10 : memref<32x512xf32, #tpu.memory_space<vmem>>)
    %add3A_1357 = arith.constant 2 : i32
    %add3A_1358 = arith.addi %mul3A_10, %add3A_1357 : i32
    %dma_start3A_1359 = arith.constant 384 : i32
    %dma_start3A_1360 = arith.constant 0 : i32
    %dma_start3A_1361 = tpu.memref_slice %arg5[%add3A_1358, %dma_start3A_1359, %dma_start3A_1360] : memref<96x512x512xf32, #tpu.memory_space<hbm>> -> memref<1x32x512xf32, #tpu.memory_space<hbm>>
    %dma_start3A_1362 = tpu.memref_squeeze %dma_start3A_1361 : memref<1x32x512xf32, #tpu.memory_space<hbm>> -> memref<32x512xf32, #tpu.memory_space<hbm>>
    %dma_start3A_1363 = arith.constant 384 : i32
    %dma_start3A_1364 = arith.constant 0 : i32
    %dma_start3A_1365 = tpu.memref_slice %arg5[%add3A_1358, %dma_start3A_1363, %dma_start3A_1364] : memref<96x512x512xf32, #tpu.memory_space<hbm>> -> memref<1x32x512xf32, #tpu.memory_space<hbm>>
    %dma_start3A_1366 = tpu.memref_squeeze %dma_start3A_1365 : memref<1x32x512xf32, #tpu.memory_space<hbm>> -> memref<32x512xf32, #tpu.memory_space<hbm>>
    tpu.enqueue_dma source(%arg10 : memref<32x512xf32, #tpu.memory_space<vmem>>) target(%dma_start3A_1366 : memref<32x512xf32, #tpu.memory_space<hbm>>) target_semaphore(%arg17 : memref<!tpu.dma_semaphore, #tpu.memory_space<semaphore_mem>>)
    %dma_wait3A_1367 = arith.constant 0 : i32
    %dma_wait3A_1368 = tpu.memref_slice %arg12[%mul3A_16, %dma_wait3A_1367] : memref<1024x512xf32, #tpu.memory_space<vmem_shared>> -> memref<32x512xf32, #tpu.memory_space<vmem_shared>>
    %dma_wait3A_1369 = arith.constant 416 : i32
    %dma_wait3A_1370 = arith.constant 0 : i32
    %dma_wait3A_1371 = tpu.memref_slice %arg2[%squeeze3A_8, %dma_wait3A_1369, %dma_wait3A_1370] : memref<128x512x512xf32, #tpu.memory_space<hbm>> -> memref<1x32x512xf32, #tpu.memory_space<hbm>>
    %dma_wait3A_1372 = tpu.memref_squeeze %dma_wait3A_1371 : memref<1x32x512xf32, #tpu.memory_space<hbm>> -> memref<32x512xf32, #tpu.memory_space<hbm>>
    tpu.wait_dma2 semaphore(%arg19 : memref<!tpu.dma_semaphore, #tpu.memory_space<semaphore_mem>>) src(%dma_wait3A_1372 : memref<32x512xf32, #tpu.memory_space<hbm>>) dst(%dma_wait3A_1368 : memref<32x512xf32, #tpu.memory_space<vmem_shared>>)
    %add3A_1373 = arith.constant 2 : i32
    %add3A_1374 = arith.addi %mul3A_10, %add3A_1373 : i32
    %dma_start3A_1375 = arith.constant 416 : i32
    %dma_start3A_1376 = arith.constant 0 : i32
    %dma_start3A_1377 = tpu.memref_slice %arg5[%add3A_1374, %dma_start3A_1375, %dma_start3A_1376] : memref<96x512x512xf32, #tpu.memory_space<hbm>> -> memref<1x32x512xf32, #tpu.memory_space<hbm>>
    %dma_start3A_1378 = tpu.memref_squeeze %dma_start3A_1377 : memref<1x32x512xf32, #tpu.memory_space<hbm>> -> memref<32x512xf32, #tpu.memory_space<hbm>>
    %dma_start3A_1379 = arith.constant 0 : i32
    %dma_start3A_1380 = tpu.memref_slice %arg12[%mul3A_16, %dma_start3A_1379] : memref<1024x512xf32, #tpu.memory_space<vmem_shared>> -> memref<32x512xf32, #tpu.memory_space<vmem_shared>>
    tpu.enqueue_dma source(%dma_start3A_1380 : memref<32x512xf32, #tpu.memory_space<vmem_shared>>) target(%dma_start3A_1378 : memref<32x512xf32, #tpu.memory_space<hbm>>) target_semaphore(%arg21 : memref<!tpu.dma_semaphore, #tpu.memory_space<semaphore_mem>>)
    %dma_wait3A_1381 = arith.constant 352 : i32
    %dma_wait3A_1382 = arith.constant 0 : i32
    %dma_wait3A_1383 = tpu.memref_slice %arg5[%add3A_1330, %dma_wait3A_1381, %dma_wait3A_1382] : memref<96x512x512xf32, #tpu.memory_space<hbm>> -> memref<1x32x512xf32, #tpu.memory_space<hbm>>
    %dma_wait3A_1384 = tpu.memref_squeeze %dma_wait3A_1383 : memref<1x32x512xf32, #tpu.memory_space<hbm>> -> memref<32x512xf32, #tpu.memory_space<hbm>>
    %dma_wait3A_1385 = arith.constant 0 : i32
    %dma_wait3A_1386 = tpu.memref_slice %arg12[%mul3A_22, %dma_wait3A_1385] : memref<1024x512xf32, #tpu.memory_space<vmem_shared>> -> memref<32x512xf32, #tpu.memory_space<vmem_shared>>
    tpu.wait_dma2 semaphore(%arg22 : memref<!tpu.dma_semaphore, #tpu.memory_space<semaphore_mem>>) src(%dma_wait3A_1386 : memref<32x512xf32, #tpu.memory_space<vmem_shared>>) dst(%dma_wait3A_1384 : memref<32x512xf32, #tpu.memory_space<hbm>>)
    %dma_start3A_1387 = arith.constant 0 : i32
    %dma_start3A_1388 = tpu.memref_slice %arg12[%mul3A_22, %dma_start3A_1387] : memref<1024x512xf32, #tpu.memory_space<vmem_shared>> -> memref<32x512xf32, #tpu.memory_space<vmem_shared>>
    %dma_start3A_1389 = arith.constant 480 : i32
    %dma_start3A_1390 = arith.constant 0 : i32
    %dma_start3A_1391 = tpu.memref_slice %arg2[%squeeze3A_8, %dma_start3A_1389, %dma_start3A_1390] : memref<128x512x512xf32, #tpu.memory_space<hbm>> -> memref<1x32x512xf32, #tpu.memory_space<hbm>>
    %dma_start3A_1392 = tpu.memref_squeeze %dma_start3A_1391 : memref<1x32x512xf32, #tpu.memory_space<hbm>> -> memref<32x512xf32, #tpu.memory_space<hbm>>
    tpu.enqueue_dma source(%dma_start3A_1392 : memref<32x512xf32, #tpu.memory_space<hbm>>) target(%dma_start3A_1388 : memref<32x512xf32, #tpu.memory_space<vmem_shared>>) target_semaphore(%arg20 : memref<!tpu.dma_semaphore, #tpu.memory_space<semaphore_mem>>)
    %dma_wait3A_1393 = arith.constant 448 : i32
    %dma_wait3A_1394 = arith.constant 0 : i32
    %dma_wait3A_1395 = tpu.memref_slice %arg2[%squeeze3A_8, %dma_wait3A_1393, %dma_wait3A_1394] : memref<128x512x512xf32, #tpu.memory_space<hbm>> -> memref<1x32x512xf32, #tpu.memory_space<hbm>>
    %dma_wait3A_1396 = tpu.memref_squeeze %dma_wait3A_1395 : memref<1x32x512xf32, #tpu.memory_space<hbm>> -> memref<32x512xf32, #tpu.memory_space<hbm>>
    %dma_wait3A_1397 = arith.constant 448 : i32
    %dma_wait3A_1398 = arith.constant 0 : i32
    %dma_wait3A_1399 = tpu.memref_slice %arg2[%squeeze3A_8, %dma_wait3A_1397, %dma_wait3A_1398] : memref<128x512x512xf32, #tpu.memory_space<hbm>> -> memref<1x32x512xf32, #tpu.memory_space<hbm>>
    %dma_wait3A_1400 = tpu.memref_squeeze %dma_wait3A_1399 : memref<1x32x512xf32, #tpu.memory_space<hbm>> -> memref<32x512xf32, #tpu.memory_space<hbm>>
    tpu.wait_dma2 semaphore(%arg15 : memref<!tpu.dma_semaphore, #tpu.memory_space<semaphore_mem>>) src(%dma_wait3A_1400 : memref<32x512xf32, #tpu.memory_space<hbm>>) dst(%arg11 : memref<32x512xf32, #tpu.memory_space<vmem>>)
    %add3A_1401 = arith.constant 2 : i32
    %add3A_1402 = arith.addi %mul3A_10, %add3A_1401 : i32
    %dma_start3A_1403 = arith.constant 448 : i32
    %dma_start3A_1404 = arith.constant 0 : i32
    %dma_start3A_1405 = tpu.memref_slice %arg5[%add3A_1402, %dma_start3A_1403, %dma_start3A_1404] : memref<96x512x512xf32, #tpu.memory_space<hbm>> -> memref<1x32x512xf32, #tpu.memory_space<hbm>>
    %dma_start3A_1406 = tpu.memref_squeeze %dma_start3A_1405 : memref<1x32x512xf32, #tpu.memory_space<hbm>> -> memref<32x512xf32, #tpu.memory_space<hbm>>
    %dma_start3A_1407 = arith.constant 448 : i32
    %dma_start3A_1408 = arith.constant 0 : i32
    %dma_start3A_1409 = tpu.memref_slice %arg5[%add3A_1402, %dma_start3A_1407, %dma_start3A_1408] : memref<96x512x512xf32, #tpu.memory_space<hbm>> -> memref<1x32x512xf32, #tpu.memory_space<hbm>>
    %dma_start3A_1410 = tpu.memref_squeeze %dma_start3A_1409 : memref<1x32x512xf32, #tpu.memory_space<hbm>> -> memref<32x512xf32, #tpu.memory_space<hbm>>
    tpu.enqueue_dma source(%arg11 : memref<32x512xf32, #tpu.memory_space<vmem>>) target(%dma_start3A_1410 : memref<32x512xf32, #tpu.memory_space<hbm>>) target_semaphore(%arg18 : memref<!tpu.dma_semaphore, #tpu.memory_space<semaphore_mem>>)
    %dma_wait3A_1411 = arith.constant 0 : i32
    %dma_wait3A_1412 = tpu.memref_slice %arg12[%mul3A_22, %dma_wait3A_1411] : memref<1024x512xf32, #tpu.memory_space<vmem_shared>> -> memref<32x512xf32, #tpu.memory_space<vmem_shared>>
    %dma_wait3A_1413 = arith.constant 480 : i32
    %dma_wait3A_1414 = arith.constant 0 : i32
    %dma_wait3A_1415 = tpu.memref_slice %arg2[%squeeze3A_8, %dma_wait3A_1413, %dma_wait3A_1414] : memref<128x512x512xf32, #tpu.memory_space<hbm>> -> memref<1x32x512xf32, #tpu.memory_space<hbm>>
    %dma_wait3A_1416 = tpu.memref_squeeze %dma_wait3A_1415 : memref<1x32x512xf32, #tpu.memory_space<hbm>> -> memref<32x512xf32, #tpu.memory_space<hbm>>
    tpu.wait_dma2 semaphore(%arg20 : memref<!tpu.dma_semaphore, #tpu.memory_space<semaphore_mem>>) src(%dma_wait3A_1416 : memref<32x512xf32, #tpu.memory_space<hbm>>) dst(%dma_wait3A_1412 : memref<32x512xf32, #tpu.memory_space<vmem_shared>>)
    %add3A_1417 = arith.constant 2 : i32
    %add3A_1418 = arith.addi %mul3A_10, %add3A_1417 : i32
    %dma_start3A_1419 = arith.constant 480 : i32
    %dma_start3A_1420 = arith.constant 0 : i32
    %dma_start3A_1421 = tpu.memref_slice %arg5[%add3A_1418, %dma_start3A_1419, %dma_start3A_1420] : memref<96x512x512xf32, #tpu.memory_space<hbm>> -> memref<1x32x512xf32, #tpu.memory_space<hbm>>
    %dma_start3A_1422 = tpu.memref_squeeze %dma_start3A_1421 : memref<1x32x512xf32, #tpu.memory_space<hbm>> -> memref<32x512xf32, #tpu.memory_space<hbm>>
    %dma_start3A_1423 = arith.constant 0 : i32
    %dma_start3A_1424 = tpu.memref_slice %arg12[%mul3A_22, %dma_start3A_1423] : memref<1024x512xf32, #tpu.memory_space<vmem_shared>> -> memref<32x512xf32, #tpu.memory_space<vmem_shared>>
    tpu.enqueue_dma source(%dma_start3A_1424 : memref<32x512xf32, #tpu.memory_space<vmem_shared>>) target(%dma_start3A_1422 : memref<32x512xf32, #tpu.memory_space<hbm>>) target_semaphore(%arg22 : memref<!tpu.dma_semaphore, #tpu.memory_space<semaphore_mem>>)
    %dma_wait3A_1425 = arith.constant 320 : i32
    %dma_wait3A_1426 = arith.constant 0 : i32
    %dma_wait3A_1427 = tpu.memref_slice %arg5[%add3A_1298, %dma_wait3A_1425, %dma_wait3A_1426] : memref<96x512x512xf32, #tpu.memory_space<hbm>> -> memref<1x32x512xf32, #tpu.memory_space<hbm>>
    %dma_wait3A_1428 = tpu.memref_squeeze %dma_wait3A_1427 : memref<1x32x512xf32, #tpu.memory_space<hbm>> -> memref<32x512xf32, #tpu.memory_space<hbm>>
    %dma_wait3A_1429 = arith.constant 320 : i32
    %dma_wait3A_1430 = arith.constant 0 : i32
    %dma_wait3A_1431 = tpu.memref_slice %arg5[%add3A_1298, %dma_wait3A_1429, %dma_wait3A_1430] : memref<96x512x512xf32, #tpu.memory_space<hbm>> -> memref<1x32x512xf32, #tpu.memory_space<hbm>>
    %dma_wait3A_1432 = tpu.memref_squeeze %dma_wait3A_1431 : memref<1x32x512xf32, #tpu.memory_space<hbm>> -> memref<32x512xf32, #tpu.memory_space<hbm>>
    tpu.wait_dma2 semaphore(%arg16 : memref<!tpu.dma_semaphore, #tpu.memory_space<semaphore_mem>>) src(%arg9 : memref<32x512xf32, #tpu.memory_space<vmem>>) dst(%dma_wait3A_1432 : memref<32x512xf32, #tpu.memory_space<hbm>>)
    %dma_wait3A_1433 = arith.constant 384 : i32
    %dma_wait3A_1434 = arith.constant 0 : i32
    %dma_wait3A_1435 = tpu.memref_slice %arg5[%add3A_1358, %dma_wait3A_1433, %dma_wait3A_1434] : memref<96x512x512xf32, #tpu.memory_space<hbm>> -> memref<1x32x512xf32, #tpu.memory_space<hbm>>
    %dma_wait3A_1436 = tpu.memref_squeeze %dma_wait3A_1435 : memref<1x32x512xf32, #tpu.memory_space<hbm>> -> memref<32x512xf32, #tpu.memory_space<hbm>>
    %dma_wait3A_1437 = arith.constant 384 : i32
    %dma_wait3A_1438 = arith.constant 0 : i32
    %dma_wait3A_1439 = tpu.memref_slice %arg5[%add3A_1358, %dma_wait3A_1437, %dma_wait3A_1438] : memref<96x512x512xf32, #tpu.memory_space<hbm>> -> memref<1x32x512xf32, #tpu.memory_space<hbm>>
    %dma_wait3A_1440 = tpu.memref_squeeze %dma_wait3A_1439 : memref<1x32x512xf32, #tpu.memory_space<hbm>> -> memref<32x512xf32, #tpu.memory_space<hbm>>
    tpu.wait_dma2 semaphore(%arg17 : memref<!tpu.dma_semaphore, #tpu.memory_space<semaphore_mem>>) src(%arg10 : memref<32x512xf32, #tpu.memory_space<vmem>>) dst(%dma_wait3A_1440 : memref<32x512xf32, #tpu.memory_space<hbm>>)
    %dma_wait3A_1441 = arith.constant 448 : i32
    %dma_wait3A_1442 = arith.constant 0 : i32
    %dma_wait3A_1443 = tpu.memref_slice %arg5[%add3A_1402, %dma_wait3A_1441, %dma_wait3A_1442] : memref<96x512x512xf32, #tpu.memory_space<hbm>> -> memref<1x32x512xf32, #tpu.memory_space<hbm>>
    %dma_wait3A_1444 = tpu.memref_squeeze %dma_wait3A_1443 : memref<1x32x512xf32, #tpu.memory_space<hbm>> -> memref<32x512xf32, #tpu.memory_space<hbm>>
    %dma_wait3A_1445 = arith.constant 448 : i32
    %dma_wait3A_1446 = arith.constant 0 : i32
    %dma_wait3A_1447 = tpu.memref_slice %arg5[%add3A_1402, %dma_wait3A_1445, %dma_wait3A_1446] : memref<96x512x512xf32, #tpu.memory_space<hbm>> -> memref<1x32x512xf32, #tpu.memory_space<hbm>>
    %dma_wait3A_1448 = tpu.memref_squeeze %dma_wait3A_1447 : memref<1x32x512xf32, #tpu.memory_space<hbm>> -> memref<32x512xf32, #tpu.memory_space<hbm>>
    tpu.wait_dma2 semaphore(%arg18 : memref<!tpu.dma_semaphore, #tpu.memory_space<semaphore_mem>>) src(%arg11 : memref<32x512xf32, #tpu.memory_space<vmem>>) dst(%dma_wait3A_1448 : memref<32x512xf32, #tpu.memory_space<hbm>>)
    %dma_wait3A_1449 = arith.constant 416 : i32
    %dma_wait3A_1450 = arith.constant 0 : i32
    %dma_wait3A_1451 = tpu.memref_slice %arg5[%add3A_1374, %dma_wait3A_1449, %dma_wait3A_1450] : memref<96x512x512xf32, #tpu.memory_space<hbm>> -> memref<1x32x512xf32, #tpu.memory_space<hbm>>
    %dma_wait3A_1452 = tpu.memref_squeeze %dma_wait3A_1451 : memref<1x32x512xf32, #tpu.memory_space<hbm>> -> memref<32x512xf32, #tpu.memory_space<hbm>>
    %dma_wait3A_1453 = arith.constant 0 : i32
    %dma_wait3A_1454 = tpu.memref_slice %arg12[%mul3A_16, %dma_wait3A_1453] : memref<1024x512xf32, #tpu.memory_space<vmem_shared>> -> memref<32x512xf32, #tpu.memory_space<vmem_shared>>
    tpu.wait_dma2 semaphore(%arg21 : memref<!tpu.dma_semaphore, #tpu.memory_space<semaphore_mem>>) src(%dma_wait3A_1454 : memref<32x512xf32, #tpu.memory_space<vmem_shared>>) dst(%dma_wait3A_1452 : memref<32x512xf32, #tpu.memory_space<hbm>>)
    %dma_wait3A_1455 = arith.constant 480 : i32
    %dma_wait3A_1456 = arith.constant 0 : i32
    %dma_wait3A_1457 = tpu.memref_slice %arg5[%add3A_1418, %dma_wait3A_1455, %dma_wait3A_1456] : memref<96x512x512xf32, #tpu.memory_space<hbm>> -> memref<1x32x512xf32, #tpu.memory_space<hbm>>
    %dma_wait3A_1458 = tpu.memref_squeeze %dma_wait3A_1457 : memref<1x32x512xf32, #tpu.memory_space<hbm>> -> memref<32x512xf32, #tpu.memory_space<hbm>>
    %dma_wait3A_1459 = arith.constant 0 : i32
    %dma_wait3A_1460 = tpu.memref_slice %arg12[%mul3A_22, %dma_wait3A_1459] : memref<1024x512xf32, #tpu.memory_space<vmem_shared>> -> memref<32x512xf32, #tpu.memory_space<vmem_shared>>
    tpu.wait_dma2 semaphore(%arg22 : memref<!tpu.dma_semaphore, #tpu.memory_space<semaphore_mem>>) src(%dma_wait3A_1460 : memref<32x512xf32, #tpu.memory_space<vmem_shared>>) dst(%dma_wait3A_1458 : memref<32x512xf32, #tpu.memory_space<hbm>>)
    return
  }
}

</mosaic_0001>

<sc_bundles>
// kernel: kernel.3.cloned.1.call-start
scs
__scs_entry_jumppad:
0x0: {  	(pc) =	sbr.rel $0x88, $3  }
0x1: {  	(tag) =	ssettag $0x0;
	lr =	simm.s32 $0x1  }
0x2: {  	[smem:$0x3FA0] =	sst lr;
	_ =	strace $0xD0000000  }
0x3: {  	_ = 	snop  }
0x4: {  	_ = 	snop  }
0x5: {  	_ = 	snop  }
0x6: {  	_ = 	snop  }
0x7: {  	_ = 	snop  }
__scs_overlays_trampoline_lowered:
0x8: {  	[smem:$0x3FAF] =	sst s0  }
0x9: {  	[smem:$0x3FB0] =	sst s1  }
0xa: {  	[smem:$0x3FB1] =	sst s2  }
0xb: {  	[smem:$0x3FB2] =	sst s3  }
0xc: {  	[smem:$0x3FB3] =	sst s4  }
0xd: {  	[smem:$0x3FB4] =	sst s5  }
0xe: {  	[smem:$0x3FB5] =	sst s6  }
0xf: {  	[smem:$0x3FB6] =	sst s7  }
0x10: {  	[smem:$0x3FB7] =	sst s8  }
0x11: {  	[smem:$0x3FB8] =	sst s9;
	s0 =	simm.s32 @!p0 $0x0  }
0x12: {  	s1 =	sld [smem:$0x3F9E];
	s0 =	simm.s32 @p0 $0x1  }
0x13: {  	[smem:$0x3FB9] =	sst s0;
	s0 =	simm.s32 @!p1 $0x0  }
0x14: {  	s2 =	sld [smem:$0x3F9D];
	s0 =	simm.s32 @p1 $0x1  }
0x15: {  	[smem:$0x3FBA] =	sst s0;
	s0 =	simm.s32 @!p2 $0x0  }
0x16: {  	s3 =	sld [smem:$0x3FDB];
	s0 =	simm.s32 @p2 $0x1  }
0x17: {  	s4 =	simm.s32 $0x1BF5;
	[smem:$0x3FBC] =	sst s0  }
0x18: {  	s0 =	sld [smem:$0x3F9F];
	_ =	swait.ge [sflag:s4], $0x0  }
0x19: {  	s7 =	sld [smem:$0x3FA0]  }
0x1a: {  	s8 =	sadd.s32 $0xFFFFE003, lr  }
0x1b: {  	s9 =	sadd.s32 $0xFFFFFEF7, lr;
	s5 =	simm.s32 $0xFFFFFFFF;
	p2 =	slt.u32 s8, $0xFFFFF086  }
0x1c: {  	p1 =	slt.u32 s9, $0xF7A;
	s5 =	simm.s32 @!p2 $0x0  }
0x1d: {  	s5 =	simm.s32 @p1 $0x1;
	p0 =	seq.s32 s7, s2  }
0x1e: {  	s7 =	smul.u32 @!p0 $0xF7A, s2;
	p2 =	seq.s32 @!p0 s5, $0x0  }
0x1f: {  	s9 =	smul.u32 $0xF7A, s1;
	s8 =	simm.s32 @!p0 $0x1BF5;
	p2 =	por !p2, p0  }
0x20: {  	[sflag:s8] =	ssyncset.s32 @!p0 $0xFFFFF086;
	s6 =	sadd.s32 @!p0 s3, s7;
	s7 =	simm.s32 @!p0 $0x108  }
0x21: {  	s3 =	sadd.s32 s3, s9;
	s6 =	sadd.s32 @!p0 $0x88, s6;
	s7 =	simm.s32 @p2 $0x1082  }
0x22: {  	[simem:s7], [sflag:s8] =	dma.local @!p0 [hbm:s6], $0xF7A  }
0x23: {  	s9 =	sor.u32 $0xD0000000, s2;
	s6 =	simm.s32 $0x108;
	_ =	swait.ge @!p0 [sflag:s8], $0x0  }
0x24: {  	s3 =	sadd.s32 $0x88, s3;
	s6 =	simm.s32 @!p1 $0x1082;
	[sflag:s4] =	ssyncset.s32 $0xFFFFF086  }
0x25: {  	[simem:s6], [sflag:s4] =	dma.local [hbm:s3], $0xF7A  }
0x26: {  	[smem:$0x3FA0] =	sst s1;
	(tag) =	ssettag s2;
	_ =	strace s9  }
0x27: {  	s1 =	sld [smem:$0x3FB0]  }
0x28: {  	s2 =	sld [smem:$0x3FB1]  }
0x29: {  	s4 =	sld [smem:$0x3FB3]  }
0x2a: {  	p0 =	seq.s32 s5, $0x0;
	s5 =	sld [smem:$0x3FB4]  }
0x2b: {  	s6 =	sld [smem:$0x3FB5]  }
0x2c: {  	s7 =	sld [smem:$0x3FB6]  }
0x2d: {  	s3 =	simm.s32 $0x108;
	s8 =	sld [smem:$0x3FB7]  }
0x2e: {  	s3 =	simm.s32 @!p0 $0x1082;
	s9 =	sld [smem:$0x3FB8]  }
0x2f: {  	lr =	sadd.s32 s0, s3;
	s0 =	sld [smem:$0x3FAF]  }
0x30: {  	s3 =	sld [smem:$0x3FB2]  }
0x31: {  	[smem:$0x3FBB] =	sst s10  }
0x32: {  	s10 =	sld [smem:$0x3FB9];
	_ =	sdelay $0x3  }
0x33: {  	p0 =	seq.s32 s10, $0x1;
	s10 =	sld [smem:$0x3FBB];
	_ =	sdelay $0x3  }
0x34: {  	[smem:$0x3FBB] =	sst s10  }
0x35: {  	s10 =	sld [smem:$0x3FBA];
	_ =	sdelay $0x3  }
0x36: {  	p1 =	seq.s32 s10, $0x1;
	s10 =	sld [smem:$0x3FBB];
	_ =	sdelay $0x3  }
0x37: {  	[smem:$0x3FBB] =	sst s10  }
0x38: {  	s10 =	sld [smem:$0x3FBC]  }
0x39: {  	_ = 	snop;
	(pc) =	sbr.ind lr, $3  }
0x3a: {  	_ = 	snop  }
0x3b: {  	_ = 	snop  }
0x3c: {  	p2 =	seq.s32 s10, $0x1;
	s10 =	sld [smem:$0x3FBB]  }
0x3d: {  	_ =	shalt  }
0x3e: {  	_ =	shalt  }
0x3f: {  	_ =	shalt  }
0x40: {  	_ =	shalt  }
0x41: {  	_ =	shalt  }
0x42: {  	_ =	shalt  }
0x43: {  	_ =	shalt  }
0x44: {  	_ =	shalt  }
0x45: {  	_ =	shalt  }
0x46: {  	_ =	shalt  }
0x47: {  	_ =	shalt  }
0x48: {  	_ =	shalt  }
0x49: {  	_ =	shalt  }
0x4a: {  	_ =	shalt  }
0x4b: {  	_ =	shalt  }
0x4c: {  	_ =	shalt  }
0x4d: {  	_ =	shalt  }
0x4e: {  	_ =	shalt  }
0x4f: {  	_ =	shalt  }
0x50: {  	_ =	shalt  }
0x51: {  	_ =	shalt  }
0x52: {  	_ =	shalt  }
0x53: {  	_ =	shalt  }
0x54: {  	_ =	shalt  }
0x55: {  	_ =	shalt  }
0x56: {  	_ =	shalt  }
0x57: {  	_ =	shalt  }
0x58: {  	_ =	shalt  }
0x59: {  	_ =	shalt  }
0x5a: {  	_ =	shalt  }
0x5b: {  	_ =	shalt  }
0x5c: {  	_ =	shalt  }
0x5d: {  	_ =	shalt  }
0x5e: {  	_ =	shalt  }
0x5f: {  	_ =	shalt  }
0x60: {  	_ =	shalt  }
0x61: {  	_ =	shalt  }
0x62: {  	_ =	shalt  }
0x63: {  	_ =	shalt  }
0x64: {  	_ =	shalt  }
0x65: {  	_ =	shalt  }
0x66: {  	_ =	shalt  }
0x67: {  	_ =	shalt  }
0x68: {  	_ =	shalt  }
0x69: {  	_ =	shalt  }
0x6a: {  	_ =	shalt  }
0x6b: {  	_ =	shalt  }
0x6c: {  	_ =	shalt  }
0x6d: {  	_ =	shalt  }
0x6e: {  	_ =	shalt  }
0x6f: {  	_ =	shalt  }
0x70: {  	_ =	shalt  }
0x71: {  	_ =	shalt  }
0x72: {  	_ =	shalt  }
0x73: {  	_ =	shalt  }
0x74: {  	_ =	shalt  }
0x75: {  	_ =	shalt  }
0x76: {  	_ =	shalt  }
0x77: {  	_ =	shalt  }
0x78: {  	_ =	shalt  }
0x79: {  	_ =	shalt  }
0x7a: {  	_ =	shalt  }
0x7b: {  	_ =	shalt  }
0x7c: {  	_ =	shalt  }
0x7d: {  	_ =	shalt  }
0x7e: {  	_ =	shalt  }
0x7f: {  	_ =	shalt  }
0x80: {  	_ =	shalt  }
0x81: {  	_ =	shalt  }
0x82: {  	_ =	shalt  }
0x83: {  	_ =	shalt  }
0x84: {  	_ =	shalt  }
0x85: {  	_ =	shalt  }
0x86: {  	_ =	shalt  }
0x87: {  	_ =	shalt  }
.Lfunc_end0:
.L_simem_size_0:
called_computation_lowered:
.L_overlay_start_0:
0x88: {  	s2 =	sld [smem:$0x3FD9]  }
0x89: {  	s3 =	sld [smem:$0x3FFE];
	_ =	sdelay $0x1  }
0x8a: {  	s1 =	srdreg.scid  }
0x8b: {  	s0 =	sand.u32 $0x1, s1  }
0x8c: {  	s14 =	sshll.u32 s0, $0xA;
	s2 =	sadd.s32 s3, s2  }
0x8d: {  	s2 =	sadd.s32 s2, s14  }
0x8e: {  	[smem:$0x3FC7] =	sst s2  }
0x8f: {  	_ = 	snop  }
0x90: {  	s2 =	sld [smem:$0x3FD0];
	_ =	sdelay $0x2  }
0x91: {  	s4 =	simm.s32 $0xA;
	s5 =	simm.s32 $0x10;
	s15 =	sld [smem:$0x3FC9]  }
0x92: {  	[smem:s5], [sflag:s4] =	dma.local [hbm:s2], $0x1  }
0x93: {  	_ =	swait.eq [sflag:s4], $0x1  }
0x94: {  	[sflag:s4] =	ssyncset.done $0x0  }
0x95: {  	s16 =	sld [smem:$0x10];
	[sflag:s4] =	ssyncadd.s32 $0xFFFFFFFF  }
0x96: {  	s17 =	sld [smem:$0x11];
	(tm) =	ssettm $0x1  }
0x97: {  	s18 =	sld [smem:$0x3FFB];
	_ =	sdelay $0x3  }
0x98: {  	_ =	strace s18  }
0x99: {  	s5 =	sld [smem:$0x3FFC];
	_ =	sdelay $0x3  }
0x9a: {  	_ =	strace s5  }
0x9b: {  	s5 =	sld [smem:$0x3FFD];
	_ =	sdelay $0x3  }
0x9c: {  	_ =	strace s5  }
0x9d: {  	_ =	strace $0x8FFFFFFF  }
0x9e: {  	s19 =	sld [smem:$0x3FDB];
	_ =	sdelay $0x1  }
0x9f: {  	s6 =	simm.s32 $_scs_section_size  }
0xa0: {  	s7 =	simm.s32 $_size__tile_overlayer_lowered;
	s8 =	simm.s32 $_tile_overlayer_lowered  }
0xa1: {  	s22 =	simm.s32 $0x1BFF;
	s21 =	sshll.u32 s8, $0x1;
	s5 =	sadd.s32 s6, s19  }
0xa2: {  	s9 =	simm.s32 $0x0;
	s20 =	sshll.u32 s7, $0x1;
	s7 =	sadd.s32 s21, s5  }
0xa3: {  	[timem:s9], [sflag:s22] =	dma.local [hbm:s7], s20  }
0xa4: {  	_ =	swait.ge [sflag:s22], s20  }
0xa5: {  	s6 =	ssub.s32 $0x0, s20;
	[sflag:s22] =	ssyncset.done $0x0  }
0xa6: {  	[sflag:s22] =	ssyncadd.s32 s6;
	_ =	sdelay $0x1  }
0xa7: {  	s23 =	simm.s32 $0x1B8B  }
0xa8: {  	_ =	swait.ge [sflag:s23], $0x1  }
0xa9: {  	[sflag:s23] =	ssyncset.done $0x0  }
0xaa: {  	s25 =	simm.s32 $0x1B8E;
	s24 =	sld [smem:$0x3FFE];
	[sflag:s23] =	ssyncadd.s32 $0xFFFFFFFF  }
0xab: {  	s26 =	simm.s32 $execute0_lowered;
	[smem:$0x3FD2] =	sst s25  }
0xac: {  	s7 =	sshll.u32 s26, $0x1;
	_ =	strace $0x80000046;
	[dreg:$0x1] =	wrdreg $0xFFFFFFFF  }
0xad: {  	s28 =	simm.s32 $_size_execute0_lowered;
	s5 =	sadd.s32 s5, s7;
	[dreg:$0x0] =	wrdreg $0x0  }
0xae: {  	s7 =	sshll.u32 s28, $0x1;
	[dreg:$0x2] =	wrdreg s5  }
0xaf: {  	[dreg:$0x3] =	wrdreg s7  }
0xb0: {  	[dreg:$0x4] =	wrdreg $0xC0  }
0xb1: {  	_ =	task [dreg:s9], $0x5FFFF  }
0xb2: {  	[dreg:$0x1] =	wrdreg $0xFFFFFFFF  }
0xb3: {  	[dreg:$0x0] =	wrdreg $0x60  }
0xb4: {  	[dreg:$0x2] =	wrdreg s15  }
0xb5: {  	[dreg:$0x3] =	wrdreg s24  }
0xb6: {  	[dreg:$0x4] =	wrdreg s16  }
0xb7: {  	[dreg:$0x5] =	wrdreg s17  }
0xb8: {  	[dreg:$0x6] =	wrdreg $0xC1000  }
0xb9: {  	[dreg:$0x7] =	wrdreg $0x9  }
0xba: {  	_ =	task.clear_ibuf [dreg:s9], $0x8FFFF;
	_ =	strace $0x90000046  }
0xbb: {  	s29 =	simm.s32 $0x9;
	_ =	strace $0x80000048  }
0xbc: {  	_ =	swait.ge [sflag:s29], $0x1  }
0xbd: {  	[sflag:s29] =	ssyncadd.s32 $0xFFFFFFFF  }
0xbe: {  	_ =	strace $0x90000048  }
0xbf: {  	_ =	sfence  }
0xc0: {  	s30 =	sld [smem:$0x0];
	_ =	sdelay $0x2  }
0xc1: {  	s31 =	sshll.u32 s1, $0xD;
	s1 =	sshrl.u32 s1, $0x2  }
0xc2: {  	s3 =	sand.u32 $0x4000, s31;
	s1 =	sadd.s32 s1, s30  }
0xc3: {  	s0 =	sor.u32 s3, s0;
	s1 =	sshll.u32 s1, $0x11  }
0xc4: {  	s0 =	sor.u32 s1, s0  }
0xc5: {  	s0 =	sadd.s32 $0x8F2B, s0  }
0xc6: {  	[sflag:s0] =	ssyncadd.remote.s32 $0x1  }
0xc7: {  	_ =	sfence.sel $0xFFFF  }
0xc8: {  	[dreg:$0x0] =	wrdreg $0xFFFFFFFF;
	(pc) =	sbr.abs _section_cstart, $3  }
0xc9: {  	[dreg:$0x1] =	wrdreg $0xFFFFFFFF  }
0xca: {  	_ =	task.clear_ibuf [dreg:s9], $0x2FFFF;
	_ =	strace $0x9FFFFFFF  }
0xcb: {  	(tm) =	ssettm $0x7FFFFFFF  }
tec
execute0_lowered:
.L_overlay_start_1:
0x0: {  	(tag) =	ssettag $0x1  }
0x1: {  	s24 =	rddreg [dreg:$0x0]  }
0x2: {  	s13 =	rddreg [dreg:$0x1]  }
0x3: {  	s1 =	rddreg [dreg:$0x2]  }
0x4: {  	s0 =	srdreg.scid;
	s2 =	rddreg [dreg:$0x3]  }
0x5: {  	s7 =	stileid.u32;
	s4 =	rddreg [dreg:$0x4];
	s15 =	simm.s32 $0x0  }
0x6: {  	s0 =	sand.u32 $0x1, s0;
	s3 =	sshll.u32 s7, $0x1;
	[dreg:$0x6] =	wrdreg s2  }
0x7: {  	[smem:$0x7FF] =	sst s15;
	s30 =	sadd.s32 $0x6000, s24;
	s3 =	sor.u32 s0, s3  }
0x8: {  	s29 =	sadd.s32 $0x7800, s24;
	s5 =	smul.u32 $0xC0000, s3;
	s6 =	sshll.u32 s3, $0x4  }
0x9: {  	_ =	strace $0x80000047;
	[smem:$0x7F6] =	sst s30;
	s6 =	sadd.s32 s6, s13  }
0xa: {  	[smem:$0x7FB] =	sst s29;
	s5 =	sshrl.u32 s5, $0x3;
	s6 =	sadd.s32 $0x200, s6  }
0xb: {  	s8 =	sadd.s32 s1, s5;
	[dreg:$0x7] =	wrdreg s6  }
0xc: {  	s1 =	sadd.s32 $0x800, s8;
	[smem:$0x7F4] =	sst s8  }
0xd: {  	s16 =	sadd.s32 $0x1000, s8;
	[dreg:$0x8] =	wrdreg s1  }
0xe: {  	s17 =	sadd.s32 $0x1800, s8;
	[dreg:$0x9] =	wrdreg s16  }
0xf: {  	s18 =	sadd.s32 $0x2000, s8;
	[dreg:$0xa] =	wrdreg s17  }
0x10: {  	s19 =	sadd.s32 $0x2800, s8;
	[dreg:$0xb] =	wrdreg s18  }
0x11: {  	s20 =	sadd.s32 $0x3000, s8;
	[dreg:$0xc] =	wrdreg s19  }
0x12: {  	s21 =	sadd.s32 $0x3800, s8;
	[dreg:$0xd] =	wrdreg s20  }
0x13: {  	s22 =	sadd.s32 $0x4000, s8;
	[dreg:$0xe] =	wrdreg s21  }
0x14: {  	s23 =	sadd.s32 $0x4800, s8;
	[dreg:$0xf] =	wrdreg s22  }
0x15: {  	s25 =	sadd.s32 $0x5000, s8;
	[dreg:$0x10] =	wrdreg s23  }
0x16: {  	s26 =	sadd.s32 $0x5800, s8;
	[dreg:$0x11] =	wrdreg s25  }
0x17: {  	s2 =	sadd.s32 $0x6000, s8;
	[dreg:$0x12] =	wrdreg s26  }
0x18: {  	s5 =	sadd.s32 $0x6800, s8;
	[dreg:$0x13] =	wrdreg s2  }
0x19: {  	s6 =	sadd.s32 $0x7000, s8;
	[dreg:$0x14] =	wrdreg s5  }
0x1a: {  	s9 =	sadd.s32 $0x7800, s8;
	[dreg:$0x15] =	wrdreg s6  }
0x1b: {  	s10 =	sadd.s32 $0x8000, s8;
	[dreg:$0x16] =	wrdreg s9  }
0x1c: {  	s11 =	sadd.s32 $0x8800, s8;
	[dreg:$0x17] =	wrdreg s10  }
0x1d: {  	s12 =	sadd.s32 $0x9000, s8;
	[dreg:$0x18] =	wrdreg s11  }
0x1e: {  	s14 =	sadd.s32 $0x9800, s8;
	[dreg:$0x19] =	wrdreg s12  }
0x1f: {  	[dreg:$0x1a] =	wrdreg s14;
	s16 =	sadd.s32 $0xA000, s8  }
0x20: {  	s17 =	sadd.s32 $0xA800, s8;
	[dreg:$0x1b] =	wrdreg s16  }
0x21: {  	s18 =	sadd.s32 $0xB000, s8;
	[dreg:$0x1c] =	wrdreg s17  }
0x22: {  	s19 =	sadd.s32 $0xB800, s8;
	[dreg:$0x1d] =	wrdreg s18  }
0x23: {  	s20 =	sadd.s32 $0xC000, s8;
	[dreg:$0x1e] =	wrdreg s19  }
0x24: {  	s21 =	sadd.s32 $0xC800, s8;
	[dreg:$0x1f] =	wrdreg s20  }
0x25: {  	s22 =	sadd.s32 $0xD000, s8;
	[smem:$0x7D8] =	sst s21  }
0x26: {  	s23 =	sadd.s32 $0xD800, s8;
	[smem:$0x7D9] =	sst s22  }
0x27: {  	s25 =	sadd.s32 $0xE000, s8;
	[smem:$0x7DA] =	sst s23  }
0x28: {  	s26 =	sadd.s32 $0xE800, s8;
	[smem:$0x7DB] =	sst s25  }
0x29: {  	s6 =	sadd.s32 $0xF000, s8;
	[smem:$0x7DC] =	sst s26  }
0x2a: {  	s10 =	sadd.s32 $0x1000, s24;
	[smem:$0x7DD] =	sst s6  }
0x2b: {  	s9 =	sadd.s32 $0xF800, s8;
	[smem:$0x7DE] =	sst s10  }
0x2c: {  	s11 =	sadd.s32 $0x10000, s8;
	[smem:$0x7DF] =	sst s9  }
0x2d: {  	p1 =	por $0x0, $0x0;
	s12 =	sadd.s32 $0x10800, s8;
	[smem:$0x7E0] =	sst s11  }
0x2e: {  	s31 =	simm.s32 $0x1;
	s14 =	sadd.s32 $0x11000, s8;
	[smem:$0x7E1] =	sst s12  }
0x2f: {  	s7 =	sshll.u32 s7, $0xF;
	s1 =	sadd.s32 $0x2800, s24;
	[smem:$0x7E2] =	sst s14  }
0x30: {  	s28 =	sadd.s32 $0x4800, s24;
	s16 =	sadd.s32 $0x11800, s8;
	[smem:$0x7E8] =	sst s1  }
0x31: {  	s0 =	ssub.s32 $0x2, s0;
	s17 =	sadd.s32 $0x12000, s8;
	[smem:$0x7E3] =	sst s16  }
0x32: {  	p0 =	sne.s32 s3, $0x0;
	s19 =	sadd.s32 $0x12800, s8;
	[smem:$0x7E4] =	sst s17  }
0x33: {  	s3 =	simm.s32 $0xB;
	s22 =	sadd.s32 $0x3000, s24;
	[smem:$0x7E5] =	sst s19  }
0x34: {  	s2 =	sshrl.u32 s0, $0x1;
	s20 =	sadd.s32 $0x13000, s8;
	[smem:$0x7E6] =	sst s22  }
0x35: {  	s5 =	ssub.s32 s0, s2;
	s26 =	sadd.s32 $0x13800, s8;
	[smem:$0x7E7] =	sst s20  }
0x36: {  	s23 =	sadd.s32 s7, s4;
	s7 =	sadd.s32 $0x4000, s24;
	[smem:$0x7E9] =	sst s26  }
0x37: {  	s21 =	sadd.s32 $0x800, s24;
	s2 =	sadd.s32 $0x14000, s8;
	[smem:$0x7EA] =	sst s7  }
0x38: {  	s18 =	sadd.s32 $0x2000, s24;
	s10 =	sadd.s32 $0x3800, s24;
	[smem:$0x7EB] =	sst s2  }
0x39: {  	s25 =	sadd.s32 $0x1800, s24;
	s9 =	sadd.s32 $0x14800, s8;
	[smem:$0x7EC] =	sst s10  }
0x3a: {  	s11 =	sadd.s32 $0x15000, s8;
	s12 =	sadd.s32 $0x5000, s24;
	[smem:$0x7ED] =	sst s9  }
0x3b: {  	s14 =	sadd.s32 $0x15800, s8;
	s1 =	simm.s32 $0x8100;
	[smem:$0x7EE] =	sst s12  }
0x3c: {  	s4 =	simm.s32 $0xA;
	s0 =	simm.s32 @!p0 $0x0;
	[smem:$0x7EF] =	sst s11  }
0x3d: {  	s6 =	sadd.s32 $0x4000, s23;
	[smem:$0x7F0] =	sst s14;
	s16 =	sadd.s32 $0x16000, s8  }
0x3e: {  	s17 =	sadd.s32 $0x16800, s8;
	s22 =	sadd.s32 $0x5800, s24;
	[smem:$0x7F7] =	sst s23  }
0x3f: {  	s19 =	sadd.s32 $0x17000, s8;
	s10 =	sadd.s32 $0x7000, s24;
	[smem:$0x7F8] =	sst s18  }
0x40: {  	s20 =	sadd.s32 $0x17800, s8;
	s26 =	smax.u32 s5, $0x1;
	[smem:$0x7F9] =	sst s25  }
0x41: {  	[smem:$0x7FA] =	sst s21;
	s5 =	sshrl.u32 s6, $0x3;
	s6 =	sadd.s32 $0xFFFFFFFF, s26  }
0x42: {  	s7 =	simm.s32 $0x100;
	[smem:$0x7F1] =	sst s16;
	p2 =	sne.s32 s6, $0x0  }
.Ltmp0:
0x43: {  	s2 =	simm.s32 $0x4100;
	[smem:$0x7F2] =	sst s17;
	(pc) =	sbr.rel @!p2 .LBB2_1-.Ltmp0, $4  }
0x44: {  	s14 =	simm.s32 $0x7;
	s8 =	simm.s32 $0x4;
	[smem:$0x7F3] =	sst s19  }
0x45: {  	s11 =	simm.s32 $0x8;
	s12 =	simm.s32 $0x5;
	[smem:$0x7F5] =	sst s20  }
0x46: {  	s19 =	sadd.s32 $0x6800, s24;
	s20 =	simm.s32 $0x2;
	[smem:$0x7FD] =	sst s10  }
0x47: {  	s17 =	simm.s32 $0x9;
	s26 =	simm.s32 $0x3;
	[smem:$0x7FC] =	sst s19  }
0x48: {  	[smem:$0x7D7] =	sst s6;
	s6 =	simm.s32 @!p0 $0x80;
	s16 =	simm.s32 @!p0 $0xB  }
0x49: {  	[tilespmem:s6], [sflag:$0xB] =	stream.linear.gather @!p0 [hbm4b:s13+s0], $0x80, $0x38;
	[tilespmem:$0x14100] =	vst v63  }
0x4a: {  	_ =	swait.ge @!p0 [sflag:s16], $0x80  }
0x4b: {  	[sflag:s16] =	ssyncset.done @!p0 $0x0  }
0x4c: {  	s13 =	rddreg [dreg:$0x6];
	[sflag:s16] =	ssyncadd.s32 @!p0 $0xFFFFFF80  }
0x4d: {  	[hbm4b:s13+s0] =	stream.linear.scatter @!p0 [tilespmem:s6], [sflag:$0xB], $0x80, $0x38;
	[tilespmem:$0x14100] =	vst v63  }
0x4e: {  	_ =	swait.ge @!p0 [sflag:s16], $0x80  }
0x4f: {  	[sflag:s16] =	ssyncset.done @!p0 $0x0  }
0x50: {  	s0 =	rddreg [dreg:$0x7];
	[sflag:s16] =	ssyncadd.s32 @!p0 $0xFFFFFF80  }
0x51: {  	[tilespmem:s15], [sflag:$0xB] =	stream.linear.gather [hbm4b:s0+s15], $0x80, $0x38;
	[tilespmem:$0x14100] =	vst v63  }
0x52: {  	_ =	swait.ge [sflag:s3], $0x80  }
0x53: {  	[sflag:s3] =	ssyncset.done $0x0  }
0x54: {  	[sflag:s3] =	ssyncadd.s32 $0xFFFFFF80  }
0x55: {  	v0 =	vld [tilespmem:$0x0];
	_ =	sdelay $0x4  }
0x56: {  	v0 =	vshll.u32 v0, $0xF  }
0x57: {  	(v2sf) =	vpush v0, $0x0  }
0x58: {  	(v2sf) =	vpush v0, $0x1;
	_ =	sdelay $0x1  }
0x59: {  	(v2sf) =	vpush v0, $0x2;
	_ =	sdelay $0xa  }
0x5a: {  	s9 =	smov.u32 s28;
	s6 =	stileid.u32  }
0x5b: {  	s0 =	smov.u32 s18;
	s18 =	sld [smem:$0x7DE];
	s3 =	spop (v2sf)  }
0x5c: {  	s13 =	sshrl.u32 s23, $0x3;
	[smem:$0x7D0] =	sst s28;
	s16 =	spop (v2sf)  }
0x5d: {  	s23 =	sshll.u32 s6, $0x6;
	s28 =	sand.u32 $0x1FFF8000, s3;
	[smem:$0x7CF] =	sst s16  }
0x5e: {  	s16 =	sadd.s32 s24, s28;
	s24 =	sadd.s32 s28, s18;
	s3 =	spop (v2sf)  }
0x5f: {  	[tilespmem:s7], [sflag:$0x1] =	stream.linear.gather [hbm4b:s16+s15], $0x4000, $0x38;
	[tilespmem:$0x14100] =	vst v63  }
0x60: {  	s21 =	sadd.s32 s28, s21;
	s16 =	sor.u32 $0x1C07, s23;
	[smem:$0x7D1] =	sst s3  }
0x61: {  	[tilespmem:s2], [sflag:$0x2] =	stream.linear.gather [hbm4b:s24+s15], $0x4000, $0x38;
	[tilespmem:$0x14100] =	vst v63  }
0x62: {  	[spmem:s13], [sflag:s16] =	dma.local [hbm:s21], $0x800  }
0x63: {  	_ =	swait.ge [sflag:s31], $0x4000  }
0x64: {  	s18 =	sld [smem:$0x7F4]  }
0x65: {  	[sflag:s31] =	ssyncset.done $0x0  }
0x66: {  	[sflag:s31] =	ssyncadd.s32 $0xFFFFC000  }
0x67: {  	[hbm4b:s18+s15] =	stream.linear.scatter [tilespmem:s7], [sflag:$0x4], $0x4000, $0x38;
	[tilespmem:$0x14100] =	vst v63  }
0x68: {  	s21 =	sadd.s32 s28, s0  }
0x69: {  	[tilespmem:s1], [sflag:$0x3] =	stream.linear.gather [hbm4b:s21+s15], $0x4000, $0x38;
	[tilespmem:$0x14100] =	vst v63  }
0x6a: {  	_ =	swait.ge [sflag:s14], $0x800  }
0x6b: {  	s25 =	sadd.s32 s28, s25;
	s18 =	sor.u32 $0x1C09, s23;
	[sflag:s14] =	ssyncset.done $0x0  }
0x6c: {  	s21 =	sor.u32 $0x1C08, s23;
	s24 =	rddreg [dreg:$0x8];
	[sflag:s14] =	ssyncadd.s32 $0xFFFFF800  }
0x6d: {  	[hbm:s24], [sflag:s18] =	dma.local [spmem:s13], $0x800  }
0x6e: {  	[spmem:s5], [sflag:s21] =	dma.local [hbm:s25], $0x800  }
0x6f: {  	_ =	swait.ge [sflag:s20], $0x4000  }
0x70: {  	[sflag:s20] =	ssyncset.done $0x0  }
0x71: {  	s0 =	rddreg [dreg:$0x9];
	[sflag:s20] =	ssyncadd.s32 $0xFFFFC000  }
0x72: {  	[hbm4b:s0+s15] =	stream.linear.scatter [tilespmem:s2], [sflag:$0x5], $0x4000, $0x38;
	[tilespmem:$0x14100] =	vst v63  }
0x73: {  	_ =	swait.ge [sflag:s8], $0x4000  }
0x74: {  	s25 =	sld [smem:$0x7E6];
	_ =	sdelay $0x1  }
0x75: {  	[sflag:s8] =	ssyncset.done $0x0  }
0x76: {  	[sflag:s8] =	ssyncadd.s32 $0xFFFFC000;
	s3 =	sadd.s32 s28, s25  }
0x77: {  	[tilespmem:s7], [sflag:$0x1] =	stream.linear.gather [hbm4b:s3+s15], $0x4000, $0x38;
	[tilespmem:$0x14100] =	vst v63  }
0x78: {  	_ =	swait.ge [sflag:s11], $0x800  }
0x79: {  	[sflag:s11] =	ssyncset.done $0x0  }
0x7a: {  	s3 =	sor.u32 $0x1C0A, s23;
	s6 =	rddreg [dreg:$0xa];
	[sflag:s11] =	ssyncadd.s32 $0xFFFFF800  }
0x7b: {  	[hbm:s6], [sflag:s3] =	dma.local [spmem:s5], $0x800  }
0x7c: {  	_ =	swait.ge [sflag:s17], $0x800  }
0x7d: {  	s24 =	sld [smem:$0x7E8];
	_ =	sdelay $0x1  }
0x7e: {  	[sflag:s17] =	ssyncset.done $0x0  }
0x7f: {  	[sflag:s17] =	ssyncadd.s32 $0xFFFFF800;
	s6 =	sadd.s32 s28, s24  }
0x80: {  	[spmem:s13], [sflag:s16] =	dma.local [hbm:s6], $0x800  }
0x81: {  	_ =	swait.ge [sflag:s26], $0x4000  }
0x82: {  	[sflag:s26] =	ssyncset.done $0x0  }
0x83: {  	s23 =	rddreg [dreg:$0xb];
	[sflag:s26] =	ssyncadd.s32 $0xFFFFC000  }
0x84: {  	[hbm4b:s23+s15] =	stream.linear.scatter [tilespmem:s1], [sflag:$0x6], $0x4000, $0x38;
	[tilespmem:$0x14100] =	vst v63  }
0x85: {  	_ =	swait.ge [sflag:s12], $0x4000  }
0x86: {  	s0 =	sld [smem:$0x7EA];
	_ =	sdelay $0x1  }
0x87: {  	[sflag:s12] =	ssyncset.done $0x0  }
0x88: {  	[sflag:s12] =	ssyncadd.s32 $0xFFFFC000;
	s6 =	sadd.s32 s28, s0  }
0x89: {  	[tilespmem:s2], [sflag:$0x2] =	stream.linear.gather [hbm4b:s6+s15], $0x4000, $0x38;
	[tilespmem:$0x14100] =	vst v63  }
0x8a: {  	_ =	swait.ge [sflag:s14], $0x800  }
0x8b: {  	[sflag:s14] =	ssyncset.done $0x0  }
0x8c: {  	s23 =	rddreg [dreg:$0xc];
	[sflag:s14] =	ssyncadd.s32 $0xFFFFF800  }
0x8d: {  	[hbm:s23], [sflag:s18] =	dma.local [spmem:s13], $0x800  }
0x8e: {  	_ =	swait.ge [sflag:s4], $0x800  }
0x8f: {  	s24 =	sld [smem:$0x7EC];
	_ =	sdelay $0x1  }
0x90: {  	[sflag:s4] =	ssyncset.done $0x0  }
0x91: {  	[sflag:s4] =	ssyncadd.s32 $0xFFFFF800;
	s0 =	sadd.s32 s28, s24  }
0x92: {  	[spmem:s5], [sflag:s21] =	dma.local [hbm:s0], $0x800  }
0x93: {  	_ =	swait.ge [sflag:s31], $0x4000  }
0x94: {  	[sflag:s31] =	ssyncset.done $0x0  }
0x95: {  	s23 =	simm.s32 $0x6;
	s6 =	rddreg [dreg:$0xd];
	[sflag:s31] =	ssyncadd.s32 $0xFFFFC000  }
0x96: {  	[hbm4b:s6+s15] =	stream.linear.scatter [tilespmem:s7], [sflag:$0x4], $0x4000, $0x38;
	[tilespmem:$0x14100] =	vst v63  }
0x97: {  	_ =	swait.ge [sflag:s23], $0x4000  }
0x98: {  	s24 =	sld [smem:$0x7EE];
	_ =	sdelay $0x1  }
0x99: {  	s0 =	simm.s32 $0x6;
	[sflag:s23] =	ssyncset.done $0x0  }
0x9a: {  	[sflag:s0] =	ssyncadd.s32 $0xFFFFC000;
	s23 =	sadd.s32 s28, s24  }
0x9b: {  	[tilespmem:s1], [sflag:$0x3] =	stream.linear.gather [hbm4b:s23+s15], $0x4000, $0x38;
	[tilespmem:$0x14100] =	vst v63  }
0x9c: {  	_ =	swait.ge [sflag:s11], $0x800  }
0x9d: {  	[sflag:s11] =	ssyncset.done $0x0  }
0x9e: {  	s6 =	rddreg [dreg:$0xe];
	[sflag:s11] =	ssyncadd.s32 $0xFFFFF800  }
0x9f: {  	[hbm:s6], [sflag:s3] =	dma.local [spmem:s5], $0x800  }
0xa0: {  	_ =	swait.ge [sflag:s17], $0x800  }
0xa1: {  	[sflag:s17] =	ssyncset.done $0x0  }
0xa2: {  	s23 =	sadd.s32 s28, s9;
	[sflag:s17] =	ssyncadd.s32 $0xFFFFF800  }
0xa3: {  	[spmem:s13], [sflag:s16] =	dma.local [hbm:s23], $0x800  }
0xa4: {  	_ =	swait.ge [sflag:s20], $0x4000  }
0xa5: {  	[sflag:s20] =	ssyncset.done $0x0  }
0xa6: {  	s0 =	rddreg [dreg:$0xf];
	[sflag:s20] =	ssyncadd.s32 $0xFFFFC000  }
0xa7: {  	[hbm4b:s0+s15] =	stream.linear.scatter [tilespmem:s2], [sflag:$0x5], $0x4000, $0x38;
	[tilespmem:$0x14100] =	vst v63  }
0xa8: {  	_ =	swait.ge [sflag:s8], $0x4000  }
0xa9: {  	[sflag:s8] =	ssyncset.done $0x0  }
0xaa: {  	s6 =	sadd.s32 s28, s30;
	[sflag:s8] =	ssyncadd.s32 $0xFFFFC000  }
0xab: {  	[tilespmem:s7], [sflag:$0x1] =	stream.linear.gather [hbm4b:s6+s15], $0x4000, $0x38;
	[tilespmem:$0x14100] =	vst v63  }
0xac: {  	_ =	swait.ge [sflag:s14], $0x800  }
0xad: {  	[sflag:s14] =	ssyncset.done $0x0  }
0xae: {  	s8 =	rddreg [dreg:$0x10];
	[sflag:s14] =	ssyncadd.s32 $0xFFFFF800  }
0xaf: {  	[hbm:s8], [sflag:s18] =	dma.local [spmem:s13], $0x800  }
0xb0: {  	_ =	swait.ge [sflag:s4], $0x800  }
0xb1: {  	[sflag:s4] =	ssyncset.done $0x0  }
0xb2: {  	s9 =	sadd.s32 s28, s22;
	[smem:$0x7D2] =	sst s22;
	[sflag:s4] =	ssyncadd.s32 $0xFFFFF800  }
0xb3: {  	[spmem:s5], [sflag:s21] =	dma.local [hbm:s9], $0x800  }
0xb4: {  	_ =	swait.ge [sflag:s26], $0x4000  }
0xb5: {  	[sflag:s26] =	ssyncset.done $0x0  }
0xb6: {  	s20 =	rddreg [dreg:$0x11];
	[sflag:s26] =	ssyncadd.s32 $0xFFFFC000  }
0xb7: {  	[hbm4b:s20+s15] =	stream.linear.scatter [tilespmem:s1], [sflag:$0x6], $0x4000, $0x38;
	[tilespmem:$0x14100] =	vst v63  }
0xb8: {  	_ =	swait.ge [sflag:s12], $0x4000  }
0xb9: {  	[sflag:s12] =	ssyncset.done $0x0  }
0xba: {  	s23 =	sadd.s32 s28, s10;
	[sflag:s12] =	ssyncadd.s32 $0xFFFFC000  }
0xbb: {  	[tilespmem:s2], [sflag:$0x2] =	stream.linear.gather [hbm4b:s23+s15], $0x4000, $0x38;
	[tilespmem:$0x14100] =	vst v63  }
0xbc: {  	_ =	swait.ge [sflag:s11], $0x800  }
0xbd: {  	[sflag:s11] =	ssyncset.done $0x0  }
0xbe: {  	s26 =	rddreg [dreg:$0x12];
	[sflag:s11] =	ssyncadd.s32 $0xFFFFF800  }
0xbf: {  	[hbm:s26], [sflag:s3] =	dma.local [spmem:s5], $0x800  }
0xc0: {  	_ =	swait.ge [sflag:s17], $0x800  }
0xc1: {  	s30 =	sadd.s32 s28, s19;
	s0 =	simm.s32 @!p0 $0x0;
	[sflag:s17] =	ssyncset.done $0x0  }
0xc2: {  	[smem:$0x7CE] =	sst s0;
	s0 =	simm.s32 $0x1;
	[sflag:s17] =	ssyncadd.s32 $0xFFFFF800  }
0xc3: {  	[spmem:s13], [sflag:s16] =	dma.local [hbm:s30], $0x800  }
0xc4: {  	_ =	swait.ge [sflag:s0], $0x4000  }
0xc5: {  	s7 =	simm.s32 $0x100;
	[sflag:s0] =	ssyncset.done $0x0  }
0xc6: {  	s9 =	simm.s32 $0x6;
	s1 =	rddreg [dreg:$0x13];
	[sflag:s0] =	ssyncadd.s32 $0xFFFFC000  }
0xc7: {  	[hbm4b:s1+s15] =	stream.linear.scatter [tilespmem:s7], [sflag:$0x4], $0x4000, $0x38;
	[tilespmem:$0x14100] =	vst v63  }
0xc8: {  	_ =	swait.ge [sflag:s9], $0x4000  }
0xc9: {  	s6 =	sld [smem:$0x7CF];
	_ =	sdelay $0x1  }
0xca: {  	[sflag:s9] =	ssyncset.done $0x0  }
0xcb: {  	s24 =	rddreg [dreg:$0x0];
	s26 =	sand.u32 $0x1FFF8000, s6  }
0xcc: {  	s2 =	simm.s32 $0x8100;
	[sflag:s9] =	ssyncadd.s32 $0xFFFFC000;
	s30 =	sadd.s32 s24, s26  }
0xcd: {  	[tilespmem:s2], [sflag:$0x3] =	stream.linear.gather [hbm4b:s30+s15], $0x4000, $0x38;
	[tilespmem:$0x14100] =	vst v63  }
0xce: {  	_ =	swait.ge [sflag:s14], $0x800  }
0xcf: {  	[sflag:s14] =	ssyncset.done $0x0  }
0xd0: {  	s1 =	rddreg [dreg:$0x14];
	[sflag:s14] =	ssyncadd.s32 $0xFFFFF800  }
0xd1: {  	[hbm:s1], [sflag:s18] =	dma.local [spmem:s13], $0x800  }
0xd2: {  	_ =	swait.ge [sflag:s4], $0x800  }
0xd3: {  	[sflag:s4] =	ssyncset.done $0x0  }
0xd4: {  	s31 =	simm.s32 $0x2;
	s6 =	sadd.s32 s28, s29;
	[sflag:s4] =	ssyncadd.s32 $0xFFFFF800  }
0xd5: {  	[spmem:s5], [sflag:s21] =	dma.local [hbm:s6], $0x800  }
0xd6: {  	_ =	swait.ge [sflag:s31], $0x4000  }
0xd7: {  	s8 =	simm.s32 $0x4;
	[sflag:s31] =	ssyncset.done $0x0  }
0xd8: {  	s20 =	simm.s32 $0x4100;
	s28 =	rddreg [dreg:$0x15];
	[sflag:s31] =	ssyncadd.s32 $0xFFFFC000  }
0xd9: {  	[hbm4b:s28+s15] =	stream.linear.scatter [tilespmem:s20], [sflag:$0x5], $0x4000, $0x38;
	[tilespmem:$0x14100] =	vst v63  }
0xda: {  	_ =	swait.ge [sflag:s8], $0x4000  }
0xdb: {  	s30 =	sld [smem:$0x7DE];
	_ =	sdelay $0x1  }
0xdc: {  	[sflag:s8] =	ssyncset.done $0x0  }
0xdd: {  	[sflag:s8] =	ssyncadd.s32 $0xFFFFC000;
	s6 =	sadd.s32 s26, s30  }
0xde: {  	[tilespmem:s7], [sflag:$0x1] =	stream.linear.gather [hbm4b:s6+s15], $0x4000, $0x38;
	[tilespmem:$0x14100] =	vst v63  }
0xdf: {  	_ =	swait.ge [sflag:s11], $0x800  }
0xe0: {  	[sflag:s11] =	ssyncset.done $0x0  }
0xe1: {  	s28 =	rddreg [dreg:$0x16];
	[sflag:s11] =	ssyncadd.s32 $0xFFFFF800  }
0xe2: {  	[hbm:s28], [sflag:s3] =	dma.local [spmem:s5], $0x800  }
0xe3: {  	_ =	swait.ge [sflag:s17], $0x800  }
0xe4: {  	s30 =	sld [smem:$0x7FA];
	_ =	sdelay $0x1  }
0xe5: {  	[sflag:s17] =	ssyncset.done $0x0  }
0xe6: {  	s23 =	simm.s32 $0x3;
	[sflag:s17] =	ssyncadd.s32 $0xFFFFF800;
	s6 =	sadd.s32 s26, s30  }
0xe7: {  	[spmem:s13], [sflag:s16] =	dma.local [hbm:s6], $0x800  }
0xe8: {  	_ =	swait.ge [sflag:s23], $0x4000  }
0xe9: {  	[sflag:s23] =	ssyncset.done $0x0  }
0xea: {  	s12 =	simm.s32 $0x5;
	s28 =	rddreg [dreg:$0x17];
	[sflag:s23] =	ssyncadd.s32 $0xFFFFC000  }
0xeb: {  	[hbm4b:s28+s15] =	stream.linear.scatter [tilespmem:s2], [sflag:$0x6], $0x4000, $0x38;
	[tilespmem:$0x14100] =	vst v63  }
0xec: {  	_ =	swait.ge [sflag:s12], $0x4000  }
0xed: {  	s30 =	sld [smem:$0x7F8];
	_ =	sdelay $0x1  }
0xee: {  	[sflag:s12] =	ssyncset.done $0x0  }
0xef: {  	[sflag:s12] =	ssyncadd.s32 $0xFFFFC000;
	s1 =	sadd.s32 s26, s30  }
0xf0: {  	[tilespmem:s20], [sflag:$0x2] =	stream.linear.gather [hbm4b:s1+s15], $0x4000, $0x38;
	[tilespmem:$0x14100] =	vst v63  }
0xf1: {  	_ =	swait.ge [sflag:s14], $0x800  }
0xf2: {  	[sflag:s14] =	ssyncset.done $0x0  }
0xf3: {  	s6 =	rddreg [dreg:$0x18];
	[sflag:s14] =	ssyncadd.s32 $0xFFFFF800  }
0xf4: {  	[hbm:s6], [sflag:s18] =	dma.local [spmem:s13], $0x800  }
0xf5: {  	_ =	swait.ge [sflag:s4], $0x800  }
0xf6: {  	s1 =	sld [smem:$0x7F9];
	_ =	sdelay $0x1  }
0xf7: {  	[sflag:s4] =	ssyncset.done $0x0  }
0xf8: {  	[sflag:s4] =	ssyncadd.s32 $0xFFFFF800;
	s28 =	sadd.s32 s26, s1  }
0xf9: {  	[spmem:s5], [sflag:s21] =	dma.local [hbm:s28], $0x800  }
0xfa: {  	_ =	swait.ge [sflag:s0], $0x4000  }
0xfb: {  	[sflag:s0] =	ssyncset.done $0x0  }
0xfc: {  	s30 =	rddreg [dreg:$0x19];
	[sflag:s0] =	ssyncadd.s32 $0xFFFFC000  }
0xfd: {  	[hbm4b:s30+s15] =	stream.linear.scatter [tilespmem:s7], [sflag:$0x4], $0x4000, $0x38;
	[tilespmem:$0x14100] =	vst v63  }
0xfe: {  	_ =	swait.ge [sflag:s9], $0x4000  }
0xff: {  	[sflag:s9] =	ssyncset.done $0x0  }
0x100: {  	s6 =	sadd.s32 s26, s25;
	[sflag:s9] =	ssyncadd.s32 $0xFFFFC000  }
0x101: {  	[tilespmem:s2], [sflag:$0x3] =	stream.linear.gather [hbm4b:s6+s15], $0x4000, $0x38;
	[tilespmem:$0x14100] =	vst v63  }
0x102: {  	_ =	swait.ge [sflag:s11], $0x800  }
0x103: {  	[sflag:s11] =	ssyncset.done $0x0  }
0x104: {  	s25 =	rddreg [dreg:$0x1a];
	[sflag:s11] =	ssyncadd.s32 $0xFFFFF800  }
0x105: {  	[hbm:s25], [sflag:s3] =	dma.local [spmem:s5], $0x800  }
0x106: {  	_ =	swait.ge [sflag:s17], $0x800  }
0x107: {  	s30 =	sld [smem:$0x7E8];
	_ =	sdelay $0x1  }
0x108: {  	[sflag:s17] =	ssyncset.done $0x0  }
0x109: {  	[sflag:s17] =	ssyncadd.s32 $0xFFFFF800;
	s28 =	sadd.s32 s26, s30  }
0x10a: {  	[spmem:s13], [sflag:s16] =	dma.local [hbm:s28], $0x800  }
0x10b: {  	_ =	swait.ge [sflag:s31], $0x4000  }
0x10c: {  	[sflag:s31] =	ssyncset.done $0x0  }
0x10d: {  	s6 =	rddreg [dreg:$0x1b];
	[sflag:s31] =	ssyncadd.s32 $0xFFFFC000  }
0x10e: {  	[hbm4b:s6+s15] =	stream.linear.scatter [tilespmem:s20], [sflag:$0x5], $0x4000, $0x38;
	[tilespmem:$0x14100] =	vst v63  }
0x10f: {  	_ =	swait.ge [sflag:s8], $0x4000  }
0x110: {  	s25 =	sld [smem:$0x7EA];
	_ =	sdelay $0x1  }
0x111: {  	[sflag:s8] =	ssyncset.done $0x0  }
0x112: {  	[sflag:s8] =	ssyncadd.s32 $0xFFFFC000;
	s24 =	sadd.s32 s26, s25  }
0x113: {  	[tilespmem:s7], [sflag:$0x1] =	stream.linear.gather [hbm4b:s24+s15], $0x4000, $0x38;
	[tilespmem:$0x14100] =	vst v63  }
0x114: {  	_ =	swait.ge [sflag:s14], $0x800  }
0x115: {  	[sflag:s14] =	ssyncset.done $0x0  }
0x116: {  	s28 =	rddreg [dreg:$0x1c];
	[sflag:s14] =	ssyncadd.s32 $0xFFFFF800  }
0x117: {  	[hbm:s28], [sflag:s18] =	dma.local [spmem:s13], $0x800  }
0x118: {  	_ =	swait.ge [sflag:s4], $0x800  }
0x119: {  	s6 =	sld [smem:$0x7EC];
	_ =	sdelay $0x1  }
0x11a: {  	[sflag:s4] =	ssyncset.done $0x0  }
0x11b: {  	[sflag:s4] =	ssyncadd.s32 $0xFFFFF800;
	s24 =	sadd.s32 s26, s6  }
0x11c: {  	[spmem:s5], [sflag:s21] =	dma.local [hbm:s24], $0x800  }
0x11d: {  	_ =	swait.ge [sflag:s23], $0x4000  }
0x11e: {  	[sflag:s23] =	ssyncset.done $0x0  }
0x11f: {  	s25 =	rddreg [dreg:$0x1d];
	[sflag:s23] =	ssyncadd.s32 $0xFFFFC000  }
0x120: {  	[hbm4b:s25+s15] =	stream.linear.scatter [tilespmem:s2], [sflag:$0x6], $0x4000, $0x38;
	[tilespmem:$0x14100] =	vst v63  }
0x121: {  	_ =	swait.ge [sflag:s12], $0x4000  }
0x122: {  	s28 =	sld [smem:$0x7EE];
	_ =	sdelay $0x1  }
0x123: {  	[sflag:s12] =	ssyncset.done $0x0  }
0x124: {  	[sflag:s12] =	ssyncadd.s32 $0xFFFFC000;
	s24 =	sadd.s32 s26, s28  }
0x125: {  	[tilespmem:s20], [sflag:$0x2] =	stream.linear.gather [hbm4b:s24+s15], $0x4000, $0x38;
	[tilespmem:$0x14100] =	vst v63  }
0x126: {  	_ =	swait.ge [sflag:s11], $0x800  }
0x127: {  	[sflag:s11] =	ssyncset.done $0x0  }
0x128: {  	s6 =	rddreg [dreg:$0x1e];
	[sflag:s11] =	ssyncadd.s32 $0xFFFFF800  }
0x129: {  	[hbm:s6], [sflag:s3] =	dma.local [spmem:s5], $0x800  }
0x12a: {  	_ =	swait.ge [sflag:s17], $0x800  }
0x12b: {  	s28 =	sld [smem:$0x7D0];
	_ =	sdelay $0x1  }
0x12c: {  	[sflag:s17] =	ssyncset.done $0x0  }
0x12d: {  	[sflag:s17] =	ssyncadd.s32 $0xFFFFF800;
	s25 =	sadd.s32 s26, s28  }
0x12e: {  	[spmem:s13], [sflag:s16] =	dma.local [hbm:s25], $0x800  }
0x12f: {  	_ =	swait.ge [sflag:s0], $0x4000  }
0x130: {  	[sflag:s0] =	ssyncset.done $0x0  }
0x131: {  	s6 =	rddreg [dreg:$0x1f];
	[sflag:s0] =	ssyncadd.s32 $0xFFFFC000  }
0x132: {  	[hbm4b:s6+s15] =	stream.linear.scatter [tilespmem:s7], [sflag:$0x4], $0x4000, $0x38;
	[tilespmem:$0x14100] =	vst v63  }
0x133: {  	_ =	swait.ge [sflag:s9], $0x4000  }
0x134: {  	s25 =	sld [smem:$0x7F6];
	_ =	sdelay $0x1  }
0x135: {  	[sflag:s9] =	ssyncset.done $0x0  }
0x136: {  	[sflag:s9] =	ssyncadd.s32 $0xFFFFC000;
	s24 =	sadd.s32 s26, s25  }
0x137: {  	[tilespmem:s2], [sflag:$0x3] =	stream.linear.gather [hbm4b:s24+s15], $0x4000, $0x38;
	[tilespmem:$0x14100] =	vst v63  }
0x138: {  	_ =	swait.ge [sflag:s14], $0x800  }
0x139: {  	s6 =	sld [smem:$0x7D8]  }
0x13a: {  	[sflag:s14] =	ssyncset.done $0x0  }
0x13b: {  	[sflag:s14] =	ssyncadd.s32 $0xFFFFF800  }
0x13c: {  	[hbm:s6], [sflag:s18] =	dma.local [spmem:s13], $0x800  }
0x13d: {  	_ =	swait.ge [sflag:s4], $0x800  }
0x13e: {  	s25 =	sld [smem:$0x7D2];
	_ =	sdelay $0x1  }
0x13f: {  	[sflag:s4] =	ssyncset.done $0x0  }
0x140: {  	[sflag:s4] =	ssyncadd.s32 $0xFFFFF800;
	s24 =	sadd.s32 s26, s25  }
0x141: {  	[spmem:s5], [sflag:s21] =	dma.local [hbm:s24], $0x800  }
0x142: {  	_ =	swait.ge [sflag:s31], $0x4000  }
0x143: {  	s6 =	sld [smem:$0x7D9]  }
0x144: {  	[sflag:s31] =	ssyncset.done $0x0  }
0x145: {  	[sflag:s31] =	ssyncadd.s32 $0xFFFFC000  }
0x146: {  	[hbm4b:s6+s15] =	stream.linear.scatter [tilespmem:s20], [sflag:$0x5], $0x4000, $0x38;
	[tilespmem:$0x14100] =	vst v63  }
0x147: {  	_ =	swait.ge [sflag:s8], $0x4000  }
0x148: {  	[sflag:s8] =	ssyncset.done $0x0  }
0x149: {  	s25 =	sadd.s32 s26, s10;
	[sflag:s8] =	ssyncadd.s32 $0xFFFFC000  }
0x14a: {  	[tilespmem:s7], [sflag:$0x1] =	stream.linear.gather [hbm4b:s25+s15], $0x4000, $0x38;
	[tilespmem:$0x14100] =	vst v63  }
0x14b: {  	_ =	swait.ge [sflag:s11], $0x800  }
0x14c: {  	s6 =	sld [smem:$0x7DA]  }
0x14d: {  	[sflag:s11] =	ssyncset.done $0x0  }
0x14e: {  	[sflag:s11] =	ssyncadd.s32 $0xFFFFF800  }
0x14f: {  	[hbm:s6], [sflag:s3] =	dma.local [spmem:s5], $0x800  }
0x150: {  	_ =	swait.ge [sflag:s17], $0x800  }
0x151: {  	s6 =	sld [smem:$0x7FC];
	_ =	sdelay $0x1  }
0x152: {  	[sflag:s17] =	ssyncset.done $0x0  }
0x153: {  	[sflag:s17] =	ssyncadd.s32 $0xFFFFF800;
	s25 =	sadd.s32 s26, s6  }
0x154: {  	[spmem:s13], [sflag:s16] =	dma.local [hbm:s25], $0x800  }
0x155: {  	_ =	swait.ge [sflag:s23], $0x4000  }
0x156: {  	s25 =	sld [smem:$0x7DB]  }
0x157: {  	[sflag:s23] =	ssyncset.done $0x0  }
0x158: {  	[sflag:s23] =	ssyncadd.s32 $0xFFFFC000  }
0x159: {  	[hbm4b:s25+s15] =	stream.linear.scatter [tilespmem:s2], [sflag:$0x6], $0x4000, $0x38;
	[tilespmem:$0x14100] =	vst v63  }
0x15a: {  	_ =	swait.ge [sflag:s12], $0x4000  }
0x15b: {  	s25 =	sld [smem:$0x7D1];
	_ =	sdelay $0x1  }
0x15c: {  	[sflag:s12] =	ssyncset.done $0x0  }
0x15d: {  	s24 =	rddreg [dreg:$0x0];
	s25 =	sand.u32 $0x1FFF8000, s25  }
0x15e: {  	[sflag:s12] =	ssyncadd.s32 $0xFFFFC000;
	s24 =	sadd.s32 s24, s25  }
0x15f: {  	[tilespmem:s20], [sflag:$0x2] =	stream.linear.gather [hbm4b:s24+s15], $0x4000, $0x38;
	[tilespmem:$0x14100] =	vst v63  }
0x160: {  	_ =	swait.ge [sflag:s14], $0x800  }
0x161: {  	s24 =	sld [smem:$0x7DC]  }
0x162: {  	[sflag:s14] =	ssyncset.done $0x0  }
0x163: {  	[sflag:s14] =	ssyncadd.s32 $0xFFFFF800  }
0x164: {  	[hbm:s24], [sflag:s18] =	dma.local [spmem:s13], $0x800  }
0x165: {  	_ =	swait.ge [sflag:s4], $0x800  }
0x166: {  	s24 =	sld [smem:$0x7FB];
	_ =	sdelay $0x1  }
0x167: {  	[sflag:s4] =	ssyncset.done $0x0  }
0x168: {  	[sflag:s4] =	ssyncadd.s32 $0xFFFFF800;
	s24 =	sadd.s32 s26, s24  }
0x169: {  	[spmem:s5], [sflag:s21] =	dma.local [hbm:s24], $0x800  }
0x16a: {  	_ =	swait.ge [sflag:s0], $0x4000  }
0x16b: {  	s26 =	sld [smem:$0x7DD]  }
0x16c: {  	[sflag:s0] =	ssyncset.done $0x0  }
0x16d: {  	[sflag:s0] =	ssyncadd.s32 $0xFFFFC000  }
0x16e: {  	[hbm4b:s26+s15] =	stream.linear.scatter [tilespmem:s7], [sflag:$0x4], $0x4000, $0x38;
	[tilespmem:$0x14100] =	vst v63  }
0x16f: {  	_ =	swait.ge [sflag:s9], $0x4000  }
0x170: {  	s26 =	sld [smem:$0x7DE];
	_ =	sdelay $0x1  }
0x171: {  	[sflag:s9] =	ssyncset.done $0x0  }
0x172: {  	[sflag:s9] =	ssyncadd.s32 $0xFFFFC000;
	s24 =	sadd.s32 s25, s26  }
0x173: {  	[tilespmem:s2], [sflag:$0x3] =	stream.linear.gather [hbm4b:s24+s15], $0x4000, $0x38;
	[tilespmem:$0x14100] =	vst v63  }
0x174: {  	_ =	swait.ge [sflag:s11], $0x800  }
0x175: {  	s26 =	sld [smem:$0x7DF]  }
0x176: {  	[sflag:s11] =	ssyncset.done $0x0  }
0x177: {  	[sflag:s11] =	ssyncadd.s32 $0xFFFFF800  }
0x178: {  	[hbm:s26], [sflag:s3] =	dma.local [spmem:s5], $0x800  }
0x179: {  	_ =	swait.ge [sflag:s17], $0x800  }
0x17a: {  	s26 =	sld [smem:$0x7FA];
	_ =	sdelay $0x1  }
0x17b: {  	[sflag:s17] =	ssyncset.done $0x0  }
0x17c: {  	[sflag:s17] =	ssyncadd.s32 $0xFFFFF800;
	s24 =	sadd.s32 s25, s26  }
0x17d: {  	[spmem:s13], [sflag:s16] =	dma.local [hbm:s24], $0x800  }
0x17e: {  	_ =	swait.ge [sflag:s31], $0x4000  }
0x17f: {  	s26 =	sld [smem:$0x7E0]  }
0x180: {  	[sflag:s31] =	ssyncset.done $0x0  }
0x181: {  	[sflag:s31] =	ssyncadd.s32 $0xFFFFC000  }
0x182: {  	[hbm4b:s26+s15] =	stream.linear.scatter [tilespmem:s20], [sflag:$0x5], $0x4000, $0x38;
	[tilespmem:$0x14100] =	vst v63  }
0x183: {  	_ =	swait.ge [sflag:s8], $0x4000  }
0x184: {  	s26 =	sld [smem:$0x7F8];
	_ =	sdelay $0x1  }
0x185: {  	[sflag:s8] =	ssyncset.done $0x0  }
0x186: {  	[sflag:s8] =	ssyncadd.s32 $0xFFFFC000;
	s24 =	sadd.s32 s25, s26  }
0x187: {  	[tilespmem:s7], [sflag:$0x1] =	stream.linear.gather [hbm4b:s24+s15], $0x4000, $0x38;
	[tilespmem:$0x14100] =	vst v63  }
0x188: {  	_ =	swait.ge [sflag:s14], $0x800  }
0x189: {  	s26 =	sld [smem:$0x7E1]  }
0x18a: {  	[sflag:s14] =	ssyncset.done $0x0  }
0x18b: {  	[sflag:s14] =	ssyncadd.s32 $0xFFFFF800  }
0x18c: {  	[hbm:s26], [sflag:s18] =	dma.local [spmem:s13], $0x800  }
0x18d: {  	_ =	swait.ge [sflag:s4], $0x800  }
0x18e: {  	[sflag:s4] =	ssyncset.done $0x0  }
0x18f: {  	s26 =	sadd.s32 s25, s1;
	[sflag:s4] =	ssyncadd.s32 $0xFFFFF800  }
0x190: {  	[spmem:s5], [sflag:s21] =	dma.local [hbm:s26], $0x800  }
0x191: {  	_ =	swait.ge [sflag:s23], $0x4000  }
0x192: {  	s1 =	sld [smem:$0x7E2]  }
0x193: {  	[sflag:s23] =	ssyncset.done $0x0  }
0x194: {  	[sflag:s23] =	ssyncadd.s32 $0xFFFFC000  }
0x195: {  	[hbm4b:s1+s15] =	stream.linear.scatter [tilespmem:s2], [sflag:$0x6], $0x4000, $0x38;
	[tilespmem:$0x14100] =	vst v63  }
0x196: {  	_ =	swait.ge [sflag:s12], $0x4000  }
0x197: {  	s26 =	sld [smem:$0x7E6];
	_ =	sdelay $0x1  }
0x198: {  	[sflag:s12] =	ssyncset.done $0x0  }
0x199: {  	[sflag:s12] =	ssyncadd.s32 $0xFFFFC000;
	s1 =	sadd.s32 s25, s26  }
0x19a: {  	[tilespmem:s20], [sflag:$0x2] =	stream.linear.gather [hbm4b:s1+s15], $0x4000, $0x38;
	[tilespmem:$0x14100] =	vst v63  }
0x19b: {  	_ =	swait.ge [sflag:s11], $0x800  }
0x19c: {  	s26 =	sld [smem:$0x7E3]  }
0x19d: {  	[sflag:s11] =	ssyncset.done $0x0  }
0x19e: {  	[sflag:s11] =	ssyncadd.s32 $0xFFFFF800  }
0x19f: {  	[hbm:s26], [sflag:s3] =	dma.local [spmem:s5], $0x800  }
0x1a0: {  	_ =	swait.ge [sflag:s17], $0x800  }
0x1a1: {  	[sflag:s17] =	ssyncset.done $0x0  }
0x1a2: {  	s30 =	sadd.s32 s25, s30;
	[sflag:s17] =	ssyncadd.s32 $0xFFFFF800  }
0x1a3: {  	[spmem:s13], [sflag:s16] =	dma.local [hbm:s30], $0x800  }
0x1a4: {  	_ =	swait.ge [sflag:s0], $0x4000  }
0x1a5: {  	s1 =	sld [smem:$0x7E4]  }
0x1a6: {  	[sflag:s0] =	ssyncset.done $0x0  }
0x1a7: {  	[sflag:s0] =	ssyncadd.s32 $0xFFFFC000  }
0x1a8: {  	[hbm4b:s1+s15] =	stream.linear.scatter [tilespmem:s7], [sflag:$0x4], $0x4000, $0x38;
	[tilespmem:$0x14100] =	vst v63  }
0x1a9: {  	_ =	swait.ge [sflag:s9], $0x4000  }
0x1aa: {  	s26 =	sld [smem:$0x7EA];
	_ =	sdelay $0x1  }
0x1ab: {  	[sflag:s9] =	ssyncset.done $0x0  }
0x1ac: {  	[sflag:s9] =	ssyncadd.s32 $0xFFFFC000;
	s30 =	sadd.s32 s25, s26  }
0x1ad: {  	[tilespmem:s2], [sflag:$0x3] =	stream.linear.gather [hbm4b:s30+s15], $0x4000, $0x38;
	[tilespmem:$0x14100] =	vst v63  }
0x1ae: {  	_ =	swait.ge [sflag:s14], $0x800  }
0x1af: {  	s0 =	sld [smem:$0x7E5]  }
0x1b0: {  	[sflag:s14] =	ssyncset.done $0x0  }
0x1b1: {  	[sflag:s14] =	ssyncadd.s32 $0xFFFFF800  }
0x1b2: {  	[hbm:s0], [sflag:s18] =	dma.local [spmem:s13], $0x800  }
0x1b3: {  	_ =	swait.ge [sflag:s4], $0x800  }
0x1b4: {  	s1 =	sld [smem:$0x7EC];
	_ =	sdelay $0x1  }
0x1b5: {  	[sflag:s4] =	ssyncset.done $0x0  }
0x1b6: {  	[sflag:s4] =	ssyncadd.s32 $0xFFFFF800;
	s9 =	sadd.s32 s25, s1  }
0x1b7: {  	[spmem:s5], [sflag:s21] =	dma.local [hbm:s9], $0x800  }
0x1b8: {  	_ =	swait.ge [sflag:s31], $0x4000  }
0x1b9: {  	s26 =	sld [smem:$0x7E7]  }
0x1ba: {  	[sflag:s31] =	ssyncset.done $0x0  }
0x1bb: {  	[sflag:s31] =	ssyncadd.s32 $0xFFFFC000  }
0x1bc: {  	[hbm4b:s26+s15] =	stream.linear.scatter [tilespmem:s20], [sflag:$0x5], $0x4000, $0x38;
	[tilespmem:$0x14100] =	vst v63  }
0x1bd: {  	_ =	swait.ge [sflag:s8], $0x4000  }
0x1be: {  	s30 =	sld [smem:$0x7EE];
	_ =	sdelay $0x1  }
0x1bf: {  	[sflag:s8] =	ssyncset.done $0x0  }
0x1c0: {  	[sflag:s8] =	ssyncadd.s32 $0xFFFFC000;
	s1 =	sadd.s32 s25, s30  }
0x1c1: {  	[tilespmem:s7], [sflag:$0x1] =	stream.linear.gather [hbm4b:s1+s15], $0x4000, $0x38;
	[tilespmem:$0x14100] =	vst v63  }
0x1c2: {  	_ =	swait.ge [sflag:s11], $0x800  }
0x1c3: {  	s7 =	sld [smem:$0x7E9]  }
0x1c4: {  	[sflag:s11] =	ssyncset.done $0x0  }
0x1c5: {  	[sflag:s11] =	ssyncadd.s32 $0xFFFFF800  }
0x1c6: {  	[hbm:s7], [sflag:s3] =	dma.local [spmem:s5], $0x800  }
0x1c7: {  	_ =	swait.ge [sflag:s17], $0x800  }
0x1c8: {  	[sflag:s17] =	ssyncset.done $0x0  }
0x1c9: {  	s8 =	sadd.s32 s25, s28;
	[sflag:s17] =	ssyncadd.s32 $0xFFFFF800  }
0x1ca: {  	[spmem:s13], [sflag:s16] =	dma.local [hbm:s8], $0x800  }
0x1cb: {  	_ =	swait.ge [sflag:s23], $0x4000  }
0x1cc: {  	s9 =	sld [smem:$0x7EB]  }
0x1cd: {  	[sflag:s23] =	ssyncset.done $0x0  }
0x1ce: {  	[sflag:s23] =	ssyncadd.s32 $0xFFFFC000  }
0x1cf: {  	[hbm4b:s9+s15] =	stream.linear.scatter [tilespmem:s2], [sflag:$0x6], $0x4000, $0x38;
	[tilespmem:$0x14100] =	vst v63  }
0x1d0: {  	_ =	swait.ge [sflag:s12], $0x4000  }
0x1d1: {  	s24 =	sld [smem:$0x7F6];
	_ =	sdelay $0x1  }
0x1d2: {  	[sflag:s12] =	ssyncset.done $0x0  }
0x1d3: {  	[sflag:s12] =	ssyncadd.s32 $0xFFFFC000;
	s26 =	sadd.s32 s25, s24  }
0x1d4: {  	[tilespmem:s20], [sflag:$0x2] =	stream.linear.gather [hbm4b:s26+s15], $0x4000, $0x38;
	[tilespmem:$0x14100] =	vst v63  }
0x1d5: {  	_ =	swait.ge [sflag:s14], $0x800  }
0x1d6: {  	s28 =	sld [smem:$0x7ED]  }
0x1d7: {  	[sflag:s14] =	ssyncset.done $0x0  }
0x1d8: {  	[sflag:s14] =	ssyncadd.s32 $0xFFFFF800  }
0x1d9: {  	[hbm:s28], [sflag:s18] =	dma.local [spmem:s13], $0x800  }
0x1da: {  	_ =	swait.ge [sflag:s4], $0x800  }
0x1db: {  	s30 =	sld [smem:$0x7D2];
	_ =	sdelay $0x1  }
0x1dc: {  	[sflag:s4] =	ssyncset.done $0x0  }
0x1dd: {  	s31 =	simm.s32 $0x1;
	[sflag:s4] =	ssyncadd.s32 $0xFFFFF800;
	s23 =	sadd.s32 s25, s30  }
0x1de: {  	[spmem:s5], [sflag:s21] =	dma.local [hbm:s23], $0x800  }
0x1df: {  	_ =	swait.ge [sflag:s31], $0x4000  }
0x1e0: {  	s26 =	sld [smem:$0x7EF]  }
0x1e1: {  	[sflag:s31] =	ssyncset.done $0x0  }
0x1e2: {  	s0 =	simm.s32 $0x6;
	s7 =	simm.s32 $0x100;
	[sflag:s31] =	ssyncadd.s32 $0xFFFFC000  }
0x1e3: {  	[hbm4b:s26+s15] =	stream.linear.scatter [tilespmem:s7], [sflag:$0x4], $0x4000, $0x38;
	[tilespmem:$0x14100] =	vst v63  }
0x1e4: {  	_ =	swait.ge [sflag:s0], $0x4000  }
0x1e5: {  	s28 =	sld [smem:$0x7FD];
	_ =	sdelay $0x1  }
0x1e6: {  	[sflag:s0] =	ssyncset.done $0x0  }
0x1e7: {  	[sflag:s0] =	ssyncadd.s32 $0xFFFFC000;
	s30 =	sadd.s32 s25, s28  }
0x1e8: {  	[tilespmem:s2], [sflag:$0x3] =	stream.linear.gather [hbm4b:s30+s15], $0x4000, $0x38;
	[tilespmem:$0x14100] =	vst v63  }
0x1e9: {  	_ =	swait.ge [sflag:s11], $0x800  }
0x1ea: {  	s1 =	sld [smem:$0x7F0]  }
0x1eb: {  	[sflag:s11] =	ssyncset.done $0x0  }
0x1ec: {  	[sflag:s11] =	ssyncadd.s32 $0xFFFFF800  }
0x1ed: {  	[hbm:s1], [sflag:s3] =	dma.local [spmem:s5], $0x800  }
0x1ee: {  	_ =	swait.ge [sflag:s17], $0x800  }
0x1ef: {  	s6 =	sadd.s32 s25, s6;
	[sflag:s17] =	ssyncset.done $0x0  }
0x1f0: {  	s20 =	simm.s32 $0x2;
	[smem:$0x7D3] =	sst s16;
	[sflag:s17] =	ssyncadd.s32 $0xFFFFF800  }
0x1f1: {  	[spmem:s13], [sflag:s16] =	dma.local [hbm:s6], $0x800  }
0x1f2: {  	_ =	swait.ge [sflag:s20], $0x4000  }
0x1f3: {  	s16 =	sld [smem:$0x7F1]  }
0x1f4: {  	[sflag:s20] =	ssyncset.done $0x0  }
0x1f5: {  	s2 =	simm.s32 $0x4100;
	[sflag:s20] =	ssyncadd.s32 $0xFFFFC000  }
0x1f6: {  	[hbm4b:s16+s15] =	stream.linear.scatter [tilespmem:s2], [sflag:$0x5], $0x4000, $0x38;
	[tilespmem:$0x14100] =	vst v63  }
0x1f7: {  	_ =	swait.ge [sflag:s14], $0x800  }
0x1f8: {  	s23 =	sld [smem:$0x7F2]  }
0x1f9: {  	[sflag:s14] =	ssyncset.done $0x0  }
0x1fa: {  	[smem:$0x7D4] =	sst s18;
	[sflag:s14] =	ssyncadd.s32 $0xFFFFF800  }
0x1fb: {  	[hbm:s23], [sflag:s18] =	dma.local [spmem:s13], $0x800  }
0x1fc: {  	_ =	swait.ge [sflag:s4], $0x800  }
0x1fd: {  	s24 =	sld [smem:$0x7FB];
	_ =	sdelay $0x1  }
0x1fe: {  	s12 =	simm.s32 $0x3;
	[sflag:s4] =	ssyncset.done $0x0  }
0x1ff: {  	[smem:$0x7D5] =	sst s21;
	[sflag:s4] =	ssyncadd.s32 $0xFFFFF800;
	s25 =	sadd.s32 s25, s24  }
0x200: {  	[spmem:s5], [sflag:s21] =	dma.local [hbm:s25], $0x800  }
0x201: {  	_ =	swait.ge [sflag:s12], $0x4000  }
0x202: {  	s26 =	sld [smem:$0x7F3]  }
0x203: {  	[sflag:s12] =	ssyncset.done $0x0  }
0x204: {  	s1 =	simm.s32 $0x8100;
	[sflag:s12] =	ssyncadd.s32 $0xFFFFC000  }
0x205: {  	[hbm4b:s26+s15] =	stream.linear.scatter [tilespmem:s1], [sflag:$0x6], $0x4000, $0x38;
	[tilespmem:$0x14100] =	vst v63  }
0x206: {  	_ =	swait.ge [sflag:s11], $0x800  }
0x207: {  	s28 =	sld [smem:$0x7F5]  }
0x208: {  	[sflag:s11] =	ssyncset.done $0x0  }
0x209: {  	s8 =	simm.s32 $0x4;
	[smem:$0x7D6] =	sst s3;
	[sflag:s11] =	ssyncadd.s32 $0xFFFFF800  }
0x20a: {  	[hbm:s28], [sflag:s3] =	dma.local [spmem:s5], $0x800  }
0x20b: {  	_ =	swait.ge [sflag:s8], $0x4000  }
0x20c: {  	[sflag:s8] =	ssyncset.done $0x0  }
0x20d: {  	s9 =	simm.s32 $0x5;
	[sflag:s8] =	ssyncadd.s32 $0xFFFFC000  }
0x20e: {  	_ =	swait.ge [sflag:s9], $0x4000  }
0x20f: {  	[sflag:s9] =	ssyncset.done $0x0  }
0x210: {  	[sflag:s9] =	ssyncadd.s32 $0xFFFFC000  }
0x211: {  	_ =	swait.ge [sflag:s0], $0x4000  }
0x212: {  	[sflag:s0] =	ssyncset.done $0x0  }
0x213: {  	[sflag:s0] =	ssyncadd.s32 $0xFFFFC000  }
0x214: {  	_ =	swait.ge [sflag:s17], $0x800  }
0x215: {  	s30 =	sld [smem:$0x7D7];
	_ =	sdelay $0x2  }
0x216: {  	s9 =	sadd.s32 $0xFFFFFFFF, s30  }
0x217: {  	p2 =	sne.s32 s9, $0x0  }
.Ltmp1:
0x218: {  	_ = 	snop;
	(pc) =	sbr.rel @!p2 .LBB2_7-.Ltmp1, $4  }
0x219: {  	_ = 	snop  }
0x21a: {  	[sflag:s17] =	ssyncset.done $0x0  }
0x21b: {  	[sflag:s17] =	ssyncadd.s32 $0xFFFFF800  }
0x21c: {  	p1 =	por $0x1, $0x1;
	s16 =	simm.s32 $0x9;
	_ =	swait.ge [sflag:s4], $0x800  }
0x21d: {  	s24 =	simm.s32 $0x1  }
.LBB2_4:
0x21e: {  	[sflag:s4] =	ssyncset.done $0x0;
	s6 =	sld [smem:$0x7CE]  }
0x21f: {  	[sflag:s4] =	ssyncadd.s32 $0xFFFFF800  }
0x220: {  	s9 =	sadd.s32 $0xFFFFFFFF, s9;
	s1 =	simm.s32 @!p0 $0x80;
	s0 =	rddreg [dreg:$0x1]  }
0x221: {  	[tilespmem:s1], [sflag:$0xB] =	stream.linear.gather @!p0 [hbm4b:s0+s6], $0x80, $0x38;
	[tilespmem:$0x14100] =	vst v63  }
0x222: {  	[smem:$0x7CD] =	sst s9;
	s0 =	simm.s32 @!p0 $0xB  }
0x223: {  	_ =	swait.ge @!p0 [sflag:s0], $0x80  }
0x224: {  	[sflag:s0] =	ssyncset.done @!p0 $0x0  }
0x225: {  	s25 =	simm.s32 @!p0 $0x0;
	s26 =	rddreg [dreg:$0x6];
	[sflag:s0] =	ssyncadd.s32 @!p0 $0xFFFFFF80  }
0x226: {  	[hbm4b:s26+s6] =	stream.linear.scatter @!p0 [tilespmem:s1], [sflag:$0xB], $0x80, $0x38;
	[tilespmem:$0x14100] =	vst v63  }
0x227: {  	s26 =	smov.u32 s25;
	_ =	swait.ge @!p0 [sflag:s0], $0x80  }
0x228: {  	[smem:$0x7CE] =	sst s26;
	[sflag:s0] =	ssyncset.done @!p0 $0x0  }
0x229: {  	s30 =	simm.s32 $0xB;
	s29 =	rddreg [dreg:$0x7];
	[sflag:s0] =	ssyncadd.s32 @!p0 $0xFFFFFF80  }
0x22a: {  	[tilespmem:s15], [sflag:$0xB] =	stream.linear.gather [hbm4b:s29+s15], $0x80, $0x38;
	[tilespmem:$0x14100] =	vst v63  }
0x22b: {  	_ =	swait.ge [sflag:s30], $0x80  }
0x22c: {  	[sflag:s30] =	ssyncset.done $0x0  }
0x22d: {  	[sflag:s30] =	ssyncadd.s32 $0xFFFFFF80  }
0x22e: {  	v0 =	vld [tilespmem:$0x0];
	_ =	sdelay $0x4  }
0x22f: {  	v0 =	vshll.u32 v0, $0xF  }
0x230: {  	(v2sf) =	vpush v0, $0x0;
	_ =	sdelay $0x1  }
0x231: {  	(v2sf) =	vpush v0, $0x1;
	_ =	sdelay $0x2  }
0x232: {  	(v2sf) =	vpush v0, $0x2;
	_ =	sdelay $0x8  }
0x233: {  	s20 =	sld [smem:$0x7DE]  }
0x234: {  	s31 =	sld [smem:$0x7FA];
	s1 =	spop (v2sf)  }
0x235: {  	s7 =	simm.s32 $0x100;
	s0 =	rddreg [dreg:$0x0];
	s28 =	sand.u32 $0x1FFF8000, s1  }
0x236: {  	s18 =	sld [smem:$0x7D3];
	s2 =	spop (v2sf);
	s29 =	sadd.s32 s0, s28  }
0x237: {  	s0 =	smov.u32 s10;
	s30 =	sadd.s32 s28, s20;
	s26 =	sand.u32 $0x1FFF8000, s2  }
0x238: {  	[tilespmem:s7], [sflag:$0x1] =	stream.linear.gather [hbm4b:s29+s15], $0x4000, $0x38;
	[tilespmem:$0x14100] =	vst v63  }
0x239: {  	s3 =	sadd.s32 s28, s31;
	s10 =	spop (v2sf);
	s2 =	simm.s32 $0x4100  }
0x23a: {  	[tilespmem:s2], [sflag:$0x2] =	stream.linear.gather [hbm4b:s30+s15], $0x4000, $0x38;
	[tilespmem:$0x14100] =	vst v63  }
0x23b: {  	[spmem:s13], [sflag:s18] =	dma.local [hbm:s3], $0x800  }
0x23c: {  	_ =	swait.ge [sflag:s24], $0x4000  }
0x23d: {  	s23 =	sld [smem:$0x7F4]  }
0x23e: {  	s1 =	smov.u32 s19;
	[sflag:s24] =	ssyncset.done $0x0;
	s19 =	sld [smem:$0x7F8]  }
0x23f: {  	[sflag:s24] =	ssyncadd.s32 $0xFFFFC000  }
0x240: {  	[hbm4b:s23+s15] =	stream.linear.scatter [tilespmem:s7], [sflag:$0x4], $0x4000, $0x38;
	[tilespmem:$0x14100] =	vst v63  }
0x241: {  	s30 =	simm.s32 $0x8100;
	s21 =	sadd.s32 s28, s19  }
0x242: {  	[tilespmem:s30], [sflag:$0x3] =	stream.linear.gather [hbm4b:s21+s15], $0x4000, $0x38;
	[tilespmem:$0x14100] =	vst v63  }
0x243: {  	_ =	swait.ge [sflag:s14], $0x800  }
0x244: {  	s21 =	sld [smem:$0x7D4]  }
0x245: {  	[sflag:s14] =	ssyncset.done $0x0;
	s3 =	rddreg [dreg:$0x8]  }
0x246: {  	s25 =	sand.u32 $0x1FFF8000, s10;
	s10 =	sld [smem:$0x7F9];
	[sflag:s14] =	ssyncadd.s32 $0xFFFFF800  }
0x247: {  	[hbm:s3], [sflag:s21] =	dma.local [spmem:s13], $0x800  }
0x248: {  	s23 =	sld [smem:$0x7D5];
	_ =	sdelay $0x1  }
0x249: {  	s6 =	smov.u32 s22;
	s22 =	simm.s32 $0x2;
	s19 =	sadd.s32 s28, s10  }
0x24a: {  	[spmem:s5], [sflag:s23] =	dma.local [hbm:s19], $0x800  }
0x24b: {  	_ =	swait.ge [sflag:s22], $0x4000  }
0x24c: {  	s8 =	simm.s32 $0x4;
	[sflag:s22] =	ssyncset.done $0x0  }
0x24d: {  	s3 =	simm.s32 $0x4100;
	s2 =	rddreg [dreg:$0x9];
	[sflag:s22] =	ssyncadd.s32 $0xFFFFC000  }
0x24e: {  	[hbm4b:s2+s15] =	stream.linear.scatter [tilespmem:s3], [sflag:$0x5], $0x4000, $0x38;
	[tilespmem:$0x14100] =	vst v63  }
0x24f: {  	_ =	swait.ge [sflag:s8], $0x4000  }
0x250: {  	s10 =	sld [smem:$0x7E6];
	_ =	sdelay $0x1  }
0x251: {  	[sflag:s8] =	ssyncset.done $0x0  }
0x252: {  	[sflag:s8] =	ssyncadd.s32 $0xFFFFC000;
	s19 =	sadd.s32 s28, s10  }
0x253: {  	[tilespmem:s7], [sflag:$0x1] =	stream.linear.gather [hbm4b:s19+s15], $0x4000, $0x38;
	[tilespmem:$0x14100] =	vst v63  }
0x254: {  	_ =	swait.ge [sflag:s11], $0x800  }
0x255: {  	s3 =	sld [smem:$0x7D6]  }
0x256: {  	[sflag:s11] =	ssyncset.done $0x0  }
0x257: {  	s30 =	rddreg [dreg:$0xa];
	[sflag:s11] =	ssyncadd.s32 $0xFFFFF800  }
0x258: {  	[hbm:s30], [sflag:s3] =	dma.local [spmem:s5], $0x800  }
0x259: {  	_ =	swait.ge [sflag:s16], $0x800  }
0x25a: {  	s30 =	sld [smem:$0x7E8];
	_ =	sdelay $0x1  }
0x25b: {  	[sflag:s16] =	ssyncset.done $0x0  }
0x25c: {  	s17 =	simm.s32 $0x3;
	[sflag:s16] =	ssyncadd.s32 $0xFFFFF800;
	s2 =	sadd.s32 s28, s30  }
0x25d: {  	[spmem:s13], [sflag:s18] =	dma.local [hbm:s2], $0x800  }
0x25e: {  	_ =	swait.ge [sflag:s17], $0x4000  }
0x25f: {  	s12 =	simm.s32 $0x5;
	[sflag:s17] =	ssyncset.done $0x0  }
0x260: {  	s19 =	simm.s32 $0x8100;
	s10 =	rddreg [dreg:$0xb];
	[sflag:s17] =	ssyncadd.s32 $0xFFFFC000  }
0x261: {  	[hbm4b:s10+s15] =	stream.linear.scatter [tilespmem:s19], [sflag:$0x6], $0x4000, $0x38;
	[tilespmem:$0x14100] =	vst v63  }
0x262: {  	_ =	swait.ge [sflag:s12], $0x4000  }
0x263: {  	s29 =	sld [smem:$0x7EA];
	_ =	sdelay $0x1  }
0x264: {  	[sflag:s12] =	ssyncset.done $0x0  }
0x265: {  	s19 =	simm.s32 $0x4100;
	[sflag:s12] =	ssyncadd.s32 $0xFFFFC000;
	s10 =	sadd.s32 s28, s29  }
0x266: {  	[tilespmem:s19], [sflag:$0x2] =	stream.linear.gather [hbm4b:s10+s15], $0x4000, $0x38;
	[tilespmem:$0x14100] =	vst v63  }
0x267: {  	_ =	swait.ge [sflag:s14], $0x800  }
0x268: {  	[sflag:s14] =	ssyncset.done $0x0  }
0x269: {  	s10 =	rddreg [dreg:$0xc];
	[sflag:s14] =	ssyncadd.s32 $0xFFFFF800  }
0x26a: {  	[hbm:s10], [sflag:s21] =	dma.local [spmem:s13], $0x800  }
0x26b: {  	_ =	swait.ge [sflag:s4], $0x800  }
0x26c: {  	s10 =	sld [smem:$0x7EC];
	_ =	sdelay $0x1  }
0x26d: {  	[sflag:s4] =	ssyncset.done $0x0  }
0x26e: {  	[sflag:s4] =	ssyncadd.s32 $0xFFFFF800;
	s19 =	sadd.s32 s28, s10  }
0x26f: {  	[spmem:s5], [sflag:s23] =	dma.local [hbm:s19], $0x800  }
0x270: {  	_ =	swait.ge [sflag:s24], $0x4000  }
0x271: {  	p2 =	sne.s32 s9, $0x0;
	[sflag:s24] =	ssyncset.done $0x0  }
0x272: {  	s9 =	simm.s32 $0x6;
	s2 =	rddreg [dreg:$0xd];
	[sflag:s24] =	ssyncadd.s32 $0xFFFFC000  }
0x273: {  	[hbm4b:s2+s15] =	stream.linear.scatter [tilespmem:s7], [sflag:$0x4], $0x4000, $0x38;
	[tilespmem:$0x14100] =	vst v63  }
0x274: {  	_ =	swait.ge [sflag:s9], $0x4000  }
0x275: {  	s4 =	sld [smem:$0x7EE];
	_ =	sdelay $0x1  }
0x276: {  	[sflag:s9] =	ssyncset.done $0x0  }
0x277: {  	s19 =	simm.s32 $0x8100;
	[sflag:s9] =	ssyncadd.s32 $0xFFFFC000;
	s14 =	sadd.s32 s28, s4  }
0x278: {  	[tilespmem:s19], [sflag:$0x3] =	stream.linear.gather [hbm4b:s14+s15], $0x4000, $0x38;
	[tilespmem:$0x14100] =	vst v63  }
0x279: {  	_ =	swait.ge [sflag:s11], $0x800  }
0x27a: {  	[sflag:s11] =	ssyncset.done $0x0  }
0x27b: {  	s4 =	rddreg [dreg:$0xe];
	[sflag:s11] =	ssyncadd.s32 $0xFFFFF800  }
0x27c: {  	[hbm:s4], [sflag:s3] =	dma.local [spmem:s5], $0x800  }
0x27d: {  	_ =	swait.ge [sflag:s16], $0x800  }
0x27e: {  	s19 =	sld [smem:$0x7D0];
	_ =	sdelay $0x1  }
0x27f: {  	[sflag:s16] =	ssyncset.done $0x0  }
0x280: {  	[sflag:s16] =	ssyncadd.s32 $0xFFFFF800;
	s14 =	sadd.s32 s28, s19  }
0x281: {  	[spmem:s13], [sflag:s18] =	dma.local [hbm:s14], $0x800  }
0x282: {  	_ =	swait.ge [sflag:s22], $0x4000  }
0x283: {  	[sflag:s22] =	ssyncset.done $0x0  }
0x284: {  	s4 =	simm.s32 $0x4100;
	s2 =	rddreg [dreg:$0xf];
	[sflag:s22] =	ssyncadd.s32 $0xFFFFC000  }
0x285: {  	[hbm4b:s2+s15] =	stream.linear.scatter [tilespmem:s4], [sflag:$0x5], $0x4000, $0x38;
	[tilespmem:$0x14100] =	vst v63  }
0x286: {  	_ =	swait.ge [sflag:s8], $0x4000  }
0x287: {  	s4 =	sld [smem:$0x7F6];
	_ =	sdelay $0x1  }
0x288: {  	[sflag:s8] =	ssyncset.done $0x0  }
0x289: {  	s2 =	simm.s32 $0x7;
	[sflag:s8] =	ssyncadd.s32 $0xFFFFC000;
	s29 =	sadd.s32 s28, s4  }
0x28a: {  	[tilespmem:s7], [sflag:$0x1] =	stream.linear.gather [hbm4b:s29+s15], $0x4000, $0x38;
	[tilespmem:$0x14100] =	vst v63  }
0x28b: {  	_ =	swait.ge [sflag:s2], $0x800  }
0x28c: {  	[sflag:s2] =	ssyncset.done $0x0  }
0x28d: {  	s11 =	simm.s32 $0xA;
	s29 =	rddreg [dreg:$0x10];
	[sflag:s2] =	ssyncadd.s32 $0xFFFFF800  }
0x28e: {  	[hbm:s29], [sflag:s21] =	dma.local [spmem:s13], $0x800  }
0x28f: {  	_ =	swait.ge [sflag:s11], $0x800  }
0x290: {  	[sflag:s11] =	ssyncset.done $0x0  }
0x291: {  	s6 =	sadd.s32 s28, s6;
	[sflag:s11] =	ssyncadd.s32 $0xFFFFF800  }
0x292: {  	[spmem:s5], [sflag:s23] =	dma.local [hbm:s6], $0x800  }
0x293: {  	_ =	swait.ge [sflag:s17], $0x4000  }
0x294: {  	[sflag:s17] =	ssyncset.done $0x0  }
0x295: {  	s6 =	simm.s32 $0x8100;
	s29 =	rddreg [dreg:$0x11];
	[sflag:s17] =	ssyncadd.s32 $0xFFFFC000  }
0x296: {  	[hbm4b:s29+s15] =	stream.linear.scatter [tilespmem:s6], [sflag:$0x6], $0x4000, $0x38;
	[tilespmem:$0x14100] =	vst v63  }
0x297: {  	_ =	swait.ge [sflag:s12], $0x4000  }
0x298: {  	s0 =	sadd.s32 s28, s0;
	[sflag:s12] =	ssyncset.done $0x0  }
0x299: {  	s14 =	simm.s32 $0x8;
	s6 =	simm.s32 $0x4100;
	[sflag:s12] =	ssyncadd.s32 $0xFFFFC000  }
0x29a: {  	[tilespmem:s6], [sflag:$0x2] =	stream.linear.gather [hbm4b:s0+s15], $0x4000, $0x38;
	[tilespmem:$0x14100] =	vst v63  }
0x29b: {  	_ =	swait.ge [sflag:s14], $0x800  }
0x29c: {  	[sflag:s14] =	ssyncset.done $0x0  }
0x29d: {  	s16 =	simm.s32 $0x9;
	s0 =	rddreg [dreg:$0x12];
	[sflag:s14] =	ssyncadd.s32 $0xFFFFF800  }
0x29e: {  	[hbm:s0], [sflag:s3] =	dma.local [spmem:s5], $0x800  }
0x29f: {  	_ =	swait.ge [sflag:s16], $0x800  }
0x2a0: {  	[sflag:s16] =	ssyncset.done $0x0  }
0x2a1: {  	s1 =	sadd.s32 s28, s1;
	[sflag:s16] =	ssyncadd.s32 $0xFFFFF800  }
0x2a2: {  	[spmem:s13], [sflag:s18] =	dma.local [hbm:s1], $0x800  }
0x2a3: {  	_ =	swait.ge [sflag:s24], $0x4000  }
0x2a4: {  	[sflag:s24] =	ssyncset.done $0x0  }
0x2a5: {  	s6 =	rddreg [dreg:$0x13];
	[sflag:s24] =	ssyncadd.s32 $0xFFFFC000  }
0x2a6: {  	[hbm4b:s6+s15] =	stream.linear.scatter [tilespmem:s7], [sflag:$0x4], $0x4000, $0x38;
	[tilespmem:$0x14100] =	vst v63  }
0x2a7: {  	_ =	swait.ge [sflag:s9], $0x4000  }
0x2a8: {  	[sflag:s9] =	ssyncset.done $0x0  }
0x2a9: {  	s29 =	rddreg [dreg:$0x0]  }
0x2aa: {  	s1 =	simm.s32 $0x8100;
	[sflag:s9] =	ssyncadd.s32 $0xFFFFC000;
	s0 =	sadd.s32 s29, s26  }
0x2ab: {  	[tilespmem:s1], [sflag:$0x3] =	stream.linear.gather [hbm4b:s0+s15], $0x4000, $0x38;
	[tilespmem:$0x14100] =	vst v63  }
0x2ac: {  	_ =	swait.ge [sflag:s2], $0x800  }
0x2ad: {  	[sflag:s2] =	ssyncset.done $0x0  }
0x2ae: {  	s6 =	rddreg [dreg:$0x14];
	[sflag:s2] =	ssyncadd.s32 $0xFFFFF800  }
0x2af: {  	[hbm:s6], [sflag:s21] =	dma.local [spmem:s13], $0x800  }
0x2b0: {  	s29 =	sld [smem:$0x7FB]  }
0x2b1: {  	_ =	swait.ge [sflag:s11], $0x800  }
0x2b2: {  	[sflag:s11] =	ssyncset.done $0x0  }
0x2b3: {  	[sflag:s11] =	ssyncadd.s32 $0xFFFFF800;
	s28 =	sadd.s32 s28, s29  }
0x2b4: {  	[spmem:s5], [sflag:s23] =	dma.local [hbm:s28], $0x800  }
0x2b5: {  	_ =	swait.ge [sflag:s22], $0x4000  }
0x2b6: {  	[sflag:s22] =	ssyncset.done $0x0  }
0x2b7: {  	s1 =	simm.s32 $0x4100;
	s28 =	rddreg [dreg:$0x15];
	[sflag:s22] =	ssyncadd.s32 $0xFFFFC000  }
0x2b8: {  	[hbm4b:s28+s15] =	stream.linear.scatter [tilespmem:s1], [sflag:$0x5], $0x4000, $0x38;
	[tilespmem:$0x14100] =	vst v63  }
0x2b9: {  	_ =	swait.ge [sflag:s8], $0x4000  }
0x2ba: {  	[sflag:s8] =	ssyncset.done $0x0  }
0x2bb: {  	s28 =	sadd.s32 s26, s20;
	[sflag:s8] =	ssyncadd.s32 $0xFFFFC000  }
0x2bc: {  	[tilespmem:s7], [sflag:$0x1] =	stream.linear.gather [hbm4b:s28+s15], $0x4000, $0x38;
	[tilespmem:$0x14100] =	vst v63  }
0x2bd: {  	_ =	swait.ge [sflag:s14], $0x800  }
0x2be: {  	[sflag:s14] =	ssyncset.done $0x0  }
0x2bf: {  	s28 =	rddreg [dreg:$0x16];
	[sflag:s14] =	ssyncadd.s32 $0xFFFFF800  }
0x2c0: {  	[hbm:s28], [sflag:s3] =	dma.local [spmem:s5], $0x800  }
0x2c1: {  	_ =	swait.ge [sflag:s16], $0x800  }
0x2c2: {  	[sflag:s16] =	ssyncset.done $0x0  }
0x2c3: {  	s28 =	sadd.s32 s26, s31;
	[sflag:s16] =	ssyncadd.s32 $0xFFFFF800  }
0x2c4: {  	[spmem:s13], [sflag:s18] =	dma.local [hbm:s28], $0x800  }
0x2c5: {  	_ =	swait.ge [sflag:s17], $0x4000  }
0x2c6: {  	[sflag:s17] =	ssyncset.done $0x0  }
0x2c7: {  	s6 =	simm.s32 $0x8100;
	s28 =	rddreg [dreg:$0x17];
	[sflag:s17] =	ssyncadd.s32 $0xFFFFC000  }
0x2c8: {  	[hbm4b:s28+s15] =	stream.linear.scatter [tilespmem:s6], [sflag:$0x6], $0x4000, $0x38;
	[tilespmem:$0x14100] =	vst v63  }
0x2c9: {  	_ =	swait.ge [sflag:s12], $0x4000  }
0x2ca: {  	s29 =	sld [smem:$0x7F8];
	_ =	sdelay $0x1  }
0x2cb: {  	[sflag:s12] =	ssyncset.done $0x0  }
0x2cc: {  	s1 =	simm.s32 $0x4100;
	[sflag:s12] =	ssyncadd.s32 $0xFFFFC000;
	s28 =	sadd.s32 s26, s29  }
0x2cd: {  	[tilespmem:s1], [sflag:$0x2] =	stream.linear.gather [hbm4b:s28+s15], $0x4000, $0x38;
	[tilespmem:$0x14100] =	vst v63  }
0x2ce: {  	_ =	swait.ge [sflag:s2], $0x800  }
0x2cf: {  	[sflag:s2] =	ssyncset.done $0x0  }
0x2d0: {  	s28 =	rddreg [dreg:$0x18];
	[sflag:s2] =	ssyncadd.s32 $0xFFFFF800  }
0x2d1: {  	[hbm:s28], [sflag:s21] =	dma.local [spmem:s13], $0x800  }
0x2d2: {  	_ =	swait.ge [sflag:s11], $0x800  }
0x2d3: {  	s6 =	sld [smem:$0x7F9];
	_ =	sdelay $0x1  }
0x2d4: {  	[sflag:s11] =	ssyncset.done $0x0  }
0x2d5: {  	[sflag:s11] =	ssyncadd.s32 $0xFFFFF800;
	s28 =	sadd.s32 s26, s6  }
0x2d6: {  	[spmem:s5], [sflag:s23] =	dma.local [hbm:s28], $0x800  }
0x2d7: {  	_ =	swait.ge [sflag:s24], $0x4000  }
0x2d8: {  	[sflag:s24] =	ssyncset.done $0x0  }
0x2d9: {  	s28 =	rddreg [dreg:$0x19];
	[sflag:s24] =	ssyncadd.s32 $0xFFFFC000  }
0x2da: {  	[hbm4b:s28+s15] =	stream.linear.scatter [tilespmem:s7], [sflag:$0x4], $0x4000, $0x38;
	[tilespmem:$0x14100] =	vst v63  }
0x2db: {  	_ =	swait.ge [sflag:s9], $0x4000  }
0x2dc: {  	s0 =	sld [smem:$0x7E6];
	_ =	sdelay $0x1  }
0x2dd: {  	[sflag:s9] =	ssyncset.done $0x0  }
0x2de: {  	s29 =	simm.s32 $0x8100;
	[sflag:s9] =	ssyncadd.s32 $0xFFFFC000;
	s28 =	sadd.s32 s26, s0  }
0x2df: {  	[tilespmem:s29], [sflag:$0x3] =	stream.linear.gather [hbm4b:s28+s15], $0x4000, $0x38;
	[tilespmem:$0x14100] =	vst v63  }
0x2e0: {  	_ =	swait.ge [sflag:s14], $0x800  }
0x2e1: {  	[sflag:s14] =	ssyncset.done $0x0  }
0x2e2: {  	s28 =	rddreg [dreg:$0x1a];
	[sflag:s14] =	ssyncadd.s32 $0xFFFFF800  }
0x2e3: {  	[hbm:s28], [sflag:s3] =	dma.local [spmem:s5], $0x800  }
0x2e4: {  	_ =	swait.ge [sflag:s16], $0x800  }
0x2e5: {  	[sflag:s16] =	ssyncset.done $0x0  }
0x2e6: {  	s28 =	sadd.s32 s26, s30;
	[sflag:s16] =	ssyncadd.s32 $0xFFFFF800  }
0x2e7: {  	[spmem:s13], [sflag:s18] =	dma.local [hbm:s28], $0x800  }
0x2e8: {  	_ =	swait.ge [sflag:s22], $0x4000  }
0x2e9: {  	[sflag:s22] =	ssyncset.done $0x0  }
0x2ea: {  	s30 =	simm.s32 $0x4100;
	s28 =	rddreg [dreg:$0x1b];
	[sflag:s22] =	ssyncadd.s32 $0xFFFFC000  }
0x2eb: {  	[hbm4b:s28+s15] =	stream.linear.scatter [tilespmem:s30], [sflag:$0x5], $0x4000, $0x38;
	[tilespmem:$0x14100] =	vst v63  }
0x2ec: {  	_ =	swait.ge [sflag:s8], $0x4000  }
0x2ed: {  	s30 =	sld [smem:$0x7EA];
	_ =	sdelay $0x1  }
0x2ee: {  	[sflag:s8] =	ssyncset.done $0x0  }
0x2ef: {  	[sflag:s8] =	ssyncadd.s32 $0xFFFFC000;
	s28 =	sadd.s32 s26, s30  }
0x2f0: {  	[tilespmem:s7], [sflag:$0x1] =	stream.linear.gather [hbm4b:s28+s15], $0x4000, $0x38;
	[tilespmem:$0x14100] =	vst v63  }
0x2f1: {  	_ =	swait.ge [sflag:s2], $0x800  }
0x2f2: {  	[sflag:s2] =	ssyncset.done $0x0  }
0x2f3: {  	s28 =	rddreg [dreg:$0x1c];
	[sflag:s2] =	ssyncadd.s32 $0xFFFFF800  }
0x2f4: {  	[hbm:s28], [sflag:s21] =	dma.local [spmem:s13], $0x800  }
0x2f5: {  	_ =	swait.ge [sflag:s11], $0x800  }
0x2f6: {  	[sflag:s11] =	ssyncset.done $0x0  }
0x2f7: {  	s28 =	sadd.s32 s26, s10;
	[sflag:s11] =	ssyncadd.s32 $0xFFFFF800  }
0x2f8: {  	[spmem:s5], [sflag:s23] =	dma.local [hbm:s28], $0x800  }
0x2f9: {  	_ =	swait.ge [sflag:s17], $0x4000  }
0x2fa: {  	[sflag:s17] =	ssyncset.done $0x0  }
0x2fb: {  	s6 =	simm.s32 $0x8100;
	s28 =	rddreg [dreg:$0x1d];
	[sflag:s17] =	ssyncadd.s32 $0xFFFFC000  }
0x2fc: {  	[hbm4b:s28+s15] =	stream.linear.scatter [tilespmem:s6], [sflag:$0x6], $0x4000, $0x38;
	[tilespmem:$0x14100] =	vst v63  }
0x2fd: {  	_ =	swait.ge [sflag:s12], $0x4000  }
0x2fe: {  	s29 =	sld [smem:$0x7EE];
	_ =	sdelay $0x1  }
0x2ff: {  	[sflag:s12] =	ssyncset.done $0x0  }
0x300: {  	s10 =	simm.s32 $0x4100;
	[sflag:s12] =	ssyncadd.s32 $0xFFFFC000;
	s28 =	sadd.s32 s26, s29  }
0x301: {  	[tilespmem:s10], [sflag:$0x2] =	stream.linear.gather [hbm4b:s28+s15], $0x4000, $0x38;
	[tilespmem:$0x14100] =	vst v63  }
0x302: {  	_ =	swait.ge [sflag:s14], $0x800  }
0x303: {  	[sflag:s14] =	ssyncset.done $0x0  }
0x304: {  	s28 =	rddreg [dreg:$0x1e];
	[sflag:s14] =	ssyncadd.s32 $0xFFFFF800  }
0x305: {  	[hbm:s28], [sflag:s3] =	dma.local [spmem:s5], $0x800  }
0x306: {  	_ =	swait.ge [sflag:s16], $0x800  }
0x307: {  	[sflag:s16] =	ssyncset.done $0x0  }
0x308: {  	s28 =	sadd.s32 s26, s19;
	[sflag:s16] =	ssyncadd.s32 $0xFFFFF800  }
0x309: {  	[spmem:s13], [sflag:s18] =	dma.local [hbm:s28], $0x800  }
0x30a: {  	_ =	swait.ge [sflag:s24], $0x4000  }
0x30b: {  	[sflag:s24] =	ssyncset.done $0x0  }
0x30c: {  	s28 =	rddreg [dreg:$0x1f];
	[sflag:s24] =	ssyncadd.s32 $0xFFFFC000  }
0x30d: {  	[hbm4b:s28+s15] =	stream.linear.scatter [tilespmem:s7], [sflag:$0x4], $0x4000, $0x38;
	[tilespmem:$0x14100] =	vst v63  }
0x30e: {  	_ =	swait.ge [sflag:s9], $0x4000  }
0x30f: {  	[sflag:s9] =	ssyncset.done $0x0  }
0x310: {  	s6 =	simm.s32 $0x8100;
	s28 =	sadd.s32 s26, s4;
	[sflag:s9] =	ssyncadd.s32 $0xFFFFC000  }
0x311: {  	[tilespmem:s6], [sflag:$0x3] =	stream.linear.gather [hbm4b:s28+s15], $0x4000, $0x38;
	[tilespmem:$0x14100] =	vst v63  }
0x312: {  	_ =	swait.ge [sflag:s2], $0x800  }
0x313: {  	s28 =	sld [smem:$0x7D8]  }
0x314: {  	[sflag:s2] =	ssyncset.done $0x0  }
0x315: {  	[sflag:s2] =	ssyncadd.s32 $0xFFFFF800  }
0x316: {  	[hbm:s28], [sflag:s21] =	dma.local [spmem:s13], $0x800  }
0x317: {  	_ =	swait.ge [sflag:s11], $0x800  }
0x318: {  	s6 =	sld [smem:$0x7D2];
	_ =	sdelay $0x1  }
0x319: {  	[sflag:s11] =	ssyncset.done $0x0  }
0x31a: {  	[sflag:s11] =	ssyncadd.s32 $0xFFFFF800;
	s28 =	sadd.s32 s26, s6  }
0x31b: {  	[spmem:s5], [sflag:s23] =	dma.local [hbm:s28], $0x800  }
0x31c: {  	_ =	swait.ge [sflag:s22], $0x4000  }
0x31d: {  	s28 =	sld [smem:$0x7D9]  }
0x31e: {  	[sflag:s22] =	ssyncset.done $0x0  }
0x31f: {  	s10 =	simm.s32 $0x4100;
	[sflag:s22] =	ssyncadd.s32 $0xFFFFC000  }
0x320: {  	[hbm4b:s28+s15] =	stream.linear.scatter [tilespmem:s10], [sflag:$0x5], $0x4000, $0x38;
	[tilespmem:$0x14100] =	vst v63  }
0x321: {  	_ =	swait.ge [sflag:s8], $0x4000  }
0x322: {  	s1 =	sld [smem:$0x7FD];
	_ =	sdelay $0x1  }
0x323: {  	[sflag:s8] =	ssyncset.done $0x0  }
0x324: {  	[sflag:s8] =	ssyncadd.s32 $0xFFFFC000;
	s28 =	sadd.s32 s26, s1  }
0x325: {  	[tilespmem:s7], [sflag:$0x1] =	stream.linear.gather [hbm4b:s28+s15], $0x4000, $0x38;
	[tilespmem:$0x14100] =	vst v63  }
0x326: {  	_ =	swait.ge [sflag:s14], $0x800  }
0x327: {  	s28 =	sld [smem:$0x7DA]  }
0x328: {  	[sflag:s14] =	ssyncset.done $0x0  }
0x329: {  	[sflag:s14] =	ssyncadd.s32 $0xFFFFF800  }
0x32a: {  	[hbm:s28], [sflag:s3] =	dma.local [spmem:s5], $0x800  }
0x32b: {  	_ =	swait.ge [sflag:s16], $0x800  }
0x32c: {  	s10 =	sld [smem:$0x7FC];
	_ =	sdelay $0x1  }
0x32d: {  	[sflag:s16] =	ssyncset.done $0x0  }
0x32e: {  	[sflag:s16] =	ssyncadd.s32 $0xFFFFF800;
	s28 =	sadd.s32 s26, s10  }
0x32f: {  	[spmem:s13], [sflag:s18] =	dma.local [hbm:s28], $0x800  }
0x330: {  	_ =	swait.ge [sflag:s17], $0x4000  }
0x331: {  	s28 =	sld [smem:$0x7DB]  }
0x332: {  	[sflag:s17] =	ssyncset.done $0x0  }
0x333: {  	s10 =	simm.s32 $0x8100;
	[sflag:s17] =	ssyncadd.s32 $0xFFFFC000  }
0x334: {  	[hbm4b:s28+s15] =	stream.linear.scatter [tilespmem:s10], [sflag:$0x6], $0x4000, $0x38;
	[tilespmem:$0x14100] =	vst v63  }
0x335: {  	_ =	swait.ge [sflag:s12], $0x4000  }
0x336: {  	[sflag:s12] =	ssyncset.done $0x0  }
0x337: {  	s10 =	rddreg [dreg:$0x0]  }
0x338: {  	[sflag:s12] =	ssyncadd.s32 $0xFFFFC000;
	s28 =	sadd.s32 s10, s25;
	s10 =	simm.s32 $0x4100  }
0x339: {  	[tilespmem:s10], [sflag:$0x2] =	stream.linear.gather [hbm4b:s28+s15], $0x4000, $0x38;
	[tilespmem:$0x14100] =	vst v63  }
0x33a: {  	_ =	swait.ge [sflag:s2], $0x800  }
0x33b: {  	s28 =	sld [smem:$0x7DC]  }
0x33c: {  	[sflag:s2] =	ssyncset.done $0x0  }
0x33d: {  	[sflag:s2] =	ssyncadd.s32 $0xFFFFF800  }
0x33e: {  	[hbm:s28], [sflag:s21] =	dma.local [spmem:s13], $0x800  }
0x33f: {  	_ =	swait.ge [sflag:s11], $0x800  }
0x340: {  	s28 =	sld [smem:$0x7FB];
	_ =	sdelay $0x1  }
0x341: {  	[sflag:s11] =	ssyncset.done $0x0  }
0x342: {  	[sflag:s11] =	ssyncadd.s32 $0xFFFFF800;
	s26 =	sadd.s32 s26, s28  }
0x343: {  	[spmem:s5], [sflag:s23] =	dma.local [hbm:s26], $0x800  }
0x344: {  	_ =	swait.ge [sflag:s24], $0x4000  }
0x345: {  	s10 =	sld [smem:$0x7DD]  }
0x346: {  	[sflag:s24] =	ssyncset.done $0x0  }
0x347: {  	[sflag:s24] =	ssyncadd.s32 $0xFFFFC000  }
0x348: {  	[hbm4b:s10+s15] =	stream.linear.scatter [tilespmem:s7], [sflag:$0x4], $0x4000, $0x38;
	[tilespmem:$0x14100] =	vst v63  }
0x349: {  	_ =	swait.ge [sflag:s9], $0x4000  }
0x34a: {  	[sflag:s9] =	ssyncset.done $0x0  }
0x34b: {  	s10 =	sadd.s32 s25, s20;
	s20 =	simm.s32 $0x8100;
	[sflag:s9] =	ssyncadd.s32 $0xFFFFC000  }
0x34c: {  	[tilespmem:s20], [sflag:$0x3] =	stream.linear.gather [hbm4b:s10+s15], $0x4000, $0x38;
	[tilespmem:$0x14100] =	vst v63  }
0x34d: {  	_ =	swait.ge [sflag:s14], $0x800  }
0x34e: {  	s10 =	sld [smem:$0x7DF]  }
0x34f: {  	[sflag:s14] =	ssyncset.done $0x0  }
0x350: {  	[sflag:s14] =	ssyncadd.s32 $0xFFFFF800  }
0x351: {  	[hbm:s10], [sflag:s3] =	dma.local [spmem:s5], $0x800  }
0x352: {  	_ =	swait.ge [sflag:s16], $0x800  }
0x353: {  	[sflag:s16] =	ssyncset.done $0x0  }
0x354: {  	s20 =	sadd.s32 s25, s31;
	[sflag:s16] =	ssyncadd.s32 $0xFFFFF800  }
0x355: {  	[spmem:s13], [sflag:s18] =	dma.local [hbm:s20], $0x800  }
0x356: {  	_ =	swait.ge [sflag:s22], $0x4000  }
0x357: {  	s10 =	sld [smem:$0x7E0]  }
0x358: {  	[sflag:s22] =	ssyncset.done $0x0  }
0x359: {  	s20 =	simm.s32 $0x4100;
	[sflag:s22] =	ssyncadd.s32 $0xFFFFC000  }
0x35a: {  	[hbm4b:s10+s15] =	stream.linear.scatter [tilespmem:s20], [sflag:$0x5], $0x4000, $0x38;
	[tilespmem:$0x14100] =	vst v63  }
0x35b: {  	_ =	swait.ge [sflag:s8], $0x4000  }
0x35c: {  	s26 =	sld [smem:$0x7F8];
	_ =	sdelay $0x1  }
0x35d: {  	[sflag:s8] =	ssyncset.done $0x0  }
0x35e: {  	[sflag:s8] =	ssyncadd.s32 $0xFFFFC000;
	s10 =	sadd.s32 s25, s26  }
0x35f: {  	[tilespmem:s7], [sflag:$0x1] =	stream.linear.gather [hbm4b:s10+s15], $0x4000, $0x38;
	[tilespmem:$0x14100] =	vst v63  }
0x360: {  	_ =	swait.ge [sflag:s2], $0x800  }
0x361: {  	s20 =	sld [smem:$0x7E1]  }
0x362: {  	[sflag:s2] =	ssyncset.done $0x0  }
0x363: {  	[sflag:s2] =	ssyncadd.s32 $0xFFFFF800  }
0x364: {  	[hbm:s20], [sflag:s21] =	dma.local [spmem:s13], $0x800  }
0x365: {  	_ =	swait.ge [sflag:s11], $0x800  }
0x366: {  	s26 =	sld [smem:$0x7F9];
	_ =	sdelay $0x1  }
0x367: {  	[sflag:s11] =	ssyncset.done $0x0  }
0x368: {  	[sflag:s11] =	ssyncadd.s32 $0xFFFFF800;
	s2 =	sadd.s32 s25, s26  }
0x369: {  	[spmem:s5], [sflag:s23] =	dma.local [hbm:s2], $0x800  }
0x36a: {  	_ =	swait.ge [sflag:s17], $0x4000  }
0x36b: {  	s10 =	sld [smem:$0x7E2]  }
0x36c: {  	[sflag:s17] =	ssyncset.done $0x0  }
0x36d: {  	s20 =	simm.s32 $0x8100;
	[sflag:s17] =	ssyncadd.s32 $0xFFFFC000  }
0x36e: {  	[hbm4b:s10+s15] =	stream.linear.scatter [tilespmem:s20], [sflag:$0x6], $0x4000, $0x38;
	[tilespmem:$0x14100] =	vst v63  }
0x36f: {  	_ =	swait.ge [sflag:s12], $0x4000  }
0x370: {  	[sflag:s12] =	ssyncset.done $0x0  }
0x371: {  	s2 =	sadd.s32 s25, s0;
	s10 =	simm.s32 $0x4100;
	[sflag:s12] =	ssyncadd.s32 $0xFFFFC000  }
0x372: {  	[tilespmem:s10], [sflag:$0x2] =	stream.linear.gather [hbm4b:s2+s15], $0x4000, $0x38;
	[tilespmem:$0x14100] =	vst v63  }
0x373: {  	_ =	swait.ge [sflag:s14], $0x800  }
0x374: {  	s20 =	sld [smem:$0x7E3]  }
0x375: {  	[sflag:s14] =	ssyncset.done $0x0  }
0x376: {  	[sflag:s14] =	ssyncadd.s32 $0xFFFFF800  }
0x377: {  	[hbm:s20], [sflag:s3] =	dma.local [spmem:s5], $0x800  }
0x378: {  	_ =	swait.ge [sflag:s16], $0x800  }
0x379: {  	s26 =	sld [smem:$0x7E8];
	_ =	sdelay $0x1  }
0x37a: {  	[sflag:s16] =	ssyncset.done $0x0  }
0x37b: {  	[sflag:s16] =	ssyncadd.s32 $0xFFFFF800;
	s2 =	sadd.s32 s25, s26  }
0x37c: {  	[spmem:s13], [sflag:s18] =	dma.local [hbm:s2], $0x800  }
0x37d: {  	_ =	swait.ge [sflag:s24], $0x4000  }
0x37e: {  	s10 =	sld [smem:$0x7E4]  }
0x37f: {  	[sflag:s24] =	ssyncset.done $0x0  }
0x380: {  	[sflag:s24] =	ssyncadd.s32 $0xFFFFC000  }
0x381: {  	[hbm4b:s10+s15] =	stream.linear.scatter [tilespmem:s7], [sflag:$0x4], $0x4000, $0x38;
	[tilespmem:$0x14100] =	vst v63  }
0x382: {  	_ =	swait.ge [sflag:s9], $0x4000  }
0x383: {  	s14 =	simm.s32 $0x7;
	[sflag:s9] =	ssyncset.done $0x0  }
0x384: {  	s20 =	sadd.s32 s25, s30;
	s30 =	simm.s32 $0x8100;
	[sflag:s9] =	ssyncadd.s32 $0xFFFFC000  }
0x385: {  	[tilespmem:s30], [sflag:$0x3] =	stream.linear.gather [hbm4b:s20+s15], $0x4000, $0x38;
	[tilespmem:$0x14100] =	vst v63  }
0x386: {  	_ =	swait.ge [sflag:s14], $0x800  }
0x387: {  	s2 =	sld [smem:$0x7E5]  }
0x388: {  	[sflag:s14] =	ssyncset.done $0x0  }
0x389: {  	[sflag:s14] =	ssyncadd.s32 $0xFFFFF800  }
0x38a: {  	[hbm:s2], [sflag:s21] =	dma.local [spmem:s13], $0x800  }
0x38b: {  	_ =	swait.ge [sflag:s11], $0x800  }
0x38c: {  	s9 =	sld [smem:$0x7EC];
	_ =	sdelay $0x1  }
0x38d: {  	[sflag:s11] =	ssyncset.done $0x0  }
0x38e: {  	[sflag:s11] =	ssyncadd.s32 $0xFFFFF800;
	s10 =	sadd.s32 s25, s9  }
0x38f: {  	[spmem:s5], [sflag:s23] =	dma.local [hbm:s10], $0x800  }
0x390: {  	_ =	swait.ge [sflag:s22], $0x4000  }
0x391: {  	s20 =	sld [smem:$0x7E7]  }
0x392: {  	[sflag:s22] =	ssyncset.done $0x0  }
0x393: {  	s30 =	simm.s32 $0x4100;
	[sflag:s22] =	ssyncadd.s32 $0xFFFFC000  }
0x394: {  	[hbm4b:s20+s15] =	stream.linear.scatter [tilespmem:s30], [sflag:$0x5], $0x4000, $0x38;
	[tilespmem:$0x14100] =	vst v63  }
0x395: {  	_ =	swait.ge [sflag:s8], $0x4000  }
0x396: {  	[sflag:s8] =	ssyncset.done $0x0  }
0x397: {  	s2 =	sadd.s32 s25, s29;
	s11 =	simm.s32 $0x8;
	[sflag:s8] =	ssyncadd.s32 $0xFFFFC000  }
0x398: {  	[tilespmem:s7], [sflag:$0x1] =	stream.linear.gather [hbm4b:s2+s15], $0x4000, $0x38;
	[tilespmem:$0x14100] =	vst v63  }
0x399: {  	_ =	swait.ge [sflag:s11], $0x800  }
0x39a: {  	s9 =	sld [smem:$0x7E9]  }
0x39b: {  	[sflag:s11] =	ssyncset.done $0x0  }
0x39c: {  	[sflag:s11] =	ssyncadd.s32 $0xFFFFF800  }
0x39d: {  	[hbm:s9], [sflag:s3] =	dma.local [spmem:s5], $0x800  }
0x39e: {  	_ =	swait.ge [sflag:s16], $0x800  }
0x39f: {  	[sflag:s16] =	ssyncset.done $0x0  }
0x3a0: {  	s10 =	sadd.s32 s25, s19;
	[sflag:s16] =	ssyncadd.s32 $0xFFFFF800  }
0x3a1: {  	[spmem:s13], [sflag:s18] =	dma.local [hbm:s10], $0x800  }
0x3a2: {  	_ =	swait.ge [sflag:s17], $0x4000  }
0x3a3: {  	s19 =	sld [smem:$0x7EB]  }
0x3a4: {  	[sflag:s17] =	ssyncset.done $0x0  }
0x3a5: {  	s20 =	simm.s32 $0x8100;
	[sflag:s17] =	ssyncadd.s32 $0xFFFFC000  }
0x3a6: {  	[hbm4b:s19+s15] =	stream.linear.scatter [tilespmem:s20], [sflag:$0x6], $0x4000, $0x38;
	[tilespmem:$0x14100] =	vst v63  }
0x3a7: {  	_ =	swait.ge [sflag:s12], $0x4000  }
0x3a8: {  	[sflag:s12] =	ssyncset.done $0x0  }
0x3a9: {  	s29 =	simm.s32 $0x4100;
	s22 =	sadd.s32 s25, s4;
	[sflag:s12] =	ssyncadd.s32 $0xFFFFC000  }
0x3aa: {  	[tilespmem:s29], [sflag:$0x2] =	stream.linear.gather [hbm4b:s22+s15], $0x4000, $0x38;
	[tilespmem:$0x14100] =	vst v63  }
0x3ab: {  	_ =	swait.ge [sflag:s14], $0x800  }
0x3ac: {  	s30 =	sld [smem:$0x7ED]  }
0x3ad: {  	[sflag:s14] =	ssyncset.done $0x0  }
0x3ae: {  	s4 =	simm.s32 $0xA;
	[sflag:s14] =	ssyncadd.s32 $0xFFFFF800  }
0x3af: {  	[hbm:s30], [sflag:s21] =	dma.local [spmem:s13], $0x800  }
0x3b0: {  	_ =	swait.ge [sflag:s4], $0x800  }
0x3b1: {  	[sflag:s4] =	ssyncset.done $0x0  }
0x3b2: {  	s31 =	simm.s32 $0x1;
	s0 =	sadd.s32 s25, s6;
	[sflag:s4] =	ssyncadd.s32 $0xFFFFF800  }
0x3b3: {  	[spmem:s5], [sflag:s23] =	dma.local [hbm:s0], $0x800  }
0x3b4: {  	_ =	swait.ge [sflag:s31], $0x4000  }
0x3b5: {  	s2 =	sld [smem:$0x7EF]  }
0x3b6: {  	[sflag:s31] =	ssyncset.done $0x0  }
0x3b7: {  	s7 =	simm.s32 $0x100;
	s9 =	simm.s32 $0x6;
	[sflag:s31] =	ssyncadd.s32 $0xFFFFC000  }
0x3b8: {  	[hbm4b:s2+s15] =	stream.linear.scatter [tilespmem:s7], [sflag:$0x4], $0x4000, $0x38;
	[tilespmem:$0x14100] =	vst v63  }
0x3b9: {  	_ =	swait.ge [sflag:s9], $0x4000  }
0x3ba: {  	s19 =	simm.s32 $0x8100;
	[sflag:s9] =	ssyncset.done $0x0  }
0x3bb: {  	s22 =	smov.u32 s6;
	s6 =	sadd.s32 s25, s1;
	[sflag:s9] =	ssyncadd.s32 $0xFFFFC000  }
0x3bc: {  	[tilespmem:s19], [sflag:$0x3] =	stream.linear.gather [hbm4b:s6+s15], $0x4000, $0x38;
	[tilespmem:$0x14100] =	vst v63  }
0x3bd: {  	_ =	swait.ge [sflag:s11], $0x800  }
0x3be: {  	s29 =	sld [smem:$0x7F0]  }
0x3bf: {  	[sflag:s11] =	ssyncset.done $0x0  }
0x3c0: {  	[sflag:s11] =	ssyncadd.s32 $0xFFFFF800  }
0x3c1: {  	[hbm:s29], [sflag:s3] =	dma.local [spmem:s5], $0x800  }
0x3c2: {  	_ =	swait.ge [sflag:s16], $0x800  }
0x3c3: {  	s30 =	sld [smem:$0x7FC];
	_ =	sdelay $0x1  }
0x3c4: {  	[sflag:s16] =	ssyncset.done $0x0  }
0x3c5: {  	s20 =	simm.s32 $0x2;
	[sflag:s16] =	ssyncadd.s32 $0xFFFFF800;
	s0 =	sadd.s32 s25, s30  }
0x3c6: {  	[spmem:s13], [sflag:s18] =	dma.local [hbm:s0], $0x800  }
0x3c7: {  	_ =	swait.ge [sflag:s20], $0x4000  }
0x3c8: {  	s6 =	sld [smem:$0x7F1]  }
0x3c9: {  	[sflag:s20] =	ssyncset.done $0x0  }
0x3ca: {  	s2 =	simm.s32 $0x4100;
	[sflag:s20] =	ssyncadd.s32 $0xFFFFC000  }
0x3cb: {  	[hbm4b:s6+s15] =	stream.linear.scatter [tilespmem:s2], [sflag:$0x5], $0x4000, $0x38;
	[tilespmem:$0x14100] =	vst v63  }
0x3cc: {  	_ =	swait.ge [sflag:s14], $0x800  }
0x3cd: {  	s18 =	sld [smem:$0x7F2]  }
0x3ce: {  	[sflag:s14] =	ssyncset.done $0x0  }
0x3cf: {  	[sflag:s14] =	ssyncadd.s32 $0xFFFFF800  }
0x3d0: {  	[hbm:s18], [sflag:s21] =	dma.local [spmem:s13], $0x800  }
0x3d1: {  	_ =	swait.ge [sflag:s4], $0x800  }
0x3d2: {  	[sflag:s4] =	ssyncset.done $0x0  }
0x3d3: {  	s17 =	simm.s32 $0x3;
	s25 =	sadd.s32 s25, s28;
	[sflag:s4] =	ssyncadd.s32 $0xFFFFF800  }
0x3d4: {  	[spmem:s5], [sflag:s23] =	dma.local [hbm:s25], $0x800  }
0x3d5: {  	_ =	swait.ge [sflag:s17], $0x4000  }
0x3d6: {  	s29 =	sld [smem:$0x7F3]  }
0x3d7: {  	[sflag:s17] =	ssyncset.done $0x0  }
0x3d8: {  	s10 =	smov.u32 s1;
	s1 =	simm.s32 $0x8100;
	[sflag:s17] =	ssyncadd.s32 $0xFFFFC000  }
0x3d9: {  	[hbm4b:s29+s15] =	stream.linear.scatter [tilespmem:s1], [sflag:$0x6], $0x4000, $0x38;
	[tilespmem:$0x14100] =	vst v63  }
0x3da: {  	_ =	swait.ge [sflag:s11], $0x800  }
0x3db: {  	s19 =	smov.u32 s30;
	s30 =	sld [smem:$0x7F5]  }
0x3dc: {  	[sflag:s11] =	ssyncset.done $0x0  }
0x3dd: {  	s8 =	simm.s32 $0x4;
	[sflag:s11] =	ssyncadd.s32 $0xFFFFF800  }
0x3de: {  	[hbm:s30], [sflag:s3] =	dma.local [spmem:s5], $0x800  }
0x3df: {  	_ =	swait.ge [sflag:s8], $0x4000  }
0x3e0: {  	[sflag:s8] =	ssyncset.done $0x0  }
0x3e1: {  	s12 =	simm.s32 $0x5;
	[sflag:s8] =	ssyncadd.s32 $0xFFFFC000  }
0x3e2: {  	_ =	swait.ge [sflag:s12], $0x4000  }
0x3e3: {  	[sflag:s12] =	ssyncset.done $0x0  }
0x3e4: {  	[sflag:s12] =	ssyncadd.s32 $0xFFFFC000  }
0x3e5: {  	_ =	swait.ge [sflag:s9], $0x4000  }
0x3e6: {  	[sflag:s9] =	ssyncset.done $0x0  }
.Ltmp2:
0x3e7: {  	[sflag:s9] =	ssyncadd.s32 $0xFFFFC000;
	(pc) =	sbr.rel @p2 .LBB2_4-.Ltmp2, $4  }
0x3e8: {  	s9 =	sld [smem:$0x7CD];
	_ =	swait.ge [sflag:s16], $0x800  }
0x3e9: {  	[sflag:s16] =	ssyncset.done $0x0  }
0x3ea: {  	[sflag:s16] =	ssyncadd.s32 $0xFFFFF800  }
0x3eb: {  	_ =	swait.ge [sflag:s4], $0x800  }
0x3ec: {  	s9 =	sld [smem:$0x7CE]  }
0x3ed: {  	s26 =	sld [smem:$0x7F4]  }
0x3ee: {  	s23 =	sld [smem:$0x7DE]  }
0x3ef: {  	s21 =	sld [smem:$0x7FA]  }
0x3f0: {  	s0 =	rddreg [dreg:$0x0]  }
0x3f1: {  	s29 =	smov.u32 s28;
	s28 =	sld [smem:$0x7D0]  }
0x3f2: {  	s25 =	sld [smem:$0x7F9]  }
0x3f3: {  	s18 =	sld [smem:$0x7F8]  }
0x3f4: {  	s12 =	stileid.u32;
	s13 =	rddreg [dreg:$0x1];
	s3 =	simm.s32 $0xB  }
.LBB2_6:
0x3f5: {  	[sflag:s4] =	ssyncset.done @p1 $0x0  }
0x3f6: {  	s6 =	simm.s32 @!p0 $0x80;
	[sflag:s4] =	ssyncadd.s32 @p1 $0xFFFFF800  }
0x3f7: {  	[tilespmem:s6], [sflag:$0xB] =	stream.linear.gather @!p0 [hbm4b:s13+s9], $0x80, $0x38;
	[tilespmem:$0x14100] =	vst v63  }
0x3f8: {  	s13 =	simm.s32 @!p0 $0xB  }
0x3f9: {  	_ =	swait.ge @!p0 [sflag:s13], $0x80  }
0x3fa: {  	[sflag:s13] =	ssyncset.done @!p0 $0x0  }
0x3fb: {  	s16 =	rddreg [dreg:$0x6];
	[sflag:s13] =	ssyncadd.s32 @!p0 $0xFFFFFF80  }
0x3fc: {  	[hbm4b:s16+s9] =	stream.linear.scatter @!p0 [tilespmem:s6], [sflag:$0xB], $0x80, $0x38;
	[tilespmem:$0x14100] =	vst v63  }
0x3fd: {  	_ =	swait.ge @!p0 [sflag:s13], $0x80  }
0x3fe: {  	[sflag:s13] =	ssyncset.done @!p0 $0x0  }
0x3ff: {  	s9 =	rddreg [dreg:$0x7];
	[sflag:s13] =	ssyncadd.s32 @!p0 $0xFFFFFF80  }
0x400: {  	[tilespmem:s15], [sflag:$0xB] =	stream.linear.gather [hbm4b:s9+s15], $0x80, $0x38;
	[tilespmem:$0x14100] =	vst v63  }
0x401: {  	_ =	swait.ge [sflag:s3], $0x80  }
0x402: {  	[sflag:s3] =	ssyncset.done $0x0  }
0x403: {  	[sflag:s3] =	ssyncadd.s32 $0xFFFFFF80  }
0x404: {  	v0 =	vld [tilespmem:$0x0];
	_ =	sdelay $0x4  }
0x405: {  	v0 =	vshll.u32 v0, $0xF  }
0x406: {  	(v2sf) =	vpush v0, $0x0;
	_ =	sdelay $0x1  }
0x407: {  	(v2sf) =	vpush v0, $0x1;
	_ =	sdelay $0x1  }
0x408: {  	(v2sf) =	vpush v0, $0x2;
	_ =	sdelay $0xa  }
0x409: {  	s13 =	spop (v2sf)  }
0x40a: {  	s17 =	sld [smem:$0x7F7];
	s24 =	sand.u32 $0x1FFF8000, s13  }
0x40b: {  	s6 =	sadd.s32 s0, s24;
	s16 =	sadd.s32 s24, s23;
	s23 =	spop (v2sf)  }
0x40c: {  	[tilespmem:s7], [sflag:$0x1] =	stream.linear.gather [hbm4b:s6+s15], $0x4000, $0x38;
	[tilespmem:$0x14100] =	vst v63  }
0x40d: {  	s0 =	sshll.u32 s12, $0x6;
	s21 =	sadd.s32 s24, s21;
	s30 =	spop (v2sf)  }
0x40e: {  	s6 =	sshrl.u32 s17, $0x3;
	s13 =	sor.u32 $0x1C07, s0;
	[smem:$0x7CC] =	sst s30  }
0x40f: {  	[tilespmem:s2], [sflag:$0x2] =	stream.linear.gather [hbm4b:s16+s15], $0x4000, $0x38;
	[tilespmem:$0x14100] =	vst v63  }
0x410: {  	[spmem:s6], [sflag:s13] =	dma.local [hbm:s21], $0x800  }
0x411: {  	_ =	swait.ge [sflag:s31], $0x4000  }
0x412: {  	[sflag:s31] =	ssyncset.done $0x0  }
0x413: {  	[sflag:s31] =	ssyncadd.s32 $0xFFFFC000  }
0x414: {  	[hbm4b:s26+s15] =	stream.linear.scatter [tilespmem:s7], [sflag:$0x4], $0x4000, $0x38;
	[tilespmem:$0x14100] =	vst v63  }
0x415: {  	s3 =	sadd.s32 s24, s18  }
0x416: {  	[tilespmem:s1], [sflag:$0x3] =	stream.linear.gather [hbm4b:s3+s15], $0x4000, $0x38;
	[tilespmem:$0x14100] =	vst v63  }
0x417: {  	_ =	swait.ge [sflag:s14], $0x800  }
0x418: {  	s25 =	sadd.s32 s24, s25;
	s18 =	sor.u32 $0x1C09, s0;
	[sflag:s14] =	ssyncset.done $0x0  }
0x419: {  	s16 =	sor.u32 $0x1C08, s0;
	s9 =	rddreg [dreg:$0x8];
	[sflag:s14] =	ssyncadd.s32 $0xFFFFF800  }
0x41a: {  	[hbm:s9], [sflag:s18] =	dma.local [spmem:s6], $0x800  }
0x41b: {  	[spmem:s5], [sflag:s16] =	dma.local [hbm:s25], $0x800  }
0x41c: {  	_ =	swait.ge [sflag:s20], $0x4000  }
0x41d: {  	[sflag:s20] =	ssyncset.done $0x0  }
0x41e: {  	s12 =	rddreg [dreg:$0x9];
	[sflag:s20] =	ssyncadd.s32 $0xFFFFC000  }
0x41f: {  	[hbm4b:s12+s15] =	stream.linear.scatter [tilespmem:s2], [sflag:$0x5], $0x4000, $0x38;
	[tilespmem:$0x14100] =	vst v63  }
0x420: {  	_ =	swait.ge [sflag:s8], $0x4000  }
0x421: {  	s17 =	sld [smem:$0x7E6];
	_ =	sdelay $0x1  }
0x422: {  	[sflag:s8] =	ssyncset.done $0x0  }
0x423: {  	[sflag:s8] =	ssyncadd.s32 $0xFFFFC000;
	s20 =	sadd.s32 s24, s17  }
0x424: {  	[tilespmem:s7], [sflag:$0x1] =	stream.linear.gather [hbm4b:s20+s15], $0x4000, $0x38;
	[tilespmem:$0x14100] =	vst v63  }
0x425: {  	_ =	swait.ge [sflag:s11], $0x800  }
0x426: {  	s1 =	sor.u32 $0x1C0A, s0;
	[sflag:s11] =	ssyncset.done $0x0  }
0x427: {  	s3 =	simm.s32 $0x9;
	s21 =	rddreg [dreg:$0xa];
	[sflag:s11] =	ssyncadd.s32 $0xFFFFF800  }
0x428: {  	[hbm:s21], [sflag:s1] =	dma.local [spmem:s5], $0x800  }
0x429: {  	_ =	swait.ge [sflag:s3], $0x800  }
0x42a: {  	s25 =	sld [smem:$0x7E8];
	_ =	sdelay $0x1  }
0x42b: {  	[sflag:s3] =	ssyncset.done $0x0  }
0x42c: {  	s17 =	simm.s32 $0x3;
	[sflag:s3] =	ssyncadd.s32 $0xFFFFF800;
	s26 =	sadd.s32 s24, s25  }
0x42d: {  	[spmem:s6], [sflag:s13] =	dma.local [hbm:s26], $0x800  }
0x42e: {  	_ =	swait.ge [sflag:s17], $0x4000  }
0x42f: {  	s2 =	simm.s32 $0x8100;
	[sflag:s17] =	ssyncset.done $0x0  }
0x430: {  	s12 =	simm.s32 $0x5;
	s0 =	rddreg [dreg:$0xb];
	[sflag:s17] =	ssyncadd.s32 $0xFFFFC000  }
0x431: {  	[hbm4b:s0+s15] =	stream.linear.scatter [tilespmem:s2], [sflag:$0x6], $0x4000, $0x38;
	[tilespmem:$0x14100] =	vst v63  }
0x432: {  	_ =	swait.ge [sflag:s12], $0x4000  }
0x433: {  	s9 =	sld [smem:$0x7EA];
	_ =	sdelay $0x1  }
0x434: {  	[sflag:s12] =	ssyncset.done $0x0  }
0x435: {  	s20 =	simm.s32 $0x4100;
	[sflag:s12] =	ssyncadd.s32 $0xFFFFC000;
	s21 =	sadd.s32 s24, s9  }
0x436: {  	[tilespmem:s20], [sflag:$0x2] =	stream.linear.gather [hbm4b:s21+s15], $0x4000, $0x38;
	[tilespmem:$0x14100] =	vst v63  }
0x437: {  	_ =	swait.ge [sflag:s14], $0x800  }
0x438: {  	[sflag:s14] =	ssyncset.done $0x0  }
0x439: {  	s26 =	rddreg [dreg:$0xc];
	[sflag:s14] =	ssyncadd.s32 $0xFFFFF800  }
0x43a: {  	[hbm:s26], [sflag:s18] =	dma.local [spmem:s6], $0x800  }
0x43b: {  	_ =	swait.ge [sflag:s4], $0x800  }
0x43c: {  	s21 =	sld [smem:$0x7EC];
	_ =	sdelay $0x1  }
0x43d: {  	[sflag:s4] =	ssyncset.done $0x0  }
0x43e: {  	s30 =	simm.s32 $0x1;
	[sflag:s4] =	ssyncadd.s32 $0xFFFFF800;
	s0 =	sadd.s32 s24, s21  }
0x43f: {  	[spmem:s5], [sflag:s16] =	dma.local [hbm:s0], $0x800  }
0x440: {  	_ =	swait.ge [sflag:s30], $0x4000  }
0x441: {  	[sflag:s30] =	ssyncset.done $0x0  }
0x442: {  	s7 =	simm.s32 $0x100;
	s9 =	rddreg [dreg:$0xd];
	[sflag:s30] =	ssyncadd.s32 $0xFFFFC000  }
0x443: {  	[hbm4b:s9+s15] =	stream.linear.scatter [tilespmem:s7], [sflag:$0x4], $0x4000, $0x38;
	[tilespmem:$0x14100] =	vst v63  }
0x444: {  	s9 =	simm.s32 $0x6  }
0x445: {  	_ =	swait.ge [sflag:s9], $0x4000  }
0x446: {  	s25 =	sld [smem:$0x7EE];
	_ =	sdelay $0x1  }
0x447: {  	[sflag:s9] =	ssyncset.done $0x0  }
0x448: {  	[sflag:s9] =	ssyncadd.s32 $0xFFFFC000;
	s26 =	sadd.s32 s24, s25  }
0x449: {  	[tilespmem:s2], [sflag:$0x3] =	stream.linear.gather [hbm4b:s26+s15], $0x4000, $0x38;
	[tilespmem:$0x14100] =	vst v63  }
0x44a: {  	_ =	swait.ge [sflag:s11], $0x800  }
0x44b: {  	[sflag:s11] =	ssyncset.done $0x0  }
0x44c: {  	s0 =	rddreg [dreg:$0xe];
	[sflag:s11] =	ssyncadd.s32 $0xFFFFF800  }
0x44d: {  	[hbm:s0], [sflag:s1] =	dma.local [spmem:s5], $0x800  }
0x44e: {  	_ =	swait.ge [sflag:s3], $0x800  }
0x44f: {  	[sflag:s3] =	ssyncset.done $0x0  }
0x450: {  	s31 =	simm.s32 $0x2;
	s26 =	sadd.s32 s24, s28;
	[sflag:s3] =	ssyncadd.s32 $0xFFFFF800  }
0x451: {  	[spmem:s6], [sflag:s13] =	dma.local [hbm:s26], $0x800  }
0x452: {  	_ =	swait.ge [sflag:s31], $0x4000  }
0x453: {  	[sflag:s31] =	ssyncset.done $0x0  }
0x454: {  	s8 =	simm.s32 $0x4;
	s0 =	rddreg [dreg:$0xf];
	[sflag:s31] =	ssyncadd.s32 $0xFFFFC000  }
0x455: {  	[hbm4b:s0+s15] =	stream.linear.scatter [tilespmem:s20], [sflag:$0x5], $0x4000, $0x38;
	[tilespmem:$0x14100] =	vst v63  }
0x456: {  	_ =	swait.ge [sflag:s8], $0x4000  }
0x457: {  	s25 =	sld [smem:$0x7F6];
	_ =	sdelay $0x1  }
0x458: {  	[sflag:s8] =	ssyncset.done $0x0  }
0x459: {  	[sflag:s8] =	ssyncadd.s32 $0xFFFFC000;
	s26 =	sadd.s32 s24, s25  }
0x45a: {  	[tilespmem:s7], [sflag:$0x1] =	stream.linear.gather [hbm4b:s26+s15], $0x4000, $0x38;
	[tilespmem:$0x14100] =	vst v63  }
0x45b: {  	_ =	swait.ge [sflag:s14], $0x800  }
0x45c: {  	[sflag:s14] =	ssyncset.done $0x0  }
0x45d: {  	s0 =	rddreg [dreg:$0x10];
	[sflag:s14] =	ssyncadd.s32 $0xFFFFF800  }
0x45e: {  	[hbm:s0], [sflag:s18] =	dma.local [spmem:s6], $0x800  }
0x45f: {  	_ =	swait.ge [sflag:s4], $0x800  }
0x460: {  	[sflag:s4] =	ssyncset.done $0x0  }
0x461: {  	s0 =	smov.u32 s22;
	s22 =	sadd.s32 s24, s22;
	[sflag:s4] =	ssyncadd.s32 $0xFFFFF800  }
0x462: {  	[spmem:s5], [sflag:s16] =	dma.local [hbm:s22], $0x800  }
0x463: {  	_ =	swait.ge [sflag:s17], $0x4000  }
0x464: {  	[sflag:s17] =	ssyncset.done $0x0  }
0x465: {  	s26 =	rddreg [dreg:$0x11];
	[sflag:s17] =	ssyncadd.s32 $0xFFFFC000  }
0x466: {  	[hbm4b:s26+s15] =	stream.linear.scatter [tilespmem:s2], [sflag:$0x6], $0x4000, $0x38;
	[tilespmem:$0x14100] =	vst v63  }
0x467: {  	_ =	swait.ge [sflag:s12], $0x4000  }
0x468: {  	[sflag:s12] =	ssyncset.done $0x0  }
0x469: {  	s22 =	sadd.s32 s24, s10;
	[sflag:s12] =	ssyncadd.s32 $0xFFFFC000  }
0x46a: {  	[tilespmem:s20], [sflag:$0x2] =	stream.linear.gather [hbm4b:s22+s15], $0x4000, $0x38;
	[tilespmem:$0x14100] =	vst v63  }
0x46b: {  	_ =	swait.ge [sflag:s11], $0x800  }
0x46c: {  	[sflag:s11] =	ssyncset.done $0x0  }
0x46d: {  	s26 =	smov.u32 s10;
	s10 =	rddreg [dreg:$0x12];
	[sflag:s11] =	ssyncadd.s32 $0xFFFFF800  }
0x46e: {  	[hbm:s10], [sflag:s1] =	dma.local [spmem:s5], $0x800  }
0x46f: {  	_ =	swait.ge [sflag:s3], $0x800  }
0x470: {  	[sflag:s3] =	ssyncset.done $0x0  }
0x471: {  	s19 =	sadd.s32 s24, s19;
	[sflag:s3] =	ssyncadd.s32 $0xFFFFF800  }
0x472: {  	[spmem:s6], [sflag:s13] =	dma.local [hbm:s19], $0x800  }
0x473: {  	_ =	swait.ge [sflag:s30], $0x4000  }
0x474: {  	[sflag:s30] =	ssyncset.done $0x0  }
0x475: {  	s22 =	rddreg [dreg:$0x13];
	[sflag:s30] =	ssyncadd.s32 $0xFFFFC000  }
0x476: {  	[hbm4b:s22+s15] =	stream.linear.scatter [tilespmem:s7], [sflag:$0x4], $0x4000, $0x38;
	[tilespmem:$0x14100] =	vst v63  }
0x477: {  	_ =	swait.ge [sflag:s9], $0x4000  }
0x478: {  	[sflag:s9] =	ssyncset.done $0x0  }
0x479: {  	[sflag:s9] =	ssyncadd.s32 $0xFFFFC000  }
0x47a: {  	s23 =	sand.u32 $0x1FFF8000, s23;
	s25 =	rddreg [dreg:$0x0]  }
0x47b: {  	s10 =	sadd.s32 s25, s23  }
0x47c: {  	[tilespmem:s2], [sflag:$0x3] =	stream.linear.gather [hbm4b:s10+s15], $0x4000, $0x38;
	[tilespmem:$0x14100] =	vst v63  }
0x47d: {  	_ =	swait.ge [sflag:s14], $0x800  }
0x47e: {  	[sflag:s14] =	ssyncset.done $0x0  }
0x47f: {  	s19 =	rddreg [dreg:$0x14];
	[sflag:s14] =	ssyncadd.s32 $0xFFFFF800  }
0x480: {  	[hbm:s19], [sflag:s18] =	dma.local [spmem:s6], $0x800  }
0x481: {  	_ =	swait.ge [sflag:s4], $0x800  }
0x482: {  	[sflag:s4] =	ssyncset.done $0x0  }
0x483: {  	s24 =	sadd.s32 s24, s29;
	[sflag:s4] =	ssyncadd.s32 $0xFFFFF800  }
0x484: {  	[spmem:s5], [sflag:s16] =	dma.local [hbm:s24], $0x800  }
0x485: {  	_ =	swait.ge [sflag:s31], $0x4000  }
0x486: {  	[sflag:s31] =	ssyncset.done $0x0  }
0x487: {  	s22 =	rddreg [dreg:$0x15];
	[sflag:s31] =	ssyncadd.s32 $0xFFFFC000  }
0x488: {  	[hbm4b:s22+s15] =	stream.linear.scatter [tilespmem:s20], [sflag:$0x5], $0x4000, $0x38;
	[tilespmem:$0x14100] =	vst v63  }
0x489: {  	_ =	swait.ge [sflag:s8], $0x4000  }
0x48a: {  	s25 =	sld [smem:$0x7DE];
	_ =	sdelay $0x1  }
0x48b: {  	[sflag:s8] =	ssyncset.done $0x0  }
0x48c: {  	[sflag:s8] =	ssyncadd.s32 $0xFFFFC000;
	s29 =	sadd.s32 s23, s25  }
0x48d: {  	[tilespmem:s7], [sflag:$0x1] =	stream.linear.gather [hbm4b:s29+s15], $0x4000, $0x38;
	[tilespmem:$0x14100] =	vst v63  }
0x48e: {  	_ =	swait.ge [sflag:s11], $0x800  }
0x48f: {  	[sflag:s11] =	ssyncset.done $0x0  }
0x490: {  	s10 =	rddreg [dreg:$0x16];
	[sflag:s11] =	ssyncadd.s32 $0xFFFFF800  }
0x491: {  	[hbm:s10], [sflag:s1] =	dma.local [spmem:s5], $0x800  }
0x492: {  	_ =	swait.ge [sflag:s3], $0x800  }
0x493: {  	s19 =	sld [smem:$0x7FA];
	_ =	sdelay $0x1  }
0x494: {  	[sflag:s3] =	ssyncset.done $0x0  }
0x495: {  	[sflag:s3] =	ssyncadd.s32 $0xFFFFF800;
	s22 =	sadd.s32 s23, s19  }
0x496: {  	[spmem:s6], [sflag:s13] =	dma.local [hbm:s22], $0x800  }
0x497: {  	_ =	swait.ge [sflag:s17], $0x4000  }
0x498: {  	[sflag:s17] =	ssyncset.done $0x0  }
0x499: {  	s25 =	rddreg [dreg:$0x17];
	[sflag:s17] =	ssyncadd.s32 $0xFFFFC000  }
0x49a: {  	[hbm4b:s25+s15] =	stream.linear.scatter [tilespmem:s2], [sflag:$0x6], $0x4000, $0x38;
	[tilespmem:$0x14100] =	vst v63  }
0x49b: {  	_ =	swait.ge [sflag:s12], $0x4000  }
0x49c: {  	s29 =	sld [smem:$0x7F8];
	_ =	sdelay $0x1  }
0x49d: {  	[sflag:s12] =	ssyncset.done $0x0  }
0x49e: {  	[sflag:s12] =	ssyncadd.s32 $0xFFFFC000;
	s19 =	sadd.s32 s23, s29  }
0x49f: {  	[tilespmem:s20], [sflag:$0x2] =	stream.linear.gather [hbm4b:s19+s15], $0x4000, $0x38;
	[tilespmem:$0x14100] =	vst v63  }
0x4a0: {  	_ =	swait.ge [sflag:s14], $0x800  }
0x4a1: {  	[sflag:s14] =	ssyncset.done $0x0  }
0x4a2: {  	s22 =	rddreg [dreg:$0x18];
	[sflag:s14] =	ssyncadd.s32 $0xFFFFF800  }
0x4a3: {  	[hbm:s22], [sflag:s18] =	dma.local [spmem:s6], $0x800  }
0x4a4: {  	_ =	swait.ge [sflag:s4], $0x800  }
0x4a5: {  	s22 =	sld [smem:$0x7F9];
	_ =	sdelay $0x1  }
0x4a6: {  	[sflag:s4] =	ssyncset.done $0x0  }
0x4a7: {  	[sflag:s4] =	ssyncadd.s32 $0xFFFFF800;
	s25 =	sadd.s32 s23, s22  }
0x4a8: {  	[spmem:s5], [sflag:s16] =	dma.local [hbm:s25], $0x800  }
0x4a9: {  	_ =	swait.ge [sflag:s30], $0x4000  }
0x4aa: {  	[sflag:s30] =	ssyncset.done $0x0  }
0x4ab: {  	s29 =	rddreg [dreg:$0x19];
	[sflag:s30] =	ssyncadd.s32 $0xFFFFC000  }
0x4ac: {  	[hbm4b:s29+s15] =	stream.linear.scatter [tilespmem:s7], [sflag:$0x4], $0x4000, $0x38;
	[tilespmem:$0x14100] =	vst v63  }
0x4ad: {  	_ =	swait.ge [sflag:s9], $0x4000  }
0x4ae: {  	s25 =	sld [smem:$0x7E6];
	_ =	sdelay $0x1  }
0x4af: {  	[sflag:s9] =	ssyncset.done $0x0  }
0x4b0: {  	[sflag:s9] =	ssyncadd.s32 $0xFFFFC000;
	s10 =	sadd.s32 s23, s25  }
0x4b1: {  	[tilespmem:s2], [sflag:$0x3] =	stream.linear.gather [hbm4b:s10+s15], $0x4000, $0x38;
	[tilespmem:$0x14100] =	vst v63  }
0x4b2: {  	_ =	swait.ge [sflag:s11], $0x800  }
0x4b3: {  	[sflag:s11] =	ssyncset.done $0x0  }
0x4b4: {  	s19 =	rddreg [dreg:$0x1a];
	[sflag:s11] =	ssyncadd.s32 $0xFFFFF800  }
0x4b5: {  	[hbm:s19], [sflag:s1] =	dma.local [spmem:s5], $0x800  }
0x4b6: {  	_ =	swait.ge [sflag:s3], $0x800  }
0x4b7: {  	s19 =	sld [smem:$0x7E8];
	_ =	sdelay $0x1  }
0x4b8: {  	[sflag:s3] =	ssyncset.done $0x0  }
0x4b9: {  	[sflag:s3] =	ssyncadd.s32 $0xFFFFF800;
	s29 =	sadd.s32 s23, s19  }
0x4ba: {  	[spmem:s6], [sflag:s13] =	dma.local [hbm:s29], $0x800  }
0x4bb: {  	_ =	swait.ge [sflag:s31], $0x4000  }
0x4bc: {  	[sflag:s31] =	ssyncset.done $0x0  }
0x4bd: {  	s10 =	rddreg [dreg:$0x1b];
	[sflag:s31] =	ssyncadd.s32 $0xFFFFC000  }
0x4be: {  	[hbm4b:s10+s15] =	stream.linear.scatter [tilespmem:s20], [sflag:$0x5], $0x4000, $0x38;
	[tilespmem:$0x14100] =	vst v63  }
0x4bf: {  	_ =	swait.ge [sflag:s8], $0x4000  }
0x4c0: {  	s10 =	sld [smem:$0x7EA];
	_ =	sdelay $0x1  }
0x4c1: {  	[sflag:s8] =	ssyncset.done $0x0  }
0x4c2: {  	[sflag:s8] =	ssyncadd.s32 $0xFFFFC000;
	s29 =	sadd.s32 s23, s10  }
0x4c3: {  	[tilespmem:s7], [sflag:$0x1] =	stream.linear.gather [hbm4b:s29+s15], $0x4000, $0x38;
	[tilespmem:$0x14100] =	vst v63  }
0x4c4: {  	_ =	swait.ge [sflag:s14], $0x800  }
0x4c5: {  	[sflag:s14] =	ssyncset.done $0x0  }
0x4c6: {  	s29 =	rddreg [dreg:$0x1c];
	[sflag:s14] =	ssyncadd.s32 $0xFFFFF800  }
0x4c7: {  	[hbm:s29], [sflag:s18] =	dma.local [spmem:s6], $0x800  }
0x4c8: {  	_ =	swait.ge [sflag:s4], $0x800  }
0x4c9: {  	[sflag:s4] =	ssyncset.done $0x0  }
0x4ca: {  	s29 =	sadd.s32 s23, s21;
	[sflag:s4] =	ssyncadd.s32 $0xFFFFF800  }
0x4cb: {  	[spmem:s5], [sflag:s16] =	dma.local [hbm:s29], $0x800  }
0x4cc: {  	_ =	swait.ge [sflag:s17], $0x4000  }
0x4cd: {  	[sflag:s17] =	ssyncset.done $0x0  }
0x4ce: {  	s21 =	rddreg [dreg:$0x1d];
	[sflag:s17] =	ssyncadd.s32 $0xFFFFC000  }
0x4cf: {  	[hbm4b:s21+s15] =	stream.linear.scatter [tilespmem:s2], [sflag:$0x6], $0x4000, $0x38;
	[tilespmem:$0x14100] =	vst v63  }
0x4d0: {  	_ =	swait.ge [sflag:s12], $0x4000  }
0x4d1: {  	s29 =	sld [smem:$0x7EE];
	_ =	sdelay $0x1  }
0x4d2: {  	[sflag:s12] =	ssyncset.done $0x0  }
0x4d3: {  	[sflag:s12] =	ssyncadd.s32 $0xFFFFC000;
	s21 =	sadd.s32 s23, s29  }
0x4d4: {  	[tilespmem:s20], [sflag:$0x2] =	stream.linear.gather [hbm4b:s21+s15], $0x4000, $0x38;
	[tilespmem:$0x14100] =	vst v63  }
0x4d5: {  	_ =	swait.ge [sflag:s11], $0x800  }
0x4d6: {  	[sflag:s11] =	ssyncset.done $0x0  }
0x4d7: {  	s29 =	rddreg [dreg:$0x1e];
	[sflag:s11] =	ssyncadd.s32 $0xFFFFF800  }
0x4d8: {  	[hbm:s29], [sflag:s1] =	dma.local [spmem:s5], $0x800  }
0x4d9: {  	_ =	swait.ge [sflag:s3], $0x800  }
0x4da: {  	[sflag:s3] =	ssyncset.done $0x0  }
0x4db: {  	s21 =	sadd.s32 s23, s28;
	[sflag:s3] =	ssyncadd.s32 $0xFFFFF800  }
0x4dc: {  	[spmem:s6], [sflag:s13] =	dma.local [hbm:s21], $0x800  }
0x4dd: {  	_ =	swait.ge [sflag:s30], $0x4000  }
0x4de: {  	[sflag:s30] =	ssyncset.done $0x0  }
0x4df: {  	s29 =	rddreg [dreg:$0x1f];
	[sflag:s30] =	ssyncadd.s32 $0xFFFFC000  }
0x4e0: {  	[hbm4b:s29+s15] =	stream.linear.scatter [tilespmem:s7], [sflag:$0x4], $0x4000, $0x38;
	[tilespmem:$0x14100] =	vst v63  }
0x4e1: {  	_ =	swait.ge [sflag:s9], $0x4000  }
0x4e2: {  	s29 =	sld [smem:$0x7F6];
	_ =	sdelay $0x1  }
0x4e3: {  	[sflag:s9] =	ssyncset.done $0x0  }
0x4e4: {  	[sflag:s9] =	ssyncadd.s32 $0xFFFFC000;
	s21 =	sadd.s32 s23, s29  }
0x4e5: {  	[tilespmem:s2], [sflag:$0x3] =	stream.linear.gather [hbm4b:s21+s15], $0x4000, $0x38;
	[tilespmem:$0x14100] =	vst v63  }
0x4e6: {  	_ =	swait.ge [sflag:s14], $0x800  }
0x4e7: {  	s21 =	sld [smem:$0x7D8]  }
0x4e8: {  	[sflag:s14] =	ssyncset.done $0x0  }
0x4e9: {  	[sflag:s14] =	ssyncadd.s32 $0xFFFFF800  }
0x4ea: {  	[hbm:s21], [sflag:s18] =	dma.local [spmem:s6], $0x800  }
0x4eb: {  	_ =	swait.ge [sflag:s4], $0x800  }
0x4ec: {  	[sflag:s4] =	ssyncset.done $0x0  }
0x4ed: {  	s21 =	sadd.s32 s23, s0;
	[sflag:s4] =	ssyncadd.s32 $0xFFFFF800  }
0x4ee: {  	[spmem:s5], [sflag:s16] =	dma.local [hbm:s21], $0x800  }
0x4ef: {  	_ =	swait.ge [sflag:s31], $0x4000  }
0x4f0: {  	s21 =	sld [smem:$0x7D9]  }
0x4f1: {  	[sflag:s31] =	ssyncset.done $0x0  }
0x4f2: {  	[sflag:s31] =	ssyncadd.s32 $0xFFFFC000  }
0x4f3: {  	[hbm4b:s21+s15] =	stream.linear.scatter [tilespmem:s20], [sflag:$0x5], $0x4000, $0x38;
	[tilespmem:$0x14100] =	vst v63  }
0x4f4: {  	_ =	swait.ge [sflag:s8], $0x4000  }
0x4f5: {  	[sflag:s8] =	ssyncset.done $0x0  }
0x4f6: {  	s21 =	sadd.s32 s23, s26;
	[sflag:s8] =	ssyncadd.s32 $0xFFFFC000  }
0x4f7: {  	[tilespmem:s7], [sflag:$0x1] =	stream.linear.gather [hbm4b:s21+s15], $0x4000, $0x38;
	[tilespmem:$0x14100] =	vst v63  }
0x4f8: {  	_ =	swait.ge [sflag:s11], $0x800  }
0x4f9: {  	s26 =	sld [smem:$0x7DA]  }
0x4fa: {  	[sflag:s11] =	ssyncset.done $0x0  }
0x4fb: {  	[sflag:s11] =	ssyncadd.s32 $0xFFFFF800  }
0x4fc: {  	[hbm:s26], [sflag:s1] =	dma.local [spmem:s5], $0x800  }
0x4fd: {  	_ =	swait.ge [sflag:s3], $0x800  }
0x4fe: {  	s26 =	sld [smem:$0x7FC];
	_ =	sdelay $0x1  }
0x4ff: {  	[sflag:s3] =	ssyncset.done $0x0  }
0x500: {  	[sflag:s3] =	ssyncadd.s32 $0xFFFFF800;
	s21 =	sadd.s32 s23, s26  }
0x501: {  	[spmem:s6], [sflag:s13] =	dma.local [hbm:s21], $0x800  }
0x502: {  	_ =	swait.ge [sflag:s17], $0x4000  }
0x503: {  	s21 =	sld [smem:$0x7DB]  }
0x504: {  	[sflag:s17] =	ssyncset.done $0x0  }
0x505: {  	[sflag:s17] =	ssyncadd.s32 $0xFFFFC000  }
0x506: {  	[hbm4b:s21+s15] =	stream.linear.scatter [tilespmem:s2], [sflag:$0x6], $0x4000, $0x38;
	[tilespmem:$0x14100] =	vst v63  }
0x507: {  	_ =	swait.ge [sflag:s12], $0x4000  }
0x508: {  	s24 =	sld [smem:$0x7CC];
	_ =	sdelay $0x1  }
0x509: {  	[sflag:s12] =	ssyncset.done $0x0  }
0x50a: {  	s21 =	sand.u32 $0x1FFF8000, s24;
	s24 =	rddreg [dreg:$0x0]  }
0x50b: {  	[sflag:s12] =	ssyncadd.s32 $0xFFFFC000;
	s24 =	sadd.s32 s24, s21  }
0x50c: {  	[tilespmem:s20], [sflag:$0x2] =	stream.linear.gather [hbm4b:s24+s15], $0x4000, $0x38;
	[tilespmem:$0x14100] =	vst v63  }
0x50d: {  	_ =	swait.ge [sflag:s14], $0x800  }
0x50e: {  	s24 =	sld [smem:$0x7DC]  }
0x50f: {  	[sflag:s14] =	ssyncset.done $0x0  }
0x510: {  	[sflag:s14] =	ssyncadd.s32 $0xFFFFF800  }
0x511: {  	[hbm:s24], [sflag:s18] =	dma.local [spmem:s6], $0x800  }
0x512: {  	_ =	swait.ge [sflag:s4], $0x800  }
0x513: {  	s24 =	sld [smem:$0x7FB];
	_ =	sdelay $0x1  }
0x514: {  	[sflag:s4] =	ssyncset.done $0x0  }
0x515: {  	[sflag:s4] =	ssyncadd.s32 $0xFFFFF800;
	s23 =	sadd.s32 s23, s24  }
0x516: {  	[spmem:s5], [sflag:s16] =	dma.local [hbm:s23], $0x800  }
0x517: {  	_ =	swait.ge [sflag:s30], $0x4000  }
0x518: {  	s23 =	sld [smem:$0x7DD]  }
0x519: {  	[sflag:s30] =	ssyncset.done $0x0  }
0x51a: {  	[sflag:s30] =	ssyncadd.s32 $0xFFFFC000  }
0x51b: {  	[hbm4b:s23+s15] =	stream.linear.scatter [tilespmem:s7], [sflag:$0x4], $0x4000, $0x38;
	[tilespmem:$0x14100] =	vst v63  }
0x51c: {  	_ =	swait.ge [sflag:s9], $0x4000  }
0x51d: {  	s23 =	smov.u32 s0;
	s0 =	sld [smem:$0x7DE];
	_ =	sdelay $0x1  }
0x51e: {  	[sflag:s9] =	ssyncset.done $0x0  }
0x51f: {  	[sflag:s9] =	ssyncadd.s32 $0xFFFFC000;
	s0 =	sadd.s32 s21, s0  }
0x520: {  	[tilespmem:s2], [sflag:$0x3] =	stream.linear.gather [hbm4b:s0+s15], $0x4000, $0x38;
	[tilespmem:$0x14100] =	vst v63  }
0x521: {  	_ =	swait.ge [sflag:s11], $0x800  }
0x522: {  	s0 =	sld [smem:$0x7DF]  }
0x523: {  	[sflag:s11] =	ssyncset.done $0x0  }
0x524: {  	[sflag:s11] =	ssyncadd.s32 $0xFFFFF800  }
0x525: {  	[hbm:s0], [sflag:s1] =	dma.local [spmem:s5], $0x800  }
0x526: {  	_ =	swait.ge [sflag:s3], $0x800  }
0x527: {  	s0 =	sld [smem:$0x7FA];
	_ =	sdelay $0x1  }
0x528: {  	[sflag:s3] =	ssyncset.done $0x0  }
0x529: {  	[sflag:s3] =	ssyncadd.s32 $0xFFFFF800;
	s0 =	sadd.s32 s21, s0  }
0x52a: {  	[spmem:s6], [sflag:s13] =	dma.local [hbm:s0], $0x800  }
0x52b: {  	_ =	swait.ge [sflag:s31], $0x4000  }
0x52c: {  	s0 =	sld [smem:$0x7E0]  }
0x52d: {  	[sflag:s31] =	ssyncset.done $0x0  }
0x52e: {  	[sflag:s31] =	ssyncadd.s32 $0xFFFFC000  }
0x52f: {  	[hbm4b:s0+s15] =	stream.linear.scatter [tilespmem:s20], [sflag:$0x5], $0x4000, $0x38;
	[tilespmem:$0x14100] =	vst v63  }
0x530: {  	_ =	swait.ge [sflag:s8], $0x4000  }
0x531: {  	s0 =	sld [smem:$0x7F8];
	_ =	sdelay $0x1  }
0x532: {  	[sflag:s8] =	ssyncset.done $0x0  }
0x533: {  	[sflag:s8] =	ssyncadd.s32 $0xFFFFC000;
	s0 =	sadd.s32 s21, s0  }
0x534: {  	[tilespmem:s7], [sflag:$0x1] =	stream.linear.gather [hbm4b:s0+s15], $0x4000, $0x38;
	[tilespmem:$0x14100] =	vst v63  }
0x535: {  	_ =	swait.ge [sflag:s14], $0x800  }
0x536: {  	s0 =	sld [smem:$0x7E1]  }
0x537: {  	[sflag:s14] =	ssyncset.done $0x0  }
0x538: {  	[sflag:s14] =	ssyncadd.s32 $0xFFFFF800  }
0x539: {  	[hbm:s0], [sflag:s18] =	dma.local [spmem:s6], $0x800  }
0x53a: {  	_ =	swait.ge [sflag:s4], $0x800  }
0x53b: {  	[sflag:s4] =	ssyncset.done $0x0  }
0x53c: {  	s22 =	sadd.s32 s21, s22;
	[sflag:s4] =	ssyncadd.s32 $0xFFFFF800  }
0x53d: {  	[spmem:s5], [sflag:s16] =	dma.local [hbm:s22], $0x800  }
0x53e: {  	_ =	swait.ge [sflag:s17], $0x4000  }
0x53f: {  	s22 =	sld [smem:$0x7E2]  }
0x540: {  	[sflag:s17] =	ssyncset.done $0x0  }
0x541: {  	[sflag:s17] =	ssyncadd.s32 $0xFFFFC000  }
0x542: {  	[hbm4b:s22+s15] =	stream.linear.scatter [tilespmem:s2], [sflag:$0x6], $0x4000, $0x38;
	[tilespmem:$0x14100] =	vst v63  }
0x543: {  	_ =	swait.ge [sflag:s12], $0x4000  }
0x544: {  	[sflag:s12] =	ssyncset.done $0x0  }
0x545: {  	s22 =	sadd.s32 s21, s25;
	[sflag:s12] =	ssyncadd.s32 $0xFFFFC000  }
0x546: {  	[tilespmem:s20], [sflag:$0x2] =	stream.linear.gather [hbm4b:s22+s15], $0x4000, $0x38;
	[tilespmem:$0x14100] =	vst v63  }
0x547: {  	_ =	swait.ge [sflag:s11], $0x800  }
0x548: {  	s25 =	sld [smem:$0x7E3]  }
0x549: {  	[sflag:s11] =	ssyncset.done $0x0  }
0x54a: {  	[sflag:s11] =	ssyncadd.s32 $0xFFFFF800  }
0x54b: {  	[hbm:s25], [sflag:s1] =	dma.local [spmem:s5], $0x800  }
0x54c: {  	_ =	swait.ge [sflag:s3], $0x800  }
0x54d: {  	[sflag:s3] =	ssyncset.done $0x0  }
0x54e: {  	s19 =	sadd.s32 s21, s19;
	[sflag:s3] =	ssyncadd.s32 $0xFFFFF800  }
0x54f: {  	[spmem:s6], [sflag:s13] =	dma.local [hbm:s19], $0x800  }
0x550: {  	_ =	swait.ge [sflag:s30], $0x4000  }
0x551: {  	s22 =	sld [smem:$0x7E4]  }
0x552: {  	[sflag:s30] =	ssyncset.done $0x0  }
0x553: {  	[sflag:s30] =	ssyncadd.s32 $0xFFFFC000  }
0x554: {  	[hbm4b:s22+s15] =	stream.linear.scatter [tilespmem:s7], [sflag:$0x4], $0x4000, $0x38;
	[tilespmem:$0x14100] =	vst v63  }
0x555: {  	_ =	swait.ge [sflag:s9], $0x4000  }
0x556: {  	[sflag:s9] =	ssyncset.done $0x0  }
0x557: {  	s25 =	sadd.s32 s21, s10;
	[sflag:s9] =	ssyncadd.s32 $0xFFFFC000  }
0x558: {  	[tilespmem:s2], [sflag:$0x3] =	stream.linear.gather [hbm4b:s25+s15], $0x4000, $0x38;
	[tilespmem:$0x14100] =	vst v63  }
0x559: {  	_ =	swait.ge [sflag:s14], $0x800  }
0x55a: {  	s10 =	sld [smem:$0x7E5]  }
0x55b: {  	[sflag:s14] =	ssyncset.done $0x0  }
0x55c: {  	[sflag:s14] =	ssyncadd.s32 $0xFFFFF800  }
0x55d: {  	[hbm:s10], [sflag:s18] =	dma.local [spmem:s6], $0x800  }
0x55e: {  	_ =	swait.ge [sflag:s4], $0x800  }
0x55f: {  	s19 =	sld [smem:$0x7EC];
	_ =	sdelay $0x1  }
0x560: {  	[sflag:s4] =	ssyncset.done $0x0  }
0x561: {  	[sflag:s4] =	ssyncadd.s32 $0xFFFFF800;
	s0 =	sadd.s32 s21, s19  }
0x562: {  	[spmem:s5], [sflag:s16] =	dma.local [hbm:s0], $0x800  }
0x563: {  	_ =	swait.ge [sflag:s31], $0x4000  }
0x564: {  	s22 =	sld [smem:$0x7E7]  }
0x565: {  	[sflag:s31] =	ssyncset.done $0x0  }
0x566: {  	[sflag:s31] =	ssyncadd.s32 $0xFFFFC000  }
0x567: {  	[hbm4b:s22+s15] =	stream.linear.scatter [tilespmem:s20], [sflag:$0x5], $0x4000, $0x38;
	[tilespmem:$0x14100] =	vst v63  }
0x568: {  	_ =	swait.ge [sflag:s8], $0x4000  }
0x569: {  	s25 =	sld [smem:$0x7EE];
	_ =	sdelay $0x1  }
0x56a: {  	[sflag:s8] =	ssyncset.done $0x0  }
0x56b: {  	[sflag:s8] =	ssyncadd.s32 $0xFFFFC000;
	s0 =	sadd.s32 s21, s25  }
0x56c: {  	[tilespmem:s7], [sflag:$0x1] =	stream.linear.gather [hbm4b:s0+s15], $0x4000, $0x38;
	[tilespmem:$0x14100] =	vst v63  }
0x56d: {  	_ =	swait.ge [sflag:s11], $0x800  }
0x56e: {  	s10 =	sld [smem:$0x7E9]  }
0x56f: {  	[sflag:s11] =	ssyncset.done $0x0  }
0x570: {  	[sflag:s11] =	ssyncadd.s32 $0xFFFFF800  }
0x571: {  	[hbm:s10], [sflag:s1] =	dma.local [spmem:s5], $0x800  }
0x572: {  	_ =	swait.ge [sflag:s3], $0x800  }
0x573: {  	[sflag:s3] =	ssyncset.done $0x0  }
0x574: {  	s19 =	sadd.s32 s21, s28;
	[sflag:s3] =	ssyncadd.s32 $0xFFFFF800  }
0x575: {  	[spmem:s6], [sflag:s13] =	dma.local [hbm:s19], $0x800  }
0x576: {  	_ =	swait.ge [sflag:s17], $0x4000  }
0x577: {  	s22 =	sld [smem:$0x7EB]  }
0x578: {  	[sflag:s17] =	ssyncset.done $0x0  }
0x579: {  	[sflag:s17] =	ssyncadd.s32 $0xFFFFC000  }
0x57a: {  	[hbm4b:s22+s15] =	stream.linear.scatter [tilespmem:s2], [sflag:$0x6], $0x4000, $0x38;
	[tilespmem:$0x14100] =	vst v63  }
0x57b: {  	_ =	swait.ge [sflag:s12], $0x4000  }
0x57c: {  	[sflag:s12] =	ssyncset.done $0x0  }
0x57d: {  	s25 =	sadd.s32 s21, s29;
	[sflag:s12] =	ssyncadd.s32 $0xFFFFC000  }
0x57e: {  	[tilespmem:s20], [sflag:$0x2] =	stream.linear.gather [hbm4b:s25+s15], $0x4000, $0x38;
	[tilespmem:$0x14100] =	vst v63  }
0x57f: {  	_ =	swait.ge [sflag:s14], $0x800  }
0x580: {  	s28 =	sld [smem:$0x7ED]  }
0x581: {  	[sflag:s14] =	ssyncset.done $0x0  }
0x582: {  	[sflag:s14] =	ssyncadd.s32 $0xFFFFF800  }
0x583: {  	[hbm:s28], [sflag:s18] =	dma.local [spmem:s6], $0x800  }
0x584: {  	_ =	swait.ge [sflag:s4], $0x800  }
0x585: {  	[sflag:s4] =	ssyncset.done $0x0  }
0x586: {  	s29 =	sadd.s32 s21, s23;
	[sflag:s4] =	ssyncadd.s32 $0xFFFFF800  }
0x587: {  	[spmem:s5], [sflag:s16] =	dma.local [hbm:s29], $0x800  }
0x588: {  	_ =	swait.ge [sflag:s30], $0x4000  }
0x589: {  	s10 =	sld [smem:$0x7EF]  }
0x58a: {  	[sflag:s30] =	ssyncset.done $0x0  }
0x58b: {  	[sflag:s30] =	ssyncadd.s32 $0xFFFFC000  }
0x58c: {  	[hbm4b:s10+s15] =	stream.linear.scatter [tilespmem:s7], [sflag:$0x4], $0x4000, $0x38;
	[tilespmem:$0x14100] =	vst v63  }
0x58d: {  	_ =	swait.ge [sflag:s9], $0x4000  }
0x58e: {  	s19 =	sld [smem:$0x7FD];
	_ =	sdelay $0x1  }
0x58f: {  	[sflag:s9] =	ssyncset.done $0x0  }
0x590: {  	[sflag:s9] =	ssyncadd.s32 $0xFFFFC000;
	s0 =	sadd.s32 s21, s19  }
0x591: {  	[tilespmem:s2], [sflag:$0x3] =	stream.linear.gather [hbm4b:s0+s15], $0x4000, $0x38;
	[tilespmem:$0x14100] =	vst v63  }
0x592: {  	_ =	swait.ge [sflag:s11], $0x800  }
0x593: {  	s22 =	sld [smem:$0x7F0]  }
0x594: {  	[sflag:s11] =	ssyncset.done $0x0  }
0x595: {  	[sflag:s11] =	ssyncadd.s32 $0xFFFFF800  }
0x596: {  	[hbm:s22], [sflag:s1] =	dma.local [spmem:s5], $0x800  }
0x597: {  	_ =	swait.ge [sflag:s3], $0x800  }
0x598: {  	[sflag:s3] =	ssyncset.done $0x0  }
0x599: {  	s23 =	sadd.s32 s21, s26;
	[sflag:s3] =	ssyncadd.s32 $0xFFFFF800  }
0x59a: {  	[spmem:s6], [sflag:s13] =	dma.local [hbm:s23], $0x800  }
0x59b: {  	_ =	swait.ge [sflag:s31], $0x4000  }
0x59c: {  	s25 =	sld [smem:$0x7F1]  }
0x59d: {  	[sflag:s31] =	ssyncset.done $0x0  }
0x59e: {  	[sflag:s31] =	ssyncadd.s32 $0xFFFFC000  }
0x59f: {  	[hbm4b:s25+s15] =	stream.linear.scatter [tilespmem:s20], [sflag:$0x5], $0x4000, $0x38;
	[tilespmem:$0x14100] =	vst v63  }
0x5a0: {  	_ =	swait.ge [sflag:s14], $0x800  }
0x5a1: {  	s26 =	sld [smem:$0x7F2]  }
0x5a2: {  	[sflag:s14] =	ssyncset.done $0x0  }
0x5a3: {  	[sflag:s14] =	ssyncadd.s32 $0xFFFFF800  }
0x5a4: {  	[hbm:s26], [sflag:s18] =	dma.local [spmem:s6], $0x800  }
0x5a5: {  	_ =	swait.ge [sflag:s4], $0x800  }
0x5a6: {  	[sflag:s4] =	ssyncset.done $0x0  }
0x5a7: {  	s28 =	sadd.s32 s21, s24;
	[sflag:s4] =	ssyncadd.s32 $0xFFFFF800  }
0x5a8: {  	[spmem:s5], [sflag:s16] =	dma.local [hbm:s28], $0x800  }
0x5a9: {  	_ =	swait.ge [sflag:s17], $0x4000  }
0x5aa: {  	s29 =	sld [smem:$0x7F3]  }
0x5ab: {  	[sflag:s17] =	ssyncset.done $0x0  }
0x5ac: {  	[sflag:s17] =	ssyncadd.s32 $0xFFFFC000  }
0x5ad: {  	[hbm4b:s29+s15] =	stream.linear.scatter [tilespmem:s2], [sflag:$0x6], $0x4000, $0x38;
	[tilespmem:$0x14100] =	vst v63  }
0x5ae: {  	_ =	swait.ge [sflag:s11], $0x800  }
0x5af: {  	s30 =	sld [smem:$0x7F5]  }
0x5b0: {  	[sflag:s11] =	ssyncset.done $0x0  }
0x5b1: {  	[sflag:s11] =	ssyncadd.s32 $0xFFFFF800  }
0x5b2: {  	[hbm:s30], [sflag:s1] =	dma.local [spmem:s5], $0x800  }
0x5b3: {  	_ =	swait.ge [sflag:s8], $0x4000  }
0x5b4: {  	[sflag:s8] =	ssyncset.done $0x0  }
0x5b5: {  	[sflag:s8] =	ssyncadd.s32 $0xFFFFC000  }
0x5b6: {  	_ =	swait.ge [sflag:s12], $0x4000  }
0x5b7: {  	[sflag:s12] =	ssyncset.done $0x0  }
0x5b8: {  	[sflag:s12] =	ssyncadd.s32 $0xFFFFC000  }
0x5b9: {  	_ =	swait.ge [sflag:s9], $0x4000  }
0x5ba: {  	[sflag:s9] =	ssyncset.done $0x0  }
0x5bb: {  	[sflag:s9] =	ssyncadd.s32 $0xFFFFC000  }
0x5bc: {  	_ =	swait.ge [sflag:s3], $0x800  }
0x5bd: {  	[sflag:s3] =	ssyncset.done $0x0  }
0x5be: {  	[sflag:s3] =	ssyncadd.s32 $0xFFFFF800  }
0x5bf: {  	_ =	swait.ge [sflag:s4], $0x800  }
0x5c0: {  	[sflag:s4] =	ssyncset.done $0x0  }
0x5c1: {  	[sflag:s4] =	ssyncadd.s32 $0xFFFFF800  }
0x5c2: {  	_ =	sfence.sel $0x180000  }
0x5c3: {  	[bflag:$0x0] =	sbarrier.arrive $0xFFFF  }
0x5c4: {  	_ =	strace $0x90000047  }
0x5c5: {  	s31 =	stileid.u32;
	[bflag:$0x2] =	sbarrier.arrive $0xFFFF  }
0x5c6: {  	p0 =	sne.s32 s31, $0x0;
	s0 =	rddreg [dreg:$0x5]  }
0x5c7: {  	s0 =	sadd.s32 @!p0 $0x100000, s0  }
0x5c8: {  	[sflag:s0] =	ssyncadd.tile.s32 @!p0 $0x1;
	_ =	shalt  }
.LBB2_1:
.Ltmp3:
0x5c9: {  	(pc) =	sbr.rel .LBB2_6-.Ltmp3, $3  }
0x5ca: {  	_ =	sdelay $0x1  }
0x5cb: {  	s9 =	simm.s32 @!p0 $0x0;
	s26 =	sld [smem:$0x7F4]  }
0x5cc: {  	s12 =	stileid.u32;
	s23 =	sld [smem:$0x7DE];
	s0 =	smov.u32 s24  }
.LBB2_7:
0x5cd: {  	s26 =	sld [smem:$0x7F4]  }
0x5ce: {  	s23 =	sld [smem:$0x7DE]  }
0x5cf: {  	s21 =	sld [smem:$0x7FA]  }
.Ltmp4:
0x5d0: {  	s0 =	rddreg [dreg:$0x0];
	(pc) =	sbr.rel .LBB2_6-.Ltmp4, $4  }
0x5d1: {  	s28 =	sld [smem:$0x7D0]  }
0x5d2: {  	s25 =	sld [smem:$0x7F9]  }
0x5d3: {  	s9 =	simm.s32 @!p0 $0x0;
	s18 =	sld [smem:$0x7F8]  }
0x5d4: {  	s12 =	stileid.u32;
	s13 =	rddreg [dreg:$0x1];
	s3 =	simm.s32 $0xB  }
.Lfunc_end2:
_tile_overlayer_lowered:
.L_overlay_start_2:
0x5d5: {  	(tag) =	ssettag $0x2  }
0x5d6: {  	s0 =	rddreg [dreg:$0x0];
	s2 =	stileid.u32  }
0x5d7: {  	s1 =	rddreg [dreg:$0x1];
	p0 =	sne.s32 s2, $0x0  }
0x5d8: {  	s3 =	rddreg [dreg:$0x2];
	[bflag:$0x3] =	sbarrier.arrive $0xFFFF;
	s2 =	simm.s32 @!p0 $0x1C0B  }
0x5d9: {  	[timem:s3], [sflag:s2] =	dma.local @!p0 [hbm:s0], s1  }
0x5da: {  	s0 =	simm.s32 @!p0 $0xB  }
0x5db: {  	_ =	swait.ge @!p0 [sflag:s0], s1  }
0x5dc: {  	s1 =	ssub.s32 @!p0 $0x0, s1;
	[sflag:s0] =	ssyncset.done @!p0 $0x0  }
0x5dd: {  	[sflag:s0] =	ssyncadd.s32 @!p0 s1  }
0x5de: {  	[bflag:$0x3] =	sbarrier.arrive $0xFFFF  }
0x5df: {  	_ =	shalt  }

</sc_bundles>
